<compile_context>
chip_gen: v7x
topology: tpu7x:2x2x1
jax: 0.10.2.dev20260603
libtpu: 0.0.44.dev20260713+nightly
codegen_flags: <defaults>
</compile_context>

<pallas_src>
import functools
import numpy as np
import jax
import jax.numpy as jnp
from jax import lax
from jax.experimental import pallas as pl
from jax.experimental.pallas import tpu as pltpu, tpu_sc as plsc

B, H, W, C = 4, 512, 512, 16
NX, NY = 74, 74
GX, GY = NX - 3, NY - 3
SX = float(W) / GX
SY = float(W) / GY
NPIX = B * H * W


def _basis_matrix(n_pix, s, n_ctrl):
    t = (np.linspace(0.0, n_pix - 1.0, n_pix).astype(np.float32)
         / np.float32(s)).astype(np.float32)
    pf = np.floor(t)
    u = (t - pf).astype(np.float32)
    u2, u3 = u * u, u * u * u
    U = [(-u3 + 3 * u2 - 3 * u + 1) / 6,
         (3 * u3 - 6 * u2 + 4) / 6,
         (-u3 * 3 + 3 * u2 + 3 * u + 1) / 6,
         u3 / 6]
    A = np.zeros((n_pix, n_ctrl), np.float32)
    p = pf.astype(np.int32)
    rows = np.arange(n_pix)
    for i, Ui in enumerate(U):
        A[rows, p + i] = Ui.astype(np.float32)
    return A


_AX_T = _basis_matrix(W, SX, NX).T
_AY = _basis_matrix(H, SY, NY)


def _delta_body(theta_ref, axt_ref, ay_ref, out_ref):
    t = theta_ref[0, 0]
    tmp = jnp.dot(t, axt_ref[...], preferred_element_type=jnp.float32,
                  precision=lax.Precision.HIGHEST)
    out_ref[0, 0] = jnp.dot(ay_ref[...], tmp,
                            preferred_element_type=jnp.float32,
                            precision=lax.Precision.HIGHEST)


def _compute_delta(theta):
    axt = jnp.asarray(_AX_T)
    ay = jnp.asarray(_AY)
    return pl.pallas_call(
        _delta_body,
        grid=(2, B),
        in_specs=[
            pl.BlockSpec((1, 1, NY, NX), lambda c, b: (b, c, 0, 0)),
            pl.BlockSpec((NX, W), lambda c, b: (0, 0)),
            pl.BlockSpec((H, NY), lambda c, b: (0, 0)),
        ],
        out_specs=pl.BlockSpec((1, 1, H, W), lambda c, b: (c, b, 0, 0)),
        out_shape=jax.ShapeDtypeStruct((2, B, H, W), jnp.float32),
    )(theta, axt, ay)


_INFO = plsc.get_sparse_core_info()
_NC, _NS = _INFO.num_cores, _INFO.num_subcores
_NW = _NC * _NS
_PP = NPIX // _NW
_CH = 512
_NG = 128
_NSPLIT = _CH // _NG
_NCHUNK = _PP // _CH


_NSLAB = (B * H) // _NW


def _detile_body(fmap6_hbm, table_hbm,
                 slab0, slab1, row0, row1, sin0, sin1, sout0, sout1):
    wid = lax.axis_index("s") * _NC + lax.axis_index("c")
    lanes = lax.iota(jnp.int32, 16)
    chw = (lax.shift_left(lax.shift_right_logical(lanes, 3), 12)
           + lax.shift_left(jnp.bitwise_and(lanes, 7), 7))
    slab = (slab0, slab1)
    row = (row0, row1)
    sin = (sin0, sin1)
    sout = (sout0, sout1)

    def fire_in(ci, k):
        r = wid * _NSLAB + ci
        b = lax.shift_right_logical(r, 9)
        h = jnp.bitwise_and(r, 511)
        pltpu.make_async_copy(fmap6_hbm.at[b, h], slab[k], sin[k]).start()

    def wait_in(k):
        pltpu.make_async_copy(fmap6_hbm.at[0, 0], slab[k], sin[k]).wait()

    def shuffle(k):
        @plsc.parallel_loop(0, W, unroll=8)
        def px(x):
            s = lax.shift_left(lax.shift_right_logical(x, 7), 10) \
                + jnp.bitwise_and(x, 127)
            row[k][x] = plsc.load_gather(slab[k],
                                         [chw + jnp.full((16,), s, jnp.int32)])

    def fire_out(ci, k):
        r = wid * _NSLAB + ci
        pltpu.make_async_copy(row[k], table_hbm.at[pl.ds(r * W, W)],
                              sout[k]).start()

    def wait_out(k):
        pltpu.make_async_copy(row[k], table_hbm.at[pl.ds(0, W)],
                              sout[k]).wait()

    fire_in(0, 0)

    def body(it, carry):
        for ph in range(2):
            ci = 2 * it + ph
            k = ph
            @pl.when(ci + 1 <= _NSLAB - 1)
            def _():
                fire_in(ci + 1, 1 - k)
            wait_in(k)
            @pl.when(ci >= 2)
            def _():
                wait_out(k)
            shuffle(k)
            fire_out(ci, k)
        return carry

    lax.fori_loop(0, _NSLAB // 2, body, 0)
    wait_out(0)
    wait_out(1)


def _detile(input_fmap):
    fmap6 = (input_fmap.reshape(B, H, 4, 128, 2, 8)
             .transpose(0, 1, 4, 2, 5, 3).reshape(B, H, 8192))
    mesh = plsc.VectorSubcoreMesh(core_axis_name="c", subcore_axis_name="s")
    f = functools.partial(
        pl.kernel,
        mesh=mesh,
        compiler_params=pltpu.CompilerParams(use_tc_tiling_on_sc=False,
                                             needs_layout_passes=False),
        out_type=jax.ShapeDtypeStruct((NPIX, C), jnp.float32),
        scratch_types=[
            pltpu.VMEM((8192,), jnp.float32),
            pltpu.VMEM((8192,), jnp.float32),
            pltpu.VMEM((W, C), jnp.float32),
            pltpu.VMEM((W, C), jnp.float32),
            pltpu.SemaphoreType.DMA,
            pltpu.SemaphoreType.DMA,
            pltpu.SemaphoreType.DMA,
            pltpu.SemaphoreType.DMA,
        ],
    )(_detile_body)
    return f(fmap6)


def _sample_body(fmap_hbm, dx_hbm, dy_hbm, out_hbm,
                 dxy0, dxy1, idx0, idx1, w0, w1,
                 rows0, rows1, outv0, outv1,
                 sdxy0, sdxy1, sg0, sg1, so0, so1):
    wid = lax.axis_index("s") * _NC + lax.axis_index("c")
    base = wid * _PP
    lanes = lax.iota(jnp.int32, 16)
    chw = (lax.shift_left(lax.shift_right_logical(lanes, 3), 12)
           + lax.shift_left(jnp.bitwise_and(lanes, 7), 7))

    dxy = (dxy0, dxy1)
    idx = (idx0, idx1)
    wv = (w0, w1)
    rows = (rows0, rows1)
    outv = (outv0, outv1)
    sdxy = (sdxy0, sdxy1)
    sg = (sg0, sg1)
    so = (so0, so1)

    def fire_dxy(ci, k):
        sl = pl.ds(base + ci * _CH, _CH)
        pltpu.make_async_copy(dx_hbm.at[sl], dxy[k].at[0], sdxy[k]).start()
        pltpu.make_async_copy(dy_hbm.at[sl], dxy[k].at[1], sdxy[k]).start()

    def wait_dxy(k):
        sl = pl.ds(base, _CH)
        pltpu.make_async_copy(dx_hbm.at[sl], dxy[k].at[0], sdxy[k]).wait()
        pltpu.make_async_copy(dy_hbm.at[sl], dxy[k].at[1], sdxy[k]).wait()

    def compute_idxw(ci, k):
        p0 = base + ci * _CH

        @plsc.parallel_loop(0, _CH // 16, unroll=4)
        def grp(i):
            sl = pl.ds(i * 16, 16)
            pv = p0 + i * 16 + lanes
            dx = dxy[k][0, sl]
            dy = dxy[k][1, sl]
            wcol = jnp.bitwise_and(pv, 511)
            hrow = jnp.bitwise_and(lax.shift_right_logical(pv, 9), 511)
            bidx = lax.shift_right_logical(pv, 18)
            x = wcol.astype(jnp.float32) + dx
            y = hrow.astype(jnp.float32) + dy
            xt = x.astype(jnp.int32)
            x0 = jnp.where(xt.astype(jnp.float32) > x, xt - 1, xt)
            yt = y.astype(jnp.int32)
            y0 = jnp.where(yt.astype(jnp.float32) > y, yt - 1, yt)
            x0c = jnp.clip(x0, 0, W - 1)
            x1c = jnp.clip(x0 + 1, 0, W - 1)
            y0c = jnp.clip(y0, 0, H - 1)
            y1c = jnp.clip(y0 + 1, 0, H - 1)
            x0f = x0c.astype(jnp.float32)
            x1f = x1c.astype(jnp.float32)
            y0f = y0c.astype(jnp.float32)
            y1f = y1c.astype(jnp.float32)
            wv[k][0, sl] = (x1f - x) * (y1f - y)
            wv[k][1, sl] = (x1f - x) * (y - y0f)
            wv[k][2, sl] = (x - x0f) * (y1f - y)
            wv[k][3, sl] = (x - x0f) * (y - y0f)
            bb = lax.shift_left(bidx, 18)
            ry0 = bb + lax.shift_left(y0c, 9)
            ry1 = bb + lax.shift_left(y1c, 9)
            idx[k][0, sl] = ry0 + x0c
            idx[k][1, sl] = ry1 + x0c
            idx[k][2, sl] = ry0 + x1c
            idx[k][3, sl] = ry1 + x1c

    def fire_g(k):
        for j in range(4):
            for s in range(_NSPLIT):
                sl = pl.ds(s * _NG, _NG)
                pltpu.make_async_copy(
                    fmap_hbm.at[idx[k].at[j, sl]],
                    rows[k].at[j, sl], sg[k]).start()

    def wait_g(k):
        for j in range(4):
            for s in range(_NSPLIT):
                sl = pl.ds(s * _NG, _NG)
                pltpu.make_async_copy(
                    fmap_hbm.at[idx[k].at[j, sl]],
                    rows[k].at[j, sl], sg[k]).wait()

    def combine(k):
        @plsc.parallel_loop(0, _CH, unroll=8)
        def px(p):
            pf = jnp.full((16,), p, jnp.int32)
            fa = plsc.load_gather(wv[k], [jnp.zeros((16,), jnp.int32), pf])
            fb = plsc.load_gather(wv[k], [jnp.full((16,), 1, jnp.int32), pf])
            fc = plsc.load_gather(wv[k], [jnp.full((16,), 2, jnp.int32), pf])
            fd = plsc.load_gather(wv[k], [jnp.full((16,), 3, jnp.int32), pf])
            val = (fa * rows[k][0, p] + fb * rows[k][1, p]
                   + fc * rows[k][2, p] + fd * rows[k][3, p])
            s = lax.shift_left(lax.shift_right_logical(p, 7), 10) \
                + jnp.bitwise_and(p, 127)
            plsc.store_scatter(outv[k],
                               [chw + jnp.full((16,), s, jnp.int32)], val)

    def fire_out(ci, k):
        r = wid * _NCHUNK + ci
        b = lax.shift_right_logical(r, 9)
        h = jnp.bitwise_and(r, 511)
        pltpu.make_async_copy(outv[k], out_hbm.at[b, h], so[k]).start()

    def wait_out(k):
        pltpu.make_async_copy(outv[k], out_hbm.at[0, 0], so[k]).wait()

    fire_dxy(0, 0)
    wait_dxy(0)
    compute_idxw(0, 0)
    fire_g(0)
    fire_dxy(1, 1)

    def phase(it, c, k):
        nxt = 1 - k
        wait_dxy(nxt)
        compute_idxw(c + 1, nxt)
        fire_g(nxt)

        @pl.when(c + 2 <= _NCHUNK - 1)
        def _():
            fire_dxy(c + 2, k)

        wait_g(k)

        @pl.when(c >= 2)
        def _():
            wait_out(k)

        combine(k)
        fire_out(c, k)

    def body(it, carry):
        c = 2 * it
        phase(it, c, 0)

        @pl.when(c + 2 <= _NCHUNK - 1)
        def _():
            phase(it, c + 1, 1)

        return carry

    lax.fori_loop(0, _NCHUNK // 2, body, 0)

    wait_g(1)
    wait_out(1)
    combine(1)
    fire_out(_NCHUNK - 1, 1)
    wait_out(0)
    wait_out(1)


def _sample(fmap2d, dx, dy):
    mesh = plsc.VectorSubcoreMesh(core_axis_name="c", subcore_axis_name="s")
    f = functools.partial(
        pl.kernel,
        mesh=mesh,
        compiler_params=pltpu.CompilerParams(use_tc_tiling_on_sc=False,
                                             needs_layout_passes=False),
        out_type=jax.ShapeDtypeStruct((B, H, 8192), jnp.float32),
        scratch_types=[
            pltpu.VMEM((2, _CH), jnp.float32),
            pltpu.VMEM((2, _CH), jnp.float32),
            pltpu.VMEM((4, _CH), jnp.int32),
            pltpu.VMEM((4, _CH), jnp.int32),
            pltpu.VMEM((4, _CH), jnp.float32),
            pltpu.VMEM((4, _CH), jnp.float32),
            pltpu.VMEM((4, _CH, C), jnp.float32),
            pltpu.VMEM((4, _CH, C), jnp.float32),
            pltpu.VMEM((8192,), jnp.float32),
            pltpu.VMEM((8192,), jnp.float32),
            pltpu.SemaphoreType.DMA,
            pltpu.SemaphoreType.DMA,
            pltpu.SemaphoreType.DMA,
            pltpu.SemaphoreType.DMA,
            pltpu.SemaphoreType.DMA,
            pltpu.SemaphoreType.DMA,
        ],
    )(_sample_body)
    return f(fmap2d, dx, dy)


def kernel(input_fmap, theta):
    delta = _compute_delta(theta)
    fmap2d = _detile(input_fmap)
    dx = delta[0].reshape(NPIX)
    dy = delta[1].reshape(NPIX)
    out3 = _sample(fmap2d, dx, dy)
    out = (out3.reshape(B, H, 2, 4, 8, 128)
           .transpose(0, 1, 3, 5, 2, 4).reshape(B, H, W, C))
    return out, delta

# --- scband reference (transcript-rebuilt; emitter-appended) ---
"""Pipeline reference for scband-spatial-transformer-bspline-13503377179123 (READ-ONLY COPY).

The authoritative reference and input builder live on the scoring server;
editing this copy changes nothing except your own understanding.
"""

import jax, jax.numpy as jnp
import numpy as np

B = 4
H = 512
W = 512
C = 16
NX = 74
NY = 74


def _piece_bsplines(u):
    u2 = u ** 2
    u3 = u ** 3
    U0 = (-u3 + 3.0 * u2 - 3.0 * u + 1.0) / 6.0
    U1 = (3.0 * u3 - 6.0 * u2 + 4.0) / 6.0
    U2 = (-3.0 * u3 + 3.0 * u2 + 3.0 * u + 1.0) / 6.0
    U3 = u3 / 6.0
    return jnp.stack([U0, U1, U2, U3], axis=0)


def _bilinear_sampler(img, x, y):
    Bb, Hh, Ww, Cc = img.shape
    max_x = Ww - 1
    max_y = Hh - 1
    x0 = jnp.floor(x).astype(jnp.int32)
    x1 = x0 + 1
    y0 = jnp.floor(y).astype(jnp.int32)
    y1 = y0 + 1
    x0 = jnp.clip(x0, 0, max_x)
    x1 = jnp.clip(x1, 0, max_x)
    y0 = jnp.clip(y0, 0, max_y)
    y1 = jnp.clip(y1, 0, max_y)
    b = jnp.arange(Bb).reshape(Bb, 1, 1)
    Ia = img[b, y0, x0]
    Ib = img[b, y1, x0]
    Ic = img[b, y0, x1]
    Id = img[b, y1, x1]
    x0f = x0.astype(jnp.float32)
    x1f = x1.astype(jnp.float32)
    y0f = y0.astype(jnp.float32)
    y1f = y1.astype(jnp.float32)
    wa = ((x1f - x) * (y1f - y))[..., None]
    wb = ((x1f - x) * (y - y0f))[..., None]
    wc = ((x - x0f) * (y1f - y))[..., None]
    wd = ((x - x0f) * (y - y0f))[..., None]
    return wa * Ia + wb * Ib + wc * Ic + wd * Id


def setup_inputs(seed: int = 0):
    key = jax.random.key(seed)
    k1, k2 = jax.random.split(key)
    input_fmap = jax.random.normal(k1, (B, H, W, C), dtype=jnp.float32)
    theta = jax.random.normal(k2, (B, 2, NY, NX), dtype=jnp.float32)
    return {"input_fmap": input_fmap, "theta": theta}


def reference(input_fmap, theta):
    Bb, Hh, Ww, Cc = input_fmap.shape
    nx, ny = NX, NY
    gx, gy = nx - 3, ny - 3
    # note: original TF code uses W for both sx and sy (replicated faithfully)
    sx = float(Ww) / float(gx)
    sy = float(Ww) / float(gy)
    x = jnp.linspace(0.0, Ww - 1.0, Ww)
    y = jnp.linspace(0.0, Hh - 1.0, Hh)
    xt, yt = jnp.meshgrid(x, y)
    xt = jnp.broadcast_to(xt, (Bb, Hh, Ww))
    yt = jnp.broadcast_to(yt, (Bb, Hh, Ww))
    pxf = jnp.floor(xt / sx)
    pyf = jnp.floor(yt / sy)
    u = xt / sx - pxf
    v = yt / sy - pyf
    px = pxf.astype(jnp.int32)
    py = pyf.astype(jnp.int32)
    Bu = _piece_bsplines(u)
    Bu = Bu.reshape(4, -1).T.reshape(-1, 4, 1)
    Bv = _piece_bsplines(v)
    Bv = Bv.reshape(4, -1).T.reshape(-1, 1, 4)
    Buv = jnp.matmul(Bu, Bv).reshape(Bb, Hh, Ww, 4, 4)
    theta_r = theta.reshape(Bb, 2, ny, nx)
    theta_x = theta_r[:, 0]
    theta_y = theta_r[:, 1]
    bidx = jnp.arange(Bb).reshape(Bb, 1, 1, 1, 1)
    ii = jnp.arange(4).reshape(1, 1, 1, 1, 4)
    jj = jnp.arange(4).reshape(1, 1, 1, 4, 1)
    idx_y = py[..., None, None] + ii
    idx_x = px[..., None, None] + jj
    theta_slices_x = theta_x[bidx, idx_y, idx_x]
    theta_slices_y = theta_y[bidx, idx_y, idx_x]
    delta_x = jnp.sum(Buv * theta_slices_x, axis=(-2, -1))
    delta_y = jnp.sum(Buv * theta_slices_y, axis=(-2, -1))
    delta = jnp.stack([delta_x, delta_y], axis=0)
    base_grid = jnp.stack([xt, yt], axis=0)
    batch_grids = base_grid + delta
    xs = batch_grids[0]
    ys = batch_grids[1]
    out_fmap = _bilinear_sampler(input_fmap, xs, ys)
    return out_fmap, delta

if __name__ == "__main__":
    import jax
    _d = setup_inputs()
    print(jax.jit(kernel)(*tuple(_d.values())))

</pallas_src>

<mosaic_0001>
#map = affine_map<(d0, d1) -> (0, 0)>
#map1 = affine_map<(d0, d1) -> (0)>
#map2 = affine_map<(d0, d1) -> (0, 0, 0)>
module attributes {stable_mosaic.version = 14 : i64} {
  func.func @_sample_body(%arg0: i32, %arg1: i32, %arg2: memref<1048576x16xf32, #tpu.memory_space<hbm>>, %arg3: memref<1048576xf32, #tpu.memory_space<hbm>>, %arg4: memref<1048576xf32, #tpu.memory_space<hbm>>, %arg5: memref<4x512x8192xf32, #tpu.memory_space<hbm>>, %arg6: memref<2x512xf32, #tpu.memory_space<vmem>>, %arg7: memref<2x512xf32, #tpu.memory_space<vmem>>, %arg8: memref<4x512xi32, #tpu.memory_space<vmem>>, %arg9: memref<4x512xi32, #tpu.memory_space<vmem>>, %arg10: memref<4x512xf32, #tpu.memory_space<vmem>>, %arg11: memref<4x512xf32, #tpu.memory_space<vmem>>, %arg12: memref<4x512x16xf32, #tpu.memory_space<vmem>>, %arg13: memref<4x512x16xf32, #tpu.memory_space<vmem>>, %arg14: memref<8192xf32, #tpu.memory_space<vmem>>, %arg15: memref<8192xf32, #tpu.memory_space<vmem>>, %arg16: memref<!tpu.dma_semaphore, #tpu.memory_space<semaphore_mem>>, %arg17: memref<!tpu.dma_semaphore, #tpu.memory_space<semaphore_mem>>, %arg18: memref<!tpu.dma_semaphore, #tpu.memory_space<semaphore_mem>>, %arg19: memref<!tpu.dma_semaphore, #tpu.memory_space<semaphore_mem>>, %arg20: memref<!tpu.dma_semaphore, #tpu.memory_space<semaphore_mem>>, %arg21: memref<!tpu.dma_semaphore, #tpu.memory_space<semaphore_mem>>) attributes {dimension_semantics = [#tpu.dimension_semantics<core_parallel>, #tpu.dimension_semantics<subcore_parallel>], iteration_bounds = array<i64: 2, 16>, scalar_prefetch = 0 : i64, scratch_operands = 16 : i64, tpu.core_type = #tpu.core_type<sc_vector_subcore>, window_params = [{transform_indices = #map}, {transform_indices = #map1}, {transform_indices = #map1}, {transform_indices = #map2}]} {
    %mul3A = arith.constant 2 : i32
    %mul3A_0 = arith.muli %arg1, %mul3A : i32
    %add3A = arith.addi %mul3A_0, %arg0 : i32
    %mul3A_1 = arith.constant 32768 : i32
    %mul3A_2 = arith.muli %add3A, %mul3A_1 : i32
    %iota3A = tpu.iota {dimensions = array<i32: 0>} : vector<16xi32>
    %shift_right_logical3A = arith.constant 3 : i32
    %shift_right_logical3A_3 = vector.broadcast %shift_right_logical3A : i32 to vector<16xi32>
    %shift_right_logical3A_4 = arith.shrui %iota3A, %shift_right_logical3A_3 : vector<16xi32>
    %shift_left3A = arith.constant 12 : i32
    %shift_left3A_5 = vector.broadcast %shift_left3A : i32 to vector<16xi32>
    %shift_left3A_6 = arith.shli %shift_right_logical3A_4, %shift_left3A_5 : vector<16xi32>
    %and3A = arith.constant 7 : i32
    %and3A_7 = vector.broadcast %and3A : i32 to vector<16xi32>
    %and3A_8 = arith.andi %iota3A, %and3A_7 : vector<16xi32>
    %shift_left3A_9 = arith.constant 7 : i32
    %shift_left3A_10 = vector.broadcast %shift_left3A_9 : i32 to vector<16xi32>
    %shift_left3A_11 = arith.shli %and3A_8, %shift_left3A_10 : vector<16xi32>
    %add3A_12 = arith.addi %shift_left3A_6, %shift_left3A_11 : vector<16xi32>
    %add3A_13 = arith.constant 0 : i32
    %add3A_14 = arith.addi %mul3A_2, %add3A_13 : i32
    %dma_start3A = arith.constant 0 : i32
    %dma_start3A_15 = arith.constant 0 : i32
    %dma_start3A_16 = tpu.memref_slice %arg6[%dma_start3A, %dma_start3A_15] : memref<2x512xf32, #tpu.memory_space<vmem>> -> memref<1x512xf32, #tpu.memory_space<vmem>>
    %dma_start3A_17 = tpu.memref_squeeze %dma_start3A_16 : memref<1x512xf32, #tpu.memory_space<vmem>> -> memref<512xf32, #tpu.memory_space<vmem>>
    %dma_start3A_18 = tpu.memref_slice %arg3[%add3A_14] : memref<1048576xf32, #tpu.memory_space<hbm>> -> memref<512xf32, #tpu.memory_space<hbm>>
    %dma_start3A_19 = arith.constant 0 : i32
    %dma_start3A_20 = tpu.memref_slice %arg6[%dma_start3A, %dma_start3A_19] : memref<2x512xf32, #tpu.memory_space<vmem>> -> memref<1x512xf32, #tpu.memory_space<vmem>>
    %dma_start3A_21 = tpu.memref_squeeze %dma_start3A_20 : memref<1x512xf32, #tpu.memory_space<vmem>> -> memref<512xf32, #tpu.memory_space<vmem>>
    %dma_start3A_22 = tpu.memref_slice %arg3[%add3A_14] : memref<1048576xf32, #tpu.memory_space<hbm>> -> memref<512xf32, #tpu.memory_space<hbm>>
    tpu.enqueue_dma source(%dma_start3A_22 : memref<512xf32, #tpu.memory_space<hbm>>) target(%dma_start3A_21 : memref<512xf32, #tpu.memory_space<vmem>>) target_semaphore(%arg16 : memref<!tpu.dma_semaphore, #tpu.memory_space<semaphore_mem>>)
    %dma_start3A_23 = arith.constant 1 : i32
    %dma_start3A_24 = arith.constant 0 : i32
    %dma_start3A_25 = tpu.memref_slice %arg6[%dma_start3A_23, %dma_start3A_24] : memref<2x512xf32, #tpu.memory_space<vmem>> -> memref<1x512xf32, #tpu.memory_space<vmem>>
    %dma_start3A_26 = tpu.memref_squeeze %dma_start3A_25 : memref<1x512xf32, #tpu.memory_space<vmem>> -> memref<512xf32, #tpu.memory_space<vmem>>
    %dma_start3A_27 = tpu.memref_slice %arg4[%add3A_14] : memref<1048576xf32, #tpu.memory_space<hbm>> -> memref<512xf32, #tpu.memory_space<hbm>>
    %dma_start3A_28 = arith.constant 0 : i32
    %dma_start3A_29 = tpu.memref_slice %arg6[%dma_start3A_23, %dma_start3A_28] : memref<2x512xf32, #tpu.memory_space<vmem>> -> memref<1x512xf32, #tpu.memory_space<vmem>>
    %dma_start3A_30 = tpu.memref_squeeze %dma_start3A_29 : memref<1x512xf32, #tpu.memory_space<vmem>> -> memref<512xf32, #tpu.memory_space<vmem>>
    %dma_start3A_31 = tpu.memref_slice %arg4[%add3A_14] : memref<1048576xf32, #tpu.memory_space<hbm>> -> memref<512xf32, #tpu.memory_space<hbm>>
    tpu.enqueue_dma source(%dma_start3A_31 : memref<512xf32, #tpu.memory_space<hbm>>) target(%dma_start3A_30 : memref<512xf32, #tpu.memory_space<vmem>>) target_semaphore(%arg16 : memref<!tpu.dma_semaphore, #tpu.memory_space<semaphore_mem>>)
    %dma_wait3A = arith.constant 0 : i32
    %dma_wait3A_32 = arith.constant 0 : i32
    %dma_wait3A_33 = tpu.memref_slice %arg6[%dma_wait3A, %dma_wait3A_32] : memref<2x512xf32, #tpu.memory_space<vmem>> -> memref<1x512xf32, #tpu.memory_space<vmem>>
    %dma_wait3A_34 = tpu.memref_squeeze %dma_wait3A_33 : memref<1x512xf32, #tpu.memory_space<vmem>> -> memref<512xf32, #tpu.memory_space<vmem>>
    %dma_wait3A_35 = tpu.memref_slice %arg3[%mul3A_2] : memref<1048576xf32, #tpu.memory_space<hbm>> -> memref<512xf32, #tpu.memory_space<hbm>>
    %dma_wait3A_36 = arith.constant 0 : i32
    %dma_wait3A_37 = tpu.memref_slice %arg6[%dma_wait3A, %dma_wait3A_36] : memref<2x512xf32, #tpu.memory_space<vmem>> -> memref<1x512xf32, #tpu.memory_space<vmem>>
    %dma_wait3A_38 = tpu.memref_squeeze %dma_wait3A_37 : memref<1x512xf32, #tpu.memory_space<vmem>> -> memref<512xf32, #tpu.memory_space<vmem>>
    %dma_wait3A_39 = tpu.memref_slice %arg3[%mul3A_2] : memref<1048576xf32, #tpu.memory_space<hbm>> -> memref<512xf32, #tpu.memory_space<hbm>>
    tpu.wait_dma2 semaphore(%arg16 : memref<!tpu.dma_semaphore, #tpu.memory_space<semaphore_mem>>) src(%dma_wait3A_39 : memref<512xf32, #tpu.memory_space<hbm>>) dst(%dma_wait3A_38 : memref<512xf32, #tpu.memory_space<vmem>>)
    %dma_wait3A_40 = arith.constant 1 : i32
    %dma_wait3A_41 = arith.constant 0 : i32
    %dma_wait3A_42 = tpu.memref_slice %arg6[%dma_wait3A_40, %dma_wait3A_41] : memref<2x512xf32, #tpu.memory_space<vmem>> -> memref<1x512xf32, #tpu.memory_space<vmem>>
    %dma_wait3A_43 = tpu.memref_squeeze %dma_wait3A_42 : memref<1x512xf32, #tpu.memory_space<vmem>> -> memref<512xf32, #tpu.memory_space<vmem>>
    %dma_wait3A_44 = tpu.memref_slice %arg4[%mul3A_2] : memref<1048576xf32, #tpu.memory_space<hbm>> -> memref<512xf32, #tpu.memory_space<hbm>>
    %dma_wait3A_45 = arith.constant 0 : i32
    %dma_wait3A_46 = tpu.memref_slice %arg6[%dma_wait3A_40, %dma_wait3A_45] : memref<2x512xf32, #tpu.memory_space<vmem>> -> memref<1x512xf32, #tpu.memory_space<vmem>>
    %dma_wait3A_47 = tpu.memref_squeeze %dma_wait3A_46 : memref<1x512xf32, #tpu.memory_space<vmem>> -> memref<512xf32, #tpu.memory_space<vmem>>
    %dma_wait3A_48 = tpu.memref_slice %arg4[%mul3A_2] : memref<1048576xf32, #tpu.memory_space<hbm>> -> memref<512xf32, #tpu.memory_space<hbm>>
    tpu.wait_dma2 semaphore(%arg16 : memref<!tpu.dma_semaphore, #tpu.memory_space<semaphore_mem>>) src(%dma_wait3A_48 : memref<512xf32, #tpu.memory_space<hbm>>) dst(%dma_wait3A_47 : memref<512xf32, #tpu.memory_space<vmem>>)
    %add3A_49 = arith.constant 0 : i32
    %add3A_50 = arith.addi %mul3A_2, %add3A_49 : i32
    %parallel_loop3A = arith.constant 0 : i32
    %parallel_loop3A_51 = arith.constant 32 : i32
    %parallel_loop3A_52 = arith.constant 1 : i32
    scf.for %parallel_loop3A_503 = %parallel_loop3A to %parallel_loop3A_51 step %parallel_loop3A_52  : i32 {
      %parallel_loop3A_504 = arith.constant 16 : i32
      %parallel_loop3A_505 = arith.muli %parallel_loop3A_503, %parallel_loop3A_504 : i32
      %parallel_loop3A_506 = arith.constant 16 : i32
      %parallel_loop3A_507 = arith.muli %parallel_loop3A_503, %parallel_loop3A_506 : i32
      %parallel_loop3A_508 = arith.addi %add3A_50, %parallel_loop3A_507 : i32
      %parallel_loop3A_509 = vector.broadcast %parallel_loop3A_508 : i32 to vector<16xi32>
      %parallel_loop3A_510 = arith.addi %parallel_loop3A_509, %iota3A : vector<16xi32>
      %parallel_loop3A_511 = arith.constant 0 : i32
      %parallel_loop3A_512 = arith.index_cast %parallel_loop3A_511 : i32 to index
      %parallel_loop3A_513 = arith.index_cast %parallel_loop3A_505 : i32 to index
      %parallel_loop3A_514 = tpu.vector_load %arg6[%parallel_loop3A_512, %parallel_loop3A_513] {strides = array<i32>} : memref<2x512xf32, #tpu.memory_space<vmem>>, vector<16xf32>,
      %parallel_loop3A_515 = arith.constant 1 : i32
      %parallel_loop3A_516 = arith.index_cast %parallel_loop3A_515 : i32 to index
      %parallel_loop3A_517 = arith.index_cast %parallel_loop3A_505 : i32 to index
      %parallel_loop3A_518 = tpu.vector_load %arg6[%parallel_loop3A_516, %parallel_loop3A_517] {strides = array<i32>} : memref<2x512xf32, #tpu.memory_space<vmem>>, vector<16xf32>,
      %parallel_loop3A_519 = arith.constant 511 : i32
      %parallel_loop3A_520 = vector.broadcast %parallel_loop3A_519 : i32 to vector<16xi32>
      %parallel_loop3A_521 = arith.andi %parallel_loop3A_510, %parallel_loop3A_520 : vector<16xi32>
      %parallel_loop3A_522 = arith.constant 9 : i32
      %parallel_loop3A_523 = vector.broadcast %parallel_loop3A_522 : i32 to vector<16xi32>
      %parallel_loop3A_524 = arith.shrui %parallel_loop3A_510, %parallel_loop3A_523 : vector<16xi32>
      %parallel_loop3A_525 = arith.constant 511 : i32
      %parallel_loop3A_526 = vector.broadcast %parallel_loop3A_525 : i32 to vector<16xi32>
      %parallel_loop3A_527 = arith.andi %parallel_loop3A_524, %parallel_loop3A_526 : vector<16xi32>
      %parallel_loop3A_528 = arith.constant 18 : i32
      %parallel_loop3A_529 = vector.broadcast %parallel_loop3A_528 : i32 to vector<16xi32>
      %parallel_loop3A_530 = arith.shrui %parallel_loop3A_510, %parallel_loop3A_529 : vector<16xi32>
      %parallel_loop3A_531 = arith.sitofp %parallel_loop3A_521 : vector<16xi32> to vector<16xf32>
      %parallel_loop3A_532 = arith.addf %parallel_loop3A_531, %parallel_loop3A_514 : vector<16xf32>
      %parallel_loop3A_533 = arith.sitofp %parallel_loop3A_527 : vector<16xi32> to vector<16xf32>
      %parallel_loop3A_534 = arith.addf %parallel_loop3A_533, %parallel_loop3A_518 : vector<16xf32>
      %parallel_loop3A_535 = arith.fptosi %parallel_loop3A_532 : vector<16xf32> to vector<16xi32>
      %parallel_loop3A_536 = arith.sitofp %parallel_loop3A_535 : vector<16xi32> to vector<16xf32>
      %parallel_loop3A_537 = arith.cmpf ogt, %parallel_loop3A_536, %parallel_loop3A_532 : vector<16xf32>
      %parallel_loop3A_538 = arith.constant 1 : i32
      %parallel_loop3A_539 = vector.broadcast %parallel_loop3A_538 : i32 to vector<16xi32>
      %parallel_loop3A_540 = arith.subi %parallel_loop3A_535, %parallel_loop3A_539 : vector<16xi32>
      %parallel_loop3A_541 = arith.select %parallel_loop3A_537, %parallel_loop3A_540, %parallel_loop3A_535 : vector<16xi1>, vector<16xi32>
      %parallel_loop3A_542 = arith.fptosi %parallel_loop3A_534 : vector<16xf32> to vector<16xi32>
      %parallel_loop3A_543 = arith.sitofp %parallel_loop3A_542 : vector<16xi32> to vector<16xf32>
      %parallel_loop3A_544 = arith.cmpf ogt, %parallel_loop3A_543, %parallel_loop3A_534 : vector<16xf32>
      %parallel_loop3A_545 = arith.constant 1 : i32
      %parallel_loop3A_546 = vector.broadcast %parallel_loop3A_545 : i32 to vector<16xi32>
      %parallel_loop3A_547 = arith.subi %parallel_loop3A_542, %parallel_loop3A_546 : vector<16xi32>
      %parallel_loop3A_548 = arith.select %parallel_loop3A_544, %parallel_loop3A_547, %parallel_loop3A_542 : vector<16xi1>, vector<16xi32>
      %parallel_loop3A_549 = arith.constant 0 : i32
      %parallel_loop3A_550 = arith.constant 511 : i32
      %parallel_loop3A_551 = vector.broadcast %parallel_loop3A_549 : i32 to vector<16xi32>
      %parallel_loop3A_552 = arith.maxsi %parallel_loop3A_551, %parallel_loop3A_541 : vector<16xi32>
      %parallel_loop3A_553 = vector.broadcast %parallel_loop3A_550 : i32 to vector<16xi32>
      %parallel_loop3A_554 = arith.minsi %parallel_loop3A_553, %parallel_loop3A_552 : vector<16xi32>
      %parallel_loop3A_555 = arith.constant 1 : i32
      %parallel_loop3A_556 = vector.broadcast %parallel_loop3A_555 : i32 to vector<16xi32>
      %parallel_loop3A_557 = arith.addi %parallel_loop3A_541, %parallel_loop3A_556 : vector<16xi32>
      %parallel_loop3A_558 = arith.constant 0 : i32
      %parallel_loop3A_559 = arith.constant 511 : i32
      %parallel_loop3A_560 = vector.broadcast %parallel_loop3A_558 : i32 to vector<16xi32>
      %parallel_loop3A_561 = arith.maxsi %parallel_loop3A_560, %parallel_loop3A_557 : vector<16xi32>
      %parallel_loop3A_562 = vector.broadcast %parallel_loop3A_559 : i32 to vector<16xi32>
      %parallel_loop3A_563 = arith.minsi %parallel_loop3A_562, %parallel_loop3A_561 : vector<16xi32>
      %parallel_loop3A_564 = arith.constant 0 : i32
      %parallel_loop3A_565 = arith.constant 511 : i32
      %parallel_loop3A_566 = vector.broadcast %parallel_loop3A_564 : i32 to vector<16xi32>
      %parallel_loop3A_567 = arith.maxsi %parallel_loop3A_566, %parallel_loop3A_548 : vector<16xi32>
      %parallel_loop3A_568 = vector.broadcast %parallel_loop3A_565 : i32 to vector<16xi32>
      %parallel_loop3A_569 = arith.minsi %parallel_loop3A_568, %parallel_loop3A_567 : vector<16xi32>
      %parallel_loop3A_570 = arith.constant 1 : i32
      %parallel_loop3A_571 = vector.broadcast %parallel_loop3A_570 : i32 to vector<16xi32>
      %parallel_loop3A_572 = arith.addi %parallel_loop3A_548, %parallel_loop3A_571 : vector<16xi32>
      %parallel_loop3A_573 = arith.constant 0 : i32
      %parallel_loop3A_574 = arith.constant 511 : i32
      %parallel_loop3A_575 = vector.broadcast %parallel_loop3A_573 : i32 to vector<16xi32>
      %parallel_loop3A_576 = arith.maxsi %parallel_loop3A_575, %parallel_loop3A_572 : vector<16xi32>
      %parallel_loop3A_577 = vector.broadcast %parallel_loop3A_574 : i32 to vector<16xi32>
      %parallel_loop3A_578 = arith.minsi %parallel_loop3A_577, %parallel_loop3A_576 : vector<16xi32>
      %parallel_loop3A_579 = arith.sitofp %parallel_loop3A_554 : vector<16xi32> to vector<16xf32>
      %parallel_loop3A_580 = arith.sitofp %parallel_loop3A_563 : vector<16xi32> to vector<16xf32>
      %parallel_loop3A_581 = arith.sitofp %parallel_loop3A_569 : vector<16xi32> to vector<16xf32>
      %parallel_loop3A_582 = arith.sitofp %parallel_loop3A_578 : vector<16xi32> to vector<16xf32>
      %parallel_loop3A_583 = arith.subf %parallel_loop3A_580, %parallel_loop3A_532 : vector<16xf32>
      %parallel_loop3A_584 = arith.subf %parallel_loop3A_582, %parallel_loop3A_534 : vector<16xf32>
      %parallel_loop3A_585 = arith.mulf %parallel_loop3A_583, %parallel_loop3A_584 : vector<16xf32>
      %parallel_loop3A_586 = arith.constant 0 : i32
      %parallel_loop3A_587 = arith.index_cast %parallel_loop3A_586 : i32 to index
      %parallel_loop3A_588 = arith.index_cast %parallel_loop3A_505 : i32 to index
      %parallel_loop3A_589 = tpu.vector_load %arg10[%parallel_loop3A_587, %parallel_loop3A_588] {strides = array<i32>} : memref<4x512xf32, #tpu.memory_space<vmem>>, vector<16xf32>,
      tpu.vector_store %arg10[%parallel_loop3A_587, %parallel_loop3A_588], %parallel_loop3A_585 {strides = array<i32>} : memref<4x512xf32, #tpu.memory_space<vmem>>, vector<16xf32>,
      %parallel_loop3A_590 = arith.subf %parallel_loop3A_580, %parallel_loop3A_532 : vector<16xf32>
      %parallel_loop3A_591 = arith.subf %parallel_loop3A_534, %parallel_loop3A_581 : vector<16xf32>
      %parallel_loop3A_592 = arith.mulf %parallel_loop3A_590, %parallel_loop3A_591 : vector<16xf32>
      %parallel_loop3A_593 = arith.constant 1 : i32
      %parallel_loop3A_594 = arith.index_cast %parallel_loop3A_593 : i32 to index
      %parallel_loop3A_595 = arith.index_cast %parallel_loop3A_505 : i32 to index
      %parallel_loop3A_596 = tpu.vector_load %arg10[%parallel_loop3A_594, %parallel_loop3A_595] {strides = array<i32>} : memref<4x512xf32, #tpu.memory_space<vmem>>, vector<16xf32>,
      tpu.vector_store %arg10[%parallel_loop3A_594, %parallel_loop3A_595], %parallel_loop3A_592 {strides = array<i32>} : memref<4x512xf32, #tpu.memory_space<vmem>>, vector<16xf32>,
      %parallel_loop3A_597 = arith.subf %parallel_loop3A_532, %parallel_loop3A_579 : vector<16xf32>
      %parallel_loop3A_598 = arith.subf %parallel_loop3A_582, %parallel_loop3A_534 : vector<16xf32>
      %parallel_loop3A_599 = arith.mulf %parallel_loop3A_597, %parallel_loop3A_598 : vector<16xf32>
      %parallel_loop3A_600 = arith.constant 2 : i32
      %parallel_loop3A_601 = arith.index_cast %parallel_loop3A_600 : i32 to index
      %parallel_loop3A_602 = arith.index_cast %parallel_loop3A_505 : i32 to index
      %parallel_loop3A_603 = tpu.vector_load %arg10[%parallel_loop3A_601, %parallel_loop3A_602] {strides = array<i32>} : memref<4x512xf32, #tpu.memory_space<vmem>>, vector<16xf32>,
      tpu.vector_store %arg10[%parallel_loop3A_601, %parallel_loop3A_602], %parallel_loop3A_599 {strides = array<i32>} : memref<4x512xf32, #tpu.memory_space<vmem>>, vector<16xf32>,
      %parallel_loop3A_604 = arith.subf %parallel_loop3A_532, %parallel_loop3A_579 : vector<16xf32>
      %parallel_loop3A_605 = arith.subf %parallel_loop3A_534, %parallel_loop3A_581 : vector<16xf32>
      %parallel_loop3A_606 = arith.mulf %parallel_loop3A_604, %parallel_loop3A_605 : vector<16xf32>
      %parallel_loop3A_607 = arith.constant 3 : i32
      %parallel_loop3A_608 = arith.index_cast %parallel_loop3A_607 : i32 to index
      %parallel_loop3A_609 = arith.index_cast %parallel_loop3A_505 : i32 to index
      %parallel_loop3A_610 = tpu.vector_load %arg10[%parallel_loop3A_608, %parallel_loop3A_609] {strides = array<i32>} : memref<4x512xf32, #tpu.memory_space<vmem>>, vector<16xf32>,
      tpu.vector_store %arg10[%parallel_loop3A_608, %parallel_loop3A_609], %parallel_loop3A_606 {strides = array<i32>} : memref<4x512xf32, #tpu.memory_space<vmem>>, vector<16xf32>,
      %parallel_loop3A_611 = arith.constant 18 : i32
      %parallel_loop3A_612 = vector.broadcast %parallel_loop3A_611 : i32 to vector<16xi32>
      %parallel_loop3A_613 = arith.shli %parallel_loop3A_530, %parallel_loop3A_612 : vector<16xi32>
      %parallel_loop3A_614 = arith.constant 9 : i32
      %parallel_loop3A_615 = vector.broadcast %parallel_loop3A_614 : i32 to vector<16xi32>
      %parallel_loop3A_616 = arith.shli %parallel_loop3A_569, %parallel_loop3A_615 : vector<16xi32>
      %parallel_loop3A_617 = arith.addi %parallel_loop3A_613, %parallel_loop3A_616 : vector<16xi32>
      %parallel_loop3A_618 = arith.constant 9 : i32
      %parallel_loop3A_619 = vector.broadcast %parallel_loop3A_618 : i32 to vector<16xi32>
      %parallel_loop3A_620 = arith.shli %parallel_loop3A_578, %parallel_loop3A_619 : vector<16xi32>
      %parallel_loop3A_621 = arith.addi %parallel_loop3A_613, %parallel_loop3A_620 : vector<16xi32>
      %parallel_loop3A_622 = arith.addi %parallel_loop3A_617, %parallel_loop3A_554 : vector<16xi32>
      %parallel_loop3A_623 = arith.constant 0 : i32
      %parallel_loop3A_624 = arith.index_cast %parallel_loop3A_623 : i32 to index
      %parallel_loop3A_625 = arith.index_cast %parallel_loop3A_505 : i32 to index
      %parallel_loop3A_626 = tpu.vector_load %arg8[%parallel_loop3A_624, %parallel_loop3A_625] {strides = array<i32>} : memref<4x512xi32, #tpu.memory_space<vmem>>, vector<16xi32>,
      tpu.vector_store %arg8[%parallel_loop3A_624, %parallel_loop3A_625], %parallel_loop3A_622 {strides = array<i32>} : memref<4x512xi32, #tpu.memory_space<vmem>>, vector<16xi32>,
      %parallel_loop3A_627 = arith.addi %parallel_loop3A_621, %parallel_loop3A_554 : vector<16xi32>
      %parallel_loop3A_628 = arith.constant 1 : i32
      %parallel_loop3A_629 = arith.index_cast %parallel_loop3A_628 : i32 to index
      %parallel_loop3A_630 = arith.index_cast %parallel_loop3A_505 : i32 to index
      %parallel_loop3A_631 = tpu.vector_load %arg8[%parallel_loop3A_629, %parallel_loop3A_630] {strides = array<i32>} : memref<4x512xi32, #tpu.memory_space<vmem>>, vector<16xi32>,
      tpu.vector_store %arg8[%parallel_loop3A_629, %parallel_loop3A_630], %parallel_loop3A_627 {strides = array<i32>} : memref<4x512xi32, #tpu.memory_space<vmem>>, vector<16xi32>,
      %parallel_loop3A_632 = arith.addi %parallel_loop3A_617, %parallel_loop3A_563 : vector<16xi32>
      %parallel_loop3A_633 = arith.constant 2 : i32
      %parallel_loop3A_634 = arith.index_cast %parallel_loop3A_633 : i32 to index
      %parallel_loop3A_635 = arith.index_cast %parallel_loop3A_505 : i32 to index
      %parallel_loop3A_636 = tpu.vector_load %arg8[%parallel_loop3A_634, %parallel_loop3A_635] {strides = array<i32>} : memref<4x512xi32, #tpu.memory_space<vmem>>, vector<16xi32>,
      tpu.vector_store %arg8[%parallel_loop3A_634, %parallel_loop3A_635], %parallel_loop3A_632 {strides = array<i32>} : memref<4x512xi32, #tpu.memory_space<vmem>>, vector<16xi32>,
      %parallel_loop3A_637 = arith.addi %parallel_loop3A_621, %parallel_loop3A_563 : vector<16xi32>
      %parallel_loop3A_638 = arith.constant 3 : i32
      %parallel_loop3A_639 = arith.index_cast %parallel_loop3A_638 : i32 to index
      %parallel_loop3A_640 = arith.index_cast %parallel_loop3A_505 : i32 to index
      %parallel_loop3A_641 = tpu.vector_load %arg8[%parallel_loop3A_639, %parallel_loop3A_640] {strides = array<i32>} : memref<4x512xi32, #tpu.memory_space<vmem>>, vector<16xi32>,
      tpu.vector_store %arg8[%parallel_loop3A_639, %parallel_loop3A_640], %parallel_loop3A_637 {strides = array<i32>} : memref<4x512xi32, #tpu.memory_space<vmem>>, vector<16xi32>,
    } {sc.loop_unroll_factor = 4 : i64, sc.parallel_access}
    %dma_start3A_53 = arith.constant 0 : i32
    %dma_start3A_54 = arith.constant 0 : i32
    %dma_start3A_55 = arith.constant 0 : i32
    %dma_start3A_56 = arith.constant 0 : i32
    %dma_start3A_57 = tpu.memref_slice %arg12[%dma_start3A_54, %dma_start3A_55, %dma_start3A_56] : memref<4x512x16xf32, #tpu.memory_space<vmem>> -> memref<1x128x16xf32, #tpu.memory_space<vmem>>
    %dma_start3A_58 = tpu.memref_squeeze %dma_start3A_57 : memref<1x128x16xf32, #tpu.memory_space<vmem>> -> memref<128x16xf32, #tpu.memory_space<vmem>>
    %dma_start3A_59 = arith.constant 0 : i32
    %dma_start3A_60 = tpu.memref_slice %arg8[%dma_start3A_53, %dma_start3A_59] : memref<4x512xi32, #tpu.memory_space<vmem>> -> memref<1x128xi32, #tpu.memory_space<vmem>>
    %dma_start3A_61 = tpu.memref_squeeze %dma_start3A_60 : memref<1x128xi32, #tpu.memory_space<vmem>> -> memref<128xi32, #tpu.memory_space<vmem>>
    %dma_start3A_62 = arith.constant 0 : i32
    %dma_start3A_63 = arith.constant 0 : i32
    %dma_start3A_64 = tpu.memref_slice %arg2[%dma_start3A_62, %dma_start3A_63] : memref<1048576x16xf32, #tpu.memory_space<hbm>> -> memref<1048576x16xf32, #tpu.memory_space<hbm>>
    tpu.enqueue_indirect_dma source(%dma_start3A_64 : memref<1048576x16xf32, #tpu.memory_space<hbm>>) target(%dma_start3A_58 : memref<128x16xf32, #tpu.memory_space<vmem>>) offsets(%dma_start3A_61 : memref<128xi32, #tpu.memory_space<vmem>>) semaphore(%arg18 : memref<!tpu.dma_semaphore, #tpu.memory_space<semaphore_mem>>)
    %dma_start3A_65 = arith.constant 0 : i32
    %dma_start3A_66 = arith.constant 0 : i32
    %dma_start3A_67 = arith.constant 128 : i32
    %dma_start3A_68 = arith.constant 0 : i32
    %dma_start3A_69 = tpu.memref_slice %arg12[%dma_start3A_66, %dma_start3A_67, %dma_start3A_68] : memref<4x512x16xf32, #tpu.memory_space<vmem>> -> memref<1x128x16xf32, #tpu.memory_space<vmem>>
    %dma_start3A_70 = tpu.memref_squeeze %dma_start3A_69 : memref<1x128x16xf32, #tpu.memory_space<vmem>> -> memref<128x16xf32, #tpu.memory_space<vmem>>
    %dma_start3A_71 = arith.constant 128 : i32
    %dma_start3A_72 = tpu.memref_slice %arg8[%dma_start3A_65, %dma_start3A_71] : memref<4x512xi32, #tpu.memory_space<vmem>> -> memref<1x128xi32, #tpu.memory_space<vmem>>
    %dma_start3A_73 = tpu.memref_squeeze %dma_start3A_72 : memref<1x128xi32, #tpu.memory_space<vmem>> -> memref<128xi32, #tpu.memory_space<vmem>>
    %dma_start3A_74 = arith.constant 0 : i32
    %dma_start3A_75 = arith.constant 0 : i32
    %dma_start3A_76 = tpu.memref_slice %arg2[%dma_start3A_74, %dma_start3A_75] : memref<1048576x16xf32, #tpu.memory_space<hbm>> -> memref<1048576x16xf32, #tpu.memory_space<hbm>>
    tpu.enqueue_indirect_dma source(%dma_start3A_76 : memref<1048576x16xf32, #tpu.memory_space<hbm>>) target(%dma_start3A_70 : memref<128x16xf32, #tpu.memory_space<vmem>>) offsets(%dma_start3A_73 : memref<128xi32, #tpu.memory_space<vmem>>) semaphore(%arg18 : memref<!tpu.dma_semaphore, #tpu.memory_space<semaphore_mem>>)
    %dma_start3A_77 = arith.constant 0 : i32
    %dma_start3A_78 = arith.constant 0 : i32
    %dma_start3A_79 = arith.constant 256 : i32
    %dma_start3A_80 = arith.constant 0 : i32
    %dma_start3A_81 = tpu.memref_slice %arg12[%dma_start3A_78, %dma_start3A_79, %dma_start3A_80] : memref<4x512x16xf32, #tpu.memory_space<vmem>> -> memref<1x128x16xf32, #tpu.memory_space<vmem>>
    %dma_start3A_82 = tpu.memref_squeeze %dma_start3A_81 : memref<1x128x16xf32, #tpu.memory_space<vmem>> -> memref<128x16xf32, #tpu.memory_space<vmem>>
    %dma_start3A_83 = arith.constant 256 : i32
    %dma_start3A_84 = tpu.memref_slice %arg8[%dma_start3A_77, %dma_start3A_83] : memref<4x512xi32, #tpu.memory_space<vmem>> -> memref<1x128xi32, #tpu.memory_space<vmem>>
    %dma_start3A_85 = tpu.memref_squeeze %dma_start3A_84 : memref<1x128xi32, #tpu.memory_space<vmem>> -> memref<128xi32, #tpu.memory_space<vmem>>
    %dma_start3A_86 = arith.constant 0 : i32
    %dma_start3A_87 = arith.constant 0 : i32
    %dma_start3A_88 = tpu.memref_slice %arg2[%dma_start3A_86, %dma_start3A_87] : memref<1048576x16xf32, #tpu.memory_space<hbm>> -> memref<1048576x16xf32, #tpu.memory_space<hbm>>
    tpu.enqueue_indirect_dma source(%dma_start3A_88 : memref<1048576x16xf32, #tpu.memory_space<hbm>>) target(%dma_start3A_82 : memref<128x16xf32, #tpu.memory_space<vmem>>) offsets(%dma_start3A_85 : memref<128xi32, #tpu.memory_space<vmem>>) semaphore(%arg18 : memref<!tpu.dma_semaphore, #tpu.memory_space<semaphore_mem>>)
    %dma_start3A_89 = arith.constant 0 : i32
    %dma_start3A_90 = arith.constant 0 : i32
    %dma_start3A_91 = arith.constant 384 : i32
    %dma_start3A_92 = arith.constant 0 : i32
    %dma_start3A_93 = tpu.memref_slice %arg12[%dma_start3A_90, %dma_start3A_91, %dma_start3A_92] : memref<4x512x16xf32, #tpu.memory_space<vmem>> -> memref<1x128x16xf32, #tpu.memory_space<vmem>>
    %dma_start3A_94 = tpu.memref_squeeze %dma_start3A_93 : memref<1x128x16xf32, #tpu.memory_space<vmem>> -> memref<128x16xf32, #tpu.memory_space<vmem>>
    %dma_start3A_95 = arith.constant 384 : i32
    %dma_start3A_96 = tpu.memref_slice %arg8[%dma_start3A_89, %dma_start3A_95] : memref<4x512xi32, #tpu.memory_space<vmem>> -> memref<1x128xi32, #tpu.memory_space<vmem>>
    %dma_start3A_97 = tpu.memref_squeeze %dma_start3A_96 : memref<1x128xi32, #tpu.memory_space<vmem>> -> memref<128xi32, #tpu.memory_space<vmem>>
    %dma_start3A_98 = arith.constant 0 : i32
    %dma_start3A_99 = arith.constant 0 : i32
    %dma_start3A_100 = tpu.memref_slice %arg2[%dma_start3A_98, %dma_start3A_99] : memref<1048576x16xf32, #tpu.memory_space<hbm>> -> memref<1048576x16xf32, #tpu.memory_space<hbm>>
    tpu.enqueue_indirect_dma source(%dma_start3A_100 : memref<1048576x16xf32, #tpu.memory_space<hbm>>) target(%dma_start3A_94 : memref<128x16xf32, #tpu.memory_space<vmem>>) offsets(%dma_start3A_97 : memref<128xi32, #tpu.memory_space<vmem>>) semaphore(%arg18 : memref<!tpu.dma_semaphore, #tpu.memory_space<semaphore_mem>>)
    %dma_start3A_101 = arith.constant 1 : i32
    %dma_start3A_102 = arith.constant 1 : i32
    %dma_start3A_103 = arith.constant 0 : i32
    %dma_start3A_104 = arith.constant 0 : i32
    %dma_start3A_105 = tpu.memref_slice %arg12[%dma_start3A_102, %dma_start3A_103, %dma_start3A_104] : memref<4x512x16xf32, #tpu.memory_space<vmem>> -> memref<1x128x16xf32, #tpu.memory_space<vmem>>
    %dma_start3A_106 = tpu.memref_squeeze %dma_start3A_105 : memref<1x128x16xf32, #tpu.memory_space<vmem>> -> memref<128x16xf32, #tpu.memory_space<vmem>>
    %dma_start3A_107 = arith.constant 0 : i32
    %dma_start3A_108 = tpu.memref_slice %arg8[%dma_start3A_101, %dma_start3A_107] : memref<4x512xi32, #tpu.memory_space<vmem>> -> memref<1x128xi32, #tpu.memory_space<vmem>>
    %dma_start3A_109 = tpu.memref_squeeze %dma_start3A_108 : memref<1x128xi32, #tpu.memory_space<vmem>> -> memref<128xi32, #tpu.memory_space<vmem>>
    %dma_start3A_110 = arith.constant 0 : i32
    %dma_start3A_111 = arith.constant 0 : i32
    %dma_start3A_112 = tpu.memref_slice %arg2[%dma_start3A_110, %dma_start3A_111] : memref<1048576x16xf32, #tpu.memory_space<hbm>> -> memref<1048576x16xf32, #tpu.memory_space<hbm>>
    tpu.enqueue_indirect_dma source(%dma_start3A_112 : memref<1048576x16xf32, #tpu.memory_space<hbm>>) target(%dma_start3A_106 : memref<128x16xf32, #tpu.memory_space<vmem>>) offsets(%dma_start3A_109 : memref<128xi32, #tpu.memory_space<vmem>>) semaphore(%arg18 : memref<!tpu.dma_semaphore, #tpu.memory_space<semaphore_mem>>)
    %dma_start3A_113 = arith.constant 1 : i32
    %dma_start3A_114 = arith.constant 1 : i32
    %dma_start3A_115 = arith.constant 128 : i32
    %dma_start3A_116 = arith.constant 0 : i32
    %dma_start3A_117 = tpu.memref_slice %arg12[%dma_start3A_114, %dma_start3A_115, %dma_start3A_116] : memref<4x512x16xf32, #tpu.memory_space<vmem>> -> memref<1x128x16xf32, #tpu.memory_space<vmem>>
    %dma_start3A_118 = tpu.memref_squeeze %dma_start3A_117 : memref<1x128x16xf32, #tpu.memory_space<vmem>> -> memref<128x16xf32, #tpu.memory_space<vmem>>
    %dma_start3A_119 = arith.constant 128 : i32
    %dma_start3A_120 = tpu.memref_slice %arg8[%dma_start3A_113, %dma_start3A_119] : memref<4x512xi32, #tpu.memory_space<vmem>> -> memref<1x128xi32, #tpu.memory_space<vmem>>
    %dma_start3A_121 = tpu.memref_squeeze %dma_start3A_120 : memref<1x128xi32, #tpu.memory_space<vmem>> -> memref<128xi32, #tpu.memory_space<vmem>>
    %dma_start3A_122 = arith.constant 0 : i32
    %dma_start3A_123 = arith.constant 0 : i32
    %dma_start3A_124 = tpu.memref_slice %arg2[%dma_start3A_122, %dma_start3A_123] : memref<1048576x16xf32, #tpu.memory_space<hbm>> -> memref<1048576x16xf32, #tpu.memory_space<hbm>>
    tpu.enqueue_indirect_dma source(%dma_start3A_124 : memref<1048576x16xf32, #tpu.memory_space<hbm>>) target(%dma_start3A_118 : memref<128x16xf32, #tpu.memory_space<vmem>>) offsets(%dma_start3A_121 : memref<128xi32, #tpu.memory_space<vmem>>) semaphore(%arg18 : memref<!tpu.dma_semaphore, #tpu.memory_space<semaphore_mem>>)
    %dma_start3A_125 = arith.constant 1 : i32
    %dma_start3A_126 = arith.constant 1 : i32
    %dma_start3A_127 = arith.constant 256 : i32
    %dma_start3A_128 = arith.constant 0 : i32
    %dma_start3A_129 = tpu.memref_slice %arg12[%dma_start3A_126, %dma_start3A_127, %dma_start3A_128] : memref<4x512x16xf32, #tpu.memory_space<vmem>> -> memref<1x128x16xf32, #tpu.memory_space<vmem>>
    %dma_start3A_130 = tpu.memref_squeeze %dma_start3A_129 : memref<1x128x16xf32, #tpu.memory_space<vmem>> -> memref<128x16xf32, #tpu.memory_space<vmem>>
    %dma_start3A_131 = arith.constant 256 : i32
    %dma_start3A_132 = tpu.memref_slice %arg8[%dma_start3A_125, %dma_start3A_131] : memref<4x512xi32, #tpu.memory_space<vmem>> -> memref<1x128xi32, #tpu.memory_space<vmem>>
    %dma_start3A_133 = tpu.memref_squeeze %dma_start3A_132 : memref<1x128xi32, #tpu.memory_space<vmem>> -> memref<128xi32, #tpu.memory_space<vmem>>
    %dma_start3A_134 = arith.constant 0 : i32
    %dma_start3A_135 = arith.constant 0 : i32
    %dma_start3A_136 = tpu.memref_slice %arg2[%dma_start3A_134, %dma_start3A_135] : memref<1048576x16xf32, #tpu.memory_space<hbm>> -> memref<1048576x16xf32, #tpu.memory_space<hbm>>
    tpu.enqueue_indirect_dma source(%dma_start3A_136 : memref<1048576x16xf32, #tpu.memory_space<hbm>>) target(%dma_start3A_130 : memref<128x16xf32, #tpu.memory_space<vmem>>) offsets(%dma_start3A_133 : memref<128xi32, #tpu.memory_space<vmem>>) semaphore(%arg18 : memref<!tpu.dma_semaphore, #tpu.memory_space<semaphore_mem>>)
    %dma_start3A_137 = arith.constant 1 : i32
    %dma_start3A_138 = arith.constant 1 : i32
    %dma_start3A_139 = arith.constant 384 : i32
    %dma_start3A_140 = arith.constant 0 : i32
    %dma_start3A_141 = tpu.memref_slice %arg12[%dma_start3A_138, %dma_start3A_139, %dma_start3A_140] : memref<4x512x16xf32, #tpu.memory_space<vmem>> -> memref<1x128x16xf32, #tpu.memory_space<vmem>>
    %dma_start3A_142 = tpu.memref_squeeze %dma_start3A_141 : memref<1x128x16xf32, #tpu.memory_space<vmem>> -> memref<128x16xf32, #tpu.memory_space<vmem>>
    %dma_start3A_143 = arith.constant 384 : i32
    %dma_start3A_144 = tpu.memref_slice %arg8[%dma_start3A_137, %dma_start3A_143] : memref<4x512xi32, #tpu.memory_space<vmem>> -> memref<1x128xi32, #tpu.memory_space<vmem>>
    %dma_start3A_145 = tpu.memref_squeeze %dma_start3A_144 : memref<1x128xi32, #tpu.memory_space<vmem>> -> memref<128xi32, #tpu.memory_space<vmem>>
    %dma_start3A_146 = arith.constant 0 : i32
    %dma_start3A_147 = arith.constant 0 : i32
    %dma_start3A_148 = tpu.memref_slice %arg2[%dma_start3A_146, %dma_start3A_147] : memref<1048576x16xf32, #tpu.memory_space<hbm>> -> memref<1048576x16xf32, #tpu.memory_space<hbm>>
    tpu.enqueue_indirect_dma source(%dma_start3A_148 : memref<1048576x16xf32, #tpu.memory_space<hbm>>) target(%dma_start3A_142 : memref<128x16xf32, #tpu.memory_space<vmem>>) offsets(%dma_start3A_145 : memref<128xi32, #tpu.memory_space<vmem>>) semaphore(%arg18 : memref<!tpu.dma_semaphore, #tpu.memory_space<semaphore_mem>>)
    %dma_start3A_149 = arith.constant 2 : i32
    %dma_start3A_150 = arith.constant 2 : i32
    %dma_start3A_151 = arith.constant 0 : i32
    %dma_start3A_152 = arith.constant 0 : i32
    %dma_start3A_153 = tpu.memref_slice %arg12[%dma_start3A_150, %dma_start3A_151, %dma_start3A_152] : memref<4x512x16xf32, #tpu.memory_space<vmem>> -> memref<1x128x16xf32, #tpu.memory_space<vmem>>
    %dma_start3A_154 = tpu.memref_squeeze %dma_start3A_153 : memref<1x128x16xf32, #tpu.memory_space<vmem>> -> memref<128x16xf32, #tpu.memory_space<vmem>>
    %dma_start3A_155 = arith.constant 0 : i32
    %dma_start3A_156 = tpu.memref_slice %arg8[%dma_start3A_149, %dma_start3A_155] : memref<4x512xi32, #tpu.memory_space<vmem>> -> memref<1x128xi32, #tpu.memory_space<vmem>>
    %dma_start3A_157 = tpu.memref_squeeze %dma_start3A_156 : memref<1x128xi32, #tpu.memory_space<vmem>> -> memref<128xi32, #tpu.memory_space<vmem>>
    %dma_start3A_158 = arith.constant 0 : i32
    %dma_start3A_159 = arith.constant 0 : i32
    %dma_start3A_160 = tpu.memref_slice %arg2[%dma_start3A_158, %dma_start3A_159] : memref<1048576x16xf32, #tpu.memory_space<hbm>> -> memref<1048576x16xf32, #tpu.memory_space<hbm>>
    tpu.enqueue_indirect_dma source(%dma_start3A_160 : memref<1048576x16xf32, #tpu.memory_space<hbm>>) target(%dma_start3A_154 : memref<128x16xf32, #tpu.memory_space<vmem>>) offsets(%dma_start3A_157 : memref<128xi32, #tpu.memory_space<vmem>>) semaphore(%arg18 : memref<!tpu.dma_semaphore, #tpu.memory_space<semaphore_mem>>)
    %dma_start3A_161 = arith.constant 2 : i32
    %dma_start3A_162 = arith.constant 2 : i32
    %dma_start3A_163 = arith.constant 128 : i32
    %dma_start3A_164 = arith.constant 0 : i32
    %dma_start3A_165 = tpu.memref_slice %arg12[%dma_start3A_162, %dma_start3A_163, %dma_start3A_164] : memref<4x512x16xf32, #tpu.memory_space<vmem>> -> memref<1x128x16xf32, #tpu.memory_space<vmem>>
    %dma_start3A_166 = tpu.memref_squeeze %dma_start3A_165 : memref<1x128x16xf32, #tpu.memory_space<vmem>> -> memref<128x16xf32, #tpu.memory_space<vmem>>
    %dma_start3A_167 = arith.constant 128 : i32
    %dma_start3A_168 = tpu.memref_slice %arg8[%dma_start3A_161, %dma_start3A_167] : memref<4x512xi32, #tpu.memory_space<vmem>> -> memref<1x128xi32, #tpu.memory_space<vmem>>
    %dma_start3A_169 = tpu.memref_squeeze %dma_start3A_168 : memref<1x128xi32, #tpu.memory_space<vmem>> -> memref<128xi32, #tpu.memory_space<vmem>>
    %dma_start3A_170 = arith.constant 0 : i32
    %dma_start3A_171 = arith.constant 0 : i32
    %dma_start3A_172 = tpu.memref_slice %arg2[%dma_start3A_170, %dma_start3A_171] : memref<1048576x16xf32, #tpu.memory_space<hbm>> -> memref<1048576x16xf32, #tpu.memory_space<hbm>>
    tpu.enqueue_indirect_dma source(%dma_start3A_172 : memref<1048576x16xf32, #tpu.memory_space<hbm>>) target(%dma_start3A_166 : memref<128x16xf32, #tpu.memory_space<vmem>>) offsets(%dma_start3A_169 : memref<128xi32, #tpu.memory_space<vmem>>) semaphore(%arg18 : memref<!tpu.dma_semaphore, #tpu.memory_space<semaphore_mem>>)
    %dma_start3A_173 = arith.constant 2 : i32
    %dma_start3A_174 = arith.constant 2 : i32
    %dma_start3A_175 = arith.constant 256 : i32
    %dma_start3A_176 = arith.constant 0 : i32
    %dma_start3A_177 = tpu.memref_slice %arg12[%dma_start3A_174, %dma_start3A_175, %dma_start3A_176] : memref<4x512x16xf32, #tpu.memory_space<vmem>> -> memref<1x128x16xf32, #tpu.memory_space<vmem>>
    %dma_start3A_178 = tpu.memref_squeeze %dma_start3A_177 : memref<1x128x16xf32, #tpu.memory_space<vmem>> -> memref<128x16xf32, #tpu.memory_space<vmem>>
    %dma_start3A_179 = arith.constant 256 : i32
    %dma_start3A_180 = tpu.memref_slice %arg8[%dma_start3A_173, %dma_start3A_179] : memref<4x512xi32, #tpu.memory_space<vmem>> -> memref<1x128xi32, #tpu.memory_space<vmem>>
    %dma_start3A_181 = tpu.memref_squeeze %dma_start3A_180 : memref<1x128xi32, #tpu.memory_space<vmem>> -> memref<128xi32, #tpu.memory_space<vmem>>
    %dma_start3A_182 = arith.constant 0 : i32
    %dma_start3A_183 = arith.constant 0 : i32
    %dma_start3A_184 = tpu.memref_slice %arg2[%dma_start3A_182, %dma_start3A_183] : memref<1048576x16xf32, #tpu.memory_space<hbm>> -> memref<1048576x16xf32, #tpu.memory_space<hbm>>
    tpu.enqueue_indirect_dma source(%dma_start3A_184 : memref<1048576x16xf32, #tpu.memory_space<hbm>>) target(%dma_start3A_178 : memref<128x16xf32, #tpu.memory_space<vmem>>) offsets(%dma_start3A_181 : memref<128xi32, #tpu.memory_space<vmem>>) semaphore(%arg18 : memref<!tpu.dma_semaphore, #tpu.memory_space<semaphore_mem>>)
    %dma_start3A_185 = arith.constant 2 : i32
    %dma_start3A_186 = arith.constant 2 : i32
    %dma_start3A_187 = arith.constant 384 : i32
    %dma_start3A_188 = arith.constant 0 : i32
    %dma_start3A_189 = tpu.memref_slice %arg12[%dma_start3A_186, %dma_start3A_187, %dma_start3A_188] : memref<4x512x16xf32, #tpu.memory_space<vmem>> -> memref<1x128x16xf32, #tpu.memory_space<vmem>>
    %dma_start3A_190 = tpu.memref_squeeze %dma_start3A_189 : memref<1x128x16xf32, #tpu.memory_space<vmem>> -> memref<128x16xf32, #tpu.memory_space<vmem>>
    %dma_start3A_191 = arith.constant 384 : i32
    %dma_start3A_192 = tpu.memref_slice %arg8[%dma_start3A_185, %dma_start3A_191] : memref<4x512xi32, #tpu.memory_space<vmem>> -> memref<1x128xi32, #tpu.memory_space<vmem>>
    %dma_start3A_193 = tpu.memref_squeeze %dma_start3A_192 : memref<1x128xi32, #tpu.memory_space<vmem>> -> memref<128xi32, #tpu.memory_space<vmem>>
    %dma_start3A_194 = arith.constant 0 : i32
    %dma_start3A_195 = arith.constant 0 : i32
    %dma_start3A_196 = tpu.memref_slice %arg2[%dma_start3A_194, %dma_start3A_195] : memref<1048576x16xf32, #tpu.memory_space<hbm>> -> memref<1048576x16xf32, #tpu.memory_space<hbm>>
    tpu.enqueue_indirect_dma source(%dma_start3A_196 : memref<1048576x16xf32, #tpu.memory_space<hbm>>) target(%dma_start3A_190 : memref<128x16xf32, #tpu.memory_space<vmem>>) offsets(%dma_start3A_193 : memref<128xi32, #tpu.memory_space<vmem>>) semaphore(%arg18 : memref<!tpu.dma_semaphore, #tpu.memory_space<semaphore_mem>>)
    %dma_start3A_197 = arith.constant 3 : i32
    %dma_start3A_198 = arith.constant 3 : i32
    %dma_start3A_199 = arith.constant 0 : i32
    %dma_start3A_200 = arith.constant 0 : i32
    %dma_start3A_201 = tpu.memref_slice %arg12[%dma_start3A_198, %dma_start3A_199, %dma_start3A_200] : memref<4x512x16xf32, #tpu.memory_space<vmem>> -> memref<1x128x16xf32, #tpu.memory_space<vmem>>
    %dma_start3A_202 = tpu.memref_squeeze %dma_start3A_201 : memref<1x128x16xf32, #tpu.memory_space<vmem>> -> memref<128x16xf32, #tpu.memory_space<vmem>>
    %dma_start3A_203 = arith.constant 0 : i32
    %dma_start3A_204 = tpu.memref_slice %arg8[%dma_start3A_197, %dma_start3A_203] : memref<4x512xi32, #tpu.memory_space<vmem>> -> memref<1x128xi32, #tpu.memory_space<vmem>>
    %dma_start3A_205 = tpu.memref_squeeze %dma_start3A_204 : memref<1x128xi32, #tpu.memory_space<vmem>> -> memref<128xi32, #tpu.memory_space<vmem>>
    %dma_start3A_206 = arith.constant 0 : i32
    %dma_start3A_207 = arith.constant 0 : i32
    %dma_start3A_208 = tpu.memref_slice %arg2[%dma_start3A_206, %dma_start3A_207] : memref<1048576x16xf32, #tpu.memory_space<hbm>> -> memref<1048576x16xf32, #tpu.memory_space<hbm>>
    tpu.enqueue_indirect_dma source(%dma_start3A_208 : memref<1048576x16xf32, #tpu.memory_space<hbm>>) target(%dma_start3A_202 : memref<128x16xf32, #tpu.memory_space<vmem>>) offsets(%dma_start3A_205 : memref<128xi32, #tpu.memory_space<vmem>>) semaphore(%arg18 : memref<!tpu.dma_semaphore, #tpu.memory_space<semaphore_mem>>)
    %dma_start3A_209 = arith.constant 3 : i32
    %dma_start3A_210 = arith.constant 3 : i32
    %dma_start3A_211 = arith.constant 128 : i32
    %dma_start3A_212 = arith.constant 0 : i32
    %dma_start3A_213 = tpu.memref_slice %arg12[%dma_start3A_210, %dma_start3A_211, %dma_start3A_212] : memref<4x512x16xf32, #tpu.memory_space<vmem>> -> memref<1x128x16xf32, #tpu.memory_space<vmem>>
    %dma_start3A_214 = tpu.memref_squeeze %dma_start3A_213 : memref<1x128x16xf32, #tpu.memory_space<vmem>> -> memref<128x16xf32, #tpu.memory_space<vmem>>
    %dma_start3A_215 = arith.constant 128 : i32
    %dma_start3A_216 = tpu.memref_slice %arg8[%dma_start3A_209, %dma_start3A_215] : memref<4x512xi32, #tpu.memory_space<vmem>> -> memref<1x128xi32, #tpu.memory_space<vmem>>
    %dma_start3A_217 = tpu.memref_squeeze %dma_start3A_216 : memref<1x128xi32, #tpu.memory_space<vmem>> -> memref<128xi32, #tpu.memory_space<vmem>>
    %dma_start3A_218 = arith.constant 0 : i32
    %dma_start3A_219 = arith.constant 0 : i32
    %dma_start3A_220 = tpu.memref_slice %arg2[%dma_start3A_218, %dma_start3A_219] : memref<1048576x16xf32, #tpu.memory_space<hbm>> -> memref<1048576x16xf32, #tpu.memory_space<hbm>>
    tpu.enqueue_indirect_dma source(%dma_start3A_220 : memref<1048576x16xf32, #tpu.memory_space<hbm>>) target(%dma_start3A_214 : memref<128x16xf32, #tpu.memory_space<vmem>>) offsets(%dma_start3A_217 : memref<128xi32, #tpu.memory_space<vmem>>) semaphore(%arg18 : memref<!tpu.dma_semaphore, #tpu.memory_space<semaphore_mem>>)
    %dma_start3A_221 = arith.constant 3 : i32
    %dma_start3A_222 = arith.constant 3 : i32
    %dma_start3A_223 = arith.constant 256 : i32
    %dma_start3A_224 = arith.constant 0 : i32
    %dma_start3A_225 = tpu.memref_slice %arg12[%dma_start3A_222, %dma_start3A_223, %dma_start3A_224] : memref<4x512x16xf32, #tpu.memory_space<vmem>> -> memref<1x128x16xf32, #tpu.memory_space<vmem>>
    %dma_start3A_226 = tpu.memref_squeeze %dma_start3A_225 : memref<1x128x16xf32, #tpu.memory_space<vmem>> -> memref<128x16xf32, #tpu.memory_space<vmem>>
    %dma_start3A_227 = arith.constant 256 : i32
    %dma_start3A_228 = tpu.memref_slice %arg8[%dma_start3A_221, %dma_start3A_227] : memref<4x512xi32, #tpu.memory_space<vmem>> -> memref<1x128xi32, #tpu.memory_space<vmem>>
    %dma_start3A_229 = tpu.memref_squeeze %dma_start3A_228 : memref<1x128xi32, #tpu.memory_space<vmem>> -> memref<128xi32, #tpu.memory_space<vmem>>
    %dma_start3A_230 = arith.constant 0 : i32
    %dma_start3A_231 = arith.constant 0 : i32
    %dma_start3A_232 = tpu.memref_slice %arg2[%dma_start3A_230, %dma_start3A_231] : memref<1048576x16xf32, #tpu.memory_space<hbm>> -> memref<1048576x16xf32, #tpu.memory_space<hbm>>
    tpu.enqueue_indirect_dma source(%dma_start3A_232 : memref<1048576x16xf32, #tpu.memory_space<hbm>>) target(%dma_start3A_226 : memref<128x16xf32, #tpu.memory_space<vmem>>) offsets(%dma_start3A_229 : memref<128xi32, #tpu.memory_space<vmem>>) semaphore(%arg18 : memref<!tpu.dma_semaphore, #tpu.memory_space<semaphore_mem>>)
    %dma_start3A_233 = arith.constant 3 : i32
    %dma_start3A_234 = arith.constant 3 : i32
    %dma_start3A_235 = arith.constant 384 : i32
    %dma_start3A_236 = arith.constant 0 : i32
    %dma_start3A_237 = tpu.memref_slice %arg12[%dma_start3A_234, %dma_start3A_235, %dma_start3A_236] : memref<4x512x16xf32, #tpu.memory_space<vmem>> -> memref<1x128x16xf32, #tpu.memory_space<vmem>>
    %dma_start3A_238 = tpu.memref_squeeze %dma_start3A_237 : memref<1x128x16xf32, #tpu.memory_space<vmem>> -> memref<128x16xf32, #tpu.memory_space<vmem>>
    %dma_start3A_239 = arith.constant 384 : i32
    %dma_start3A_240 = tpu.memref_slice %arg8[%dma_start3A_233, %dma_start3A_239] : memref<4x512xi32, #tpu.memory_space<vmem>> -> memref<1x128xi32, #tpu.memory_space<vmem>>
    %dma_start3A_241 = tpu.memref_squeeze %dma_start3A_240 : memref<1x128xi32, #tpu.memory_space<vmem>> -> memref<128xi32, #tpu.memory_space<vmem>>
    %dma_start3A_242 = arith.constant 0 : i32
    %dma_start3A_243 = arith.constant 0 : i32
    %dma_start3A_244 = tpu.memref_slice %arg2[%dma_start3A_242, %dma_start3A_243] : memref<1048576x16xf32, #tpu.memory_space<hbm>> -> memref<1048576x16xf32, #tpu.memory_space<hbm>>
    tpu.enqueue_indirect_dma source(%dma_start3A_244 : memref<1048576x16xf32, #tpu.memory_space<hbm>>) target(%dma_start3A_238 : memref<128x16xf32, #tpu.memory_space<vmem>>) offsets(%dma_start3A_241 : memref<128xi32, #tpu.memory_space<vmem>>) semaphore(%arg18 : memref<!tpu.dma_semaphore, #tpu.memory_space<semaphore_mem>>)
    %add3A_245 = arith.constant 512 : i32
    %add3A_246 = arith.addi %mul3A_2, %add3A_245 : i32
    %dma_start3A_247 = arith.constant 0 : i32
    %dma_start3A_248 = arith.constant 0 : i32
    %dma_start3A_249 = tpu.memref_slice %arg7[%dma_start3A_247, %dma_start3A_248] : memref<2x512xf32, #tpu.memory_space<vmem>> -> memref<1x512xf32, #tpu.memory_space<vmem>>
    %dma_start3A_250 = tpu.memref_squeeze %dma_start3A_249 : memref<1x512xf32, #tpu.memory_space<vmem>> -> memref<512xf32, #tpu.memory_space<vmem>>
    %dma_start3A_251 = tpu.memref_slice %arg3[%add3A_246] : memref<1048576xf32, #tpu.memory_space<hbm>> -> memref<512xf32, #tpu.memory_space<hbm>>
    %dma_start3A_252 = arith.constant 0 : i32
    %dma_start3A_253 = tpu.memref_slice %arg7[%dma_start3A_247, %dma_start3A_252] : memref<2x512xf32, #tpu.memory_space<vmem>> -> memref<1x512xf32, #tpu.memory_space<vmem>>
    %dma_start3A_254 = tpu.memref_squeeze %dma_start3A_253 : memref<1x512xf32, #tpu.memory_space<vmem>> -> memref<512xf32, #tpu.memory_space<vmem>>
    %dma_start3A_255 = tpu.memref_slice %arg3[%add3A_246] : memref<1048576xf32, #tpu.memory_space<hbm>> -> memref<512xf32, #tpu.memory_space<hbm>>
    tpu.enqueue_dma source(%dma_start3A_255 : memref<512xf32, #tpu.memory_space<hbm>>) target(%dma_start3A_254 : memref<512xf32, #tpu.memory_space<vmem>>) target_semaphore(%arg17 : memref<!tpu.dma_semaphore, #tpu.memory_space<semaphore_mem>>)
    %dma_start3A_256 = arith.constant 1 : i32
    %dma_start3A_257 = arith.constant 0 : i32
    %dma_start3A_258 = tpu.memref_slice %arg7[%dma_start3A_256, %dma_start3A_257] : memref<2x512xf32, #tpu.memory_space<vmem>> -> memref<1x512xf32, #tpu.memory_space<vmem>>
    %dma_start3A_259 = tpu.memref_squeeze %dma_start3A_258 : memref<1x512xf32, #tpu.memory_space<vmem>> -> memref<512xf32, #tpu.memory_space<vmem>>
    %dma_start3A_260 = tpu.memref_slice %arg4[%add3A_246] : memref<1048576xf32, #tpu.memory_space<hbm>> -> memref<512xf32, #tpu.memory_space<hbm>>
    %dma_start3A_261 = arith.constant 0 : i32
    %dma_start3A_262 = tpu.memref_slice %arg7[%dma_start3A_256, %dma_start3A_261] : memref<2x512xf32, #tpu.memory_space<vmem>> -> memref<1x512xf32, #tpu.memory_space<vmem>>
    %dma_start3A_263 = tpu.memref_squeeze %dma_start3A_262 : memref<1x512xf32, #tpu.memory_space<vmem>> -> memref<512xf32, #tpu.memory_space<vmem>>
    %dma_start3A_264 = tpu.memref_slice %arg4[%add3A_246] : memref<1048576xf32, #tpu.memory_space<hbm>> -> memref<512xf32, #tpu.memory_space<hbm>>
    tpu.enqueue_dma source(%dma_start3A_264 : memref<512xf32, #tpu.memory_space<hbm>>) target(%dma_start3A_263 : memref<512xf32, #tpu.memory_space<vmem>>) target_semaphore(%arg17 : memref<!tpu.dma_semaphore, #tpu.memory_space<semaphore_mem>>)
    %scan3A = arith.constant 0 : i32
    %scan3A_265 = arith.constant 0 : i32
    %scan3A_266 = arith.constant 32 : i32
    %scan3A_267 = arith.addi %scan3A_265, %scan3A_266 : i32
    %scan3A_268 = arith.constant 1 : i32
    scf.for %scan3A_503 = %scan3A_265 to %scan3A_267 step %scan3A_268  : i32 {
      %mul3A_504 = arith.constant 2 : i32
      %mul3A_505 = arith.muli %mul3A_504, %scan3A_503 : i32
      %dma_wait3A_506 = arith.constant 0 : i32
      %dma_wait3A_507 = arith.constant 0 : i32
      %dma_wait3A_508 = tpu.memref_slice %arg7[%dma_wait3A_506, %dma_wait3A_507] : memref<2x512xf32, #tpu.memory_space<vmem>> -> memref<1x512xf32, #tpu.memory_space<vmem>>
      %dma_wait3A_509 = tpu.memref_squeeze %dma_wait3A_508 : memref<1x512xf32, #tpu.memory_space<vmem>> -> memref<512xf32, #tpu.memory_space<vmem>>
      %dma_wait3A_510 = tpu.memref_slice %arg3[%mul3A_2] : memref<1048576xf32, #tpu.memory_space<hbm>> -> memref<512xf32, #tpu.memory_space<hbm>>
      %dma_wait3A_511 = arith.constant 0 : i32
      %dma_wait3A_512 = tpu.memref_slice %arg7[%dma_wait3A_506, %dma_wait3A_511] : memref<2x512xf32, #tpu.memory_space<vmem>> -> memref<1x512xf32, #tpu.memory_space<vmem>>
      %dma_wait3A_513 = tpu.memref_squeeze %dma_wait3A_512 : memref<1x512xf32, #tpu.memory_space<vmem>> -> memref<512xf32, #tpu.memory_space<vmem>>
      %dma_wait3A_514 = tpu.memref_slice %arg3[%mul3A_2] : memref<1048576xf32, #tpu.memory_space<hbm>> -> memref<512xf32, #tpu.memory_space<hbm>>
      tpu.wait_dma2 semaphore(%arg17 : memref<!tpu.dma_semaphore, #tpu.memory_space<semaphore_mem>>) src(%dma_wait3A_514 : memref<512xf32, #tpu.memory_space<hbm>>) dst(%dma_wait3A_513 : memref<512xf32, #tpu.memory_space<vmem>>)
      %dma_wait3A_515 = arith.constant 1 : i32
      %dma_wait3A_516 = arith.constant 0 : i32
      %dma_wait3A_517 = tpu.memref_slice %arg7[%dma_wait3A_515, %dma_wait3A_516] : memref<2x512xf32, #tpu.memory_space<vmem>> -> memref<1x512xf32, #tpu.memory_space<vmem>>
      %dma_wait3A_518 = tpu.memref_squeeze %dma_wait3A_517 : memref<1x512xf32, #tpu.memory_space<vmem>> -> memref<512xf32, #tpu.memory_space<vmem>>
      %dma_wait3A_519 = tpu.memref_slice %arg4[%mul3A_2] : memref<1048576xf32, #tpu.memory_space<hbm>> -> memref<512xf32, #tpu.memory_space<hbm>>
      %dma_wait3A_520 = arith.constant 0 : i32
      %dma_wait3A_521 = tpu.memref_slice %arg7[%dma_wait3A_515, %dma_wait3A_520] : memref<2x512xf32, #tpu.memory_space<vmem>> -> memref<1x512xf32, #tpu.memory_space<vmem>>
      %dma_wait3A_522 = tpu.memref_squeeze %dma_wait3A_521 : memref<1x512xf32, #tpu.memory_space<vmem>> -> memref<512xf32, #tpu.memory_space<vmem>>
      %dma_wait3A_523 = tpu.memref_slice %arg4[%mul3A_2] : memref<1048576xf32, #tpu.memory_space<hbm>> -> memref<512xf32, #tpu.memory_space<hbm>>
      tpu.wait_dma2 semaphore(%arg17 : memref<!tpu.dma_semaphore, #tpu.memory_space<semaphore_mem>>) src(%dma_wait3A_523 : memref<512xf32, #tpu.memory_space<hbm>>) dst(%dma_wait3A_522 : memref<512xf32, #tpu.memory_space<vmem>>)
      %add3A_524 = arith.constant 1 : i32
      %add3A_525 = arith.addi %mul3A_505, %add3A_524 : i32
      %mul3A_526 = arith.constant 512 : i32
      %mul3A_527 = arith.muli %add3A_525, %mul3A_526 : i32
      %add3A_528 = arith.addi %mul3A_2, %mul3A_527 : i32
      %parallel_loop3A_529 = arith.constant 0 : i32
      %parallel_loop3A_530 = arith.constant 32 : i32
      %parallel_loop3A_531 = arith.constant 1 : i32
      scf.for %parallel_loop3A_947 = %parallel_loop3A_529 to %parallel_loop3A_530 step %parallel_loop3A_531  : i32 {
        %parallel_loop3A_948 = arith.constant 16 : i32
        %parallel_loop3A_949 = arith.muli %parallel_loop3A_947, %parallel_loop3A_948 : i32
        %parallel_loop3A_950 = arith.constant 16 : i32
        %parallel_loop3A_951 = arith.muli %parallel_loop3A_947, %parallel_loop3A_950 : i32
        %parallel_loop3A_952 = arith.addi %add3A_528, %parallel_loop3A_951 : i32
        %parallel_loop3A_953 = vector.broadcast %parallel_loop3A_952 : i32 to vector<16xi32>
        %parallel_loop3A_954 = arith.addi %parallel_loop3A_953, %iota3A : vector<16xi32>
        %parallel_loop3A_955 = arith.constant 0 : i32
        %parallel_loop3A_956 = arith.index_cast %parallel_loop3A_955 : i32 to index
        %parallel_loop3A_957 = arith.index_cast %parallel_loop3A_949 : i32 to index
        %parallel_loop3A_958 = tpu.vector_load %arg7[%parallel_loop3A_956, %parallel_loop3A_957] {strides = array<i32>} : memref<2x512xf32, #tpu.memory_space<vmem>>, vector<16xf32>,
        %parallel_loop3A_959 = arith.constant 1 : i32
        %parallel_loop3A_960 = arith.index_cast %parallel_loop3A_959 : i32 to index
        %parallel_loop3A_961 = arith.index_cast %parallel_loop3A_949 : i32 to index
        %parallel_loop3A_962 = tpu.vector_load %arg7[%parallel_loop3A_960, %parallel_loop3A_961] {strides = array<i32>} : memref<2x512xf32, #tpu.memory_space<vmem>>, vector<16xf32>,
        %parallel_loop3A_963 = arith.constant 511 : i32
        %parallel_loop3A_964 = vector.broadcast %parallel_loop3A_963 : i32 to vector<16xi32>
        %parallel_loop3A_965 = arith.andi %parallel_loop3A_954, %parallel_loop3A_964 : vector<16xi32>
        %parallel_loop3A_966 = arith.constant 9 : i32
        %parallel_loop3A_967 = vector.broadcast %parallel_loop3A_966 : i32 to vector<16xi32>
        %parallel_loop3A_968 = arith.shrui %parallel_loop3A_954, %parallel_loop3A_967 : vector<16xi32>
        %parallel_loop3A_969 = arith.constant 511 : i32
        %parallel_loop3A_970 = vector.broadcast %parallel_loop3A_969 : i32 to vector<16xi32>
        %parallel_loop3A_971 = arith.andi %parallel_loop3A_968, %parallel_loop3A_970 : vector<16xi32>
        %parallel_loop3A_972 = arith.constant 18 : i32
        %parallel_loop3A_973 = vector.broadcast %parallel_loop3A_972 : i32 to vector<16xi32>
        %parallel_loop3A_974 = arith.shrui %parallel_loop3A_954, %parallel_loop3A_973 : vector<16xi32>
        %parallel_loop3A_975 = arith.sitofp %parallel_loop3A_965 : vector<16xi32> to vector<16xf32>
        %parallel_loop3A_976 = arith.addf %parallel_loop3A_975, %parallel_loop3A_958 : vector<16xf32>
        %parallel_loop3A_977 = arith.sitofp %parallel_loop3A_971 : vector<16xi32> to vector<16xf32>
        %parallel_loop3A_978 = arith.addf %parallel_loop3A_977, %parallel_loop3A_962 : vector<16xf32>
        %parallel_loop3A_979 = arith.fptosi %parallel_loop3A_976 : vector<16xf32> to vector<16xi32>
        %parallel_loop3A_980 = arith.sitofp %parallel_loop3A_979 : vector<16xi32> to vector<16xf32>
        %parallel_loop3A_981 = arith.cmpf ogt, %parallel_loop3A_980, %parallel_loop3A_976 : vector<16xf32>
        %parallel_loop3A_982 = arith.constant 1 : i32
        %parallel_loop3A_983 = vector.broadcast %parallel_loop3A_982 : i32 to vector<16xi32>
        %parallel_loop3A_984 = arith.subi %parallel_loop3A_979, %parallel_loop3A_983 : vector<16xi32>
        %parallel_loop3A_985 = arith.select %parallel_loop3A_981, %parallel_loop3A_984, %parallel_loop3A_979 : vector<16xi1>, vector<16xi32>
        %parallel_loop3A_986 = arith.fptosi %parallel_loop3A_978 : vector<16xf32> to vector<16xi32>
        %parallel_loop3A_987 = arith.sitofp %parallel_loop3A_986 : vector<16xi32> to vector<16xf32>
        %parallel_loop3A_988 = arith.cmpf ogt, %parallel_loop3A_987, %parallel_loop3A_978 : vector<16xf32>
        %parallel_loop3A_989 = arith.constant 1 : i32
        %parallel_loop3A_990 = vector.broadcast %parallel_loop3A_989 : i32 to vector<16xi32>
        %parallel_loop3A_991 = arith.subi %parallel_loop3A_986, %parallel_loop3A_990 : vector<16xi32>
        %parallel_loop3A_992 = arith.select %parallel_loop3A_988, %parallel_loop3A_991, %parallel_loop3A_986 : vector<16xi1>, vector<16xi32>
        %parallel_loop3A_993 = arith.constant 0 : i32
        %parallel_loop3A_994 = arith.constant 511 : i32
        %parallel_loop3A_995 = vector.broadcast %parallel_loop3A_993 : i32 to vector<16xi32>
        %parallel_loop3A_996 = arith.maxsi %parallel_loop3A_995, %parallel_loop3A_985 : vector<16xi32>
        %parallel_loop3A_997 = vector.broadcast %parallel_loop3A_994 : i32 to vector<16xi32>
        %parallel_loop3A_998 = arith.minsi %parallel_loop3A_997, %parallel_loop3A_996 : vector<16xi32>
        %parallel_loop3A_999 = arith.constant 1 : i32
        %parallel_loop3A_1000 = vector.broadcast %parallel_loop3A_999 : i32 to vector<16xi32>
        %parallel_loop3A_1001 = arith.addi %parallel_loop3A_985, %parallel_loop3A_1000 : vector<16xi32>
        %parallel_loop3A_1002 = arith.constant 0 : i32
        %parallel_loop3A_1003 = arith.constant 511 : i32
        %parallel_loop3A_1004 = vector.broadcast %parallel_loop3A_1002 : i32 to vector<16xi32>
        %parallel_loop3A_1005 = arith.maxsi %parallel_loop3A_1004, %parallel_loop3A_1001 : vector<16xi32>
        %parallel_loop3A_1006 = vector.broadcast %parallel_loop3A_1003 : i32 to vector<16xi32>
        %parallel_loop3A_1007 = arith.minsi %parallel_loop3A_1006, %parallel_loop3A_1005 : vector<16xi32>
        %parallel_loop3A_1008 = arith.constant 0 : i32
        %parallel_loop3A_1009 = arith.constant 511 : i32
        %parallel_loop3A_1010 = vector.broadcast %parallel_loop3A_1008 : i32 to vector<16xi32>
        %parallel_loop3A_1011 = arith.maxsi %parallel_loop3A_1010, %parallel_loop3A_992 : vector<16xi32>
        %parallel_loop3A_1012 = vector.broadcast %parallel_loop3A_1009 : i32 to vector<16xi32>
        %parallel_loop3A_1013 = arith.minsi %parallel_loop3A_1012, %parallel_loop3A_1011 : vector<16xi32>
        %parallel_loop3A_1014 = arith.constant 1 : i32
        %parallel_loop3A_1015 = vector.broadcast %parallel_loop3A_1014 : i32 to vector<16xi32>
        %parallel_loop3A_1016 = arith.addi %parallel_loop3A_992, %parallel_loop3A_1015 : vector<16xi32>
        %parallel_loop3A_1017 = arith.constant 0 : i32
        %parallel_loop3A_1018 = arith.constant 511 : i32
        %parallel_loop3A_1019 = vector.broadcast %parallel_loop3A_1017 : i32 to vector<16xi32>
        %parallel_loop3A_1020 = arith.maxsi %parallel_loop3A_1019, %parallel_loop3A_1016 : vector<16xi32>
        %parallel_loop3A_1021 = vector.broadcast %parallel_loop3A_1018 : i32 to vector<16xi32>
        %parallel_loop3A_1022 = arith.minsi %parallel_loop3A_1021, %parallel_loop3A_1020 : vector<16xi32>
        %parallel_loop3A_1023 = arith.sitofp %parallel_loop3A_998 : vector<16xi32> to vector<16xf32>
        %parallel_loop3A_1024 = arith.sitofp %parallel_loop3A_1007 : vector<16xi32> to vector<16xf32>
        %parallel_loop3A_1025 = arith.sitofp %parallel_loop3A_1013 : vector<16xi32> to vector<16xf32>
        %parallel_loop3A_1026 = arith.sitofp %parallel_loop3A_1022 : vector<16xi32> to vector<16xf32>
        %parallel_loop3A_1027 = arith.subf %parallel_loop3A_1024, %parallel_loop3A_976 : vector<16xf32>
        %parallel_loop3A_1028 = arith.subf %parallel_loop3A_1026, %parallel_loop3A_978 : vector<16xf32>
        %parallel_loop3A_1029 = arith.mulf %parallel_loop3A_1027, %parallel_loop3A_1028 : vector<16xf32>
        %parallel_loop3A_1030 = arith.constant 0 : i32
        %parallel_loop3A_1031 = arith.index_cast %parallel_loop3A_1030 : i32 to index
        %parallel_loop3A_1032 = arith.index_cast %parallel_loop3A_949 : i32 to index
        %parallel_loop3A_1033 = tpu.vector_load %arg11[%parallel_loop3A_1031, %parallel_loop3A_1032] {strides = array<i32>} : memref<4x512xf32, #tpu.memory_space<vmem>>, vector<16xf32>,
        tpu.vector_store %arg11[%parallel_loop3A_1031, %parallel_loop3A_1032], %parallel_loop3A_1029 {strides = array<i32>} : memref<4x512xf32, #tpu.memory_space<vmem>>, vector<16xf32>,
        %parallel_loop3A_1034 = arith.subf %parallel_loop3A_1024, %parallel_loop3A_976 : vector<16xf32>
        %parallel_loop3A_1035 = arith.subf %parallel_loop3A_978, %parallel_loop3A_1025 : vector<16xf32>
        %parallel_loop3A_1036 = arith.mulf %parallel_loop3A_1034, %parallel_loop3A_1035 : vector<16xf32>
        %parallel_loop3A_1037 = arith.constant 1 : i32
        %parallel_loop3A_1038 = arith.index_cast %parallel_loop3A_1037 : i32 to index
        %parallel_loop3A_1039 = arith.index_cast %parallel_loop3A_949 : i32 to index
        %parallel_loop3A_1040 = tpu.vector_load %arg11[%parallel_loop3A_1038, %parallel_loop3A_1039] {strides = array<i32>} : memref<4x512xf32, #tpu.memory_space<vmem>>, vector<16xf32>,
        tpu.vector_store %arg11[%parallel_loop3A_1038, %parallel_loop3A_1039], %parallel_loop3A_1036 {strides = array<i32>} : memref<4x512xf32, #tpu.memory_space<vmem>>, vector<16xf32>,
        %parallel_loop3A_1041 = arith.subf %parallel_loop3A_976, %parallel_loop3A_1023 : vector<16xf32>
        %parallel_loop3A_1042 = arith.subf %parallel_loop3A_1026, %parallel_loop3A_978 : vector<16xf32>
        %parallel_loop3A_1043 = arith.mulf %parallel_loop3A_1041, %parallel_loop3A_1042 : vector<16xf32>
        %parallel_loop3A_1044 = arith.constant 2 : i32
        %parallel_loop3A_1045 = arith.index_cast %parallel_loop3A_1044 : i32 to index
        %parallel_loop3A_1046 = arith.index_cast %parallel_loop3A_949 : i32 to index
        %parallel_loop3A_1047 = tpu.vector_load %arg11[%parallel_loop3A_1045, %parallel_loop3A_1046] {strides = array<i32>} : memref<4x512xf32, #tpu.memory_space<vmem>>, vector<16xf32>,
        tpu.vector_store %arg11[%parallel_loop3A_1045, %parallel_loop3A_1046], %parallel_loop3A_1043 {strides = array<i32>} : memref<4x512xf32, #tpu.memory_space<vmem>>, vector<16xf32>,
        %parallel_loop3A_1048 = arith.subf %parallel_loop3A_976, %parallel_loop3A_1023 : vector<16xf32>
        %parallel_loop3A_1049 = arith.subf %parallel_loop3A_978, %parallel_loop3A_1025 : vector<16xf32>
        %parallel_loop3A_1050 = arith.mulf %parallel_loop3A_1048, %parallel_loop3A_1049 : vector<16xf32>
        %parallel_loop3A_1051 = arith.constant 3 : i32
        %parallel_loop3A_1052 = arith.index_cast %parallel_loop3A_1051 : i32 to index
        %parallel_loop3A_1053 = arith.index_cast %parallel_loop3A_949 : i32 to index
        %parallel_loop3A_1054 = tpu.vector_load %arg11[%parallel_loop3A_1052, %parallel_loop3A_1053] {strides = array<i32>} : memref<4x512xf32, #tpu.memory_space<vmem>>, vector<16xf32>,
        tpu.vector_store %arg11[%parallel_loop3A_1052, %parallel_loop3A_1053], %parallel_loop3A_1050 {strides = array<i32>} : memref<4x512xf32, #tpu.memory_space<vmem>>, vector<16xf32>,
        %parallel_loop3A_1055 = arith.constant 18 : i32
        %parallel_loop3A_1056 = vector.broadcast %parallel_loop3A_1055 : i32 to vector<16xi32>
        %parallel_loop3A_1057 = arith.shli %parallel_loop3A_974, %parallel_loop3A_1056 : vector<16xi32>
        %parallel_loop3A_1058 = arith.constant 9 : i32
        %parallel_loop3A_1059 = vector.broadcast %parallel_loop3A_1058 : i32 to vector<16xi32>
        %parallel_loop3A_1060 = arith.shli %parallel_loop3A_1013, %parallel_loop3A_1059 : vector<16xi32>
        %parallel_loop3A_1061 = arith.addi %parallel_loop3A_1057, %parallel_loop3A_1060 : vector<16xi32>
        %parallel_loop3A_1062 = arith.constant 9 : i32
        %parallel_loop3A_1063 = vector.broadcast %parallel_loop3A_1062 : i32 to vector<16xi32>
        %parallel_loop3A_1064 = arith.shli %parallel_loop3A_1022, %parallel_loop3A_1063 : vector<16xi32>
        %parallel_loop3A_1065 = arith.addi %parallel_loop3A_1057, %parallel_loop3A_1064 : vector<16xi32>
        %parallel_loop3A_1066 = arith.addi %parallel_loop3A_1061, %parallel_loop3A_998 : vector<16xi32>
        %parallel_loop3A_1067 = arith.constant 0 : i32
        %parallel_loop3A_1068 = arith.index_cast %parallel_loop3A_1067 : i32 to index
        %parallel_loop3A_1069 = arith.index_cast %parallel_loop3A_949 : i32 to index
        %parallel_loop3A_1070 = tpu.vector_load %arg9[%parallel_loop3A_1068, %parallel_loop3A_1069] {strides = array<i32>} : memref<4x512xi32, #tpu.memory_space<vmem>>, vector<16xi32>,
        tpu.vector_store %arg9[%parallel_loop3A_1068, %parallel_loop3A_1069], %parallel_loop3A_1066 {strides = array<i32>} : memref<4x512xi32, #tpu.memory_space<vmem>>, vector<16xi32>,
        %parallel_loop3A_1071 = arith.addi %parallel_loop3A_1065, %parallel_loop3A_998 : vector<16xi32>
        %parallel_loop3A_1072 = arith.constant 1 : i32
        %parallel_loop3A_1073 = arith.index_cast %parallel_loop3A_1072 : i32 to index
        %parallel_loop3A_1074 = arith.index_cast %parallel_loop3A_949 : i32 to index
        %parallel_loop3A_1075 = tpu.vector_load %arg9[%parallel_loop3A_1073, %parallel_loop3A_1074] {strides = array<i32>} : memref<4x512xi32, #tpu.memory_space<vmem>>, vector<16xi32>,
        tpu.vector_store %arg9[%parallel_loop3A_1073, %parallel_loop3A_1074], %parallel_loop3A_1071 {strides = array<i32>} : memref<4x512xi32, #tpu.memory_space<vmem>>, vector<16xi32>,
        %parallel_loop3A_1076 = arith.addi %parallel_loop3A_1061, %parallel_loop3A_1007 : vector<16xi32>
        %parallel_loop3A_1077 = arith.constant 2 : i32
        %parallel_loop3A_1078 = arith.index_cast %parallel_loop3A_1077 : i32 to index
        %parallel_loop3A_1079 = arith.index_cast %parallel_loop3A_949 : i32 to index
        %parallel_loop3A_1080 = tpu.vector_load %arg9[%parallel_loop3A_1078, %parallel_loop3A_1079] {strides = array<i32>} : memref<4x512xi32, #tpu.memory_space<vmem>>, vector<16xi32>,
        tpu.vector_store %arg9[%parallel_loop3A_1078, %parallel_loop3A_1079], %parallel_loop3A_1076 {strides = array<i32>} : memref<4x512xi32, #tpu.memory_space<vmem>>, vector<16xi32>,
        %parallel_loop3A_1081 = arith.addi %parallel_loop3A_1065, %parallel_loop3A_1007 : vector<16xi32>
        %parallel_loop3A_1082 = arith.constant 3 : i32
        %parallel_loop3A_1083 = arith.index_cast %parallel_loop3A_1082 : i32 to index
        %parallel_loop3A_1084 = arith.index_cast %parallel_loop3A_949 : i32 to index
        %parallel_loop3A_1085 = tpu.vector_load %arg9[%parallel_loop3A_1083, %parallel_loop3A_1084] {strides = array<i32>} : memref<4x512xi32, #tpu.memory_space<vmem>>, vector<16xi32>,
        tpu.vector_store %arg9[%parallel_loop3A_1083, %parallel_loop3A_1084], %parallel_loop3A_1081 {strides = array<i32>} : memref<4x512xi32, #tpu.memory_space<vmem>>, vector<16xi32>,
      } {sc.loop_unroll_factor = 4 : i64, sc.parallel_access}
      %dma_start3A_532 = arith.constant 0 : i32
      %dma_start3A_533 = arith.constant 0 : i32
      %dma_start3A_534 = arith.constant 0 : i32
      %dma_start3A_535 = arith.constant 0 : i32
      %dma_start3A_536 = tpu.memref_slice %arg13[%dma_start3A_533, %dma_start3A_534, %dma_start3A_535] : memref<4x512x16xf32, #tpu.memory_space<vmem>> -> memref<1x128x16xf32, #tpu.memory_space<vmem>>
      %dma_start3A_537 = tpu.memref_squeeze %dma_start3A_536 : memref<1x128x16xf32, #tpu.memory_space<vmem>> -> memref<128x16xf32, #tpu.memory_space<vmem>>
      %dma_start3A_538 = arith.constant 0 : i32
      %dma_start3A_539 = tpu.memref_slice %arg9[%dma_start3A_532, %dma_start3A_538] : memref<4x512xi32, #tpu.memory_space<vmem>> -> memref<1x128xi32, #tpu.memory_space<vmem>>
      %dma_start3A_540 = tpu.memref_squeeze %dma_start3A_539 : memref<1x128xi32, #tpu.memory_space<vmem>> -> memref<128xi32, #tpu.memory_space<vmem>>
      %dma_start3A_541 = arith.constant 0 : i32
      %dma_start3A_542 = arith.constant 0 : i32
      %dma_start3A_543 = tpu.memref_slice %arg2[%dma_start3A_541, %dma_start3A_542] : memref<1048576x16xf32, #tpu.memory_space<hbm>> -> memref<1048576x16xf32, #tpu.memory_space<hbm>>
      tpu.enqueue_indirect_dma source(%dma_start3A_543 : memref<1048576x16xf32, #tpu.memory_space<hbm>>) target(%dma_start3A_537 : memref<128x16xf32, #tpu.memory_space<vmem>>) offsets(%dma_start3A_540 : memref<128xi32, #tpu.memory_space<vmem>>) semaphore(%arg19 : memref<!tpu.dma_semaphore, #tpu.memory_space<semaphore_mem>>)
      %dma_start3A_544 = arith.constant 0 : i32
      %dma_start3A_545 = arith.constant 0 : i32
      %dma_start3A_546 = arith.constant 128 : i32
      %dma_start3A_547 = arith.constant 0 : i32
      %dma_start3A_548 = tpu.memref_slice %arg13[%dma_start3A_545, %dma_start3A_546, %dma_start3A_547] : memref<4x512x16xf32, #tpu.memory_space<vmem>> -> memref<1x128x16xf32, #tpu.memory_space<vmem>>
      %dma_start3A_549 = tpu.memref_squeeze %dma_start3A_548 : memref<1x128x16xf32, #tpu.memory_space<vmem>> -> memref<128x16xf32, #tpu.memory_space<vmem>>
      %dma_start3A_550 = arith.constant 128 : i32
      %dma_start3A_551 = tpu.memref_slice %arg9[%dma_start3A_544, %dma_start3A_550] : memref<4x512xi32, #tpu.memory_space<vmem>> -> memref<1x128xi32, #tpu.memory_space<vmem>>
      %dma_start3A_552 = tpu.memref_squeeze %dma_start3A_551 : memref<1x128xi32, #tpu.memory_space<vmem>> -> memref<128xi32, #tpu.memory_space<vmem>>
      %dma_start3A_553 = arith.constant 0 : i32
      %dma_start3A_554 = arith.constant 0 : i32
      %dma_start3A_555 = tpu.memref_slice %arg2[%dma_start3A_553, %dma_start3A_554] : memref<1048576x16xf32, #tpu.memory_space<hbm>> -> memref<1048576x16xf32, #tpu.memory_space<hbm>>
      tpu.enqueue_indirect_dma source(%dma_start3A_555 : memref<1048576x16xf32, #tpu.memory_space<hbm>>) target(%dma_start3A_549 : memref<128x16xf32, #tpu.memory_space<vmem>>) offsets(%dma_start3A_552 : memref<128xi32, #tpu.memory_space<vmem>>) semaphore(%arg19 : memref<!tpu.dma_semaphore, #tpu.memory_space<semaphore_mem>>)
      %dma_start3A_556 = arith.constant 0 : i32
      %dma_start3A_557 = arith.constant 0 : i32
      %dma_start3A_558 = arith.constant 256 : i32
      %dma_start3A_559 = arith.constant 0 : i32
      %dma_start3A_560 = tpu.memref_slice %arg13[%dma_start3A_557, %dma_start3A_558, %dma_start3A_559] : memref<4x512x16xf32, #tpu.memory_space<vmem>> -> memref<1x128x16xf32, #tpu.memory_space<vmem>>
      %dma_start3A_561 = tpu.memref_squeeze %dma_start3A_560 : memref<1x128x16xf32, #tpu.memory_space<vmem>> -> memref<128x16xf32, #tpu.memory_space<vmem>>
      %dma_start3A_562 = arith.constant 256 : i32
      %dma_start3A_563 = tpu.memref_slice %arg9[%dma_start3A_556, %dma_start3A_562] : memref<4x512xi32, #tpu.memory_space<vmem>> -> memref<1x128xi32, #tpu.memory_space<vmem>>
      %dma_start3A_564 = tpu.memref_squeeze %dma_start3A_563 : memref<1x128xi32, #tpu.memory_space<vmem>> -> memref<128xi32, #tpu.memory_space<vmem>>
      %dma_start3A_565 = arith.constant 0 : i32
      %dma_start3A_566 = arith.constant 0 : i32
      %dma_start3A_567 = tpu.memref_slice %arg2[%dma_start3A_565, %dma_start3A_566] : memref<1048576x16xf32, #tpu.memory_space<hbm>> -> memref<1048576x16xf32, #tpu.memory_space<hbm>>
      tpu.enqueue_indirect_dma source(%dma_start3A_567 : memref<1048576x16xf32, #tpu.memory_space<hbm>>) target(%dma_start3A_561 : memref<128x16xf32, #tpu.memory_space<vmem>>) offsets(%dma_start3A_564 : memref<128xi32, #tpu.memory_space<vmem>>) semaphore(%arg19 : memref<!tpu.dma_semaphore, #tpu.memory_space<semaphore_mem>>)
      %dma_start3A_568 = arith.constant 0 : i32
      %dma_start3A_569 = arith.constant 0 : i32
      %dma_start3A_570 = arith.constant 384 : i32
      %dma_start3A_571 = arith.constant 0 : i32
      %dma_start3A_572 = tpu.memref_slice %arg13[%dma_start3A_569, %dma_start3A_570, %dma_start3A_571] : memref<4x512x16xf32, #tpu.memory_space<vmem>> -> memref<1x128x16xf32, #tpu.memory_space<vmem>>
      %dma_start3A_573 = tpu.memref_squeeze %dma_start3A_572 : memref<1x128x16xf32, #tpu.memory_space<vmem>> -> memref<128x16xf32, #tpu.memory_space<vmem>>
      %dma_start3A_574 = arith.constant 384 : i32
      %dma_start3A_575 = tpu.memref_slice %arg9[%dma_start3A_568, %dma_start3A_574] : memref<4x512xi32, #tpu.memory_space<vmem>> -> memref<1x128xi32, #tpu.memory_space<vmem>>
      %dma_start3A_576 = tpu.memref_squeeze %dma_start3A_575 : memref<1x128xi32, #tpu.memory_space<vmem>> -> memref<128xi32, #tpu.memory_space<vmem>>
      %dma_start3A_577 = arith.constant 0 : i32
      %dma_start3A_578 = arith.constant 0 : i32
      %dma_start3A_579 = tpu.memref_slice %arg2[%dma_start3A_577, %dma_start3A_578] : memref<1048576x16xf32, #tpu.memory_space<hbm>> -> memref<1048576x16xf32, #tpu.memory_space<hbm>>
      tpu.enqueue_indirect_dma source(%dma_start3A_579 : memref<1048576x16xf32, #tpu.memory_space<hbm>>) target(%dma_start3A_573 : memref<128x16xf32, #tpu.memory_space<vmem>>) offsets(%dma_start3A_576 : memref<128xi32, #tpu.memory_space<vmem>>) semaphore(%arg19 : memref<!tpu.dma_semaphore, #tpu.memory_space<semaphore_mem>>)
      %dma_start3A_580 = arith.constant 1 : i32
      %dma_start3A_581 = arith.constant 1 : i32
      %dma_start3A_582 = arith.constant 0 : i32
      %dma_start3A_583 = arith.constant 0 : i32
      %dma_start3A_584 = tpu.memref_slice %arg13[%dma_start3A_581, %dma_start3A_582, %dma_start3A_583] : memref<4x512x16xf32, #tpu.memory_space<vmem>> -> memref<1x128x16xf32, #tpu.memory_space<vmem>>
      %dma_start3A_585 = tpu.memref_squeeze %dma_start3A_584 : memref<1x128x16xf32, #tpu.memory_space<vmem>> -> memref<128x16xf32, #tpu.memory_space<vmem>>
      %dma_start3A_586 = arith.constant 0 : i32
      %dma_start3A_587 = tpu.memref_slice %arg9[%dma_start3A_580, %dma_start3A_586] : memref<4x512xi32, #tpu.memory_space<vmem>> -> memref<1x128xi32, #tpu.memory_space<vmem>>
      %dma_start3A_588 = tpu.memref_squeeze %dma_start3A_587 : memref<1x128xi32, #tpu.memory_space<vmem>> -> memref<128xi32, #tpu.memory_space<vmem>>
      %dma_start3A_589 = arith.constant 0 : i32
      %dma_start3A_590 = arith.constant 0 : i32
      %dma_start3A_591 = tpu.memref_slice %arg2[%dma_start3A_589, %dma_start3A_590] : memref<1048576x16xf32, #tpu.memory_space<hbm>> -> memref<1048576x16xf32, #tpu.memory_space<hbm>>
      tpu.enqueue_indirect_dma source(%dma_start3A_591 : memref<1048576x16xf32, #tpu.memory_space<hbm>>) target(%dma_start3A_585 : memref<128x16xf32, #tpu.memory_space<vmem>>) offsets(%dma_start3A_588 : memref<128xi32, #tpu.memory_space<vmem>>) semaphore(%arg19 : memref<!tpu.dma_semaphore, #tpu.memory_space<semaphore_mem>>)
      %dma_start3A_592 = arith.constant 1 : i32
      %dma_start3A_593 = arith.constant 1 : i32
      %dma_start3A_594 = arith.constant 128 : i32
      %dma_start3A_595 = arith.constant 0 : i32
      %dma_start3A_596 = tpu.memref_slice %arg13[%dma_start3A_593, %dma_start3A_594, %dma_start3A_595] : memref<4x512x16xf32, #tpu.memory_space<vmem>> -> memref<1x128x16xf32, #tpu.memory_space<vmem>>
      %dma_start3A_597 = tpu.memref_squeeze %dma_start3A_596 : memref<1x128x16xf32, #tpu.memory_space<vmem>> -> memref<128x16xf32, #tpu.memory_space<vmem>>
      %dma_start3A_598 = arith.constant 128 : i32
      %dma_start3A_599 = tpu.memref_slice %arg9[%dma_start3A_592, %dma_start3A_598] : memref<4x512xi32, #tpu.memory_space<vmem>> -> memref<1x128xi32, #tpu.memory_space<vmem>>
      %dma_start3A_600 = tpu.memref_squeeze %dma_start3A_599 : memref<1x128xi32, #tpu.memory_space<vmem>> -> memref<128xi32, #tpu.memory_space<vmem>>
      %dma_start3A_601 = arith.constant 0 : i32
      %dma_start3A_602 = arith.constant 0 : i32
      %dma_start3A_603 = tpu.memref_slice %arg2[%dma_start3A_601, %dma_start3A_602] : memref<1048576x16xf32, #tpu.memory_space<hbm>> -> memref<1048576x16xf32, #tpu.memory_space<hbm>>
      tpu.enqueue_indirect_dma source(%dma_start3A_603 : memref<1048576x16xf32, #tpu.memory_space<hbm>>) target(%dma_start3A_597 : memref<128x16xf32, #tpu.memory_space<vmem>>) offsets(%dma_start3A_600 : memref<128xi32, #tpu.memory_space<vmem>>) semaphore(%arg19 : memref<!tpu.dma_semaphore, #tpu.memory_space<semaphore_mem>>)
      %dma_start3A_604 = arith.constant 1 : i32
      %dma_start3A_605 = arith.constant 1 : i32
      %dma_start3A_606 = arith.constant 256 : i32
      %dma_start3A_607 = arith.constant 0 : i32
      %dma_start3A_608 = tpu.memref_slice %arg13[%dma_start3A_605, %dma_start3A_606, %dma_start3A_607] : memref<4x512x16xf32, #tpu.memory_space<vmem>> -> memref<1x128x16xf32, #tpu.memory_space<vmem>>
      %dma_start3A_609 = tpu.memref_squeeze %dma_start3A_608 : memref<1x128x16xf32, #tpu.memory_space<vmem>> -> memref<128x16xf32, #tpu.memory_space<vmem>>
      %dma_start3A_610 = arith.constant 256 : i32
      %dma_start3A_611 = tpu.memref_slice %arg9[%dma_start3A_604, %dma_start3A_610] : memref<4x512xi32, #tpu.memory_space<vmem>> -> memref<1x128xi32, #tpu.memory_space<vmem>>
      %dma_start3A_612 = tpu.memref_squeeze %dma_start3A_611 : memref<1x128xi32, #tpu.memory_space<vmem>> -> memref<128xi32, #tpu.memory_space<vmem>>
      %dma_start3A_613 = arith.constant 0 : i32
      %dma_start3A_614 = arith.constant 0 : i32
      %dma_start3A_615 = tpu.memref_slice %arg2[%dma_start3A_613, %dma_start3A_614] : memref<1048576x16xf32, #tpu.memory_space<hbm>> -> memref<1048576x16xf32, #tpu.memory_space<hbm>>
      tpu.enqueue_indirect_dma source(%dma_start3A_615 : memref<1048576x16xf32, #tpu.memory_space<hbm>>) target(%dma_start3A_609 : memref<128x16xf32, #tpu.memory_space<vmem>>) offsets(%dma_start3A_612 : memref<128xi32, #tpu.memory_space<vmem>>) semaphore(%arg19 : memref<!tpu.dma_semaphore, #tpu.memory_space<semaphore_mem>>)
      %dma_start3A_616 = arith.constant 1 : i32
      %dma_start3A_617 = arith.constant 1 : i32
      %dma_start3A_618 = arith.constant 384 : i32
      %dma_start3A_619 = arith.constant 0 : i32
      %dma_start3A_620 = tpu.memref_slice %arg13[%dma_start3A_617, %dma_start3A_618, %dma_start3A_619] : memref<4x512x16xf32, #tpu.memory_space<vmem>> -> memref<1x128x16xf32, #tpu.memory_space<vmem>>
      %dma_start3A_621 = tpu.memref_squeeze %dma_start3A_620 : memref<1x128x16xf32, #tpu.memory_space<vmem>> -> memref<128x16xf32, #tpu.memory_space<vmem>>
      %dma_start3A_622 = arith.constant 384 : i32
      %dma_start3A_623 = tpu.memref_slice %arg9[%dma_start3A_616, %dma_start3A_622] : memref<4x512xi32, #tpu.memory_space<vmem>> -> memref<1x128xi32, #tpu.memory_space<vmem>>
      %dma_start3A_624 = tpu.memref_squeeze %dma_start3A_623 : memref<1x128xi32, #tpu.memory_space<vmem>> -> memref<128xi32, #tpu.memory_space<vmem>>
      %dma_start3A_625 = arith.constant 0 : i32
      %dma_start3A_626 = arith.constant 0 : i32
      %dma_start3A_627 = tpu.memref_slice %arg2[%dma_start3A_625, %dma_start3A_626] : memref<1048576x16xf32, #tpu.memory_space<hbm>> -> memref<1048576x16xf32, #tpu.memory_space<hbm>>
      tpu.enqueue_indirect_dma source(%dma_start3A_627 : memref<1048576x16xf32, #tpu.memory_space<hbm>>) target(%dma_start3A_621 : memref<128x16xf32, #tpu.memory_space<vmem>>) offsets(%dma_start3A_624 : memref<128xi32, #tpu.memory_space<vmem>>) semaphore(%arg19 : memref<!tpu.dma_semaphore, #tpu.memory_space<semaphore_mem>>)
      %dma_start3A_628 = arith.constant 2 : i32
      %dma_start3A_629 = arith.constant 2 : i32
      %dma_start3A_630 = arith.constant 0 : i32
      %dma_start3A_631 = arith.constant 0 : i32
      %dma_start3A_632 = tpu.memref_slice %arg13[%dma_start3A_629, %dma_start3A_630, %dma_start3A_631] : memref<4x512x16xf32, #tpu.memory_space<vmem>> -> memref<1x128x16xf32, #tpu.memory_space<vmem>>
      %dma_start3A_633 = tpu.memref_squeeze %dma_start3A_632 : memref<1x128x16xf32, #tpu.memory_space<vmem>> -> memref<128x16xf32, #tpu.memory_space<vmem>>
      %dma_start3A_634 = arith.constant 0 : i32
      %dma_start3A_635 = tpu.memref_slice %arg9[%dma_start3A_628, %dma_start3A_634] : memref<4x512xi32, #tpu.memory_space<vmem>> -> memref<1x128xi32, #tpu.memory_space<vmem>>
      %dma_start3A_636 = tpu.memref_squeeze %dma_start3A_635 : memref<1x128xi32, #tpu.memory_space<vmem>> -> memref<128xi32, #tpu.memory_space<vmem>>
      %dma_start3A_637 = arith.constant 0 : i32
      %dma_start3A_638 = arith.constant 0 : i32
      %dma_start3A_639 = tpu.memref_slice %arg2[%dma_start3A_637, %dma_start3A_638] : memref<1048576x16xf32, #tpu.memory_space<hbm>> -> memref<1048576x16xf32, #tpu.memory_space<hbm>>
      tpu.enqueue_indirect_dma source(%dma_start3A_639 : memref<1048576x16xf32, #tpu.memory_space<hbm>>) target(%dma_start3A_633 : memref<128x16xf32, #tpu.memory_space<vmem>>) offsets(%dma_start3A_636 : memref<128xi32, #tpu.memory_space<vmem>>) semaphore(%arg19 : memref<!tpu.dma_semaphore, #tpu.memory_space<semaphore_mem>>)
      %dma_start3A_640 = arith.constant 2 : i32
      %dma_start3A_641 = arith.constant 2 : i32
      %dma_start3A_642 = arith.constant 128 : i32
      %dma_start3A_643 = arith.constant 0 : i32
      %dma_start3A_644 = tpu.memref_slice %arg13[%dma_start3A_641, %dma_start3A_642, %dma_start3A_643] : memref<4x512x16xf32, #tpu.memory_space<vmem>> -> memref<1x128x16xf32, #tpu.memory_space<vmem>>
      %dma_start3A_645 = tpu.memref_squeeze %dma_start3A_644 : memref<1x128x16xf32, #tpu.memory_space<vmem>> -> memref<128x16xf32, #tpu.memory_space<vmem>>
      %dma_start3A_646 = arith.constant 128 : i32
      %dma_start3A_647 = tpu.memref_slice %arg9[%dma_start3A_640, %dma_start3A_646] : memref<4x512xi32, #tpu.memory_space<vmem>> -> memref<1x128xi32, #tpu.memory_space<vmem>>
      %dma_start3A_648 = tpu.memref_squeeze %dma_start3A_647 : memref<1x128xi32, #tpu.memory_space<vmem>> -> memref<128xi32, #tpu.memory_space<vmem>>
      %dma_start3A_649 = arith.constant 0 : i32
      %dma_start3A_650 = arith.constant 0 : i32
      %dma_start3A_651 = tpu.memref_slice %arg2[%dma_start3A_649, %dma_start3A_650] : memref<1048576x16xf32, #tpu.memory_space<hbm>> -> memref<1048576x16xf32, #tpu.memory_space<hbm>>
      tpu.enqueue_indirect_dma source(%dma_start3A_651 : memref<1048576x16xf32, #tpu.memory_space<hbm>>) target(%dma_start3A_645 : memref<128x16xf32, #tpu.memory_space<vmem>>) offsets(%dma_start3A_648 : memref<128xi32, #tpu.memory_space<vmem>>) semaphore(%arg19 : memref<!tpu.dma_semaphore, #tpu.memory_space<semaphore_mem>>)
      %dma_start3A_652 = arith.constant 2 : i32
      %dma_start3A_653 = arith.constant 2 : i32
      %dma_start3A_654 = arith.constant 256 : i32
      %dma_start3A_655 = arith.constant 0 : i32
      %dma_start3A_656 = tpu.memref_slice %arg13[%dma_start3A_653, %dma_start3A_654, %dma_start3A_655] : memref<4x512x16xf32, #tpu.memory_space<vmem>> -> memref<1x128x16xf32, #tpu.memory_space<vmem>>
      %dma_start3A_657 = tpu.memref_squeeze %dma_start3A_656 : memref<1x128x16xf32, #tpu.memory_space<vmem>> -> memref<128x16xf32, #tpu.memory_space<vmem>>
      %dma_start3A_658 = arith.constant 256 : i32
      %dma_start3A_659 = tpu.memref_slice %arg9[%dma_start3A_652, %dma_start3A_658] : memref<4x512xi32, #tpu.memory_space<vmem>> -> memref<1x128xi32, #tpu.memory_space<vmem>>
      %dma_start3A_660 = tpu.memref_squeeze %dma_start3A_659 : memref<1x128xi32, #tpu.memory_space<vmem>> -> memref<128xi32, #tpu.memory_space<vmem>>
      %dma_start3A_661 = arith.constant 0 : i32
      %dma_start3A_662 = arith.constant 0 : i32
      %dma_start3A_663 = tpu.memref_slice %arg2[%dma_start3A_661, %dma_start3A_662] : memref<1048576x16xf32, #tpu.memory_space<hbm>> -> memref<1048576x16xf32, #tpu.memory_space<hbm>>
      tpu.enqueue_indirect_dma source(%dma_start3A_663 : memref<1048576x16xf32, #tpu.memory_space<hbm>>) target(%dma_start3A_657 : memref<128x16xf32, #tpu.memory_space<vmem>>) offsets(%dma_start3A_660 : memref<128xi32, #tpu.memory_space<vmem>>) semaphore(%arg19 : memref<!tpu.dma_semaphore, #tpu.memory_space<semaphore_mem>>)
      %dma_start3A_664 = arith.constant 2 : i32
      %dma_start3A_665 = arith.constant 2 : i32
      %dma_start3A_666 = arith.constant 384 : i32
      %dma_start3A_667 = arith.constant 0 : i32
      %dma_start3A_668 = tpu.memref_slice %arg13[%dma_start3A_665, %dma_start3A_666, %dma_start3A_667] : memref<4x512x16xf32, #tpu.memory_space<vmem>> -> memref<1x128x16xf32, #tpu.memory_space<vmem>>
      %dma_start3A_669 = tpu.memref_squeeze %dma_start3A_668 : memref<1x128x16xf32, #tpu.memory_space<vmem>> -> memref<128x16xf32, #tpu.memory_space<vmem>>
      %dma_start3A_670 = arith.constant 384 : i32
      %dma_start3A_671 = tpu.memref_slice %arg9[%dma_start3A_664, %dma_start3A_670] : memref<4x512xi32, #tpu.memory_space<vmem>> -> memref<1x128xi32, #tpu.memory_space<vmem>>
      %dma_start3A_672 = tpu.memref_squeeze %dma_start3A_671 : memref<1x128xi32, #tpu.memory_space<vmem>> -> memref<128xi32, #tpu.memory_space<vmem>>
      %dma_start3A_673 = arith.constant 0 : i32
      %dma_start3A_674 = arith.constant 0 : i32
      %dma_start3A_675 = tpu.memref_slice %arg2[%dma_start3A_673, %dma_start3A_674] : memref<1048576x16xf32, #tpu.memory_space<hbm>> -> memref<1048576x16xf32, #tpu.memory_space<hbm>>
      tpu.enqueue_indirect_dma source(%dma_start3A_675 : memref<1048576x16xf32, #tpu.memory_space<hbm>>) target(%dma_start3A_669 : memref<128x16xf32, #tpu.memory_space<vmem>>) offsets(%dma_start3A_672 : memref<128xi32, #tpu.memory_space<vmem>>) semaphore(%arg19 : memref<!tpu.dma_semaphore, #tpu.memory_space<semaphore_mem>>)
      %dma_start3A_676 = arith.constant 3 : i32
      %dma_start3A_677 = arith.constant 3 : i32
      %dma_start3A_678 = arith.constant 0 : i32
      %dma_start3A_679 = arith.constant 0 : i32
      %dma_start3A_680 = tpu.memref_slice %arg13[%dma_start3A_677, %dma_start3A_678, %dma_start3A_679] : memref<4x512x16xf32, #tpu.memory_space<vmem>> -> memref<1x128x16xf32, #tpu.memory_space<vmem>>
      %dma_start3A_681 = tpu.memref_squeeze %dma_start3A_680 : memref<1x128x16xf32, #tpu.memory_space<vmem>> -> memref<128x16xf32, #tpu.memory_space<vmem>>
      %dma_start3A_682 = arith.constant 0 : i32
      %dma_start3A_683 = tpu.memref_slice %arg9[%dma_start3A_676, %dma_start3A_682] : memref<4x512xi32, #tpu.memory_space<vmem>> -> memref<1x128xi32, #tpu.memory_space<vmem>>
      %dma_start3A_684 = tpu.memref_squeeze %dma_start3A_683 : memref<1x128xi32, #tpu.memory_space<vmem>> -> memref<128xi32, #tpu.memory_space<vmem>>
      %dma_start3A_685 = arith.constant 0 : i32
      %dma_start3A_686 = arith.constant 0 : i32
      %dma_start3A_687 = tpu.memref_slice %arg2[%dma_start3A_685, %dma_start3A_686] : memref<1048576x16xf32, #tpu.memory_space<hbm>> -> memref<1048576x16xf32, #tpu.memory_space<hbm>>
      tpu.enqueue_indirect_dma source(%dma_start3A_687 : memref<1048576x16xf32, #tpu.memory_space<hbm>>) target(%dma_start3A_681 : memref<128x16xf32, #tpu.memory_space<vmem>>) offsets(%dma_start3A_684 : memref<128xi32, #tpu.memory_space<vmem>>) semaphore(%arg19 : memref<!tpu.dma_semaphore, #tpu.memory_space<semaphore_mem>>)
      %dma_start3A_688 = arith.constant 3 : i32
      %dma_start3A_689 = arith.constant 3 : i32
      %dma_start3A_690 = arith.constant 128 : i32
      %dma_start3A_691 = arith.constant 0 : i32
      %dma_start3A_692 = tpu.memref_slice %arg13[%dma_start3A_689, %dma_start3A_690, %dma_start3A_691] : memref<4x512x16xf32, #tpu.memory_space<vmem>> -> memref<1x128x16xf32, #tpu.memory_space<vmem>>
      %dma_start3A_693 = tpu.memref_squeeze %dma_start3A_692 : memref<1x128x16xf32, #tpu.memory_space<vmem>> -> memref<128x16xf32, #tpu.memory_space<vmem>>
      %dma_start3A_694 = arith.constant 128 : i32
      %dma_start3A_695 = tpu.memref_slice %arg9[%dma_start3A_688, %dma_start3A_694] : memref<4x512xi32, #tpu.memory_space<vmem>> -> memref<1x128xi32, #tpu.memory_space<vmem>>
      %dma_start3A_696 = tpu.memref_squeeze %dma_start3A_695 : memref<1x128xi32, #tpu.memory_space<vmem>> -> memref<128xi32, #tpu.memory_space<vmem>>
      %dma_start3A_697 = arith.constant 0 : i32
      %dma_start3A_698 = arith.constant 0 : i32
      %dma_start3A_699 = tpu.memref_slice %arg2[%dma_start3A_697, %dma_start3A_698] : memref<1048576x16xf32, #tpu.memory_space<hbm>> -> memref<1048576x16xf32, #tpu.memory_space<hbm>>
      tpu.enqueue_indirect_dma source(%dma_start3A_699 : memref<1048576x16xf32, #tpu.memory_space<hbm>>) target(%dma_start3A_693 : memref<128x16xf32, #tpu.memory_space<vmem>>) offsets(%dma_start3A_696 : memref<128xi32, #tpu.memory_space<vmem>>) semaphore(%arg19 : memref<!tpu.dma_semaphore, #tpu.memory_space<semaphore_mem>>)
      %dma_start3A_700 = arith.constant 3 : i32
      %dma_start3A_701 = arith.constant 3 : i32
      %dma_start3A_702 = arith.constant 256 : i32
      %dma_start3A_703 = arith.constant 0 : i32
      %dma_start3A_704 = tpu.memref_slice %arg13[%dma_start3A_701, %dma_start3A_702, %dma_start3A_703] : memref<4x512x16xf32, #tpu.memory_space<vmem>> -> memref<1x128x16xf32, #tpu.memory_space<vmem>>
      %dma_start3A_705 = tpu.memref_squeeze %dma_start3A_704 : memref<1x128x16xf32, #tpu.memory_space<vmem>> -> memref<128x16xf32, #tpu.memory_space<vmem>>
      %dma_start3A_706 = arith.constant 256 : i32
      %dma_start3A_707 = tpu.memref_slice %arg9[%dma_start3A_700, %dma_start3A_706] : memref<4x512xi32, #tpu.memory_space<vmem>> -> memref<1x128xi32, #tpu.memory_space<vmem>>
      %dma_start3A_708 = tpu.memref_squeeze %dma_start3A_707 : memref<1x128xi32, #tpu.memory_space<vmem>> -> memref<128xi32, #tpu.memory_space<vmem>>
      %dma_start3A_709 = arith.constant 0 : i32
      %dma_start3A_710 = arith.constant 0 : i32
      %dma_start3A_711 = tpu.memref_slice %arg2[%dma_start3A_709, %dma_start3A_710] : memref<1048576x16xf32, #tpu.memory_space<hbm>> -> memref<1048576x16xf32, #tpu.memory_space<hbm>>
      tpu.enqueue_indirect_dma source(%dma_start3A_711 : memref<1048576x16xf32, #tpu.memory_space<hbm>>) target(%dma_start3A_705 : memref<128x16xf32, #tpu.memory_space<vmem>>) offsets(%dma_start3A_708 : memref<128xi32, #tpu.memory_space<vmem>>) semaphore(%arg19 : memref<!tpu.dma_semaphore, #tpu.memory_space<semaphore_mem>>)
      %dma_start3A_712 = arith.constant 3 : i32
      %dma_start3A_713 = arith.constant 3 : i32
      %dma_start3A_714 = arith.constant 384 : i32
      %dma_start3A_715 = arith.constant 0 : i32
      %dma_start3A_716 = tpu.memref_slice %arg13[%dma_start3A_713, %dma_start3A_714, %dma_start3A_715] : memref<4x512x16xf32, #tpu.memory_space<vmem>> -> memref<1x128x16xf32, #tpu.memory_space<vmem>>
      %dma_start3A_717 = tpu.memref_squeeze %dma_start3A_716 : memref<1x128x16xf32, #tpu.memory_space<vmem>> -> memref<128x16xf32, #tpu.memory_space<vmem>>
      %dma_start3A_718 = arith.constant 384 : i32
      %dma_start3A_719 = tpu.memref_slice %arg9[%dma_start3A_712, %dma_start3A_718] : memref<4x512xi32, #tpu.memory_space<vmem>> -> memref<1x128xi32, #tpu.memory_space<vmem>>
      %dma_start3A_720 = tpu.memref_squeeze %dma_start3A_719 : memref<1x128xi32, #tpu.memory_space<vmem>> -> memref<128xi32, #tpu.memory_space<vmem>>
      %dma_start3A_721 = arith.constant 0 : i32
      %dma_start3A_722 = arith.constant 0 : i32
      %dma_start3A_723 = tpu.memref_slice %arg2[%dma_start3A_721, %dma_start3A_722] : memref<1048576x16xf32, #tpu.memory_space<hbm>> -> memref<1048576x16xf32, #tpu.memory_space<hbm>>
      tpu.enqueue_indirect_dma source(%dma_start3A_723 : memref<1048576x16xf32, #tpu.memory_space<hbm>>) target(%dma_start3A_717 : memref<128x16xf32, #tpu.memory_space<vmem>>) offsets(%dma_start3A_720 : memref<128xi32, #tpu.memory_space<vmem>>) semaphore(%arg19 : memref<!tpu.dma_semaphore, #tpu.memory_space<semaphore_mem>>)
      %add3A_724 = arith.constant 2 : i32
      %add3A_725 = arith.addi %mul3A_505, %add3A_724 : i32
      %le3A = arith.constant 63 : i32
      %le3A_726 = arith.cmpi sle, %add3A_725, %le3A : i32
      %convert_element_type3A = arith.extui %le3A_726 : i1 to i32
      %cond3A = arith.constant 0 : i32
      %cond3A_727 = arith.cmpi ne, %convert_element_type3A, %cond3A : i32
      scf.if %cond3A_727 {
        %add3A_947 = arith.constant 2 : i32
        %add3A_948 = arith.addi %mul3A_505, %add3A_947 : i32
        %mul3A_949 = arith.constant 512 : i32
        %mul3A_950 = arith.muli %add3A_948, %mul3A_949 : i32
        %add3A_951 = arith.addi %mul3A_2, %mul3A_950 : i32
        %dma_start3A_952 = arith.constant 0 : i32
        %dma_start3A_953 = arith.constant 0 : i32
        %dma_start3A_954 = tpu.memref_slice %arg6[%dma_start3A_952, %dma_start3A_953] : memref<2x512xf32, #tpu.memory_space<vmem>> -> memref<1x512xf32, #tpu.memory_space<vmem>>
        %dma_start3A_955 = tpu.memref_squeeze %dma_start3A_954 : memref<1x512xf32, #tpu.memory_space<vmem>> -> memref<512xf32, #tpu.memory_space<vmem>>
        %dma_start3A_956 = tpu.memref_slice %arg3[%add3A_951] : memref<1048576xf32, #tpu.memory_space<hbm>> -> memref<512xf32, #tpu.memory_space<hbm>>
        %dma_start3A_957 = arith.constant 0 : i32
        %dma_start3A_958 = tpu.memref_slice %arg6[%dma_start3A_952, %dma_start3A_957] : memref<2x512xf32, #tpu.memory_space<vmem>> -> memref<1x512xf32, #tpu.memory_space<vmem>>
        %dma_start3A_959 = tpu.memref_squeeze %dma_start3A_958 : memref<1x512xf32, #tpu.memory_space<vmem>> -> memref<512xf32, #tpu.memory_space<vmem>>
        %dma_start3A_960 = tpu.memref_slice %arg3[%add3A_951] : memref<1048576xf32, #tpu.memory_space<hbm>> -> memref<512xf32, #tpu.memory_space<hbm>>
        tpu.enqueue_dma source(%dma_start3A_960 : memref<512xf32, #tpu.memory_space<hbm>>) target(%dma_start3A_959 : memref<512xf32, #tpu.memory_space<vmem>>) target_semaphore(%arg16 : memref<!tpu.dma_semaphore, #tpu.memory_space<semaphore_mem>>)
        %dma_start3A_961 = arith.constant 1 : i32
        %dma_start3A_962 = arith.constant 0 : i32
        %dma_start3A_963 = tpu.memref_slice %arg6[%dma_start3A_961, %dma_start3A_962] : memref<2x512xf32, #tpu.memory_space<vmem>> -> memref<1x512xf32, #tpu.memory_space<vmem>>
        %dma_start3A_964 = tpu.memref_squeeze %dma_start3A_963 : memref<1x512xf32, #tpu.memory_space<vmem>> -> memref<512xf32, #tpu.memory_space<vmem>>
        %dma_start3A_965 = tpu.memref_slice %arg4[%add3A_951] : memref<1048576xf32, #tpu.memory_space<hbm>> -> memref<512xf32, #tpu.memory_space<hbm>>
        %dma_start3A_966 = arith.constant 0 : i32
        %dma_start3A_967 = tpu.memref_slice %arg6[%dma_start3A_961, %dma_start3A_966] : memref<2x512xf32, #tpu.memory_space<vmem>> -> memref<1x512xf32, #tpu.memory_space<vmem>>
        %dma_start3A_968 = tpu.memref_squeeze %dma_start3A_967 : memref<1x512xf32, #tpu.memory_space<vmem>> -> memref<512xf32, #tpu.memory_space<vmem>>
        %dma_start3A_969 = tpu.memref_slice %arg4[%add3A_951] : memref<1048576xf32, #tpu.memory_space<hbm>> -> memref<512xf32, #tpu.memory_space<hbm>>
        tpu.enqueue_dma source(%dma_start3A_969 : memref<512xf32, #tpu.memory_space<hbm>>) target(%dma_start3A_968 : memref<512xf32, #tpu.memory_space<vmem>>) target_semaphore(%arg16 : memref<!tpu.dma_semaphore, #tpu.memory_space<semaphore_mem>>)
      } else {
      }
      %dma_wait3A_728 = arith.constant 0 : i32
      %dma_wait3A_729 = arith.constant 0 : i32
      %dma_wait3A_730 = arith.constant 0 : i32
      %dma_wait3A_731 = arith.constant 0 : i32
      %dma_wait3A_732 = tpu.memref_slice %arg12[%dma_wait3A_729, %dma_wait3A_730, %dma_wait3A_731] : memref<4x512x16xf32, #tpu.memory_space<vmem>> -> memref<1x128x16xf32, #tpu.memory_space<vmem>>
      %dma_wait3A_733 = tpu.memref_squeeze %dma_wait3A_732 : memref<1x128x16xf32, #tpu.memory_space<vmem>> -> memref<128x16xf32, #tpu.memory_space<vmem>>
      %dma_wait3A_734 = arith.constant 0 : i32
      %dma_wait3A_735 = tpu.memref_slice %arg8[%dma_wait3A_728, %dma_wait3A_734] : memref<4x512xi32, #tpu.memory_space<vmem>> -> memref<1x128xi32, #tpu.memory_space<vmem>>
      %dma_wait3A_736 = tpu.memref_squeeze %dma_wait3A_735 : memref<1x128xi32, #tpu.memory_space<vmem>> -> memref<128xi32, #tpu.memory_space<vmem>>
      %dma_wait3A_737 = arith.constant 0 : i32
      %dma_wait3A_738 = arith.constant 0 : i32
      %dma_wait3A_739 = tpu.memref_slice %arg2[%dma_wait3A_737, %dma_wait3A_738] : memref<1048576x16xf32, #tpu.memory_space<hbm>> -> memref<1048576x16xf32, #tpu.memory_space<hbm>>
      tpu.wait_indirect_dma semaphore(%arg18 : memref<!tpu.dma_semaphore, #tpu.memory_space<semaphore_mem>>) src(%dma_wait3A_739 : memref<1048576x16xf32, #tpu.memory_space<hbm>>) dst(%dma_wait3A_733 : memref<128x16xf32, #tpu.memory_space<vmem>>)
      %dma_wait3A_740 = arith.constant 0 : i32
      %dma_wait3A_741 = arith.constant 0 : i32
      %dma_wait3A_742 = arith.constant 128 : i32
      %dma_wait3A_743 = arith.constant 0 : i32
      %dma_wait3A_744 = tpu.memref_slice %arg12[%dma_wait3A_741, %dma_wait3A_742, %dma_wait3A_743] : memref<4x512x16xf32, #tpu.memory_space<vmem>> -> memref<1x128x16xf32, #tpu.memory_space<vmem>>
      %dma_wait3A_745 = tpu.memref_squeeze %dma_wait3A_744 : memref<1x128x16xf32, #tpu.memory_space<vmem>> -> memref<128x16xf32, #tpu.memory_space<vmem>>
      %dma_wait3A_746 = arith.constant 128 : i32
      %dma_wait3A_747 = tpu.memref_slice %arg8[%dma_wait3A_740, %dma_wait3A_746] : memref<4x512xi32, #tpu.memory_space<vmem>> -> memref<1x128xi32, #tpu.memory_space<vmem>>
      %dma_wait3A_748 = tpu.memref_squeeze %dma_wait3A_747 : memref<1x128xi32, #tpu.memory_space<vmem>> -> memref<128xi32, #tpu.memory_space<vmem>>
      %dma_wait3A_749 = arith.constant 0 : i32
      %dma_wait3A_750 = arith.constant 0 : i32
      %dma_wait3A_751 = tpu.memref_slice %arg2[%dma_wait3A_749, %dma_wait3A_750] : memref<1048576x16xf32, #tpu.memory_space<hbm>> -> memref<1048576x16xf32, #tpu.memory_space<hbm>>
      tpu.wait_indirect_dma semaphore(%arg18 : memref<!tpu.dma_semaphore, #tpu.memory_space<semaphore_mem>>) src(%dma_wait3A_751 : memref<1048576x16xf32, #tpu.memory_space<hbm>>) dst(%dma_wait3A_745 : memref<128x16xf32, #tpu.memory_space<vmem>>)
      %dma_wait3A_752 = arith.constant 0 : i32
      %dma_wait3A_753 = arith.constant 0 : i32
      %dma_wait3A_754 = arith.constant 256 : i32
      %dma_wait3A_755 = arith.constant 0 : i32
      %dma_wait3A_756 = tpu.memref_slice %arg12[%dma_wait3A_753, %dma_wait3A_754, %dma_wait3A_755] : memref<4x512x16xf32, #tpu.memory_space<vmem>> -> memref<1x128x16xf32, #tpu.memory_space<vmem>>
      %dma_wait3A_757 = tpu.memref_squeeze %dma_wait3A_756 : memref<1x128x16xf32, #tpu.memory_space<vmem>> -> memref<128x16xf32, #tpu.memory_space<vmem>>
      %dma_wait3A_758 = arith.constant 256 : i32
      %dma_wait3A_759 = tpu.memref_slice %arg8[%dma_wait3A_752, %dma_wait3A_758] : memref<4x512xi32, #tpu.memory_space<vmem>> -> memref<1x128xi32, #tpu.memory_space<vmem>>
      %dma_wait3A_760 = tpu.memref_squeeze %dma_wait3A_759 : memref<1x128xi32, #tpu.memory_space<vmem>> -> memref<128xi32, #tpu.memory_space<vmem>>
      %dma_wait3A_761 = arith.constant 0 : i32
      %dma_wait3A_762 = arith.constant 0 : i32
      %dma_wait3A_763 = tpu.memref_slice %arg2[%dma_wait3A_761, %dma_wait3A_762] : memref<1048576x16xf32, #tpu.memory_space<hbm>> -> memref<1048576x16xf32, #tpu.memory_space<hbm>>
      tpu.wait_indirect_dma semaphore(%arg18 : memref<!tpu.dma_semaphore, #tpu.memory_space<semaphore_mem>>) src(%dma_wait3A_763 : memref<1048576x16xf32, #tpu.memory_space<hbm>>) dst(%dma_wait3A_757 : memref<128x16xf32, #tpu.memory_space<vmem>>)
      %dma_wait3A_764 = arith.constant 0 : i32
      %dma_wait3A_765 = arith.constant 0 : i32
      %dma_wait3A_766 = arith.constant 384 : i32
      %dma_wait3A_767 = arith.constant 0 : i32
      %dma_wait3A_768 = tpu.memref_slice %arg12[%dma_wait3A_765, %dma_wait3A_766, %dma_wait3A_767] : memref<4x512x16xf32, #tpu.memory_space<vmem>> -> memref<1x128x16xf32, #tpu.memory_space<vmem>>
      %dma_wait3A_769 = tpu.memref_squeeze %dma_wait3A_768 : memref<1x128x16xf32, #tpu.memory_space<vmem>> -> memref<128x16xf32, #tpu.memory_space<vmem>>
      %dma_wait3A_770 = arith.constant 384 : i32
      %dma_wait3A_771 = tpu.memref_slice %arg8[%dma_wait3A_764, %dma_wait3A_770] : memref<4x512xi32, #tpu.memory_space<vmem>> -> memref<1x128xi32, #tpu.memory_space<vmem>>
      %dma_wait3A_772 = tpu.memref_squeeze %dma_wait3A_771 : memref<1x128xi32, #tpu.memory_space<vmem>> -> memref<128xi32, #tpu.memory_space<vmem>>
      %dma_wait3A_773 = arith.constant 0 : i32
      %dma_wait3A_774 = arith.constant 0 : i32
      %dma_wait3A_775 = tpu.memref_slice %arg2[%dma_wait3A_773, %dma_wait3A_774] : memref<1048576x16xf32, #tpu.memory_space<hbm>> -> memref<1048576x16xf32, #tpu.memory_space<hbm>>
      tpu.wait_indirect_dma semaphore(%arg18 : memref<!tpu.dma_semaphore, #tpu.memory_space<semaphore_mem>>) src(%dma_wait3A_775 : memref<1048576x16xf32, #tpu.memory_space<hbm>>) dst(%dma_wait3A_769 : memref<128x16xf32, #tpu.memory_space<vmem>>)
      %dma_wait3A_776 = arith.constant 1 : i32
      %dma_wait3A_777 = arith.constant 1 : i32
      %dma_wait3A_778 = arith.constant 0 : i32
      %dma_wait3A_779 = arith.constant 0 : i32
      %dma_wait3A_780 = tpu.memref_slice %arg12[%dma_wait3A_777, %dma_wait3A_778, %dma_wait3A_779] : memref<4x512x16xf32, #tpu.memory_space<vmem>> -> memref<1x128x16xf32, #tpu.memory_space<vmem>>
      %dma_wait3A_781 = tpu.memref_squeeze %dma_wait3A_780 : memref<1x128x16xf32, #tpu.memory_space<vmem>> -> memref<128x16xf32, #tpu.memory_space<vmem>>
      %dma_wait3A_782 = arith.constant 0 : i32
      %dma_wait3A_783 = tpu.memref_slice %arg8[%dma_wait3A_776, %dma_wait3A_782] : memref<4x512xi32, #tpu.memory_space<vmem>> -> memref<1x128xi32, #tpu.memory_space<vmem>>
      %dma_wait3A_784 = tpu.memref_squeeze %dma_wait3A_783 : memref<1x128xi32, #tpu.memory_space<vmem>> -> memref<128xi32, #tpu.memory_space<vmem>>
      %dma_wait3A_785 = arith.constant 0 : i32
      %dma_wait3A_786 = arith.constant 0 : i32
      %dma_wait3A_787 = tpu.memref_slice %arg2[%dma_wait3A_785, %dma_wait3A_786] : memref<1048576x16xf32, #tpu.memory_space<hbm>> -> memref<1048576x16xf32, #tpu.memory_space<hbm>>
      tpu.wait_indirect_dma semaphore(%arg18 : memref<!tpu.dma_semaphore, #tpu.memory_space<semaphore_mem>>) src(%dma_wait3A_787 : memref<1048576x16xf32, #tpu.memory_space<hbm>>) dst(%dma_wait3A_781 : memref<128x16xf32, #tpu.memory_space<vmem>>)
      %dma_wait3A_788 = arith.constant 1 : i32
      %dma_wait3A_789 = arith.constant 1 : i32
      %dma_wait3A_790 = arith.constant 128 : i32
      %dma_wait3A_791 = arith.constant 0 : i32
      %dma_wait3A_792 = tpu.memref_slice %arg12[%dma_wait3A_789, %dma_wait3A_790, %dma_wait3A_791] : memref<4x512x16xf32, #tpu.memory_space<vmem>> -> memref<1x128x16xf32, #tpu.memory_space<vmem>>
      %dma_wait3A_793 = tpu.memref_squeeze %dma_wait3A_792 : memref<1x128x16xf32, #tpu.memory_space<vmem>> -> memref<128x16xf32, #tpu.memory_space<vmem>>
      %dma_wait3A_794 = arith.constant 128 : i32
      %dma_wait3A_795 = tpu.memref_slice %arg8[%dma_wait3A_788, %dma_wait3A_794] : memref<4x512xi32, #tpu.memory_space<vmem>> -> memref<1x128xi32, #tpu.memory_space<vmem>>
      %dma_wait3A_796 = tpu.memref_squeeze %dma_wait3A_795 : memref<1x128xi32, #tpu.memory_space<vmem>> -> memref<128xi32, #tpu.memory_space<vmem>>
      %dma_wait3A_797 = arith.constant 0 : i32
      %dma_wait3A_798 = arith.constant 0 : i32
      %dma_wait3A_799 = tpu.memref_slice %arg2[%dma_wait3A_797, %dma_wait3A_798] : memref<1048576x16xf32, #tpu.memory_space<hbm>> -> memref<1048576x16xf32, #tpu.memory_space<hbm>>
      tpu.wait_indirect_dma semaphore(%arg18 : memref<!tpu.dma_semaphore, #tpu.memory_space<semaphore_mem>>) src(%dma_wait3A_799 : memref<1048576x16xf32, #tpu.memory_space<hbm>>) dst(%dma_wait3A_793 : memref<128x16xf32, #tpu.memory_space<vmem>>)
      %dma_wait3A_800 = arith.constant 1 : i32
      %dma_wait3A_801 = arith.constant 1 : i32
      %dma_wait3A_802 = arith.constant 256 : i32
      %dma_wait3A_803 = arith.constant 0 : i32
      %dma_wait3A_804 = tpu.memref_slice %arg12[%dma_wait3A_801, %dma_wait3A_802, %dma_wait3A_803] : memref<4x512x16xf32, #tpu.memory_space<vmem>> -> memref<1x128x16xf32, #tpu.memory_space<vmem>>
      %dma_wait3A_805 = tpu.memref_squeeze %dma_wait3A_804 : memref<1x128x16xf32, #tpu.memory_space<vmem>> -> memref<128x16xf32, #tpu.memory_space<vmem>>
      %dma_wait3A_806 = arith.constant 256 : i32
      %dma_wait3A_807 = tpu.memref_slice %arg8[%dma_wait3A_800, %dma_wait3A_806] : memref<4x512xi32, #tpu.memory_space<vmem>> -> memref<1x128xi32, #tpu.memory_space<vmem>>
      %dma_wait3A_808 = tpu.memref_squeeze %dma_wait3A_807 : memref<1x128xi32, #tpu.memory_space<vmem>> -> memref<128xi32, #tpu.memory_space<vmem>>
      %dma_wait3A_809 = arith.constant 0 : i32
      %dma_wait3A_810 = arith.constant 0 : i32
      %dma_wait3A_811 = tpu.memref_slice %arg2[%dma_wait3A_809, %dma_wait3A_810] : memref<1048576x16xf32, #tpu.memory_space<hbm>> -> memref<1048576x16xf32, #tpu.memory_space<hbm>>
      tpu.wait_indirect_dma semaphore(%arg18 : memref<!tpu.dma_semaphore, #tpu.memory_space<semaphore_mem>>) src(%dma_wait3A_811 : memref<1048576x16xf32, #tpu.memory_space<hbm>>) dst(%dma_wait3A_805 : memref<128x16xf32, #tpu.memory_space<vmem>>)
      %dma_wait3A_812 = arith.constant 1 : i32
      %dma_wait3A_813 = arith.constant 1 : i32
      %dma_wait3A_814 = arith.constant 384 : i32
      %dma_wait3A_815 = arith.constant 0 : i32
      %dma_wait3A_816 = tpu.memref_slice %arg12[%dma_wait3A_813, %dma_wait3A_814, %dma_wait3A_815] : memref<4x512x16xf32, #tpu.memory_space<vmem>> -> memref<1x128x16xf32, #tpu.memory_space<vmem>>
      %dma_wait3A_817 = tpu.memref_squeeze %dma_wait3A_816 : memref<1x128x16xf32, #tpu.memory_space<vmem>> -> memref<128x16xf32, #tpu.memory_space<vmem>>
      %dma_wait3A_818 = arith.constant 384 : i32
      %dma_wait3A_819 = tpu.memref_slice %arg8[%dma_wait3A_812, %dma_wait3A_818] : memref<4x512xi32, #tpu.memory_space<vmem>> -> memref<1x128xi32, #tpu.memory_space<vmem>>
      %dma_wait3A_820 = tpu.memref_squeeze %dma_wait3A_819 : memref<1x128xi32, #tpu.memory_space<vmem>> -> memref<128xi32, #tpu.memory_space<vmem>>
      %dma_wait3A_821 = arith.constant 0 : i32
      %dma_wait3A_822 = arith.constant 0 : i32
      %dma_wait3A_823 = tpu.memref_slice %arg2[%dma_wait3A_821, %dma_wait3A_822] : memref<1048576x16xf32, #tpu.memory_space<hbm>> -> memref<1048576x16xf32, #tpu.memory_space<hbm>>
      tpu.wait_indirect_dma semaphore(%arg18 : memref<!tpu.dma_semaphore, #tpu.memory_space<semaphore_mem>>) src(%dma_wait3A_823 : memref<1048576x16xf32, #tpu.memory_space<hbm>>) dst(%dma_wait3A_817 : memref<128x16xf32, #tpu.memory_space<vmem>>)
      %dma_wait3A_824 = arith.constant 2 : i32
      %dma_wait3A_825 = arith.constant 2 : i32
      %dma_wait3A_826 = arith.constant 0 : i32
      %dma_wait3A_827 = arith.constant 0 : i32
      %dma_wait3A_828 = tpu.memref_slice %arg12[%dma_wait3A_825, %dma_wait3A_826, %dma_wait3A_827] : memref<4x512x16xf32, #tpu.memory_space<vmem>> -> memref<1x128x16xf32, #tpu.memory_space<vmem>>
      %dma_wait3A_829 = tpu.memref_squeeze %dma_wait3A_828 : memref<1x128x16xf32, #tpu.memory_space<vmem>> -> memref<128x16xf32, #tpu.memory_space<vmem>>
      %dma_wait3A_830 = arith.constant 0 : i32
      %dma_wait3A_831 = tpu.memref_slice %arg8[%dma_wait3A_824, %dma_wait3A_830] : memref<4x512xi32, #tpu.memory_space<vmem>> -> memref<1x128xi32, #tpu.memory_space<vmem>>
      %dma_wait3A_832 = tpu.memref_squeeze %dma_wait3A_831 : memref<1x128xi32, #tpu.memory_space<vmem>> -> memref<128xi32, #tpu.memory_space<vmem>>
      %dma_wait3A_833 = arith.constant 0 : i32
      %dma_wait3A_834 = arith.constant 0 : i32
      %dma_wait3A_835 = tpu.memref_slice %arg2[%dma_wait3A_833, %dma_wait3A_834] : memref<1048576x16xf32, #tpu.memory_space<hbm>> -> memref<1048576x16xf32, #tpu.memory_space<hbm>>
      tpu.wait_indirect_dma semaphore(%arg18 : memref<!tpu.dma_semaphore, #tpu.memory_space<semaphore_mem>>) src(%dma_wait3A_835 : memref<1048576x16xf32, #tpu.memory_space<hbm>>) dst(%dma_wait3A_829 : memref<128x16xf32, #tpu.memory_space<vmem>>)
      %dma_wait3A_836 = arith.constant 2 : i32
      %dma_wait3A_837 = arith.constant 2 : i32
      %dma_wait3A_838 = arith.constant 128 : i32
      %dma_wait3A_839 = arith.constant 0 : i32
      %dma_wait3A_840 = tpu.memref_slice %arg12[%dma_wait3A_837, %dma_wait3A_838, %dma_wait3A_839] : memref<4x512x16xf32, #tpu.memory_space<vmem>> -> memref<1x128x16xf32, #tpu.memory_space<vmem>>
      %dma_wait3A_841 = tpu.memref_squeeze %dma_wait3A_840 : memref<1x128x16xf32, #tpu.memory_space<vmem>> -> memref<128x16xf32, #tpu.memory_space<vmem>>
      %dma_wait3A_842 = arith.constant 128 : i32
      %dma_wait3A_843 = tpu.memref_slice %arg8[%dma_wait3A_836, %dma_wait3A_842] : memref<4x512xi32, #tpu.memory_space<vmem>> -> memref<1x128xi32, #tpu.memory_space<vmem>>
      %dma_wait3A_844 = tpu.memref_squeeze %dma_wait3A_843 : memref<1x128xi32, #tpu.memory_space<vmem>> -> memref<128xi32, #tpu.memory_space<vmem>>
      %dma_wait3A_845 = arith.constant 0 : i32
      %dma_wait3A_846 = arith.constant 0 : i32
      %dma_wait3A_847 = tpu.memref_slice %arg2[%dma_wait3A_845, %dma_wait3A_846] : memref<1048576x16xf32, #tpu.memory_space<hbm>> -> memref<1048576x16xf32, #tpu.memory_space<hbm>>
      tpu.wait_indirect_dma semaphore(%arg18 : memref<!tpu.dma_semaphore, #tpu.memory_space<semaphore_mem>>) src(%dma_wait3A_847 : memref<1048576x16xf32, #tpu.memory_space<hbm>>) dst(%dma_wait3A_841 : memref<128x16xf32, #tpu.memory_space<vmem>>)
      %dma_wait3A_848 = arith.constant 2 : i32
      %dma_wait3A_849 = arith.constant 2 : i32
      %dma_wait3A_850 = arith.constant 256 : i32
      %dma_wait3A_851 = arith.constant 0 : i32
      %dma_wait3A_852 = tpu.memref_slice %arg12[%dma_wait3A_849, %dma_wait3A_850, %dma_wait3A_851] : memref<4x512x16xf32, #tpu.memory_space<vmem>> -> memref<1x128x16xf32, #tpu.memory_space<vmem>>
      %dma_wait3A_853 = tpu.memref_squeeze %dma_wait3A_852 : memref<1x128x16xf32, #tpu.memory_space<vmem>> -> memref<128x16xf32, #tpu.memory_space<vmem>>
      %dma_wait3A_854 = arith.constant 256 : i32
      %dma_wait3A_855 = tpu.memref_slice %arg8[%dma_wait3A_848, %dma_wait3A_854] : memref<4x512xi32, #tpu.memory_space<vmem>> -> memref<1x128xi32, #tpu.memory_space<vmem>>
      %dma_wait3A_856 = tpu.memref_squeeze %dma_wait3A_855 : memref<1x128xi32, #tpu.memory_space<vmem>> -> memref<128xi32, #tpu.memory_space<vmem>>
      %dma_wait3A_857 = arith.constant 0 : i32
      %dma_wait3A_858 = arith.constant 0 : i32
      %dma_wait3A_859 = tpu.memref_slice %arg2[%dma_wait3A_857, %dma_wait3A_858] : memref<1048576x16xf32, #tpu.memory_space<hbm>> -> memref<1048576x16xf32, #tpu.memory_space<hbm>>
      tpu.wait_indirect_dma semaphore(%arg18 : memref<!tpu.dma_semaphore, #tpu.memory_space<semaphore_mem>>) src(%dma_wait3A_859 : memref<1048576x16xf32, #tpu.memory_space<hbm>>) dst(%dma_wait3A_853 : memref<128x16xf32, #tpu.memory_space<vmem>>)
      %dma_wait3A_860 = arith.constant 2 : i32
      %dma_wait3A_861 = arith.constant 2 : i32
      %dma_wait3A_862 = arith.constant 384 : i32
      %dma_wait3A_863 = arith.constant 0 : i32
      %dma_wait3A_864 = tpu.memref_slice %arg12[%dma_wait3A_861, %dma_wait3A_862, %dma_wait3A_863] : memref<4x512x16xf32, #tpu.memory_space<vmem>> -> memref<1x128x16xf32, #tpu.memory_space<vmem>>
      %dma_wait3A_865 = tpu.memref_squeeze %dma_wait3A_864 : memref<1x128x16xf32, #tpu.memory_space<vmem>> -> memref<128x16xf32, #tpu.memory_space<vmem>>
      %dma_wait3A_866 = arith.constant 384 : i32
      %dma_wait3A_867 = tpu.memref_slice %arg8[%dma_wait3A_860, %dma_wait3A_866] : memref<4x512xi32, #tpu.memory_space<vmem>> -> memref<1x128xi32, #tpu.memory_space<vmem>>
      %dma_wait3A_868 = tpu.memref_squeeze %dma_wait3A_867 : memref<1x128xi32, #tpu.memory_space<vmem>> -> memref<128xi32, #tpu.memory_space<vmem>>
      %dma_wait3A_869 = arith.constant 0 : i32
      %dma_wait3A_870 = arith.constant 0 : i32
      %dma_wait3A_871 = tpu.memref_slice %arg2[%dma_wait3A_869, %dma_wait3A_870] : memref<1048576x16xf32, #tpu.memory_space<hbm>> -> memref<1048576x16xf32, #tpu.memory_space<hbm>>
      tpu.wait_indirect_dma semaphore(%arg18 : memref<!tpu.dma_semaphore, #tpu.memory_space<semaphore_mem>>) src(%dma_wait3A_871 : memref<1048576x16xf32, #tpu.memory_space<hbm>>) dst(%dma_wait3A_865 : memref<128x16xf32, #tpu.memory_space<vmem>>)
      %dma_wait3A_872 = arith.constant 3 : i32
      %dma_wait3A_873 = arith.constant 3 : i32
      %dma_wait3A_874 = arith.constant 0 : i32
      %dma_wait3A_875 = arith.constant 0 : i32
      %dma_wait3A_876 = tpu.memref_slice %arg12[%dma_wait3A_873, %dma_wait3A_874, %dma_wait3A_875] : memref<4x512x16xf32, #tpu.memory_space<vmem>> -> memref<1x128x16xf32, #tpu.memory_space<vmem>>
      %dma_wait3A_877 = tpu.memref_squeeze %dma_wait3A_876 : memref<1x128x16xf32, #tpu.memory_space<vmem>> -> memref<128x16xf32, #tpu.memory_space<vmem>>
      %dma_wait3A_878 = arith.constant 0 : i32
      %dma_wait3A_879 = tpu.memref_slice %arg8[%dma_wait3A_872, %dma_wait3A_878] : memref<4x512xi32, #tpu.memory_space<vmem>> -> memref<1x128xi32, #tpu.memory_space<vmem>>
      %dma_wait3A_880 = tpu.memref_squeeze %dma_wait3A_879 : memref<1x128xi32, #tpu.memory_space<vmem>> -> memref<128xi32, #tpu.memory_space<vmem>>
      %dma_wait3A_881 = arith.constant 0 : i32
      %dma_wait3A_882 = arith.constant 0 : i32
      %dma_wait3A_883 = tpu.memref_slice %arg2[%dma_wait3A_881, %dma_wait3A_882] : memref<1048576x16xf32, #tpu.memory_space<hbm>> -> memref<1048576x16xf32, #tpu.memory_space<hbm>>
      tpu.wait_indirect_dma semaphore(%arg18 : memref<!tpu.dma_semaphore, #tpu.memory_space<semaphore_mem>>) src(%dma_wait3A_883 : memref<1048576x16xf32, #tpu.memory_space<hbm>>) dst(%dma_wait3A_877 : memref<128x16xf32, #tpu.memory_space<vmem>>)
      %dma_wait3A_884 = arith.constant 3 : i32
      %dma_wait3A_885 = arith.constant 3 : i32
      %dma_wait3A_886 = arith.constant 128 : i32
      %dma_wait3A_887 = arith.constant 0 : i32
      %dma_wait3A_888 = tpu.memref_slice %arg12[%dma_wait3A_885, %dma_wait3A_886, %dma_wait3A_887] : memref<4x512x16xf32, #tpu.memory_space<vmem>> -> memref<1x128x16xf32, #tpu.memory_space<vmem>>
      %dma_wait3A_889 = tpu.memref_squeeze %dma_wait3A_888 : memref<1x128x16xf32, #tpu.memory_space<vmem>> -> memref<128x16xf32, #tpu.memory_space<vmem>>
      %dma_wait3A_890 = arith.constant 128 : i32
      %dma_wait3A_891 = tpu.memref_slice %arg8[%dma_wait3A_884, %dma_wait3A_890] : memref<4x512xi32, #tpu.memory_space<vmem>> -> memref<1x128xi32, #tpu.memory_space<vmem>>
      %dma_wait3A_892 = tpu.memref_squeeze %dma_wait3A_891 : memref<1x128xi32, #tpu.memory_space<vmem>> -> memref<128xi32, #tpu.memory_space<vmem>>
      %dma_wait3A_893 = arith.constant 0 : i32
      %dma_wait3A_894 = arith.constant 0 : i32
      %dma_wait3A_895 = tpu.memref_slice %arg2[%dma_wait3A_893, %dma_wait3A_894] : memref<1048576x16xf32, #tpu.memory_space<hbm>> -> memref<1048576x16xf32, #tpu.memory_space<hbm>>
      tpu.wait_indirect_dma semaphore(%arg18 : memref<!tpu.dma_semaphore, #tpu.memory_space<semaphore_mem>>) src(%dma_wait3A_895 : memref<1048576x16xf32, #tpu.memory_space<hbm>>) dst(%dma_wait3A_889 : memref<128x16xf32, #tpu.memory_space<vmem>>)
      %dma_wait3A_896 = arith.constant 3 : i32
      %dma_wait3A_897 = arith.constant 3 : i32
      %dma_wait3A_898 = arith.constant 256 : i32
      %dma_wait3A_899 = arith.constant 0 : i32
      %dma_wait3A_900 = tpu.memref_slice %arg12[%dma_wait3A_897, %dma_wait3A_898, %dma_wait3A_899] : memref<4x512x16xf32, #tpu.memory_space<vmem>> -> memref<1x128x16xf32, #tpu.memory_space<vmem>>
      %dma_wait3A_901 = tpu.memref_squeeze %dma_wait3A_900 : memref<1x128x16xf32, #tpu.memory_space<vmem>> -> memref<128x16xf32, #tpu.memory_space<vmem>>
      %dma_wait3A_902 = arith.constant 256 : i32
      %dma_wait3A_903 = tpu.memref_slice %arg8[%dma_wait3A_896, %dma_wait3A_902] : memref<4x512xi32, #tpu.memory_space<vmem>> -> memref<1x128xi32, #tpu.memory_space<vmem>>
      %dma_wait3A_904 = tpu.memref_squeeze %dma_wait3A_903 : memref<1x128xi32, #tpu.memory_space<vmem>> -> memref<128xi32, #tpu.memory_space<vmem>>
      %dma_wait3A_905 = arith.constant 0 : i32
      %dma_wait3A_906 = arith.constant 0 : i32
      %dma_wait3A_907 = tpu.memref_slice %arg2[%dma_wait3A_905, %dma_wait3A_906] : memref<1048576x16xf32, #tpu.memory_space<hbm>> -> memref<1048576x16xf32, #tpu.memory_space<hbm>>
      tpu.wait_indirect_dma semaphore(%arg18 : memref<!tpu.dma_semaphore, #tpu.memory_space<semaphore_mem>>) src(%dma_wait3A_907 : memref<1048576x16xf32, #tpu.memory_space<hbm>>) dst(%dma_wait3A_901 : memref<128x16xf32, #tpu.memory_space<vmem>>)
      %dma_wait3A_908 = arith.constant 3 : i32
      %dma_wait3A_909 = arith.constant 3 : i32
      %dma_wait3A_910 = arith.constant 384 : i32
      %dma_wait3A_911 = arith.constant 0 : i32
      %dma_wait3A_912 = tpu.memref_slice %arg12[%dma_wait3A_909, %dma_wait3A_910, %dma_wait3A_911] : memref<4x512x16xf32, #tpu.memory_space<vmem>> -> memref<1x128x16xf32, #tpu.memory_space<vmem>>
      %dma_wait3A_913 = tpu.memref_squeeze %dma_wait3A_912 : memref<1x128x16xf32, #tpu.memory_space<vmem>> -> memref<128x16xf32, #tpu.memory_space<vmem>>
      %dma_wait3A_914 = arith.constant 384 : i32
      %dma_wait3A_915 = tpu.memref_slice %arg8[%dma_wait3A_908, %dma_wait3A_914] : memref<4x512xi32, #tpu.memory_space<vmem>> -> memref<1x128xi32, #tpu.memory_space<vmem>>
      %dma_wait3A_916 = tpu.memref_squeeze %dma_wait3A_915 : memref<1x128xi32, #tpu.memory_space<vmem>> -> memref<128xi32, #tpu.memory_space<vmem>>
      %dma_wait3A_917 = arith.constant 0 : i32
      %dma_wait3A_918 = arith.constant 0 : i32
      %dma_wait3A_919 = tpu.memref_slice %arg2[%dma_wait3A_917, %dma_wait3A_918] : memref<1048576x16xf32, #tpu.memory_space<hbm>> -> memref<1048576x16xf32, #tpu.memory_space<hbm>>
      tpu.wait_indirect_dma semaphore(%arg18 : memref<!tpu.dma_semaphore, #tpu.memory_space<semaphore_mem>>) src(%dma_wait3A_919 : memref<1048576x16xf32, #tpu.memory_space<hbm>>) dst(%dma_wait3A_913 : memref<128x16xf32, #tpu.memory_space<vmem>>)
      %ge3A = arith.constant 2 : i32
      %ge3A_920 = arith.cmpi sge, %mul3A_505, %ge3A : i32
      %convert_element_type3A_921 = arith.extui %ge3A_920 : i1 to i32
      %cond3A_922 = arith.constant 0 : i32
      %cond3A_923 = arith.cmpi ne, %convert_element_type3A_921, %cond3A_922 : i32
      scf.if %cond3A_923 {
        %dma_wait3A_947 = arith.constant 0 : i32
        %dma_wait3A_948 = arith.constant 0 : i32
        %dma_wait3A_949 = arith.constant 0 : i32
        %dma_wait3A_950 = tpu.memref_slice %arg5[%dma_wait3A_947, %dma_wait3A_948, %dma_wait3A_949] : memref<4x512x8192xf32, #tpu.memory_space<hbm>> -> memref<1x1x8192xf32, #tpu.memory_space<hbm>>
        %dma_wait3A_951 = tpu.memref_squeeze %dma_wait3A_950 : memref<1x1x8192xf32, #tpu.memory_space<hbm>> -> memref<8192xf32, #tpu.memory_space<hbm>>
        %dma_wait3A_952 = arith.constant 0 : i32
        %dma_wait3A_953 = tpu.memref_slice %arg5[%dma_wait3A_947, %dma_wait3A_948, %dma_wait3A_952] : memref<4x512x8192xf32, #tpu.memory_space<hbm>> -> memref<1x1x8192xf32, #tpu.memory_space<hbm>>
        %dma_wait3A_954 = tpu.memref_squeeze %dma_wait3A_953 : memref<1x1x8192xf32, #tpu.memory_space<hbm>> -> memref<8192xf32, #tpu.memory_space<hbm>>
        tpu.wait_dma2 semaphore(%arg20 : memref<!tpu.dma_semaphore, #tpu.memory_space<semaphore_mem>>) src(%arg14 : memref<8192xf32, #tpu.memory_space<vmem>>) dst(%dma_wait3A_954 : memref<8192xf32, #tpu.memory_space<hbm>>)
      } else {
      }
      %parallel_loop3A_924 = arith.constant 0 : i32
      %parallel_loop3A_925 = arith.constant 512 : i32
      %parallel_loop3A_926 = arith.constant 1 : i32
      scf.for %parallel_loop3A_947 = %parallel_loop3A_924 to %parallel_loop3A_925 step %parallel_loop3A_926  : i32 {
        %parallel_loop3A_948 = vector.broadcast %parallel_loop3A_947 : i32 to vector<16xi32>
        %parallel_loop3A_949 = arith.constant 0 : i32
        %parallel_loop3A_950 = vector.broadcast %parallel_loop3A_949 : i32 to vector<16xi32>
        %parallel_loop3A_951 = tpu.vector_load_idx %arg10[%parallel_loop3A_950, %parallel_loop3A_948] : memref<4x512xf32, #tpu.memory_space<vmem>>[vector<16xi32>, vector<16xi32>], vector<16xf32>,
        %parallel_loop3A_952 = arith.constant 1 : i32
        %parallel_loop3A_953 = vector.broadcast %parallel_loop3A_952 : i32 to vector<16xi32>
        %parallel_loop3A_954 = tpu.vector_load_idx %arg10[%parallel_loop3A_953, %parallel_loop3A_948] : memref<4x512xf32, #tpu.memory_space<vmem>>[vector<16xi32>, vector<16xi32>], vector<16xf32>,
        %parallel_loop3A_955 = arith.constant 2 : i32
        %parallel_loop3A_956 = vector.broadcast %parallel_loop3A_955 : i32 to vector<16xi32>
        %parallel_loop3A_957 = tpu.vector_load_idx %arg10[%parallel_loop3A_956, %parallel_loop3A_948] : memref<4x512xf32, #tpu.memory_space<vmem>>[vector<16xi32>, vector<16xi32>], vector<16xf32>,
        %parallel_loop3A_958 = arith.constant 3 : i32
        %parallel_loop3A_959 = vector.broadcast %parallel_loop3A_958 : i32 to vector<16xi32>
        %parallel_loop3A_960 = tpu.vector_load_idx %arg10[%parallel_loop3A_959, %parallel_loop3A_948] : memref<4x512xf32, #tpu.memory_space<vmem>>[vector<16xi32>, vector<16xi32>], vector<16xf32>,
        %parallel_loop3A_961 = arith.constant 0 : i32
        %parallel_loop3A_962 = arith.index_cast %parallel_loop3A_961 : i32 to index
        %parallel_loop3A_963 = arith.index_cast %parallel_loop3A_947 : i32 to index
        %parallel_loop3A_964 = arith.constant 0 : index
        %parallel_loop3A_965 = tpu.vector_load %arg12[%parallel_loop3A_962, %parallel_loop3A_963, %parallel_loop3A_964] {strides = array<i32>} : memref<4x512x16xf32, #tpu.memory_space<vmem>>, vector<16xf32>,
        %parallel_loop3A_966 = arith.mulf %parallel_loop3A_951, %parallel_loop3A_965 : vector<16xf32>
        %parallel_loop3A_967 = arith.constant 1 : i32
        %parallel_loop3A_968 = arith.index_cast %parallel_loop3A_967 : i32 to index
        %parallel_loop3A_969 = arith.index_cast %parallel_loop3A_947 : i32 to index
        %parallel_loop3A_970 = arith.constant 0 : index
        %parallel_loop3A_971 = tpu.vector_load %arg12[%parallel_loop3A_968, %parallel_loop3A_969, %parallel_loop3A_970] {strides = array<i32>} : memref<4x512x16xf32, #tpu.memory_space<vmem>>, vector<16xf32>,
        %parallel_loop3A_972 = arith.mulf %parallel_loop3A_954, %parallel_loop3A_971 : vector<16xf32>
        %parallel_loop3A_973 = arith.addf %parallel_loop3A_966, %parallel_loop3A_972 : vector<16xf32>
        %parallel_loop3A_974 = arith.constant 2 : i32
        %parallel_loop3A_975 = arith.index_cast %parallel_loop3A_974 : i32 to index
        %parallel_loop3A_976 = arith.index_cast %parallel_loop3A_947 : i32 to index
        %parallel_loop3A_977 = arith.constant 0 : index
        %parallel_loop3A_978 = tpu.vector_load %arg12[%parallel_loop3A_975, %parallel_loop3A_976, %parallel_loop3A_977] {strides = array<i32>} : memref<4x512x16xf32, #tpu.memory_space<vmem>>, vector<16xf32>,
        %parallel_loop3A_979 = arith.mulf %parallel_loop3A_957, %parallel_loop3A_978 : vector<16xf32>
        %parallel_loop3A_980 = arith.addf %parallel_loop3A_973, %parallel_loop3A_979 : vector<16xf32>
        %parallel_loop3A_981 = arith.constant 3 : i32
        %parallel_loop3A_982 = arith.index_cast %parallel_loop3A_981 : i32 to index
        %parallel_loop3A_983 = arith.index_cast %parallel_loop3A_947 : i32 to index
        %parallel_loop3A_984 = arith.constant 0 : index
        %parallel_loop3A_985 = tpu.vector_load %arg12[%parallel_loop3A_982, %parallel_loop3A_983, %parallel_loop3A_984] {strides = array<i32>} : memref<4x512x16xf32, #tpu.memory_space<vmem>>, vector<16xf32>,
        %parallel_loop3A_986 = arith.mulf %parallel_loop3A_960, %parallel_loop3A_985 : vector<16xf32>
        %parallel_loop3A_987 = arith.addf %parallel_loop3A_980, %parallel_loop3A_986 : vector<16xf32>
        %parallel_loop3A_988 = arith.constant 7 : i32
        %parallel_loop3A_989 = arith.shrui %parallel_loop3A_947, %parallel_loop3A_988 : i32
        %parallel_loop3A_990 = arith.constant 10 : i32
        %parallel_loop3A_991 = arith.shli %parallel_loop3A_989, %parallel_loop3A_990 : i32
        %parallel_loop3A_992 = arith.constant 127 : i32
        %parallel_loop3A_993 = arith.andi %parallel_loop3A_947, %parallel_loop3A_992 : i32
        %parallel_loop3A_994 = arith.addi %parallel_loop3A_991, %parallel_loop3A_993 : i32
        %parallel_loop3A_995 = vector.broadcast %parallel_loop3A_994 : i32 to vector<16xi32>
        %parallel_loop3A_996 = arith.addi %add3A_12, %parallel_loop3A_995 : vector<16xi32>
        tpu.vector_store_idx %arg14[%parallel_loop3A_996], %parallel_loop3A_987 : memref<8192xf32, #tpu.memory_space<vmem>>[vector<16xi32>], vector<16xf32>,
      } {sc.loop_unroll_factor = 8 : i64, sc.parallel_access}
      %mul3A_927 = arith.constant 64 : i32
      %mul3A_928 = arith.muli %add3A, %mul3A_927 : i32
      %add3A_929 = arith.addi %mul3A_928, %mul3A_505 : i32
      %shift_right_logical3A_930 = arith.constant 9 : i32
      %shift_right_logical3A_931 = arith.shrui %add3A_929, %shift_right_logical3A_930 : i32
      %and3A_932 = arith.constant 511 : i32
      %and3A_933 = arith.andi %add3A_929, %and3A_932 : i32
      %dma_start3A_934 = arith.constant 0 : i32
      %dma_start3A_935 = tpu.memref_slice %arg5[%shift_right_logical3A_931, %and3A_933, %dma_start3A_934] : memref<4x512x8192xf32, #tpu.memory_space<hbm>> -> memref<1x1x8192xf32, #tpu.memory_space<hbm>>
      %dma_start3A_936 = tpu.memref_squeeze %dma_start3A_935 : memref<1x1x8192xf32, #tpu.memory_space<hbm>> -> memref<8192xf32, #tpu.memory_space<hbm>>
      %dma_start3A_937 = arith.constant 0 : i32
      %dma_start3A_938 = tpu.memref_slice %arg5[%shift_right_logical3A_931, %and3A_933, %dma_start3A_937] : memref<4x512x8192xf32, #tpu.memory_space<hbm>> -> memref<1x1x8192xf32, #tpu.memory_space<hbm>>
      %dma_start3A_939 = tpu.memref_squeeze %dma_start3A_938 : memref<1x1x8192xf32, #tpu.memory_space<hbm>> -> memref<8192xf32, #tpu.memory_space<hbm>>
      tpu.enqueue_dma source(%arg14 : memref<8192xf32, #tpu.memory_space<vmem>>) target(%dma_start3A_939 : memref<8192xf32, #tpu.memory_space<hbm>>) target_semaphore(%arg20 : memref<!tpu.dma_semaphore, #tpu.memory_space<semaphore_mem>>)
      %add3A_940 = arith.constant 2 : i32
      %add3A_941 = arith.addi %mul3A_505, %add3A_940 : i32
      %le3A_942 = arith.constant 63 : i32
      %le3A_943 = arith.cmpi sle, %add3A_941, %le3A_942 : i32
      %convert_element_type3A_944 = arith.extui %le3A_943 : i1 to i32
      %cond3A_945 = arith.constant 0 : i32
      %cond3A_946 = arith.cmpi ne, %convert_element_type3A_944, %cond3A_945 : i32
      scf.if %cond3A_946 {
        %add3A_947 = arith.constant 1 : i32
        %add3A_948 = arith.addi %mul3A_505, %add3A_947 : i32
        %dma_wait3A_949 = arith.constant 0 : i32
        %dma_wait3A_950 = arith.constant 0 : i32
        %dma_wait3A_951 = tpu.memref_slice %arg6[%dma_wait3A_949, %dma_wait3A_950] : memref<2x512xf32, #tpu.memory_space<vmem>> -> memref<1x512xf32, #tpu.memory_space<vmem>>
        %dma_wait3A_952 = tpu.memref_squeeze %dma_wait3A_951 : memref<1x512xf32, #tpu.memory_space<vmem>> -> memref<512xf32, #tpu.memory_space<vmem>>
        %dma_wait3A_953 = tpu.memref_slice %arg3[%mul3A_2] : memref<1048576xf32, #tpu.memory_space<hbm>> -> memref<512xf32, #tpu.memory_space<hbm>>
        %dma_wait3A_954 = arith.constant 0 : i32
        %dma_wait3A_955 = tpu.memref_slice %arg6[%dma_wait3A_949, %dma_wait3A_954] : memref<2x512xf32, #tpu.memory_space<vmem>> -> memref<1x512xf32, #tpu.memory_space<vmem>>
        %dma_wait3A_956 = tpu.memref_squeeze %dma_wait3A_955 : memref<1x512xf32, #tpu.memory_space<vmem>> -> memref<512xf32, #tpu.memory_space<vmem>>
        %dma_wait3A_957 = tpu.memref_slice %arg3[%mul3A_2] : memref<1048576xf32, #tpu.memory_space<hbm>> -> memref<512xf32, #tpu.memory_space<hbm>>
        tpu.wait_dma2 semaphore(%arg16 : memref<!tpu.dma_semaphore, #tpu.memory_space<semaphore_mem>>) src(%dma_wait3A_957 : memref<512xf32, #tpu.memory_space<hbm>>) dst(%dma_wait3A_956 : memref<512xf32, #tpu.memory_space<vmem>>)
        %dma_wait3A_958 = arith.constant 1 : i32
        %dma_wait3A_959 = arith.constant 0 : i32
        %dma_wait3A_960 = tpu.memref_slice %arg6[%dma_wait3A_958, %dma_wait3A_959] : memref<2x512xf32, #tpu.memory_space<vmem>> -> memref<1x512xf32, #tpu.memory_space<vmem>>
        %dma_wait3A_961 = tpu.memref_squeeze %dma_wait3A_960 : memref<1x512xf32, #tpu.memory_space<vmem>> -> memref<512xf32, #tpu.memory_space<vmem>>
        %dma_wait3A_962 = tpu.memref_slice %arg4[%mul3A_2] : memref<1048576xf32, #tpu.memory_space<hbm>> -> memref<512xf32, #tpu.memory_space<hbm>>
        %dma_wait3A_963 = arith.constant 0 : i32
        %dma_wait3A_964 = tpu.memref_slice %arg6[%dma_wait3A_958, %dma_wait3A_963] : memref<2x512xf32, #tpu.memory_space<vmem>> -> memref<1x512xf32, #tpu.memory_space<vmem>>
        %dma_wait3A_965 = tpu.memref_squeeze %dma_wait3A_964 : memref<1x512xf32, #tpu.memory_space<vmem>> -> memref<512xf32, #tpu.memory_space<vmem>>
        %dma_wait3A_966 = tpu.memref_slice %arg4[%mul3A_2] : memref<1048576xf32, #tpu.memory_space<hbm>> -> memref<512xf32, #tpu.memory_space<hbm>>
        tpu.wait_dma2 semaphore(%arg16 : memref<!tpu.dma_semaphore, #tpu.memory_space<semaphore_mem>>) src(%dma_wait3A_966 : memref<512xf32, #tpu.memory_space<hbm>>) dst(%dma_wait3A_965 : memref<512xf32, #tpu.memory_space<vmem>>)
        %add3A_967 = arith.constant 1 : i32
        %add3A_968 = arith.addi %add3A_948, %add3A_967 : i32
        %mul3A_969 = arith.constant 512 : i32
        %mul3A_970 = arith.muli %add3A_968, %mul3A_969 : i32
        %add3A_971 = arith.addi %mul3A_2, %mul3A_970 : i32
        %parallel_loop3A_972 = arith.constant 0 : i32
        %parallel_loop3A_973 = arith.constant 32 : i32
        %parallel_loop3A_974 = arith.constant 1 : i32
        scf.for %parallel_loop3A_1387 = %parallel_loop3A_972 to %parallel_loop3A_973 step %parallel_loop3A_974  : i32 {
          %parallel_loop3A_1388 = arith.constant 16 : i32
          %parallel_loop3A_1389 = arith.muli %parallel_loop3A_1387, %parallel_loop3A_1388 : i32
          %parallel_loop3A_1390 = arith.constant 16 : i32
          %parallel_loop3A_1391 = arith.muli %parallel_loop3A_1387, %parallel_loop3A_1390 : i32
          %parallel_loop3A_1392 = arith.addi %add3A_971, %parallel_loop3A_1391 : i32
          %parallel_loop3A_1393 = vector.broadcast %parallel_loop3A_1392 : i32 to vector<16xi32>
          %parallel_loop3A_1394 = arith.addi %parallel_loop3A_1393, %iota3A : vector<16xi32>
          %parallel_loop3A_1395 = arith.constant 0 : i32
          %parallel_loop3A_1396 = arith.index_cast %parallel_loop3A_1395 : i32 to index
          %parallel_loop3A_1397 = arith.index_cast %parallel_loop3A_1389 : i32 to index
          %parallel_loop3A_1398 = tpu.vector_load %arg6[%parallel_loop3A_1396, %parallel_loop3A_1397] {strides = array<i32>} : memref<2x512xf32, #tpu.memory_space<vmem>>, vector<16xf32>,
          %parallel_loop3A_1399 = arith.constant 1 : i32
          %parallel_loop3A_1400 = arith.index_cast %parallel_loop3A_1399 : i32 to index
          %parallel_loop3A_1401 = arith.index_cast %parallel_loop3A_1389 : i32 to index
          %parallel_loop3A_1402 = tpu.vector_load %arg6[%parallel_loop3A_1400, %parallel_loop3A_1401] {strides = array<i32>} : memref<2x512xf32, #tpu.memory_space<vmem>>, vector<16xf32>,
          %parallel_loop3A_1403 = arith.constant 511 : i32
          %parallel_loop3A_1404 = vector.broadcast %parallel_loop3A_1403 : i32 to vector<16xi32>
          %parallel_loop3A_1405 = arith.andi %parallel_loop3A_1394, %parallel_loop3A_1404 : vector<16xi32>
          %parallel_loop3A_1406 = arith.constant 9 : i32
          %parallel_loop3A_1407 = vector.broadcast %parallel_loop3A_1406 : i32 to vector<16xi32>
          %parallel_loop3A_1408 = arith.shrui %parallel_loop3A_1394, %parallel_loop3A_1407 : vector<16xi32>
          %parallel_loop3A_1409 = arith.constant 511 : i32
          %parallel_loop3A_1410 = vector.broadcast %parallel_loop3A_1409 : i32 to vector<16xi32>
          %parallel_loop3A_1411 = arith.andi %parallel_loop3A_1408, %parallel_loop3A_1410 : vector<16xi32>
          %parallel_loop3A_1412 = arith.constant 18 : i32
          %parallel_loop3A_1413 = vector.broadcast %parallel_loop3A_1412 : i32 to vector<16xi32>
          %parallel_loop3A_1414 = arith.shrui %parallel_loop3A_1394, %parallel_loop3A_1413 : vector<16xi32>
          %parallel_loop3A_1415 = arith.sitofp %parallel_loop3A_1405 : vector<16xi32> to vector<16xf32>
          %parallel_loop3A_1416 = arith.addf %parallel_loop3A_1415, %parallel_loop3A_1398 : vector<16xf32>
          %parallel_loop3A_1417 = arith.sitofp %parallel_loop3A_1411 : vector<16xi32> to vector<16xf32>
          %parallel_loop3A_1418 = arith.addf %parallel_loop3A_1417, %parallel_loop3A_1402 : vector<16xf32>
          %parallel_loop3A_1419 = arith.fptosi %parallel_loop3A_1416 : vector<16xf32> to vector<16xi32>
          %parallel_loop3A_1420 = arith.sitofp %parallel_loop3A_1419 : vector<16xi32> to vector<16xf32>
          %parallel_loop3A_1421 = arith.cmpf ogt, %parallel_loop3A_1420, %parallel_loop3A_1416 : vector<16xf32>
          %parallel_loop3A_1422 = arith.constant 1 : i32
          %parallel_loop3A_1423 = vector.broadcast %parallel_loop3A_1422 : i32 to vector<16xi32>
          %parallel_loop3A_1424 = arith.subi %parallel_loop3A_1419, %parallel_loop3A_1423 : vector<16xi32>
          %parallel_loop3A_1425 = arith.select %parallel_loop3A_1421, %parallel_loop3A_1424, %parallel_loop3A_1419 : vector<16xi1>, vector<16xi32>
          %parallel_loop3A_1426 = arith.fptosi %parallel_loop3A_1418 : vector<16xf32> to vector<16xi32>
          %parallel_loop3A_1427 = arith.sitofp %parallel_loop3A_1426 : vector<16xi32> to vector<16xf32>
          %parallel_loop3A_1428 = arith.cmpf ogt, %parallel_loop3A_1427, %parallel_loop3A_1418 : vector<16xf32>
          %parallel_loop3A_1429 = arith.constant 1 : i32
          %parallel_loop3A_1430 = vector.broadcast %parallel_loop3A_1429 : i32 to vector<16xi32>
          %parallel_loop3A_1431 = arith.subi %parallel_loop3A_1426, %parallel_loop3A_1430 : vector<16xi32>
          %parallel_loop3A_1432 = arith.select %parallel_loop3A_1428, %parallel_loop3A_1431, %parallel_loop3A_1426 : vector<16xi1>, vector<16xi32>
          %parallel_loop3A_1433 = arith.constant 0 : i32
          %parallel_loop3A_1434 = arith.constant 511 : i32
          %parallel_loop3A_1435 = vector.broadcast %parallel_loop3A_1433 : i32 to vector<16xi32>
          %parallel_loop3A_1436 = arith.maxsi %parallel_loop3A_1435, %parallel_loop3A_1425 : vector<16xi32>
          %parallel_loop3A_1437 = vector.broadcast %parallel_loop3A_1434 : i32 to vector<16xi32>
          %parallel_loop3A_1438 = arith.minsi %parallel_loop3A_1437, %parallel_loop3A_1436 : vector<16xi32>
          %parallel_loop3A_1439 = arith.constant 1 : i32
          %parallel_loop3A_1440 = vector.broadcast %parallel_loop3A_1439 : i32 to vector<16xi32>
          %parallel_loop3A_1441 = arith.addi %parallel_loop3A_1425, %parallel_loop3A_1440 : vector<16xi32>
          %parallel_loop3A_1442 = arith.constant 0 : i32
          %parallel_loop3A_1443 = arith.constant 511 : i32
          %parallel_loop3A_1444 = vector.broadcast %parallel_loop3A_1442 : i32 to vector<16xi32>
          %parallel_loop3A_1445 = arith.maxsi %parallel_loop3A_1444, %parallel_loop3A_1441 : vector<16xi32>
          %parallel_loop3A_1446 = vector.broadcast %parallel_loop3A_1443 : i32 to vector<16xi32>
          %parallel_loop3A_1447 = arith.minsi %parallel_loop3A_1446, %parallel_loop3A_1445 : vector<16xi32>
          %parallel_loop3A_1448 = arith.constant 0 : i32
          %parallel_loop3A_1449 = arith.constant 511 : i32
          %parallel_loop3A_1450 = vector.broadcast %parallel_loop3A_1448 : i32 to vector<16xi32>
          %parallel_loop3A_1451 = arith.maxsi %parallel_loop3A_1450, %parallel_loop3A_1432 : vector<16xi32>
          %parallel_loop3A_1452 = vector.broadcast %parallel_loop3A_1449 : i32 to vector<16xi32>
          %parallel_loop3A_1453 = arith.minsi %parallel_loop3A_1452, %parallel_loop3A_1451 : vector<16xi32>
          %parallel_loop3A_1454 = arith.constant 1 : i32
          %parallel_loop3A_1455 = vector.broadcast %parallel_loop3A_1454 : i32 to vector<16xi32>
          %parallel_loop3A_1456 = arith.addi %parallel_loop3A_1432, %parallel_loop3A_1455 : vector<16xi32>
          %parallel_loop3A_1457 = arith.constant 0 : i32
          %parallel_loop3A_1458 = arith.constant 511 : i32
          %parallel_loop3A_1459 = vector.broadcast %parallel_loop3A_1457 : i32 to vector<16xi32>
          %parallel_loop3A_1460 = arith.maxsi %parallel_loop3A_1459, %parallel_loop3A_1456 : vector<16xi32>
          %parallel_loop3A_1461 = vector.broadcast %parallel_loop3A_1458 : i32 to vector<16xi32>
          %parallel_loop3A_1462 = arith.minsi %parallel_loop3A_1461, %parallel_loop3A_1460 : vector<16xi32>
          %parallel_loop3A_1463 = arith.sitofp %parallel_loop3A_1438 : vector<16xi32> to vector<16xf32>
          %parallel_loop3A_1464 = arith.sitofp %parallel_loop3A_1447 : vector<16xi32> to vector<16xf32>
          %parallel_loop3A_1465 = arith.sitofp %parallel_loop3A_1453 : vector<16xi32> to vector<16xf32>
          %parallel_loop3A_1466 = arith.sitofp %parallel_loop3A_1462 : vector<16xi32> to vector<16xf32>
          %parallel_loop3A_1467 = arith.subf %parallel_loop3A_1464, %parallel_loop3A_1416 : vector<16xf32>
          %parallel_loop3A_1468 = arith.subf %parallel_loop3A_1466, %parallel_loop3A_1418 : vector<16xf32>
          %parallel_loop3A_1469 = arith.mulf %parallel_loop3A_1467, %parallel_loop3A_1468 : vector<16xf32>
          %parallel_loop3A_1470 = arith.constant 0 : i32
          %parallel_loop3A_1471 = arith.index_cast %parallel_loop3A_1470 : i32 to index
          %parallel_loop3A_1472 = arith.index_cast %parallel_loop3A_1389 : i32 to index
          %parallel_loop3A_1473 = tpu.vector_load %arg10[%parallel_loop3A_1471, %parallel_loop3A_1472] {strides = array<i32>} : memref<4x512xf32, #tpu.memory_space<vmem>>, vector<16xf32>,
          tpu.vector_store %arg10[%parallel_loop3A_1471, %parallel_loop3A_1472], %parallel_loop3A_1469 {strides = array<i32>} : memref<4x512xf32, #tpu.memory_space<vmem>>, vector<16xf32>,
          %parallel_loop3A_1474 = arith.subf %parallel_loop3A_1464, %parallel_loop3A_1416 : vector<16xf32>
          %parallel_loop3A_1475 = arith.subf %parallel_loop3A_1418, %parallel_loop3A_1465 : vector<16xf32>
          %parallel_loop3A_1476 = arith.mulf %parallel_loop3A_1474, %parallel_loop3A_1475 : vector<16xf32>
          %parallel_loop3A_1477 = arith.constant 1 : i32
          %parallel_loop3A_1478 = arith.index_cast %parallel_loop3A_1477 : i32 to index
          %parallel_loop3A_1479 = arith.index_cast %parallel_loop3A_1389 : i32 to index
          %parallel_loop3A_1480 = tpu.vector_load %arg10[%parallel_loop3A_1478, %parallel_loop3A_1479] {strides = array<i32>} : memref<4x512xf32, #tpu.memory_space<vmem>>, vector<16xf32>,
          tpu.vector_store %arg10[%parallel_loop3A_1478, %parallel_loop3A_1479], %parallel_loop3A_1476 {strides = array<i32>} : memref<4x512xf32, #tpu.memory_space<vmem>>, vector<16xf32>,
          %parallel_loop3A_1481 = arith.subf %parallel_loop3A_1416, %parallel_loop3A_1463 : vector<16xf32>
          %parallel_loop3A_1482 = arith.subf %parallel_loop3A_1466, %parallel_loop3A_1418 : vector<16xf32>
          %parallel_loop3A_1483 = arith.mulf %parallel_loop3A_1481, %parallel_loop3A_1482 : vector<16xf32>
          %parallel_loop3A_1484 = arith.constant 2 : i32
          %parallel_loop3A_1485 = arith.index_cast %parallel_loop3A_1484 : i32 to index
          %parallel_loop3A_1486 = arith.index_cast %parallel_loop3A_1389 : i32 to index
          %parallel_loop3A_1487 = tpu.vector_load %arg10[%parallel_loop3A_1485, %parallel_loop3A_1486] {strides = array<i32>} : memref<4x512xf32, #tpu.memory_space<vmem>>, vector<16xf32>,
          tpu.vector_store %arg10[%parallel_loop3A_1485, %parallel_loop3A_1486], %parallel_loop3A_1483 {strides = array<i32>} : memref<4x512xf32, #tpu.memory_space<vmem>>, vector<16xf32>,
          %parallel_loop3A_1488 = arith.subf %parallel_loop3A_1416, %parallel_loop3A_1463 : vector<16xf32>
          %parallel_loop3A_1489 = arith.subf %parallel_loop3A_1418, %parallel_loop3A_1465 : vector<16xf32>
          %parallel_loop3A_1490 = arith.mulf %parallel_loop3A_1488, %parallel_loop3A_1489 : vector<16xf32>
          %parallel_loop3A_1491 = arith.constant 3 : i32
          %parallel_loop3A_1492 = arith.index_cast %parallel_loop3A_1491 : i32 to index
          %parallel_loop3A_1493 = arith.index_cast %parallel_loop3A_1389 : i32 to index
          %parallel_loop3A_1494 = tpu.vector_load %arg10[%parallel_loop3A_1492, %parallel_loop3A_1493] {strides = array<i32>} : memref<4x512xf32, #tpu.memory_space<vmem>>, vector<16xf32>,
          tpu.vector_store %arg10[%parallel_loop3A_1492, %parallel_loop3A_1493], %parallel_loop3A_1490 {strides = array<i32>} : memref<4x512xf32, #tpu.memory_space<vmem>>, vector<16xf32>,
          %parallel_loop3A_1495 = arith.constant 18 : i32
          %parallel_loop3A_1496 = vector.broadcast %parallel_loop3A_1495 : i32 to vector<16xi32>
          %parallel_loop3A_1497 = arith.shli %parallel_loop3A_1414, %parallel_loop3A_1496 : vector<16xi32>
          %parallel_loop3A_1498 = arith.constant 9 : i32
          %parallel_loop3A_1499 = vector.broadcast %parallel_loop3A_1498 : i32 to vector<16xi32>
          %parallel_loop3A_1500 = arith.shli %parallel_loop3A_1453, %parallel_loop3A_1499 : vector<16xi32>
          %parallel_loop3A_1501 = arith.addi %parallel_loop3A_1497, %parallel_loop3A_1500 : vector<16xi32>
          %parallel_loop3A_1502 = arith.constant 9 : i32
          %parallel_loop3A_1503 = vector.broadcast %parallel_loop3A_1502 : i32 to vector<16xi32>
          %parallel_loop3A_1504 = arith.shli %parallel_loop3A_1462, %parallel_loop3A_1503 : vector<16xi32>
          %parallel_loop3A_1505 = arith.addi %parallel_loop3A_1497, %parallel_loop3A_1504 : vector<16xi32>
          %parallel_loop3A_1506 = arith.addi %parallel_loop3A_1501, %parallel_loop3A_1438 : vector<16xi32>
          %parallel_loop3A_1507 = arith.constant 0 : i32
          %parallel_loop3A_1508 = arith.index_cast %parallel_loop3A_1507 : i32 to index
          %parallel_loop3A_1509 = arith.index_cast %parallel_loop3A_1389 : i32 to index
          %parallel_loop3A_1510 = tpu.vector_load %arg8[%parallel_loop3A_1508, %parallel_loop3A_1509] {strides = array<i32>} : memref<4x512xi32, #tpu.memory_space<vmem>>, vector<16xi32>,
          tpu.vector_store %arg8[%parallel_loop3A_1508, %parallel_loop3A_1509], %parallel_loop3A_1506 {strides = array<i32>} : memref<4x512xi32, #tpu.memory_space<vmem>>, vector<16xi32>,
          %parallel_loop3A_1511 = arith.addi %parallel_loop3A_1505, %parallel_loop3A_1438 : vector<16xi32>
          %parallel_loop3A_1512 = arith.constant 1 : i32
          %parallel_loop3A_1513 = arith.index_cast %parallel_loop3A_1512 : i32 to index
          %parallel_loop3A_1514 = arith.index_cast %parallel_loop3A_1389 : i32 to index
          %parallel_loop3A_1515 = tpu.vector_load %arg8[%parallel_loop3A_1513, %parallel_loop3A_1514] {strides = array<i32>} : memref<4x512xi32, #tpu.memory_space<vmem>>, vector<16xi32>,
          tpu.vector_store %arg8[%parallel_loop3A_1513, %parallel_loop3A_1514], %parallel_loop3A_1511 {strides = array<i32>} : memref<4x512xi32, #tpu.memory_space<vmem>>, vector<16xi32>,
          %parallel_loop3A_1516 = arith.addi %parallel_loop3A_1501, %parallel_loop3A_1447 : vector<16xi32>
          %parallel_loop3A_1517 = arith.constant 2 : i32
          %parallel_loop3A_1518 = arith.index_cast %parallel_loop3A_1517 : i32 to index
          %parallel_loop3A_1519 = arith.index_cast %parallel_loop3A_1389 : i32 to index
          %parallel_loop3A_1520 = tpu.vector_load %arg8[%parallel_loop3A_1518, %parallel_loop3A_1519] {strides = array<i32>} : memref<4x512xi32, #tpu.memory_space<vmem>>, vector<16xi32>,
          tpu.vector_store %arg8[%parallel_loop3A_1518, %parallel_loop3A_1519], %parallel_loop3A_1516 {strides = array<i32>} : memref<4x512xi32, #tpu.memory_space<vmem>>, vector<16xi32>,
          %parallel_loop3A_1521 = arith.addi %parallel_loop3A_1505, %parallel_loop3A_1447 : vector<16xi32>
          %parallel_loop3A_1522 = arith.constant 3 : i32
          %parallel_loop3A_1523 = arith.index_cast %parallel_loop3A_1522 : i32 to index
          %parallel_loop3A_1524 = arith.index_cast %parallel_loop3A_1389 : i32 to index
          %parallel_loop3A_1525 = tpu.vector_load %arg8[%parallel_loop3A_1523, %parallel_loop3A_1524] {strides = array<i32>} : memref<4x512xi32, #tpu.memory_space<vmem>>, vector<16xi32>,
          tpu.vector_store %arg8[%parallel_loop3A_1523, %parallel_loop3A_1524], %parallel_loop3A_1521 {strides = array<i32>} : memref<4x512xi32, #tpu.memory_space<vmem>>, vector<16xi32>,
        } {sc.loop_unroll_factor = 4 : i64, sc.parallel_access}
        %dma_start3A_975 = arith.constant 0 : i32
        %dma_start3A_976 = arith.constant 0 : i32
        %dma_start3A_977 = arith.constant 0 : i32
        %dma_start3A_978 = arith.constant 0 : i32
        %dma_start3A_979 = tpu.memref_slice %arg12[%dma_start3A_976, %dma_start3A_977, %dma_start3A_978] : memref<4x512x16xf32, #tpu.memory_space<vmem>> -> memref<1x128x16xf32, #tpu.memory_space<vmem>>
        %dma_start3A_980 = tpu.memref_squeeze %dma_start3A_979 : memref<1x128x16xf32, #tpu.memory_space<vmem>> -> memref<128x16xf32, #tpu.memory_space<vmem>>
        %dma_start3A_981 = arith.constant 0 : i32
        %dma_start3A_982 = tpu.memref_slice %arg8[%dma_start3A_975, %dma_start3A_981] : memref<4x512xi32, #tpu.memory_space<vmem>> -> memref<1x128xi32, #tpu.memory_space<vmem>>
        %dma_start3A_983 = tpu.memref_squeeze %dma_start3A_982 : memref<1x128xi32, #tpu.memory_space<vmem>> -> memref<128xi32, #tpu.memory_space<vmem>>
        %dma_start3A_984 = arith.constant 0 : i32
        %dma_start3A_985 = arith.constant 0 : i32
        %dma_start3A_986 = tpu.memref_slice %arg2[%dma_start3A_984, %dma_start3A_985] : memref<1048576x16xf32, #tpu.memory_space<hbm>> -> memref<1048576x16xf32, #tpu.memory_space<hbm>>
        tpu.enqueue_indirect_dma source(%dma_start3A_986 : memref<1048576x16xf32, #tpu.memory_space<hbm>>) target(%dma_start3A_980 : memref<128x16xf32, #tpu.memory_space<vmem>>) offsets(%dma_start3A_983 : memref<128xi32, #tpu.memory_space<vmem>>) semaphore(%arg18 : memref<!tpu.dma_semaphore, #tpu.memory_space<semaphore_mem>>)
        %dma_start3A_987 = arith.constant 0 : i32
        %dma_start3A_988 = arith.constant 0 : i32
        %dma_start3A_989 = arith.constant 128 : i32
        %dma_start3A_990 = arith.constant 0 : i32
        %dma_start3A_991 = tpu.memref_slice %arg12[%dma_start3A_988, %dma_start3A_989, %dma_start3A_990] : memref<4x512x16xf32, #tpu.memory_space<vmem>> -> memref<1x128x16xf32, #tpu.memory_space<vmem>>
        %dma_start3A_992 = tpu.memref_squeeze %dma_start3A_991 : memref<1x128x16xf32, #tpu.memory_space<vmem>> -> memref<128x16xf32, #tpu.memory_space<vmem>>
        %dma_start3A_993 = arith.constant 128 : i32
        %dma_start3A_994 = tpu.memref_slice %arg8[%dma_start3A_987, %dma_start3A_993] : memref<4x512xi32, #tpu.memory_space<vmem>> -> memref<1x128xi32, #tpu.memory_space<vmem>>
        %dma_start3A_995 = tpu.memref_squeeze %dma_start3A_994 : memref<1x128xi32, #tpu.memory_space<vmem>> -> memref<128xi32, #tpu.memory_space<vmem>>
        %dma_start3A_996 = arith.constant 0 : i32
        %dma_start3A_997 = arith.constant 0 : i32
        %dma_start3A_998 = tpu.memref_slice %arg2[%dma_start3A_996, %dma_start3A_997] : memref<1048576x16xf32, #tpu.memory_space<hbm>> -> memref<1048576x16xf32, #tpu.memory_space<hbm>>
        tpu.enqueue_indirect_dma source(%dma_start3A_998 : memref<1048576x16xf32, #tpu.memory_space<hbm>>) target(%dma_start3A_992 : memref<128x16xf32, #tpu.memory_space<vmem>>) offsets(%dma_start3A_995 : memref<128xi32, #tpu.memory_space<vmem>>) semaphore(%arg18 : memref<!tpu.dma_semaphore, #tpu.memory_space<semaphore_mem>>)
        %dma_start3A_999 = arith.constant 0 : i32
        %dma_start3A_1000 = arith.constant 0 : i32
        %dma_start3A_1001 = arith.constant 256 : i32
        %dma_start3A_1002 = arith.constant 0 : i32
        %dma_start3A_1003 = tpu.memref_slice %arg12[%dma_start3A_1000, %dma_start3A_1001, %dma_start3A_1002] : memref<4x512x16xf32, #tpu.memory_space<vmem>> -> memref<1x128x16xf32, #tpu.memory_space<vmem>>
        %dma_start3A_1004 = tpu.memref_squeeze %dma_start3A_1003 : memref<1x128x16xf32, #tpu.memory_space<vmem>> -> memref<128x16xf32, #tpu.memory_space<vmem>>
        %dma_start3A_1005 = arith.constant 256 : i32
        %dma_start3A_1006 = tpu.memref_slice %arg8[%dma_start3A_999, %dma_start3A_1005] : memref<4x512xi32, #tpu.memory_space<vmem>> -> memref<1x128xi32, #tpu.memory_space<vmem>>
        %dma_start3A_1007 = tpu.memref_squeeze %dma_start3A_1006 : memref<1x128xi32, #tpu.memory_space<vmem>> -> memref<128xi32, #tpu.memory_space<vmem>>
        %dma_start3A_1008 = arith.constant 0 : i32
        %dma_start3A_1009 = arith.constant 0 : i32
        %dma_start3A_1010 = tpu.memref_slice %arg2[%dma_start3A_1008, %dma_start3A_1009] : memref<1048576x16xf32, #tpu.memory_space<hbm>> -> memref<1048576x16xf32, #tpu.memory_space<hbm>>
        tpu.enqueue_indirect_dma source(%dma_start3A_1010 : memref<1048576x16xf32, #tpu.memory_space<hbm>>) target(%dma_start3A_1004 : memref<128x16xf32, #tpu.memory_space<vmem>>) offsets(%dma_start3A_1007 : memref<128xi32, #tpu.memory_space<vmem>>) semaphore(%arg18 : memref<!tpu.dma_semaphore, #tpu.memory_space<semaphore_mem>>)
        %dma_start3A_1011 = arith.constant 0 : i32
        %dma_start3A_1012 = arith.constant 0 : i32
        %dma_start3A_1013 = arith.constant 384 : i32
        %dma_start3A_1014 = arith.constant 0 : i32
        %dma_start3A_1015 = tpu.memref_slice %arg12[%dma_start3A_1012, %dma_start3A_1013, %dma_start3A_1014] : memref<4x512x16xf32, #tpu.memory_space<vmem>> -> memref<1x128x16xf32, #tpu.memory_space<vmem>>
        %dma_start3A_1016 = tpu.memref_squeeze %dma_start3A_1015 : memref<1x128x16xf32, #tpu.memory_space<vmem>> -> memref<128x16xf32, #tpu.memory_space<vmem>>
        %dma_start3A_1017 = arith.constant 384 : i32
        %dma_start3A_1018 = tpu.memref_slice %arg8[%dma_start3A_1011, %dma_start3A_1017] : memref<4x512xi32, #tpu.memory_space<vmem>> -> memref<1x128xi32, #tpu.memory_space<vmem>>
        %dma_start3A_1019 = tpu.memref_squeeze %dma_start3A_1018 : memref<1x128xi32, #tpu.memory_space<vmem>> -> memref<128xi32, #tpu.memory_space<vmem>>
        %dma_start3A_1020 = arith.constant 0 : i32
        %dma_start3A_1021 = arith.constant 0 : i32
        %dma_start3A_1022 = tpu.memref_slice %arg2[%dma_start3A_1020, %dma_start3A_1021] : memref<1048576x16xf32, #tpu.memory_space<hbm>> -> memref<1048576x16xf32, #tpu.memory_space<hbm>>
        tpu.enqueue_indirect_dma source(%dma_start3A_1022 : memref<1048576x16xf32, #tpu.memory_space<hbm>>) target(%dma_start3A_1016 : memref<128x16xf32, #tpu.memory_space<vmem>>) offsets(%dma_start3A_1019 : memref<128xi32, #tpu.memory_space<vmem>>) semaphore(%arg18 : memref<!tpu.dma_semaphore, #tpu.memory_space<semaphore_mem>>)
        %dma_start3A_1023 = arith.constant 1 : i32
        %dma_start3A_1024 = arith.constant 1 : i32
        %dma_start3A_1025 = arith.constant 0 : i32
        %dma_start3A_1026 = arith.constant 0 : i32
        %dma_start3A_1027 = tpu.memref_slice %arg12[%dma_start3A_1024, %dma_start3A_1025, %dma_start3A_1026] : memref<4x512x16xf32, #tpu.memory_space<vmem>> -> memref<1x128x16xf32, #tpu.memory_space<vmem>>
        %dma_start3A_1028 = tpu.memref_squeeze %dma_start3A_1027 : memref<1x128x16xf32, #tpu.memory_space<vmem>> -> memref<128x16xf32, #tpu.memory_space<vmem>>
        %dma_start3A_1029 = arith.constant 0 : i32
        %dma_start3A_1030 = tpu.memref_slice %arg8[%dma_start3A_1023, %dma_start3A_1029] : memref<4x512xi32, #tpu.memory_space<vmem>> -> memref<1x128xi32, #tpu.memory_space<vmem>>
        %dma_start3A_1031 = tpu.memref_squeeze %dma_start3A_1030 : memref<1x128xi32, #tpu.memory_space<vmem>> -> memref<128xi32, #tpu.memory_space<vmem>>
        %dma_start3A_1032 = arith.constant 0 : i32
        %dma_start3A_1033 = arith.constant 0 : i32
        %dma_start3A_1034 = tpu.memref_slice %arg2[%dma_start3A_1032, %dma_start3A_1033] : memref<1048576x16xf32, #tpu.memory_space<hbm>> -> memref<1048576x16xf32, #tpu.memory_space<hbm>>
        tpu.enqueue_indirect_dma source(%dma_start3A_1034 : memref<1048576x16xf32, #tpu.memory_space<hbm>>) target(%dma_start3A_1028 : memref<128x16xf32, #tpu.memory_space<vmem>>) offsets(%dma_start3A_1031 : memref<128xi32, #tpu.memory_space<vmem>>) semaphore(%arg18 : memref<!tpu.dma_semaphore, #tpu.memory_space<semaphore_mem>>)
        %dma_start3A_1035 = arith.constant 1 : i32
        %dma_start3A_1036 = arith.constant 1 : i32
        %dma_start3A_1037 = arith.constant 128 : i32
        %dma_start3A_1038 = arith.constant 0 : i32
        %dma_start3A_1039 = tpu.memref_slice %arg12[%dma_start3A_1036, %dma_start3A_1037, %dma_start3A_1038] : memref<4x512x16xf32, #tpu.memory_space<vmem>> -> memref<1x128x16xf32, #tpu.memory_space<vmem>>
        %dma_start3A_1040 = tpu.memref_squeeze %dma_start3A_1039 : memref<1x128x16xf32, #tpu.memory_space<vmem>> -> memref<128x16xf32, #tpu.memory_space<vmem>>
        %dma_start3A_1041 = arith.constant 128 : i32
        %dma_start3A_1042 = tpu.memref_slice %arg8[%dma_start3A_1035, %dma_start3A_1041] : memref<4x512xi32, #tpu.memory_space<vmem>> -> memref<1x128xi32, #tpu.memory_space<vmem>>
        %dma_start3A_1043 = tpu.memref_squeeze %dma_start3A_1042 : memref<1x128xi32, #tpu.memory_space<vmem>> -> memref<128xi32, #tpu.memory_space<vmem>>
        %dma_start3A_1044 = arith.constant 0 : i32
        %dma_start3A_1045 = arith.constant 0 : i32
        %dma_start3A_1046 = tpu.memref_slice %arg2[%dma_start3A_1044, %dma_start3A_1045] : memref<1048576x16xf32, #tpu.memory_space<hbm>> -> memref<1048576x16xf32, #tpu.memory_space<hbm>>
        tpu.enqueue_indirect_dma source(%dma_start3A_1046 : memref<1048576x16xf32, #tpu.memory_space<hbm>>) target(%dma_start3A_1040 : memref<128x16xf32, #tpu.memory_space<vmem>>) offsets(%dma_start3A_1043 : memref<128xi32, #tpu.memory_space<vmem>>) semaphore(%arg18 : memref<!tpu.dma_semaphore, #tpu.memory_space<semaphore_mem>>)
        %dma_start3A_1047 = arith.constant 1 : i32
        %dma_start3A_1048 = arith.constant 1 : i32
        %dma_start3A_1049 = arith.constant 256 : i32
        %dma_start3A_1050 = arith.constant 0 : i32
        %dma_start3A_1051 = tpu.memref_slice %arg12[%dma_start3A_1048, %dma_start3A_1049, %dma_start3A_1050] : memref<4x512x16xf32, #tpu.memory_space<vmem>> -> memref<1x128x16xf32, #tpu.memory_space<vmem>>
        %dma_start3A_1052 = tpu.memref_squeeze %dma_start3A_1051 : memref<1x128x16xf32, #tpu.memory_space<vmem>> -> memref<128x16xf32, #tpu.memory_space<vmem>>
        %dma_start3A_1053 = arith.constant 256 : i32
        %dma_start3A_1054 = tpu.memref_slice %arg8[%dma_start3A_1047, %dma_start3A_1053] : memref<4x512xi32, #tpu.memory_space<vmem>> -> memref<1x128xi32, #tpu.memory_space<vmem>>
        %dma_start3A_1055 = tpu.memref_squeeze %dma_start3A_1054 : memref<1x128xi32, #tpu.memory_space<vmem>> -> memref<128xi32, #tpu.memory_space<vmem>>
        %dma_start3A_1056 = arith.constant 0 : i32
        %dma_start3A_1057 = arith.constant 0 : i32
        %dma_start3A_1058 = tpu.memref_slice %arg2[%dma_start3A_1056, %dma_start3A_1057] : memref<1048576x16xf32, #tpu.memory_space<hbm>> -> memref<1048576x16xf32, #tpu.memory_space<hbm>>
        tpu.enqueue_indirect_dma source(%dma_start3A_1058 : memref<1048576x16xf32, #tpu.memory_space<hbm>>) target(%dma_start3A_1052 : memref<128x16xf32, #tpu.memory_space<vmem>>) offsets(%dma_start3A_1055 : memref<128xi32, #tpu.memory_space<vmem>>) semaphore(%arg18 : memref<!tpu.dma_semaphore, #tpu.memory_space<semaphore_mem>>)
        %dma_start3A_1059 = arith.constant 1 : i32
        %dma_start3A_1060 = arith.constant 1 : i32
        %dma_start3A_1061 = arith.constant 384 : i32
        %dma_start3A_1062 = arith.constant 0 : i32
        %dma_start3A_1063 = tpu.memref_slice %arg12[%dma_start3A_1060, %dma_start3A_1061, %dma_start3A_1062] : memref<4x512x16xf32, #tpu.memory_space<vmem>> -> memref<1x128x16xf32, #tpu.memory_space<vmem>>
        %dma_start3A_1064 = tpu.memref_squeeze %dma_start3A_1063 : memref<1x128x16xf32, #tpu.memory_space<vmem>> -> memref<128x16xf32, #tpu.memory_space<vmem>>
        %dma_start3A_1065 = arith.constant 384 : i32
        %dma_start3A_1066 = tpu.memref_slice %arg8[%dma_start3A_1059, %dma_start3A_1065] : memref<4x512xi32, #tpu.memory_space<vmem>> -> memref<1x128xi32, #tpu.memory_space<vmem>>
        %dma_start3A_1067 = tpu.memref_squeeze %dma_start3A_1066 : memref<1x128xi32, #tpu.memory_space<vmem>> -> memref<128xi32, #tpu.memory_space<vmem>>
        %dma_start3A_1068 = arith.constant 0 : i32
        %dma_start3A_1069 = arith.constant 0 : i32
        %dma_start3A_1070 = tpu.memref_slice %arg2[%dma_start3A_1068, %dma_start3A_1069] : memref<1048576x16xf32, #tpu.memory_space<hbm>> -> memref<1048576x16xf32, #tpu.memory_space<hbm>>
        tpu.enqueue_indirect_dma source(%dma_start3A_1070 : memref<1048576x16xf32, #tpu.memory_space<hbm>>) target(%dma_start3A_1064 : memref<128x16xf32, #tpu.memory_space<vmem>>) offsets(%dma_start3A_1067 : memref<128xi32, #tpu.memory_space<vmem>>) semaphore(%arg18 : memref<!tpu.dma_semaphore, #tpu.memory_space<semaphore_mem>>)
        %dma_start3A_1071 = arith.constant 2 : i32
        %dma_start3A_1072 = arith.constant 2 : i32
        %dma_start3A_1073 = arith.constant 0 : i32
        %dma_start3A_1074 = arith.constant 0 : i32
        %dma_start3A_1075 = tpu.memref_slice %arg12[%dma_start3A_1072, %dma_start3A_1073, %dma_start3A_1074] : memref<4x512x16xf32, #tpu.memory_space<vmem>> -> memref<1x128x16xf32, #tpu.memory_space<vmem>>
        %dma_start3A_1076 = tpu.memref_squeeze %dma_start3A_1075 : memref<1x128x16xf32, #tpu.memory_space<vmem>> -> memref<128x16xf32, #tpu.memory_space<vmem>>
        %dma_start3A_1077 = arith.constant 0 : i32
        %dma_start3A_1078 = tpu.memref_slice %arg8[%dma_start3A_1071, %dma_start3A_1077] : memref<4x512xi32, #tpu.memory_space<vmem>> -> memref<1x128xi32, #tpu.memory_space<vmem>>
        %dma_start3A_1079 = tpu.memref_squeeze %dma_start3A_1078 : memref<1x128xi32, #tpu.memory_space<vmem>> -> memref<128xi32, #tpu.memory_space<vmem>>
        %dma_start3A_1080 = arith.constant 0 : i32
        %dma_start3A_1081 = arith.constant 0 : i32
        %dma_start3A_1082 = tpu.memref_slice %arg2[%dma_start3A_1080, %dma_start3A_1081] : memref<1048576x16xf32, #tpu.memory_space<hbm>> -> memref<1048576x16xf32, #tpu.memory_space<hbm>>
        tpu.enqueue_indirect_dma source(%dma_start3A_1082 : memref<1048576x16xf32, #tpu.memory_space<hbm>>) target(%dma_start3A_1076 : memref<128x16xf32, #tpu.memory_space<vmem>>) offsets(%dma_start3A_1079 : memref<128xi32, #tpu.memory_space<vmem>>) semaphore(%arg18 : memref<!tpu.dma_semaphore, #tpu.memory_space<semaphore_mem>>)
        %dma_start3A_1083 = arith.constant 2 : i32
        %dma_start3A_1084 = arith.constant 2 : i32
        %dma_start3A_1085 = arith.constant 128 : i32
        %dma_start3A_1086 = arith.constant 0 : i32
        %dma_start3A_1087 = tpu.memref_slice %arg12[%dma_start3A_1084, %dma_start3A_1085, %dma_start3A_1086] : memref<4x512x16xf32, #tpu.memory_space<vmem>> -> memref<1x128x16xf32, #tpu.memory_space<vmem>>
        %dma_start3A_1088 = tpu.memref_squeeze %dma_start3A_1087 : memref<1x128x16xf32, #tpu.memory_space<vmem>> -> memref<128x16xf32, #tpu.memory_space<vmem>>
        %dma_start3A_1089 = arith.constant 128 : i32
        %dma_start3A_1090 = tpu.memref_slice %arg8[%dma_start3A_1083, %dma_start3A_1089] : memref<4x512xi32, #tpu.memory_space<vmem>> -> memref<1x128xi32, #tpu.memory_space<vmem>>
        %dma_start3A_1091 = tpu.memref_squeeze %dma_start3A_1090 : memref<1x128xi32, #tpu.memory_space<vmem>> -> memref<128xi32, #tpu.memory_space<vmem>>
        %dma_start3A_1092 = arith.constant 0 : i32
        %dma_start3A_1093 = arith.constant 0 : i32
        %dma_start3A_1094 = tpu.memref_slice %arg2[%dma_start3A_1092, %dma_start3A_1093] : memref<1048576x16xf32, #tpu.memory_space<hbm>> -> memref<1048576x16xf32, #tpu.memory_space<hbm>>
        tpu.enqueue_indirect_dma source(%dma_start3A_1094 : memref<1048576x16xf32, #tpu.memory_space<hbm>>) target(%dma_start3A_1088 : memref<128x16xf32, #tpu.memory_space<vmem>>) offsets(%dma_start3A_1091 : memref<128xi32, #tpu.memory_space<vmem>>) semaphore(%arg18 : memref<!tpu.dma_semaphore, #tpu.memory_space<semaphore_mem>>)
        %dma_start3A_1095 = arith.constant 2 : i32
        %dma_start3A_1096 = arith.constant 2 : i32
        %dma_start3A_1097 = arith.constant 256 : i32
        %dma_start3A_1098 = arith.constant 0 : i32
        %dma_start3A_1099 = tpu.memref_slice %arg12[%dma_start3A_1096, %dma_start3A_1097, %dma_start3A_1098] : memref<4x512x16xf32, #tpu.memory_space<vmem>> -> memref<1x128x16xf32, #tpu.memory_space<vmem>>
        %dma_start3A_1100 = tpu.memref_squeeze %dma_start3A_1099 : memref<1x128x16xf32, #tpu.memory_space<vmem>> -> memref<128x16xf32, #tpu.memory_space<vmem>>
        %dma_start3A_1101 = arith.constant 256 : i32
        %dma_start3A_1102 = tpu.memref_slice %arg8[%dma_start3A_1095, %dma_start3A_1101] : memref<4x512xi32, #tpu.memory_space<vmem>> -> memref<1x128xi32, #tpu.memory_space<vmem>>
        %dma_start3A_1103 = tpu.memref_squeeze %dma_start3A_1102 : memref<1x128xi32, #tpu.memory_space<vmem>> -> memref<128xi32, #tpu.memory_space<vmem>>
        %dma_start3A_1104 = arith.constant 0 : i32
        %dma_start3A_1105 = arith.constant 0 : i32
        %dma_start3A_1106 = tpu.memref_slice %arg2[%dma_start3A_1104, %dma_start3A_1105] : memref<1048576x16xf32, #tpu.memory_space<hbm>> -> memref<1048576x16xf32, #tpu.memory_space<hbm>>
        tpu.enqueue_indirect_dma source(%dma_start3A_1106 : memref<1048576x16xf32, #tpu.memory_space<hbm>>) target(%dma_start3A_1100 : memref<128x16xf32, #tpu.memory_space<vmem>>) offsets(%dma_start3A_1103 : memref<128xi32, #tpu.memory_space<vmem>>) semaphore(%arg18 : memref<!tpu.dma_semaphore, #tpu.memory_space<semaphore_mem>>)
        %dma_start3A_1107 = arith.constant 2 : i32
        %dma_start3A_1108 = arith.constant 2 : i32
        %dma_start3A_1109 = arith.constant 384 : i32
        %dma_start3A_1110 = arith.constant 0 : i32
        %dma_start3A_1111 = tpu.memref_slice %arg12[%dma_start3A_1108, %dma_start3A_1109, %dma_start3A_1110] : memref<4x512x16xf32, #tpu.memory_space<vmem>> -> memref<1x128x16xf32, #tpu.memory_space<vmem>>
        %dma_start3A_1112 = tpu.memref_squeeze %dma_start3A_1111 : memref<1x128x16xf32, #tpu.memory_space<vmem>> -> memref<128x16xf32, #tpu.memory_space<vmem>>
        %dma_start3A_1113 = arith.constant 384 : i32
        %dma_start3A_1114 = tpu.memref_slice %arg8[%dma_start3A_1107, %dma_start3A_1113] : memref<4x512xi32, #tpu.memory_space<vmem>> -> memref<1x128xi32, #tpu.memory_space<vmem>>
        %dma_start3A_1115 = tpu.memref_squeeze %dma_start3A_1114 : memref<1x128xi32, #tpu.memory_space<vmem>> -> memref<128xi32, #tpu.memory_space<vmem>>
        %dma_start3A_1116 = arith.constant 0 : i32
        %dma_start3A_1117 = arith.constant 0 : i32
        %dma_start3A_1118 = tpu.memref_slice %arg2[%dma_start3A_1116, %dma_start3A_1117] : memref<1048576x16xf32, #tpu.memory_space<hbm>> -> memref<1048576x16xf32, #tpu.memory_space<hbm>>
        tpu.enqueue_indirect_dma source(%dma_start3A_1118 : memref<1048576x16xf32, #tpu.memory_space<hbm>>) target(%dma_start3A_1112 : memref<128x16xf32, #tpu.memory_space<vmem>>) offsets(%dma_start3A_1115 : memref<128xi32, #tpu.memory_space<vmem>>) semaphore(%arg18 : memref<!tpu.dma_semaphore, #tpu.memory_space<semaphore_mem>>)
        %dma_start3A_1119 = arith.constant 3 : i32
        %dma_start3A_1120 = arith.constant 3 : i32
        %dma_start3A_1121 = arith.constant 0 : i32
        %dma_start3A_1122 = arith.constant 0 : i32
        %dma_start3A_1123 = tpu.memref_slice %arg12[%dma_start3A_1120, %dma_start3A_1121, %dma_start3A_1122] : memref<4x512x16xf32, #tpu.memory_space<vmem>> -> memref<1x128x16xf32, #tpu.memory_space<vmem>>
        %dma_start3A_1124 = tpu.memref_squeeze %dma_start3A_1123 : memref<1x128x16xf32, #tpu.memory_space<vmem>> -> memref<128x16xf32, #tpu.memory_space<vmem>>
        %dma_start3A_1125 = arith.constant 0 : i32
        %dma_start3A_1126 = tpu.memref_slice %arg8[%dma_start3A_1119, %dma_start3A_1125] : memref<4x512xi32, #tpu.memory_space<vmem>> -> memref<1x128xi32, #tpu.memory_space<vmem>>
        %dma_start3A_1127 = tpu.memref_squeeze %dma_start3A_1126 : memref<1x128xi32, #tpu.memory_space<vmem>> -> memref<128xi32, #tpu.memory_space<vmem>>
        %dma_start3A_1128 = arith.constant 0 : i32
        %dma_start3A_1129 = arith.constant 0 : i32
        %dma_start3A_1130 = tpu.memref_slice %arg2[%dma_start3A_1128, %dma_start3A_1129] : memref<1048576x16xf32, #tpu.memory_space<hbm>> -> memref<1048576x16xf32, #tpu.memory_space<hbm>>
        tpu.enqueue_indirect_dma source(%dma_start3A_1130 : memref<1048576x16xf32, #tpu.memory_space<hbm>>) target(%dma_start3A_1124 : memref<128x16xf32, #tpu.memory_space<vmem>>) offsets(%dma_start3A_1127 : memref<128xi32, #tpu.memory_space<vmem>>) semaphore(%arg18 : memref<!tpu.dma_semaphore, #tpu.memory_space<semaphore_mem>>)
        %dma_start3A_1131 = arith.constant 3 : i32
        %dma_start3A_1132 = arith.constant 3 : i32
        %dma_start3A_1133 = arith.constant 128 : i32
        %dma_start3A_1134 = arith.constant 0 : i32
        %dma_start3A_1135 = tpu.memref_slice %arg12[%dma_start3A_1132, %dma_start3A_1133, %dma_start3A_1134] : memref<4x512x16xf32, #tpu.memory_space<vmem>> -> memref<1x128x16xf32, #tpu.memory_space<vmem>>
        %dma_start3A_1136 = tpu.memref_squeeze %dma_start3A_1135 : memref<1x128x16xf32, #tpu.memory_space<vmem>> -> memref<128x16xf32, #tpu.memory_space<vmem>>
        %dma_start3A_1137 = arith.constant 128 : i32
        %dma_start3A_1138 = tpu.memref_slice %arg8[%dma_start3A_1131, %dma_start3A_1137] : memref<4x512xi32, #tpu.memory_space<vmem>> -> memref<1x128xi32, #tpu.memory_space<vmem>>
        %dma_start3A_1139 = tpu.memref_squeeze %dma_start3A_1138 : memref<1x128xi32, #tpu.memory_space<vmem>> -> memref<128xi32, #tpu.memory_space<vmem>>
        %dma_start3A_1140 = arith.constant 0 : i32
        %dma_start3A_1141 = arith.constant 0 : i32
        %dma_start3A_1142 = tpu.memref_slice %arg2[%dma_start3A_1140, %dma_start3A_1141] : memref<1048576x16xf32, #tpu.memory_space<hbm>> -> memref<1048576x16xf32, #tpu.memory_space<hbm>>
        tpu.enqueue_indirect_dma source(%dma_start3A_1142 : memref<1048576x16xf32, #tpu.memory_space<hbm>>) target(%dma_start3A_1136 : memref<128x16xf32, #tpu.memory_space<vmem>>) offsets(%dma_start3A_1139 : memref<128xi32, #tpu.memory_space<vmem>>) semaphore(%arg18 : memref<!tpu.dma_semaphore, #tpu.memory_space<semaphore_mem>>)
        %dma_start3A_1143 = arith.constant 3 : i32
        %dma_start3A_1144 = arith.constant 3 : i32
        %dma_start3A_1145 = arith.constant 256 : i32
        %dma_start3A_1146 = arith.constant 0 : i32
        %dma_start3A_1147 = tpu.memref_slice %arg12[%dma_start3A_1144, %dma_start3A_1145, %dma_start3A_1146] : memref<4x512x16xf32, #tpu.memory_space<vmem>> -> memref<1x128x16xf32, #tpu.memory_space<vmem>>
        %dma_start3A_1148 = tpu.memref_squeeze %dma_start3A_1147 : memref<1x128x16xf32, #tpu.memory_space<vmem>> -> memref<128x16xf32, #tpu.memory_space<vmem>>
        %dma_start3A_1149 = arith.constant 256 : i32
        %dma_start3A_1150 = tpu.memref_slice %arg8[%dma_start3A_1143, %dma_start3A_1149] : memref<4x512xi32, #tpu.memory_space<vmem>> -> memref<1x128xi32, #tpu.memory_space<vmem>>
        %dma_start3A_1151 = tpu.memref_squeeze %dma_start3A_1150 : memref<1x128xi32, #tpu.memory_space<vmem>> -> memref<128xi32, #tpu.memory_space<vmem>>
        %dma_start3A_1152 = arith.constant 0 : i32
        %dma_start3A_1153 = arith.constant 0 : i32
        %dma_start3A_1154 = tpu.memref_slice %arg2[%dma_start3A_1152, %dma_start3A_1153] : memref<1048576x16xf32, #tpu.memory_space<hbm>> -> memref<1048576x16xf32, #tpu.memory_space<hbm>>
        tpu.enqueue_indirect_dma source(%dma_start3A_1154 : memref<1048576x16xf32, #tpu.memory_space<hbm>>) target(%dma_start3A_1148 : memref<128x16xf32, #tpu.memory_space<vmem>>) offsets(%dma_start3A_1151 : memref<128xi32, #tpu.memory_space<vmem>>) semaphore(%arg18 : memref<!tpu.dma_semaphore, #tpu.memory_space<semaphore_mem>>)
        %dma_start3A_1155 = arith.constant 3 : i32
        %dma_start3A_1156 = arith.constant 3 : i32
        %dma_start3A_1157 = arith.constant 384 : i32
        %dma_start3A_1158 = arith.constant 0 : i32
        %dma_start3A_1159 = tpu.memref_slice %arg12[%dma_start3A_1156, %dma_start3A_1157, %dma_start3A_1158] : memref<4x512x16xf32, #tpu.memory_space<vmem>> -> memref<1x128x16xf32, #tpu.memory_space<vmem>>
        %dma_start3A_1160 = tpu.memref_squeeze %dma_start3A_1159 : memref<1x128x16xf32, #tpu.memory_space<vmem>> -> memref<128x16xf32, #tpu.memory_space<vmem>>
        %dma_start3A_1161 = arith.constant 384 : i32
        %dma_start3A_1162 = tpu.memref_slice %arg8[%dma_start3A_1155, %dma_start3A_1161] : memref<4x512xi32, #tpu.memory_space<vmem>> -> memref<1x128xi32, #tpu.memory_space<vmem>>
        %dma_start3A_1163 = tpu.memref_squeeze %dma_start3A_1162 : memref<1x128xi32, #tpu.memory_space<vmem>> -> memref<128xi32, #tpu.memory_space<vmem>>
        %dma_start3A_1164 = arith.constant 0 : i32
        %dma_start3A_1165 = arith.constant 0 : i32
        %dma_start3A_1166 = tpu.memref_slice %arg2[%dma_start3A_1164, %dma_start3A_1165] : memref<1048576x16xf32, #tpu.memory_space<hbm>> -> memref<1048576x16xf32, #tpu.memory_space<hbm>>
        tpu.enqueue_indirect_dma source(%dma_start3A_1166 : memref<1048576x16xf32, #tpu.memory_space<hbm>>) target(%dma_start3A_1160 : memref<128x16xf32, #tpu.memory_space<vmem>>) offsets(%dma_start3A_1163 : memref<128xi32, #tpu.memory_space<vmem>>) semaphore(%arg18 : memref<!tpu.dma_semaphore, #tpu.memory_space<semaphore_mem>>)
        %add3A_1167 = arith.constant 2 : i32
        %add3A_1168 = arith.addi %add3A_948, %add3A_1167 : i32
        %le3A_1169 = arith.constant 63 : i32
        %le3A_1170 = arith.cmpi sle, %add3A_1168, %le3A_1169 : i32
        %convert_element_type3A_1171 = arith.extui %le3A_1170 : i1 to i32
        %cond3A_1172 = arith.constant 0 : i32
        %cond3A_1173 = arith.cmpi ne, %convert_element_type3A_1171, %cond3A_1172 : i32
        scf.if %cond3A_1173 {
          %add3A_1387 = arith.constant 2 : i32
          %add3A_1388 = arith.addi %add3A_948, %add3A_1387 : i32
          %mul3A_1389 = arith.constant 512 : i32
          %mul3A_1390 = arith.muli %add3A_1388, %mul3A_1389 : i32
          %add3A_1391 = arith.addi %mul3A_2, %mul3A_1390 : i32
          %dma_start3A_1392 = arith.constant 0 : i32
          %dma_start3A_1393 = arith.constant 0 : i32
          %dma_start3A_1394 = tpu.memref_slice %arg7[%dma_start3A_1392, %dma_start3A_1393] : memref<2x512xf32, #tpu.memory_space<vmem>> -> memref<1x512xf32, #tpu.memory_space<vmem>>
          %dma_start3A_1395 = tpu.memref_squeeze %dma_start3A_1394 : memref<1x512xf32, #tpu.memory_space<vmem>> -> memref<512xf32, #tpu.memory_space<vmem>>
          %dma_start3A_1396 = tpu.memref_slice %arg3[%add3A_1391] : memref<1048576xf32, #tpu.memory_space<hbm>> -> memref<512xf32, #tpu.memory_space<hbm>>
          %dma_start3A_1397 = arith.constant 0 : i32
          %dma_start3A_1398 = tpu.memref_slice %arg7[%dma_start3A_1392, %dma_start3A_1397] : memref<2x512xf32, #tpu.memory_space<vmem>> -> memref<1x512xf32, #tpu.memory_space<vmem>>
          %dma_start3A_1399 = tpu.memref_squeeze %dma_start3A_1398 : memref<1x512xf32, #tpu.memory_space<vmem>> -> memref<512xf32, #tpu.memory_space<vmem>>
          %dma_start3A_1400 = tpu.memref_slice %arg3[%add3A_1391] : memref<1048576xf32, #tpu.memory_space<hbm>> -> memref<512xf32, #tpu.memory_space<hbm>>
          tpu.enqueue_dma source(%dma_start3A_1400 : memref<512xf32, #tpu.memory_space<hbm>>) target(%dma_start3A_1399 : memref<512xf32, #tpu.memory_space<vmem>>) target_semaphore(%arg17 : memref<!tpu.dma_semaphore, #tpu.memory_space<semaphore_mem>>)
          %dma_start3A_1401 = arith.constant 1 : i32
          %dma_start3A_1402 = arith.constant 0 : i32
          %dma_start3A_1403 = tpu.memref_slice %arg7[%dma_start3A_1401, %dma_start3A_1402] : memref<2x512xf32, #tpu.memory_space<vmem>> -> memref<1x512xf32, #tpu.memory_space<vmem>>
          %dma_start3A_1404 = tpu.memref_squeeze %dma_start3A_1403 : memref<1x512xf32, #tpu.memory_space<vmem>> -> memref<512xf32, #tpu.memory_space<vmem>>
          %dma_start3A_1405 = tpu.memref_slice %arg4[%add3A_1391] : memref<1048576xf32, #tpu.memory_space<hbm>> -> memref<512xf32, #tpu.memory_space<hbm>>
          %dma_start3A_1406 = arith.constant 0 : i32
          %dma_start3A_1407 = tpu.memref_slice %arg7[%dma_start3A_1401, %dma_start3A_1406] : memref<2x512xf32, #tpu.memory_space<vmem>> -> memref<1x512xf32, #tpu.memory_space<vmem>>
          %dma_start3A_1408 = tpu.memref_squeeze %dma_start3A_1407 : memref<1x512xf32, #tpu.memory_space<vmem>> -> memref<512xf32, #tpu.memory_space<vmem>>
          %dma_start3A_1409 = tpu.memref_slice %arg4[%add3A_1391] : memref<1048576xf32, #tpu.memory_space<hbm>> -> memref<512xf32, #tpu.memory_space<hbm>>
          tpu.enqueue_dma source(%dma_start3A_1409 : memref<512xf32, #tpu.memory_space<hbm>>) target(%dma_start3A_1408 : memref<512xf32, #tpu.memory_space<vmem>>) target_semaphore(%arg17 : memref<!tpu.dma_semaphore, #tpu.memory_space<semaphore_mem>>)
        } else {
        }
        %dma_wait3A_1174 = arith.constant 0 : i32
        %dma_wait3A_1175 = arith.constant 0 : i32
        %dma_wait3A_1176 = arith.constant 0 : i32
        %dma_wait3A_1177 = arith.constant 0 : i32
        %dma_wait3A_1178 = tpu.memref_slice %arg13[%dma_wait3A_1175, %dma_wait3A_1176, %dma_wait3A_1177] : memref<4x512x16xf32, #tpu.memory_space<vmem>> -> memref<1x128x16xf32, #tpu.memory_space<vmem>>
        %dma_wait3A_1179 = tpu.memref_squeeze %dma_wait3A_1178 : memref<1x128x16xf32, #tpu.memory_space<vmem>> -> memref<128x16xf32, #tpu.memory_space<vmem>>
        %dma_wait3A_1180 = arith.constant 0 : i32
        %dma_wait3A_1181 = tpu.memref_slice %arg9[%dma_wait3A_1174, %dma_wait3A_1180] : memref<4x512xi32, #tpu.memory_space<vmem>> -> memref<1x128xi32, #tpu.memory_space<vmem>>
        %dma_wait3A_1182 = tpu.memref_squeeze %dma_wait3A_1181 : memref<1x128xi32, #tpu.memory_space<vmem>> -> memref<128xi32, #tpu.memory_space<vmem>>
        %dma_wait3A_1183 = arith.constant 0 : i32
        %dma_wait3A_1184 = arith.constant 0 : i32
        %dma_wait3A_1185 = tpu.memref_slice %arg2[%dma_wait3A_1183, %dma_wait3A_1184] : memref<1048576x16xf32, #tpu.memory_space<hbm>> -> memref<1048576x16xf32, #tpu.memory_space<hbm>>
        tpu.wait_indirect_dma semaphore(%arg19 : memref<!tpu.dma_semaphore, #tpu.memory_space<semaphore_mem>>) src(%dma_wait3A_1185 : memref<1048576x16xf32, #tpu.memory_space<hbm>>) dst(%dma_wait3A_1179 : memref<128x16xf32, #tpu.memory_space<vmem>>)
        %dma_wait3A_1186 = arith.constant 0 : i32
        %dma_wait3A_1187 = arith.constant 0 : i32
        %dma_wait3A_1188 = arith.constant 128 : i32
        %dma_wait3A_1189 = arith.constant 0 : i32
        %dma_wait3A_1190 = tpu.memref_slice %arg13[%dma_wait3A_1187, %dma_wait3A_1188, %dma_wait3A_1189] : memref<4x512x16xf32, #tpu.memory_space<vmem>> -> memref<1x128x16xf32, #tpu.memory_space<vmem>>
        %dma_wait3A_1191 = tpu.memref_squeeze %dma_wait3A_1190 : memref<1x128x16xf32, #tpu.memory_space<vmem>> -> memref<128x16xf32, #tpu.memory_space<vmem>>
        %dma_wait3A_1192 = arith.constant 128 : i32
        %dma_wait3A_1193 = tpu.memref_slice %arg9[%dma_wait3A_1186, %dma_wait3A_1192] : memref<4x512xi32, #tpu.memory_space<vmem>> -> memref<1x128xi32, #tpu.memory_space<vmem>>
        %dma_wait3A_1194 = tpu.memref_squeeze %dma_wait3A_1193 : memref<1x128xi32, #tpu.memory_space<vmem>> -> memref<128xi32, #tpu.memory_space<vmem>>
        %dma_wait3A_1195 = arith.constant 0 : i32
        %dma_wait3A_1196 = arith.constant 0 : i32
        %dma_wait3A_1197 = tpu.memref_slice %arg2[%dma_wait3A_1195, %dma_wait3A_1196] : memref<1048576x16xf32, #tpu.memory_space<hbm>> -> memref<1048576x16xf32, #tpu.memory_space<hbm>>
        tpu.wait_indirect_dma semaphore(%arg19 : memref<!tpu.dma_semaphore, #tpu.memory_space<semaphore_mem>>) src(%dma_wait3A_1197 : memref<1048576x16xf32, #tpu.memory_space<hbm>>) dst(%dma_wait3A_1191 : memref<128x16xf32, #tpu.memory_space<vmem>>)
        %dma_wait3A_1198 = arith.constant 0 : i32
        %dma_wait3A_1199 = arith.constant 0 : i32
        %dma_wait3A_1200 = arith.constant 256 : i32
        %dma_wait3A_1201 = arith.constant 0 : i32
        %dma_wait3A_1202 = tpu.memref_slice %arg13[%dma_wait3A_1199, %dma_wait3A_1200, %dma_wait3A_1201] : memref<4x512x16xf32, #tpu.memory_space<vmem>> -> memref<1x128x16xf32, #tpu.memory_space<vmem>>
        %dma_wait3A_1203 = tpu.memref_squeeze %dma_wait3A_1202 : memref<1x128x16xf32, #tpu.memory_space<vmem>> -> memref<128x16xf32, #tpu.memory_space<vmem>>
        %dma_wait3A_1204 = arith.constant 256 : i32
        %dma_wait3A_1205 = tpu.memref_slice %arg9[%dma_wait3A_1198, %dma_wait3A_1204] : memref<4x512xi32, #tpu.memory_space<vmem>> -> memref<1x128xi32, #tpu.memory_space<vmem>>
        %dma_wait3A_1206 = tpu.memref_squeeze %dma_wait3A_1205 : memref<1x128xi32, #tpu.memory_space<vmem>> -> memref<128xi32, #tpu.memory_space<vmem>>
        %dma_wait3A_1207 = arith.constant 0 : i32
        %dma_wait3A_1208 = arith.constant 0 : i32
        %dma_wait3A_1209 = tpu.memref_slice %arg2[%dma_wait3A_1207, %dma_wait3A_1208] : memref<1048576x16xf32, #tpu.memory_space<hbm>> -> memref<1048576x16xf32, #tpu.memory_space<hbm>>
        tpu.wait_indirect_dma semaphore(%arg19 : memref<!tpu.dma_semaphore, #tpu.memory_space<semaphore_mem>>) src(%dma_wait3A_1209 : memref<1048576x16xf32, #tpu.memory_space<hbm>>) dst(%dma_wait3A_1203 : memref<128x16xf32, #tpu.memory_space<vmem>>)
        %dma_wait3A_1210 = arith.constant 0 : i32
        %dma_wait3A_1211 = arith.constant 0 : i32
        %dma_wait3A_1212 = arith.constant 384 : i32
        %dma_wait3A_1213 = arith.constant 0 : i32
        %dma_wait3A_1214 = tpu.memref_slice %arg13[%dma_wait3A_1211, %dma_wait3A_1212, %dma_wait3A_1213] : memref<4x512x16xf32, #tpu.memory_space<vmem>> -> memref<1x128x16xf32, #tpu.memory_space<vmem>>
        %dma_wait3A_1215 = tpu.memref_squeeze %dma_wait3A_1214 : memref<1x128x16xf32, #tpu.memory_space<vmem>> -> memref<128x16xf32, #tpu.memory_space<vmem>>
        %dma_wait3A_1216 = arith.constant 384 : i32
        %dma_wait3A_1217 = tpu.memref_slice %arg9[%dma_wait3A_1210, %dma_wait3A_1216] : memref<4x512xi32, #tpu.memory_space<vmem>> -> memref<1x128xi32, #tpu.memory_space<vmem>>
        %dma_wait3A_1218 = tpu.memref_squeeze %dma_wait3A_1217 : memref<1x128xi32, #tpu.memory_space<vmem>> -> memref<128xi32, #tpu.memory_space<vmem>>
        %dma_wait3A_1219 = arith.constant 0 : i32
        %dma_wait3A_1220 = arith.constant 0 : i32
        %dma_wait3A_1221 = tpu.memref_slice %arg2[%dma_wait3A_1219, %dma_wait3A_1220] : memref<1048576x16xf32, #tpu.memory_space<hbm>> -> memref<1048576x16xf32, #tpu.memory_space<hbm>>
        tpu.wait_indirect_dma semaphore(%arg19 : memref<!tpu.dma_semaphore, #tpu.memory_space<semaphore_mem>>) src(%dma_wait3A_1221 : memref<1048576x16xf32, #tpu.memory_space<hbm>>) dst(%dma_wait3A_1215 : memref<128x16xf32, #tpu.memory_space<vmem>>)
        %dma_wait3A_1222 = arith.constant 1 : i32
        %dma_wait3A_1223 = arith.constant 1 : i32
        %dma_wait3A_1224 = arith.constant 0 : i32
        %dma_wait3A_1225 = arith.constant 0 : i32
        %dma_wait3A_1226 = tpu.memref_slice %arg13[%dma_wait3A_1223, %dma_wait3A_1224, %dma_wait3A_1225] : memref<4x512x16xf32, #tpu.memory_space<vmem>> -> memref<1x128x16xf32, #tpu.memory_space<vmem>>
        %dma_wait3A_1227 = tpu.memref_squeeze %dma_wait3A_1226 : memref<1x128x16xf32, #tpu.memory_space<vmem>> -> memref<128x16xf32, #tpu.memory_space<vmem>>
        %dma_wait3A_1228 = arith.constant 0 : i32
        %dma_wait3A_1229 = tpu.memref_slice %arg9[%dma_wait3A_1222, %dma_wait3A_1228] : memref<4x512xi32, #tpu.memory_space<vmem>> -> memref<1x128xi32, #tpu.memory_space<vmem>>
        %dma_wait3A_1230 = tpu.memref_squeeze %dma_wait3A_1229 : memref<1x128xi32, #tpu.memory_space<vmem>> -> memref<128xi32, #tpu.memory_space<vmem>>
        %dma_wait3A_1231 = arith.constant 0 : i32
        %dma_wait3A_1232 = arith.constant 0 : i32
        %dma_wait3A_1233 = tpu.memref_slice %arg2[%dma_wait3A_1231, %dma_wait3A_1232] : memref<1048576x16xf32, #tpu.memory_space<hbm>> -> memref<1048576x16xf32, #tpu.memory_space<hbm>>
        tpu.wait_indirect_dma semaphore(%arg19 : memref<!tpu.dma_semaphore, #tpu.memory_space<semaphore_mem>>) src(%dma_wait3A_1233 : memref<1048576x16xf32, #tpu.memory_space<hbm>>) dst(%dma_wait3A_1227 : memref<128x16xf32, #tpu.memory_space<vmem>>)
        %dma_wait3A_1234 = arith.constant 1 : i32
        %dma_wait3A_1235 = arith.constant 1 : i32
        %dma_wait3A_1236 = arith.constant 128 : i32
        %dma_wait3A_1237 = arith.constant 0 : i32
        %dma_wait3A_1238 = tpu.memref_slice %arg13[%dma_wait3A_1235, %dma_wait3A_1236, %dma_wait3A_1237] : memref<4x512x16xf32, #tpu.memory_space<vmem>> -> memref<1x128x16xf32, #tpu.memory_space<vmem>>
        %dma_wait3A_1239 = tpu.memref_squeeze %dma_wait3A_1238 : memref<1x128x16xf32, #tpu.memory_space<vmem>> -> memref<128x16xf32, #tpu.memory_space<vmem>>
        %dma_wait3A_1240 = arith.constant 128 : i32
        %dma_wait3A_1241 = tpu.memref_slice %arg9[%dma_wait3A_1234, %dma_wait3A_1240] : memref<4x512xi32, #tpu.memory_space<vmem>> -> memref<1x128xi32, #tpu.memory_space<vmem>>
        %dma_wait3A_1242 = tpu.memref_squeeze %dma_wait3A_1241 : memref<1x128xi32, #tpu.memory_space<vmem>> -> memref<128xi32, #tpu.memory_space<vmem>>
        %dma_wait3A_1243 = arith.constant 0 : i32
        %dma_wait3A_1244 = arith.constant 0 : i32
        %dma_wait3A_1245 = tpu.memref_slice %arg2[%dma_wait3A_1243, %dma_wait3A_1244] : memref<1048576x16xf32, #tpu.memory_space<hbm>> -> memref<1048576x16xf32, #tpu.memory_space<hbm>>
        tpu.wait_indirect_dma semaphore(%arg19 : memref<!tpu.dma_semaphore, #tpu.memory_space<semaphore_mem>>) src(%dma_wait3A_1245 : memref<1048576x16xf32, #tpu.memory_space<hbm>>) dst(%dma_wait3A_1239 : memref<128x16xf32, #tpu.memory_space<vmem>>)
        %dma_wait3A_1246 = arith.constant 1 : i32
        %dma_wait3A_1247 = arith.constant 1 : i32
        %dma_wait3A_1248 = arith.constant 256 : i32
        %dma_wait3A_1249 = arith.constant 0 : i32
        %dma_wait3A_1250 = tpu.memref_slice %arg13[%dma_wait3A_1247, %dma_wait3A_1248, %dma_wait3A_1249] : memref<4x512x16xf32, #tpu.memory_space<vmem>> -> memref<1x128x16xf32, #tpu.memory_space<vmem>>
        %dma_wait3A_1251 = tpu.memref_squeeze %dma_wait3A_1250 : memref<1x128x16xf32, #tpu.memory_space<vmem>> -> memref<128x16xf32, #tpu.memory_space<vmem>>
        %dma_wait3A_1252 = arith.constant 256 : i32
        %dma_wait3A_1253 = tpu.memref_slice %arg9[%dma_wait3A_1246, %dma_wait3A_1252] : memref<4x512xi32, #tpu.memory_space<vmem>> -> memref<1x128xi32, #tpu.memory_space<vmem>>
        %dma_wait3A_1254 = tpu.memref_squeeze %dma_wait3A_1253 : memref<1x128xi32, #tpu.memory_space<vmem>> -> memref<128xi32, #tpu.memory_space<vmem>>
        %dma_wait3A_1255 = arith.constant 0 : i32
        %dma_wait3A_1256 = arith.constant 0 : i32
        %dma_wait3A_1257 = tpu.memref_slice %arg2[%dma_wait3A_1255, %dma_wait3A_1256] : memref<1048576x16xf32, #tpu.memory_space<hbm>> -> memref<1048576x16xf32, #tpu.memory_space<hbm>>
        tpu.wait_indirect_dma semaphore(%arg19 : memref<!tpu.dma_semaphore, #tpu.memory_space<semaphore_mem>>) src(%dma_wait3A_1257 : memref<1048576x16xf32, #tpu.memory_space<hbm>>) dst(%dma_wait3A_1251 : memref<128x16xf32, #tpu.memory_space<vmem>>)
        %dma_wait3A_1258 = arith.constant 1 : i32
        %dma_wait3A_1259 = arith.constant 1 : i32
        %dma_wait3A_1260 = arith.constant 384 : i32
        %dma_wait3A_1261 = arith.constant 0 : i32
        %dma_wait3A_1262 = tpu.memref_slice %arg13[%dma_wait3A_1259, %dma_wait3A_1260, %dma_wait3A_1261] : memref<4x512x16xf32, #tpu.memory_space<vmem>> -> memref<1x128x16xf32, #tpu.memory_space<vmem>>
        %dma_wait3A_1263 = tpu.memref_squeeze %dma_wait3A_1262 : memref<1x128x16xf32, #tpu.memory_space<vmem>> -> memref<128x16xf32, #tpu.memory_space<vmem>>
        %dma_wait3A_1264 = arith.constant 384 : i32
        %dma_wait3A_1265 = tpu.memref_slice %arg9[%dma_wait3A_1258, %dma_wait3A_1264] : memref<4x512xi32, #tpu.memory_space<vmem>> -> memref<1x128xi32, #tpu.memory_space<vmem>>
        %dma_wait3A_1266 = tpu.memref_squeeze %dma_wait3A_1265 : memref<1x128xi32, #tpu.memory_space<vmem>> -> memref<128xi32, #tpu.memory_space<vmem>>
        %dma_wait3A_1267 = arith.constant 0 : i32
        %dma_wait3A_1268 = arith.constant 0 : i32
        %dma_wait3A_1269 = tpu.memref_slice %arg2[%dma_wait3A_1267, %dma_wait3A_1268] : memref<1048576x16xf32, #tpu.memory_space<hbm>> -> memref<1048576x16xf32, #tpu.memory_space<hbm>>
        tpu.wait_indirect_dma semaphore(%arg19 : memref<!tpu.dma_semaphore, #tpu.memory_space<semaphore_mem>>) src(%dma_wait3A_1269 : memref<1048576x16xf32, #tpu.memory_space<hbm>>) dst(%dma_wait3A_1263 : memref<128x16xf32, #tpu.memory_space<vmem>>)
        %dma_wait3A_1270 = arith.constant 2 : i32
        %dma_wait3A_1271 = arith.constant 2 : i32
        %dma_wait3A_1272 = arith.constant 0 : i32
        %dma_wait3A_1273 = arith.constant 0 : i32
        %dma_wait3A_1274 = tpu.memref_slice %arg13[%dma_wait3A_1271, %dma_wait3A_1272, %dma_wait3A_1273] : memref<4x512x16xf32, #tpu.memory_space<vmem>> -> memref<1x128x16xf32, #tpu.memory_space<vmem>>
        %dma_wait3A_1275 = tpu.memref_squeeze %dma_wait3A_1274 : memref<1x128x16xf32, #tpu.memory_space<vmem>> -> memref<128x16xf32, #tpu.memory_space<vmem>>
        %dma_wait3A_1276 = arith.constant 0 : i32
        %dma_wait3A_1277 = tpu.memref_slice %arg9[%dma_wait3A_1270, %dma_wait3A_1276] : memref<4x512xi32, #tpu.memory_space<vmem>> -> memref<1x128xi32, #tpu.memory_space<vmem>>
        %dma_wait3A_1278 = tpu.memref_squeeze %dma_wait3A_1277 : memref<1x128xi32, #tpu.memory_space<vmem>> -> memref<128xi32, #tpu.memory_space<vmem>>
        %dma_wait3A_1279 = arith.constant 0 : i32
        %dma_wait3A_1280 = arith.constant 0 : i32
        %dma_wait3A_1281 = tpu.memref_slice %arg2[%dma_wait3A_1279, %dma_wait3A_1280] : memref<1048576x16xf32, #tpu.memory_space<hbm>> -> memref<1048576x16xf32, #tpu.memory_space<hbm>>
        tpu.wait_indirect_dma semaphore(%arg19 : memref<!tpu.dma_semaphore, #tpu.memory_space<semaphore_mem>>) src(%dma_wait3A_1281 : memref<1048576x16xf32, #tpu.memory_space<hbm>>) dst(%dma_wait3A_1275 : memref<128x16xf32, #tpu.memory_space<vmem>>)
        %dma_wait3A_1282 = arith.constant 2 : i32
        %dma_wait3A_1283 = arith.constant 2 : i32
        %dma_wait3A_1284 = arith.constant 128 : i32
        %dma_wait3A_1285 = arith.constant 0 : i32
        %dma_wait3A_1286 = tpu.memref_slice %arg13[%dma_wait3A_1283, %dma_wait3A_1284, %dma_wait3A_1285] : memref<4x512x16xf32, #tpu.memory_space<vmem>> -> memref<1x128x16xf32, #tpu.memory_space<vmem>>
        %dma_wait3A_1287 = tpu.memref_squeeze %dma_wait3A_1286 : memref<1x128x16xf32, #tpu.memory_space<vmem>> -> memref<128x16xf32, #tpu.memory_space<vmem>>
        %dma_wait3A_1288 = arith.constant 128 : i32
        %dma_wait3A_1289 = tpu.memref_slice %arg9[%dma_wait3A_1282, %dma_wait3A_1288] : memref<4x512xi32, #tpu.memory_space<vmem>> -> memref<1x128xi32, #tpu.memory_space<vmem>>
        %dma_wait3A_1290 = tpu.memref_squeeze %dma_wait3A_1289 : memref<1x128xi32, #tpu.memory_space<vmem>> -> memref<128xi32, #tpu.memory_space<vmem>>
        %dma_wait3A_1291 = arith.constant 0 : i32
        %dma_wait3A_1292 = arith.constant 0 : i32
        %dma_wait3A_1293 = tpu.memref_slice %arg2[%dma_wait3A_1291, %dma_wait3A_1292] : memref<1048576x16xf32, #tpu.memory_space<hbm>> -> memref<1048576x16xf32, #tpu.memory_space<hbm>>
        tpu.wait_indirect_dma semaphore(%arg19 : memref<!tpu.dma_semaphore, #tpu.memory_space<semaphore_mem>>) src(%dma_wait3A_1293 : memref<1048576x16xf32, #tpu.memory_space<hbm>>) dst(%dma_wait3A_1287 : memref<128x16xf32, #tpu.memory_space<vmem>>)
        %dma_wait3A_1294 = arith.constant 2 : i32
        %dma_wait3A_1295 = arith.constant 2 : i32
        %dma_wait3A_1296 = arith.constant 256 : i32
        %dma_wait3A_1297 = arith.constant 0 : i32
        %dma_wait3A_1298 = tpu.memref_slice %arg13[%dma_wait3A_1295, %dma_wait3A_1296, %dma_wait3A_1297] : memref<4x512x16xf32, #tpu.memory_space<vmem>> -> memref<1x128x16xf32, #tpu.memory_space<vmem>>
        %dma_wait3A_1299 = tpu.memref_squeeze %dma_wait3A_1298 : memref<1x128x16xf32, #tpu.memory_space<vmem>> -> memref<128x16xf32, #tpu.memory_space<vmem>>
        %dma_wait3A_1300 = arith.constant 256 : i32
        %dma_wait3A_1301 = tpu.memref_slice %arg9[%dma_wait3A_1294, %dma_wait3A_1300] : memref<4x512xi32, #tpu.memory_space<vmem>> -> memref<1x128xi32, #tpu.memory_space<vmem>>
        %dma_wait3A_1302 = tpu.memref_squeeze %dma_wait3A_1301 : memref<1x128xi32, #tpu.memory_space<vmem>> -> memref<128xi32, #tpu.memory_space<vmem>>
        %dma_wait3A_1303 = arith.constant 0 : i32
        %dma_wait3A_1304 = arith.constant 0 : i32
        %dma_wait3A_1305 = tpu.memref_slice %arg2[%dma_wait3A_1303, %dma_wait3A_1304] : memref<1048576x16xf32, #tpu.memory_space<hbm>> -> memref<1048576x16xf32, #tpu.memory_space<hbm>>
        tpu.wait_indirect_dma semaphore(%arg19 : memref<!tpu.dma_semaphore, #tpu.memory_space<semaphore_mem>>) src(%dma_wait3A_1305 : memref<1048576x16xf32, #tpu.memory_space<hbm>>) dst(%dma_wait3A_1299 : memref<128x16xf32, #tpu.memory_space<vmem>>)
        %dma_wait3A_1306 = arith.constant 2 : i32
        %dma_wait3A_1307 = arith.constant 2 : i32
        %dma_wait3A_1308 = arith.constant 384 : i32
        %dma_wait3A_1309 = arith.constant 0 : i32
        %dma_wait3A_1310 = tpu.memref_slice %arg13[%dma_wait3A_1307, %dma_wait3A_1308, %dma_wait3A_1309] : memref<4x512x16xf32, #tpu.memory_space<vmem>> -> memref<1x128x16xf32, #tpu.memory_space<vmem>>
        %dma_wait3A_1311 = tpu.memref_squeeze %dma_wait3A_1310 : memref<1x128x16xf32, #tpu.memory_space<vmem>> -> memref<128x16xf32, #tpu.memory_space<vmem>>
        %dma_wait3A_1312 = arith.constant 384 : i32
        %dma_wait3A_1313 = tpu.memref_slice %arg9[%dma_wait3A_1306, %dma_wait3A_1312] : memref<4x512xi32, #tpu.memory_space<vmem>> -> memref<1x128xi32, #tpu.memory_space<vmem>>
        %dma_wait3A_1314 = tpu.memref_squeeze %dma_wait3A_1313 : memref<1x128xi32, #tpu.memory_space<vmem>> -> memref<128xi32, #tpu.memory_space<vmem>>
        %dma_wait3A_1315 = arith.constant 0 : i32
        %dma_wait3A_1316 = arith.constant 0 : i32
        %dma_wait3A_1317 = tpu.memref_slice %arg2[%dma_wait3A_1315, %dma_wait3A_1316] : memref<1048576x16xf32, #tpu.memory_space<hbm>> -> memref<1048576x16xf32, #tpu.memory_space<hbm>>
        tpu.wait_indirect_dma semaphore(%arg19 : memref<!tpu.dma_semaphore, #tpu.memory_space<semaphore_mem>>) src(%dma_wait3A_1317 : memref<1048576x16xf32, #tpu.memory_space<hbm>>) dst(%dma_wait3A_1311 : memref<128x16xf32, #tpu.memory_space<vmem>>)
        %dma_wait3A_1318 = arith.constant 3 : i32
        %dma_wait3A_1319 = arith.constant 3 : i32
        %dma_wait3A_1320 = arith.constant 0 : i32
        %dma_wait3A_1321 = arith.constant 0 : i32
        %dma_wait3A_1322 = tpu.memref_slice %arg13[%dma_wait3A_1319, %dma_wait3A_1320, %dma_wait3A_1321] : memref<4x512x16xf32, #tpu.memory_space<vmem>> -> memref<1x128x16xf32, #tpu.memory_space<vmem>>
        %dma_wait3A_1323 = tpu.memref_squeeze %dma_wait3A_1322 : memref<1x128x16xf32, #tpu.memory_space<vmem>> -> memref<128x16xf32, #tpu.memory_space<vmem>>
        %dma_wait3A_1324 = arith.constant 0 : i32
        %dma_wait3A_1325 = tpu.memref_slice %arg9[%dma_wait3A_1318, %dma_wait3A_1324] : memref<4x512xi32, #tpu.memory_space<vmem>> -> memref<1x128xi32, #tpu.memory_space<vmem>>
        %dma_wait3A_1326 = tpu.memref_squeeze %dma_wait3A_1325 : memref<1x128xi32, #tpu.memory_space<vmem>> -> memref<128xi32, #tpu.memory_space<vmem>>
        %dma_wait3A_1327 = arith.constant 0 : i32
        %dma_wait3A_1328 = arith.constant 0 : i32
        %dma_wait3A_1329 = tpu.memref_slice %arg2[%dma_wait3A_1327, %dma_wait3A_1328] : memref<1048576x16xf32, #tpu.memory_space<hbm>> -> memref<1048576x16xf32, #tpu.memory_space<hbm>>
        tpu.wait_indirect_dma semaphore(%arg19 : memref<!tpu.dma_semaphore, #tpu.memory_space<semaphore_mem>>) src(%dma_wait3A_1329 : memref<1048576x16xf32, #tpu.memory_space<hbm>>) dst(%dma_wait3A_1323 : memref<128x16xf32, #tpu.memory_space<vmem>>)
        %dma_wait3A_1330 = arith.constant 3 : i32
        %dma_wait3A_1331 = arith.constant 3 : i32
        %dma_wait3A_1332 = arith.constant 128 : i32
        %dma_wait3A_1333 = arith.constant 0 : i32
        %dma_wait3A_1334 = tpu.memref_slice %arg13[%dma_wait3A_1331, %dma_wait3A_1332, %dma_wait3A_1333] : memref<4x512x16xf32, #tpu.memory_space<vmem>> -> memref<1x128x16xf32, #tpu.memory_space<vmem>>
        %dma_wait3A_1335 = tpu.memref_squeeze %dma_wait3A_1334 : memref<1x128x16xf32, #tpu.memory_space<vmem>> -> memref<128x16xf32, #tpu.memory_space<vmem>>
        %dma_wait3A_1336 = arith.constant 128 : i32
        %dma_wait3A_1337 = tpu.memref_slice %arg9[%dma_wait3A_1330, %dma_wait3A_1336] : memref<4x512xi32, #tpu.memory_space<vmem>> -> memref<1x128xi32, #tpu.memory_space<vmem>>
        %dma_wait3A_1338 = tpu.memref_squeeze %dma_wait3A_1337 : memref<1x128xi32, #tpu.memory_space<vmem>> -> memref<128xi32, #tpu.memory_space<vmem>>
        %dma_wait3A_1339 = arith.constant 0 : i32
        %dma_wait3A_1340 = arith.constant 0 : i32
        %dma_wait3A_1341 = tpu.memref_slice %arg2[%dma_wait3A_1339, %dma_wait3A_1340] : memref<1048576x16xf32, #tpu.memory_space<hbm>> -> memref<1048576x16xf32, #tpu.memory_space<hbm>>
        tpu.wait_indirect_dma semaphore(%arg19 : memref<!tpu.dma_semaphore, #tpu.memory_space<semaphore_mem>>) src(%dma_wait3A_1341 : memref<1048576x16xf32, #tpu.memory_space<hbm>>) dst(%dma_wait3A_1335 : memref<128x16xf32, #tpu.memory_space<vmem>>)
        %dma_wait3A_1342 = arith.constant 3 : i32
        %dma_wait3A_1343 = arith.constant 3 : i32
        %dma_wait3A_1344 = arith.constant 256 : i32
        %dma_wait3A_1345 = arith.constant 0 : i32
        %dma_wait3A_1346 = tpu.memref_slice %arg13[%dma_wait3A_1343, %dma_wait3A_1344, %dma_wait3A_1345] : memref<4x512x16xf32, #tpu.memory_space<vmem>> -> memref<1x128x16xf32, #tpu.memory_space<vmem>>
        %dma_wait3A_1347 = tpu.memref_squeeze %dma_wait3A_1346 : memref<1x128x16xf32, #tpu.memory_space<vmem>> -> memref<128x16xf32, #tpu.memory_space<vmem>>
        %dma_wait3A_1348 = arith.constant 256 : i32
        %dma_wait3A_1349 = tpu.memref_slice %arg9[%dma_wait3A_1342, %dma_wait3A_1348] : memref<4x512xi32, #tpu.memory_space<vmem>> -> memref<1x128xi32, #tpu.memory_space<vmem>>
        %dma_wait3A_1350 = tpu.memref_squeeze %dma_wait3A_1349 : memref<1x128xi32, #tpu.memory_space<vmem>> -> memref<128xi32, #tpu.memory_space<vmem>>
        %dma_wait3A_1351 = arith.constant 0 : i32
        %dma_wait3A_1352 = arith.constant 0 : i32
        %dma_wait3A_1353 = tpu.memref_slice %arg2[%dma_wait3A_1351, %dma_wait3A_1352] : memref<1048576x16xf32, #tpu.memory_space<hbm>> -> memref<1048576x16xf32, #tpu.memory_space<hbm>>
        tpu.wait_indirect_dma semaphore(%arg19 : memref<!tpu.dma_semaphore, #tpu.memory_space<semaphore_mem>>) src(%dma_wait3A_1353 : memref<1048576x16xf32, #tpu.memory_space<hbm>>) dst(%dma_wait3A_1347 : memref<128x16xf32, #tpu.memory_space<vmem>>)
        %dma_wait3A_1354 = arith.constant 3 : i32
        %dma_wait3A_1355 = arith.constant 3 : i32
        %dma_wait3A_1356 = arith.constant 384 : i32
        %dma_wait3A_1357 = arith.constant 0 : i32
        %dma_wait3A_1358 = tpu.memref_slice %arg13[%dma_wait3A_1355, %dma_wait3A_1356, %dma_wait3A_1357] : memref<4x512x16xf32, #tpu.memory_space<vmem>> -> memref<1x128x16xf32, #tpu.memory_space<vmem>>
        %dma_wait3A_1359 = tpu.memref_squeeze %dma_wait3A_1358 : memref<1x128x16xf32, #tpu.memory_space<vmem>> -> memref<128x16xf32, #tpu.memory_space<vmem>>
        %dma_wait3A_1360 = arith.constant 384 : i32
        %dma_wait3A_1361 = tpu.memref_slice %arg9[%dma_wait3A_1354, %dma_wait3A_1360] : memref<4x512xi32, #tpu.memory_space<vmem>> -> memref<1x128xi32, #tpu.memory_space<vmem>>
        %dma_wait3A_1362 = tpu.memref_squeeze %dma_wait3A_1361 : memref<1x128xi32, #tpu.memory_space<vmem>> -> memref<128xi32, #tpu.memory_space<vmem>>
        %dma_wait3A_1363 = arith.constant 0 : i32
        %dma_wait3A_1364 = arith.constant 0 : i32
        %dma_wait3A_1365 = tpu.memref_slice %arg2[%dma_wait3A_1363, %dma_wait3A_1364] : memref<1048576x16xf32, #tpu.memory_space<hbm>> -> memref<1048576x16xf32, #tpu.memory_space<hbm>>
        tpu.wait_indirect_dma semaphore(%arg19 : memref<!tpu.dma_semaphore, #tpu.memory_space<semaphore_mem>>) src(%dma_wait3A_1365 : memref<1048576x16xf32, #tpu.memory_space<hbm>>) dst(%dma_wait3A_1359 : memref<128x16xf32, #tpu.memory_space<vmem>>)
        %ge3A_1366 = arith.constant 2 : i32
        %ge3A_1367 = arith.cmpi sge, %add3A_948, %ge3A_1366 : i32
        %convert_element_type3A_1368 = arith.extui %ge3A_1367 : i1 to i32
        %cond3A_1369 = arith.constant 0 : i32
        %cond3A_1370 = arith.cmpi ne, %convert_element_type3A_1368, %cond3A_1369 : i32
        scf.if %cond3A_1370 {
          %dma_wait3A_1387 = arith.constant 0 : i32
          %dma_wait3A_1388 = arith.constant 0 : i32
          %dma_wait3A_1389 = arith.constant 0 : i32
          %dma_wait3A_1390 = tpu.memref_slice %arg5[%dma_wait3A_1387, %dma_wait3A_1388, %dma_wait3A_1389] : memref<4x512x8192xf32, #tpu.memory_space<hbm>> -> memref<1x1x8192xf32, #tpu.memory_space<hbm>>
          %dma_wait3A_1391 = tpu.memref_squeeze %dma_wait3A_1390 : memref<1x1x8192xf32, #tpu.memory_space<hbm>> -> memref<8192xf32, #tpu.memory_space<hbm>>
          %dma_wait3A_1392 = arith.constant 0 : i32
          %dma_wait3A_1393 = tpu.memref_slice %arg5[%dma_wait3A_1387, %dma_wait3A_1388, %dma_wait3A_1392] : memref<4x512x8192xf32, #tpu.memory_space<hbm>> -> memref<1x1x8192xf32, #tpu.memory_space<hbm>>
          %dma_wait3A_1394 = tpu.memref_squeeze %dma_wait3A_1393 : memref<1x1x8192xf32, #tpu.memory_space<hbm>> -> memref<8192xf32, #tpu.memory_space<hbm>>
          tpu.wait_dma2 semaphore(%arg21 : memref<!tpu.dma_semaphore, #tpu.memory_space<semaphore_mem>>) src(%arg15 : memref<8192xf32, #tpu.memory_space<vmem>>) dst(%dma_wait3A_1394 : memref<8192xf32, #tpu.memory_space<hbm>>)
        } else {
        }
        %parallel_loop3A_1371 = arith.constant 0 : i32
        %parallel_loop3A_1372 = arith.constant 512 : i32
        %parallel_loop3A_1373 = arith.constant 1 : i32
        scf.for %parallel_loop3A_1387 = %parallel_loop3A_1371 to %parallel_loop3A_1372 step %parallel_loop3A_1373  : i32 {
          %parallel_loop3A_1388 = vector.broadcast %parallel_loop3A_1387 : i32 to vector<16xi32>
          %parallel_loop3A_1389 = arith.constant 0 : i32
          %parallel_loop3A_1390 = vector.broadcast %parallel_loop3A_1389 : i32 to vector<16xi32>
          %parallel_loop3A_1391 = tpu.vector_load_idx %arg11[%parallel_loop3A_1390, %parallel_loop3A_1388] : memref<4x512xf32, #tpu.memory_space<vmem>>[vector<16xi32>, vector<16xi32>], vector<16xf32>,
          %parallel_loop3A_1392 = arith.constant 1 : i32
          %parallel_loop3A_1393 = vector.broadcast %parallel_loop3A_1392 : i32 to vector<16xi32>
          %parallel_loop3A_1394 = tpu.vector_load_idx %arg11[%parallel_loop3A_1393, %parallel_loop3A_1388] : memref<4x512xf32, #tpu.memory_space<vmem>>[vector<16xi32>, vector<16xi32>], vector<16xf32>,
          %parallel_loop3A_1395 = arith.constant 2 : i32
          %parallel_loop3A_1396 = vector.broadcast %parallel_loop3A_1395 : i32 to vector<16xi32>
          %parallel_loop3A_1397 = tpu.vector_load_idx %arg11[%parallel_loop3A_1396, %parallel_loop3A_1388] : memref<4x512xf32, #tpu.memory_space<vmem>>[vector<16xi32>, vector<16xi32>], vector<16xf32>,
          %parallel_loop3A_1398 = arith.constant 3 : i32
          %parallel_loop3A_1399 = vector.broadcast %parallel_loop3A_1398 : i32 to vector<16xi32>
          %parallel_loop3A_1400 = tpu.vector_load_idx %arg11[%parallel_loop3A_1399, %parallel_loop3A_1388] : memref<4x512xf32, #tpu.memory_space<vmem>>[vector<16xi32>, vector<16xi32>], vector<16xf32>,
          %parallel_loop3A_1401 = arith.constant 0 : i32
          %parallel_loop3A_1402 = arith.index_cast %parallel_loop3A_1401 : i32 to index
          %parallel_loop3A_1403 = arith.index_cast %parallel_loop3A_1387 : i32 to index
          %parallel_loop3A_1404 = arith.constant 0 : index
          %parallel_loop3A_1405 = tpu.vector_load %arg13[%parallel_loop3A_1402, %parallel_loop3A_1403, %parallel_loop3A_1404] {strides = array<i32>} : memref<4x512x16xf32, #tpu.memory_space<vmem>>, vector<16xf32>,
          %parallel_loop3A_1406 = arith.mulf %parallel_loop3A_1391, %parallel_loop3A_1405 : vector<16xf32>
          %parallel_loop3A_1407 = arith.constant 1 : i32
          %parallel_loop3A_1408 = arith.index_cast %parallel_loop3A_1407 : i32 to index
          %parallel_loop3A_1409 = arith.index_cast %parallel_loop3A_1387 : i32 to index
          %parallel_loop3A_1410 = arith.constant 0 : index
          %parallel_loop3A_1411 = tpu.vector_load %arg13[%parallel_loop3A_1408, %parallel_loop3A_1409, %parallel_loop3A_1410] {strides = array<i32>} : memref<4x512x16xf32, #tpu.memory_space<vmem>>, vector<16xf32>,
          %parallel_loop3A_1412 = arith.mulf %parallel_loop3A_1394, %parallel_loop3A_1411 : vector<16xf32>
          %parallel_loop3A_1413 = arith.addf %parallel_loop3A_1406, %parallel_loop3A_1412 : vector<16xf32>
          %parallel_loop3A_1414 = arith.constant 2 : i32
          %parallel_loop3A_1415 = arith.index_cast %parallel_loop3A_1414 : i32 to index
          %parallel_loop3A_1416 = arith.index_cast %parallel_loop3A_1387 : i32 to index
          %parallel_loop3A_1417 = arith.constant 0 : index
          %parallel_loop3A_1418 = tpu.vector_load %arg13[%parallel_loop3A_1415, %parallel_loop3A_1416, %parallel_loop3A_1417] {strides = array<i32>} : memref<4x512x16xf32, #tpu.memory_space<vmem>>, vector<16xf32>,
          %parallel_loop3A_1419 = arith.mulf %parallel_loop3A_1397, %parallel_loop3A_1418 : vector<16xf32>
          %parallel_loop3A_1420 = arith.addf %parallel_loop3A_1413, %parallel_loop3A_1419 : vector<16xf32>
          %parallel_loop3A_1421 = arith.constant 3 : i32
          %parallel_loop3A_1422 = arith.index_cast %parallel_loop3A_1421 : i32 to index
          %parallel_loop3A_1423 = arith.index_cast %parallel_loop3A_1387 : i32 to index
          %parallel_loop3A_1424 = arith.constant 0 : index
          %parallel_loop3A_1425 = tpu.vector_load %arg13[%parallel_loop3A_1422, %parallel_loop3A_1423, %parallel_loop3A_1424] {strides = array<i32>} : memref<4x512x16xf32, #tpu.memory_space<vmem>>, vector<16xf32>,
          %parallel_loop3A_1426 = arith.mulf %parallel_loop3A_1400, %parallel_loop3A_1425 : vector<16xf32>
          %parallel_loop3A_1427 = arith.addf %parallel_loop3A_1420, %parallel_loop3A_1426 : vector<16xf32>
          %parallel_loop3A_1428 = arith.constant 7 : i32
          %parallel_loop3A_1429 = arith.shrui %parallel_loop3A_1387, %parallel_loop3A_1428 : i32
          %parallel_loop3A_1430 = arith.constant 10 : i32
          %parallel_loop3A_1431 = arith.shli %parallel_loop3A_1429, %parallel_loop3A_1430 : i32
          %parallel_loop3A_1432 = arith.constant 127 : i32
          %parallel_loop3A_1433 = arith.andi %parallel_loop3A_1387, %parallel_loop3A_1432 : i32
          %parallel_loop3A_1434 = arith.addi %parallel_loop3A_1431, %parallel_loop3A_1433 : i32
          %parallel_loop3A_1435 = vector.broadcast %parallel_loop3A_1434 : i32 to vector<16xi32>
          %parallel_loop3A_1436 = arith.addi %add3A_12, %parallel_loop3A_1435 : vector<16xi32>
          tpu.vector_store_idx %arg15[%parallel_loop3A_1436], %parallel_loop3A_1427 : memref<8192xf32, #tpu.memory_space<vmem>>[vector<16xi32>], vector<16xf32>,
        } {sc.loop_unroll_factor = 8 : i64, sc.parallel_access}
        %mul3A_1374 = arith.constant 64 : i32
        %mul3A_1375 = arith.muli %add3A, %mul3A_1374 : i32
        %add3A_1376 = arith.addi %mul3A_1375, %add3A_948 : i32
        %shift_right_logical3A_1377 = arith.constant 9 : i32
        %shift_right_logical3A_1378 = arith.shrui %add3A_1376, %shift_right_logical3A_1377 : i32
        %and3A_1379 = arith.constant 511 : i32
        %and3A_1380 = arith.andi %add3A_1376, %and3A_1379 : i32
        %dma_start3A_1381 = arith.constant 0 : i32
        %dma_start3A_1382 = tpu.memref_slice %arg5[%shift_right_logical3A_1378, %and3A_1380, %dma_start3A_1381] : memref<4x512x8192xf32, #tpu.memory_space<hbm>> -> memref<1x1x8192xf32, #tpu.memory_space<hbm>>
        %dma_start3A_1383 = tpu.memref_squeeze %dma_start3A_1382 : memref<1x1x8192xf32, #tpu.memory_space<hbm>> -> memref<8192xf32, #tpu.memory_space<hbm>>
        %dma_start3A_1384 = arith.constant 0 : i32
        %dma_start3A_1385 = tpu.memref_slice %arg5[%shift_right_logical3A_1378, %and3A_1380, %dma_start3A_1384] : memref<4x512x8192xf32, #tpu.memory_space<hbm>> -> memref<1x1x8192xf32, #tpu.memory_space<hbm>>
        %dma_start3A_1386 = tpu.memref_squeeze %dma_start3A_1385 : memref<1x1x8192xf32, #tpu.memory_space<hbm>> -> memref<8192xf32, #tpu.memory_space<hbm>>
        tpu.enqueue_dma source(%arg15 : memref<8192xf32, #tpu.memory_space<vmem>>) target(%dma_start3A_1386 : memref<8192xf32, #tpu.memory_space<hbm>>) target_semaphore(%arg21 : memref<!tpu.dma_semaphore, #tpu.memory_space<semaphore_mem>>)
      } else {
      }
    }
    %scan3A_269 = arith.constant 32 : i32
    %dma_wait3A_270 = arith.constant 0 : i32
    %dma_wait3A_271 = arith.constant 0 : i32
    %dma_wait3A_272 = arith.constant 0 : i32
    %dma_wait3A_273 = arith.constant 0 : i32
    %dma_wait3A_274 = tpu.memref_slice %arg13[%dma_wait3A_271, %dma_wait3A_272, %dma_wait3A_273] : memref<4x512x16xf32, #tpu.memory_space<vmem>> -> memref<1x128x16xf32, #tpu.memory_space<vmem>>
    %dma_wait3A_275 = tpu.memref_squeeze %dma_wait3A_274 : memref<1x128x16xf32, #tpu.memory_space<vmem>> -> memref<128x16xf32, #tpu.memory_space<vmem>>
    %dma_wait3A_276 = arith.constant 0 : i32
    %dma_wait3A_277 = tpu.memref_slice %arg9[%dma_wait3A_270, %dma_wait3A_276] : memref<4x512xi32, #tpu.memory_space<vmem>> -> memref<1x128xi32, #tpu.memory_space<vmem>>
    %dma_wait3A_278 = tpu.memref_squeeze %dma_wait3A_277 : memref<1x128xi32, #tpu.memory_space<vmem>> -> memref<128xi32, #tpu.memory_space<vmem>>
    %dma_wait3A_279 = arith.constant 0 : i32
    %dma_wait3A_280 = arith.constant 0 : i32
    %dma_wait3A_281 = tpu.memref_slice %arg2[%dma_wait3A_279, %dma_wait3A_280] : memref<1048576x16xf32, #tpu.memory_space<hbm>> -> memref<1048576x16xf32, #tpu.memory_space<hbm>>
    tpu.wait_indirect_dma semaphore(%arg19 : memref<!tpu.dma_semaphore, #tpu.memory_space<semaphore_mem>>) src(%dma_wait3A_281 : memref<1048576x16xf32, #tpu.memory_space<hbm>>) dst(%dma_wait3A_275 : memref<128x16xf32, #tpu.memory_space<vmem>>)
    %dma_wait3A_282 = arith.constant 0 : i32
    %dma_wait3A_283 = arith.constant 0 : i32
    %dma_wait3A_284 = arith.constant 128 : i32
    %dma_wait3A_285 = arith.constant 0 : i32
    %dma_wait3A_286 = tpu.memref_slice %arg13[%dma_wait3A_283, %dma_wait3A_284, %dma_wait3A_285] : memref<4x512x16xf32, #tpu.memory_space<vmem>> -> memref<1x128x16xf32, #tpu.memory_space<vmem>>
    %dma_wait3A_287 = tpu.memref_squeeze %dma_wait3A_286 : memref<1x128x16xf32, #tpu.memory_space<vmem>> -> memref<128x16xf32, #tpu.memory_space<vmem>>
    %dma_wait3A_288 = arith.constant 128 : i32
    %dma_wait3A_289 = tpu.memref_slice %arg9[%dma_wait3A_282, %dma_wait3A_288] : memref<4x512xi32, #tpu.memory_space<vmem>> -> memref<1x128xi32, #tpu.memory_space<vmem>>
    %dma_wait3A_290 = tpu.memref_squeeze %dma_wait3A_289 : memref<1x128xi32, #tpu.memory_space<vmem>> -> memref<128xi32, #tpu.memory_space<vmem>>
    %dma_wait3A_291 = arith.constant 0 : i32
    %dma_wait3A_292 = arith.constant 0 : i32
    %dma_wait3A_293 = tpu.memref_slice %arg2[%dma_wait3A_291, %dma_wait3A_292] : memref<1048576x16xf32, #tpu.memory_space<hbm>> -> memref<1048576x16xf32, #tpu.memory_space<hbm>>
    tpu.wait_indirect_dma semaphore(%arg19 : memref<!tpu.dma_semaphore, #tpu.memory_space<semaphore_mem>>) src(%dma_wait3A_293 : memref<1048576x16xf32, #tpu.memory_space<hbm>>) dst(%dma_wait3A_287 : memref<128x16xf32, #tpu.memory_space<vmem>>)
    %dma_wait3A_294 = arith.constant 0 : i32
    %dma_wait3A_295 = arith.constant 0 : i32
    %dma_wait3A_296 = arith.constant 256 : i32
    %dma_wait3A_297 = arith.constant 0 : i32
    %dma_wait3A_298 = tpu.memref_slice %arg13[%dma_wait3A_295, %dma_wait3A_296, %dma_wait3A_297] : memref<4x512x16xf32, #tpu.memory_space<vmem>> -> memref<1x128x16xf32, #tpu.memory_space<vmem>>
    %dma_wait3A_299 = tpu.memref_squeeze %dma_wait3A_298 : memref<1x128x16xf32, #tpu.memory_space<vmem>> -> memref<128x16xf32, #tpu.memory_space<vmem>>
    %dma_wait3A_300 = arith.constant 256 : i32
    %dma_wait3A_301 = tpu.memref_slice %arg9[%dma_wait3A_294, %dma_wait3A_300] : memref<4x512xi32, #tpu.memory_space<vmem>> -> memref<1x128xi32, #tpu.memory_space<vmem>>
    %dma_wait3A_302 = tpu.memref_squeeze %dma_wait3A_301 : memref<1x128xi32, #tpu.memory_space<vmem>> -> memref<128xi32, #tpu.memory_space<vmem>>
    %dma_wait3A_303 = arith.constant 0 : i32
    %dma_wait3A_304 = arith.constant 0 : i32
    %dma_wait3A_305 = tpu.memref_slice %arg2[%dma_wait3A_303, %dma_wait3A_304] : memref<1048576x16xf32, #tpu.memory_space<hbm>> -> memref<1048576x16xf32, #tpu.memory_space<hbm>>
    tpu.wait_indirect_dma semaphore(%arg19 : memref<!tpu.dma_semaphore, #tpu.memory_space<semaphore_mem>>) src(%dma_wait3A_305 : memref<1048576x16xf32, #tpu.memory_space<hbm>>) dst(%dma_wait3A_299 : memref<128x16xf32, #tpu.memory_space<vmem>>)
    %dma_wait3A_306 = arith.constant 0 : i32
    %dma_wait3A_307 = arith.constant 0 : i32
    %dma_wait3A_308 = arith.constant 384 : i32
    %dma_wait3A_309 = arith.constant 0 : i32
    %dma_wait3A_310 = tpu.memref_slice %arg13[%dma_wait3A_307, %dma_wait3A_308, %dma_wait3A_309] : memref<4x512x16xf32, #tpu.memory_space<vmem>> -> memref<1x128x16xf32, #tpu.memory_space<vmem>>
    %dma_wait3A_311 = tpu.memref_squeeze %dma_wait3A_310 : memref<1x128x16xf32, #tpu.memory_space<vmem>> -> memref<128x16xf32, #tpu.memory_space<vmem>>
    %dma_wait3A_312 = arith.constant 384 : i32
    %dma_wait3A_313 = tpu.memref_slice %arg9[%dma_wait3A_306, %dma_wait3A_312] : memref<4x512xi32, #tpu.memory_space<vmem>> -> memref<1x128xi32, #tpu.memory_space<vmem>>
    %dma_wait3A_314 = tpu.memref_squeeze %dma_wait3A_313 : memref<1x128xi32, #tpu.memory_space<vmem>> -> memref<128xi32, #tpu.memory_space<vmem>>
    %dma_wait3A_315 = arith.constant 0 : i32
    %dma_wait3A_316 = arith.constant 0 : i32
    %dma_wait3A_317 = tpu.memref_slice %arg2[%dma_wait3A_315, %dma_wait3A_316] : memref<1048576x16xf32, #tpu.memory_space<hbm>> -> memref<1048576x16xf32, #tpu.memory_space<hbm>>
    tpu.wait_indirect_dma semaphore(%arg19 : memref<!tpu.dma_semaphore, #tpu.memory_space<semaphore_mem>>) src(%dma_wait3A_317 : memref<1048576x16xf32, #tpu.memory_space<hbm>>) dst(%dma_wait3A_311 : memref<128x16xf32, #tpu.memory_space<vmem>>)
    %dma_wait3A_318 = arith.constant 1 : i32
    %dma_wait3A_319 = arith.constant 1 : i32
    %dma_wait3A_320 = arith.constant 0 : i32
    %dma_wait3A_321 = arith.constant 0 : i32
    %dma_wait3A_322 = tpu.memref_slice %arg13[%dma_wait3A_319, %dma_wait3A_320, %dma_wait3A_321] : memref<4x512x16xf32, #tpu.memory_space<vmem>> -> memref<1x128x16xf32, #tpu.memory_space<vmem>>
    %dma_wait3A_323 = tpu.memref_squeeze %dma_wait3A_322 : memref<1x128x16xf32, #tpu.memory_space<vmem>> -> memref<128x16xf32, #tpu.memory_space<vmem>>
    %dma_wait3A_324 = arith.constant 0 : i32
    %dma_wait3A_325 = tpu.memref_slice %arg9[%dma_wait3A_318, %dma_wait3A_324] : memref<4x512xi32, #tpu.memory_space<vmem>> -> memref<1x128xi32, #tpu.memory_space<vmem>>
    %dma_wait3A_326 = tpu.memref_squeeze %dma_wait3A_325 : memref<1x128xi32, #tpu.memory_space<vmem>> -> memref<128xi32, #tpu.memory_space<vmem>>
    %dma_wait3A_327 = arith.constant 0 : i32
    %dma_wait3A_328 = arith.constant 0 : i32
    %dma_wait3A_329 = tpu.memref_slice %arg2[%dma_wait3A_327, %dma_wait3A_328] : memref<1048576x16xf32, #tpu.memory_space<hbm>> -> memref<1048576x16xf32, #tpu.memory_space<hbm>>
    tpu.wait_indirect_dma semaphore(%arg19 : memref<!tpu.dma_semaphore, #tpu.memory_space<semaphore_mem>>) src(%dma_wait3A_329 : memref<1048576x16xf32, #tpu.memory_space<hbm>>) dst(%dma_wait3A_323 : memref<128x16xf32, #tpu.memory_space<vmem>>)
    %dma_wait3A_330 = arith.constant 1 : i32
    %dma_wait3A_331 = arith.constant 1 : i32
    %dma_wait3A_332 = arith.constant 128 : i32
    %dma_wait3A_333 = arith.constant 0 : i32
    %dma_wait3A_334 = tpu.memref_slice %arg13[%dma_wait3A_331, %dma_wait3A_332, %dma_wait3A_333] : memref<4x512x16xf32, #tpu.memory_space<vmem>> -> memref<1x128x16xf32, #tpu.memory_space<vmem>>
    %dma_wait3A_335 = tpu.memref_squeeze %dma_wait3A_334 : memref<1x128x16xf32, #tpu.memory_space<vmem>> -> memref<128x16xf32, #tpu.memory_space<vmem>>
    %dma_wait3A_336 = arith.constant 128 : i32
    %dma_wait3A_337 = tpu.memref_slice %arg9[%dma_wait3A_330, %dma_wait3A_336] : memref<4x512xi32, #tpu.memory_space<vmem>> -> memref<1x128xi32, #tpu.memory_space<vmem>>
    %dma_wait3A_338 = tpu.memref_squeeze %dma_wait3A_337 : memref<1x128xi32, #tpu.memory_space<vmem>> -> memref<128xi32, #tpu.memory_space<vmem>>
    %dma_wait3A_339 = arith.constant 0 : i32
    %dma_wait3A_340 = arith.constant 0 : i32
    %dma_wait3A_341 = tpu.memref_slice %arg2[%dma_wait3A_339, %dma_wait3A_340] : memref<1048576x16xf32, #tpu.memory_space<hbm>> -> memref<1048576x16xf32, #tpu.memory_space<hbm>>
    tpu.wait_indirect_dma semaphore(%arg19 : memref<!tpu.dma_semaphore, #tpu.memory_space<semaphore_mem>>) src(%dma_wait3A_341 : memref<1048576x16xf32, #tpu.memory_space<hbm>>) dst(%dma_wait3A_335 : memref<128x16xf32, #tpu.memory_space<vmem>>)
    %dma_wait3A_342 = arith.constant 1 : i32
    %dma_wait3A_343 = arith.constant 1 : i32
    %dma_wait3A_344 = arith.constant 256 : i32
    %dma_wait3A_345 = arith.constant 0 : i32
    %dma_wait3A_346 = tpu.memref_slice %arg13[%dma_wait3A_343, %dma_wait3A_344, %dma_wait3A_345] : memref<4x512x16xf32, #tpu.memory_space<vmem>> -> memref<1x128x16xf32, #tpu.memory_space<vmem>>
    %dma_wait3A_347 = tpu.memref_squeeze %dma_wait3A_346 : memref<1x128x16xf32, #tpu.memory_space<vmem>> -> memref<128x16xf32, #tpu.memory_space<vmem>>
    %dma_wait3A_348 = arith.constant 256 : i32
    %dma_wait3A_349 = tpu.memref_slice %arg9[%dma_wait3A_342, %dma_wait3A_348] : memref<4x512xi32, #tpu.memory_space<vmem>> -> memref<1x128xi32, #tpu.memory_space<vmem>>
    %dma_wait3A_350 = tpu.memref_squeeze %dma_wait3A_349 : memref<1x128xi32, #tpu.memory_space<vmem>> -> memref<128xi32, #tpu.memory_space<vmem>>
    %dma_wait3A_351 = arith.constant 0 : i32
    %dma_wait3A_352 = arith.constant 0 : i32
    %dma_wait3A_353 = tpu.memref_slice %arg2[%dma_wait3A_351, %dma_wait3A_352] : memref<1048576x16xf32, #tpu.memory_space<hbm>> -> memref<1048576x16xf32, #tpu.memory_space<hbm>>
    tpu.wait_indirect_dma semaphore(%arg19 : memref<!tpu.dma_semaphore, #tpu.memory_space<semaphore_mem>>) src(%dma_wait3A_353 : memref<1048576x16xf32, #tpu.memory_space<hbm>>) dst(%dma_wait3A_347 : memref<128x16xf32, #tpu.memory_space<vmem>>)
    %dma_wait3A_354 = arith.constant 1 : i32
    %dma_wait3A_355 = arith.constant 1 : i32
    %dma_wait3A_356 = arith.constant 384 : i32
    %dma_wait3A_357 = arith.constant 0 : i32
    %dma_wait3A_358 = tpu.memref_slice %arg13[%dma_wait3A_355, %dma_wait3A_356, %dma_wait3A_357] : memref<4x512x16xf32, #tpu.memory_space<vmem>> -> memref<1x128x16xf32, #tpu.memory_space<vmem>>
    %dma_wait3A_359 = tpu.memref_squeeze %dma_wait3A_358 : memref<1x128x16xf32, #tpu.memory_space<vmem>> -> memref<128x16xf32, #tpu.memory_space<vmem>>
    %dma_wait3A_360 = arith.constant 384 : i32
    %dma_wait3A_361 = tpu.memref_slice %arg9[%dma_wait3A_354, %dma_wait3A_360] : memref<4x512xi32, #tpu.memory_space<vmem>> -> memref<1x128xi32, #tpu.memory_space<vmem>>
    %dma_wait3A_362 = tpu.memref_squeeze %dma_wait3A_361 : memref<1x128xi32, #tpu.memory_space<vmem>> -> memref<128xi32, #tpu.memory_space<vmem>>
    %dma_wait3A_363 = arith.constant 0 : i32
    %dma_wait3A_364 = arith.constant 0 : i32
    %dma_wait3A_365 = tpu.memref_slice %arg2[%dma_wait3A_363, %dma_wait3A_364] : memref<1048576x16xf32, #tpu.memory_space<hbm>> -> memref<1048576x16xf32, #tpu.memory_space<hbm>>
    tpu.wait_indirect_dma semaphore(%arg19 : memref<!tpu.dma_semaphore, #tpu.memory_space<semaphore_mem>>) src(%dma_wait3A_365 : memref<1048576x16xf32, #tpu.memory_space<hbm>>) dst(%dma_wait3A_359 : memref<128x16xf32, #tpu.memory_space<vmem>>)
    %dma_wait3A_366 = arith.constant 2 : i32
    %dma_wait3A_367 = arith.constant 2 : i32
    %dma_wait3A_368 = arith.constant 0 : i32
    %dma_wait3A_369 = arith.constant 0 : i32
    %dma_wait3A_370 = tpu.memref_slice %arg13[%dma_wait3A_367, %dma_wait3A_368, %dma_wait3A_369] : memref<4x512x16xf32, #tpu.memory_space<vmem>> -> memref<1x128x16xf32, #tpu.memory_space<vmem>>
    %dma_wait3A_371 = tpu.memref_squeeze %dma_wait3A_370 : memref<1x128x16xf32, #tpu.memory_space<vmem>> -> memref<128x16xf32, #tpu.memory_space<vmem>>
    %dma_wait3A_372 = arith.constant 0 : i32
    %dma_wait3A_373 = tpu.memref_slice %arg9[%dma_wait3A_366, %dma_wait3A_372] : memref<4x512xi32, #tpu.memory_space<vmem>> -> memref<1x128xi32, #tpu.memory_space<vmem>>
    %dma_wait3A_374 = tpu.memref_squeeze %dma_wait3A_373 : memref<1x128xi32, #tpu.memory_space<vmem>> -> memref<128xi32, #tpu.memory_space<vmem>>
    %dma_wait3A_375 = arith.constant 0 : i32
    %dma_wait3A_376 = arith.constant 0 : i32
    %dma_wait3A_377 = tpu.memref_slice %arg2[%dma_wait3A_375, %dma_wait3A_376] : memref<1048576x16xf32, #tpu.memory_space<hbm>> -> memref<1048576x16xf32, #tpu.memory_space<hbm>>
    tpu.wait_indirect_dma semaphore(%arg19 : memref<!tpu.dma_semaphore, #tpu.memory_space<semaphore_mem>>) src(%dma_wait3A_377 : memref<1048576x16xf32, #tpu.memory_space<hbm>>) dst(%dma_wait3A_371 : memref<128x16xf32, #tpu.memory_space<vmem>>)
    %dma_wait3A_378 = arith.constant 2 : i32
    %dma_wait3A_379 = arith.constant 2 : i32
    %dma_wait3A_380 = arith.constant 128 : i32
    %dma_wait3A_381 = arith.constant 0 : i32
    %dma_wait3A_382 = tpu.memref_slice %arg13[%dma_wait3A_379, %dma_wait3A_380, %dma_wait3A_381] : memref<4x512x16xf32, #tpu.memory_space<vmem>> -> memref<1x128x16xf32, #tpu.memory_space<vmem>>
    %dma_wait3A_383 = tpu.memref_squeeze %dma_wait3A_382 : memref<1x128x16xf32, #tpu.memory_space<vmem>> -> memref<128x16xf32, #tpu.memory_space<vmem>>
    %dma_wait3A_384 = arith.constant 128 : i32
    %dma_wait3A_385 = tpu.memref_slice %arg9[%dma_wait3A_378, %dma_wait3A_384] : memref<4x512xi32, #tpu.memory_space<vmem>> -> memref<1x128xi32, #tpu.memory_space<vmem>>
    %dma_wait3A_386 = tpu.memref_squeeze %dma_wait3A_385 : memref<1x128xi32, #tpu.memory_space<vmem>> -> memref<128xi32, #tpu.memory_space<vmem>>
    %dma_wait3A_387 = arith.constant 0 : i32
    %dma_wait3A_388 = arith.constant 0 : i32
    %dma_wait3A_389 = tpu.memref_slice %arg2[%dma_wait3A_387, %dma_wait3A_388] : memref<1048576x16xf32, #tpu.memory_space<hbm>> -> memref<1048576x16xf32, #tpu.memory_space<hbm>>
    tpu.wait_indirect_dma semaphore(%arg19 : memref<!tpu.dma_semaphore, #tpu.memory_space<semaphore_mem>>) src(%dma_wait3A_389 : memref<1048576x16xf32, #tpu.memory_space<hbm>>) dst(%dma_wait3A_383 : memref<128x16xf32, #tpu.memory_space<vmem>>)
    %dma_wait3A_390 = arith.constant 2 : i32
    %dma_wait3A_391 = arith.constant 2 : i32
    %dma_wait3A_392 = arith.constant 256 : i32
    %dma_wait3A_393 = arith.constant 0 : i32
    %dma_wait3A_394 = tpu.memref_slice %arg13[%dma_wait3A_391, %dma_wait3A_392, %dma_wait3A_393] : memref<4x512x16xf32, #tpu.memory_space<vmem>> -> memref<1x128x16xf32, #tpu.memory_space<vmem>>
    %dma_wait3A_395 = tpu.memref_squeeze %dma_wait3A_394 : memref<1x128x16xf32, #tpu.memory_space<vmem>> -> memref<128x16xf32, #tpu.memory_space<vmem>>
    %dma_wait3A_396 = arith.constant 256 : i32
    %dma_wait3A_397 = tpu.memref_slice %arg9[%dma_wait3A_390, %dma_wait3A_396] : memref<4x512xi32, #tpu.memory_space<vmem>> -> memref<1x128xi32, #tpu.memory_space<vmem>>
    %dma_wait3A_398 = tpu.memref_squeeze %dma_wait3A_397 : memref<1x128xi32, #tpu.memory_space<vmem>> -> memref<128xi32, #tpu.memory_space<vmem>>
    %dma_wait3A_399 = arith.constant 0 : i32
    %dma_wait3A_400 = arith.constant 0 : i32
    %dma_wait3A_401 = tpu.memref_slice %arg2[%dma_wait3A_399, %dma_wait3A_400] : memref<1048576x16xf32, #tpu.memory_space<hbm>> -> memref<1048576x16xf32, #tpu.memory_space<hbm>>
    tpu.wait_indirect_dma semaphore(%arg19 : memref<!tpu.dma_semaphore, #tpu.memory_space<semaphore_mem>>) src(%dma_wait3A_401 : memref<1048576x16xf32, #tpu.memory_space<hbm>>) dst(%dma_wait3A_395 : memref<128x16xf32, #tpu.memory_space<vmem>>)
    %dma_wait3A_402 = arith.constant 2 : i32
    %dma_wait3A_403 = arith.constant 2 : i32
    %dma_wait3A_404 = arith.constant 384 : i32
    %dma_wait3A_405 = arith.constant 0 : i32
    %dma_wait3A_406 = tpu.memref_slice %arg13[%dma_wait3A_403, %dma_wait3A_404, %dma_wait3A_405] : memref<4x512x16xf32, #tpu.memory_space<vmem>> -> memref<1x128x16xf32, #tpu.memory_space<vmem>>
    %dma_wait3A_407 = tpu.memref_squeeze %dma_wait3A_406 : memref<1x128x16xf32, #tpu.memory_space<vmem>> -> memref<128x16xf32, #tpu.memory_space<vmem>>
    %dma_wait3A_408 = arith.constant 384 : i32
    %dma_wait3A_409 = tpu.memref_slice %arg9[%dma_wait3A_402, %dma_wait3A_408] : memref<4x512xi32, #tpu.memory_space<vmem>> -> memref<1x128xi32, #tpu.memory_space<vmem>>
    %dma_wait3A_410 = tpu.memref_squeeze %dma_wait3A_409 : memref<1x128xi32, #tpu.memory_space<vmem>> -> memref<128xi32, #tpu.memory_space<vmem>>
    %dma_wait3A_411 = arith.constant 0 : i32
    %dma_wait3A_412 = arith.constant 0 : i32
    %dma_wait3A_413 = tpu.memref_slice %arg2[%dma_wait3A_411, %dma_wait3A_412] : memref<1048576x16xf32, #tpu.memory_space<hbm>> -> memref<1048576x16xf32, #tpu.memory_space<hbm>>
    tpu.wait_indirect_dma semaphore(%arg19 : memref<!tpu.dma_semaphore, #tpu.memory_space<semaphore_mem>>) src(%dma_wait3A_413 : memref<1048576x16xf32, #tpu.memory_space<hbm>>) dst(%dma_wait3A_407 : memref<128x16xf32, #tpu.memory_space<vmem>>)
    %dma_wait3A_414 = arith.constant 3 : i32
    %dma_wait3A_415 = arith.constant 3 : i32
    %dma_wait3A_416 = arith.constant 0 : i32
    %dma_wait3A_417 = arith.constant 0 : i32
    %dma_wait3A_418 = tpu.memref_slice %arg13[%dma_wait3A_415, %dma_wait3A_416, %dma_wait3A_417] : memref<4x512x16xf32, #tpu.memory_space<vmem>> -> memref<1x128x16xf32, #tpu.memory_space<vmem>>
    %dma_wait3A_419 = tpu.memref_squeeze %dma_wait3A_418 : memref<1x128x16xf32, #tpu.memory_space<vmem>> -> memref<128x16xf32, #tpu.memory_space<vmem>>
    %dma_wait3A_420 = arith.constant 0 : i32
    %dma_wait3A_421 = tpu.memref_slice %arg9[%dma_wait3A_414, %dma_wait3A_420] : memref<4x512xi32, #tpu.memory_space<vmem>> -> memref<1x128xi32, #tpu.memory_space<vmem>>
    %dma_wait3A_422 = tpu.memref_squeeze %dma_wait3A_421 : memref<1x128xi32, #tpu.memory_space<vmem>> -> memref<128xi32, #tpu.memory_space<vmem>>
    %dma_wait3A_423 = arith.constant 0 : i32
    %dma_wait3A_424 = arith.constant 0 : i32
    %dma_wait3A_425 = tpu.memref_slice %arg2[%dma_wait3A_423, %dma_wait3A_424] : memref<1048576x16xf32, #tpu.memory_space<hbm>> -> memref<1048576x16xf32, #tpu.memory_space<hbm>>
    tpu.wait_indirect_dma semaphore(%arg19 : memref<!tpu.dma_semaphore, #tpu.memory_space<semaphore_mem>>) src(%dma_wait3A_425 : memref<1048576x16xf32, #tpu.memory_space<hbm>>) dst(%dma_wait3A_419 : memref<128x16xf32, #tpu.memory_space<vmem>>)
    %dma_wait3A_426 = arith.constant 3 : i32
    %dma_wait3A_427 = arith.constant 3 : i32
    %dma_wait3A_428 = arith.constant 128 : i32
    %dma_wait3A_429 = arith.constant 0 : i32
    %dma_wait3A_430 = tpu.memref_slice %arg13[%dma_wait3A_427, %dma_wait3A_428, %dma_wait3A_429] : memref<4x512x16xf32, #tpu.memory_space<vmem>> -> memref<1x128x16xf32, #tpu.memory_space<vmem>>
    %dma_wait3A_431 = tpu.memref_squeeze %dma_wait3A_430 : memref<1x128x16xf32, #tpu.memory_space<vmem>> -> memref<128x16xf32, #tpu.memory_space<vmem>>
    %dma_wait3A_432 = arith.constant 128 : i32
    %dma_wait3A_433 = tpu.memref_slice %arg9[%dma_wait3A_426, %dma_wait3A_432] : memref<4x512xi32, #tpu.memory_space<vmem>> -> memref<1x128xi32, #tpu.memory_space<vmem>>
    %dma_wait3A_434 = tpu.memref_squeeze %dma_wait3A_433 : memref<1x128xi32, #tpu.memory_space<vmem>> -> memref<128xi32, #tpu.memory_space<vmem>>
    %dma_wait3A_435 = arith.constant 0 : i32
    %dma_wait3A_436 = arith.constant 0 : i32
    %dma_wait3A_437 = tpu.memref_slice %arg2[%dma_wait3A_435, %dma_wait3A_436] : memref<1048576x16xf32, #tpu.memory_space<hbm>> -> memref<1048576x16xf32, #tpu.memory_space<hbm>>
    tpu.wait_indirect_dma semaphore(%arg19 : memref<!tpu.dma_semaphore, #tpu.memory_space<semaphore_mem>>) src(%dma_wait3A_437 : memref<1048576x16xf32, #tpu.memory_space<hbm>>) dst(%dma_wait3A_431 : memref<128x16xf32, #tpu.memory_space<vmem>>)
    %dma_wait3A_438 = arith.constant 3 : i32
    %dma_wait3A_439 = arith.constant 3 : i32
    %dma_wait3A_440 = arith.constant 256 : i32
    %dma_wait3A_441 = arith.constant 0 : i32
    %dma_wait3A_442 = tpu.memref_slice %arg13[%dma_wait3A_439, %dma_wait3A_440, %dma_wait3A_441] : memref<4x512x16xf32, #tpu.memory_space<vmem>> -> memref<1x128x16xf32, #tpu.memory_space<vmem>>
    %dma_wait3A_443 = tpu.memref_squeeze %dma_wait3A_442 : memref<1x128x16xf32, #tpu.memory_space<vmem>> -> memref<128x16xf32, #tpu.memory_space<vmem>>
    %dma_wait3A_444 = arith.constant 256 : i32
    %dma_wait3A_445 = tpu.memref_slice %arg9[%dma_wait3A_438, %dma_wait3A_444] : memref<4x512xi32, #tpu.memory_space<vmem>> -> memref<1x128xi32, #tpu.memory_space<vmem>>
    %dma_wait3A_446 = tpu.memref_squeeze %dma_wait3A_445 : memref<1x128xi32, #tpu.memory_space<vmem>> -> memref<128xi32, #tpu.memory_space<vmem>>
    %dma_wait3A_447 = arith.constant 0 : i32
    %dma_wait3A_448 = arith.constant 0 : i32
    %dma_wait3A_449 = tpu.memref_slice %arg2[%dma_wait3A_447, %dma_wait3A_448] : memref<1048576x16xf32, #tpu.memory_space<hbm>> -> memref<1048576x16xf32, #tpu.memory_space<hbm>>
    tpu.wait_indirect_dma semaphore(%arg19 : memref<!tpu.dma_semaphore, #tpu.memory_space<semaphore_mem>>) src(%dma_wait3A_449 : memref<1048576x16xf32, #tpu.memory_space<hbm>>) dst(%dma_wait3A_443 : memref<128x16xf32, #tpu.memory_space<vmem>>)
    %dma_wait3A_450 = arith.constant 3 : i32
    %dma_wait3A_451 = arith.constant 3 : i32
    %dma_wait3A_452 = arith.constant 384 : i32
    %dma_wait3A_453 = arith.constant 0 : i32
    %dma_wait3A_454 = tpu.memref_slice %arg13[%dma_wait3A_451, %dma_wait3A_452, %dma_wait3A_453] : memref<4x512x16xf32, #tpu.memory_space<vmem>> -> memref<1x128x16xf32, #tpu.memory_space<vmem>>
    %dma_wait3A_455 = tpu.memref_squeeze %dma_wait3A_454 : memref<1x128x16xf32, #tpu.memory_space<vmem>> -> memref<128x16xf32, #tpu.memory_space<vmem>>
    %dma_wait3A_456 = arith.constant 384 : i32
    %dma_wait3A_457 = tpu.memref_slice %arg9[%dma_wait3A_450, %dma_wait3A_456] : memref<4x512xi32, #tpu.memory_space<vmem>> -> memref<1x128xi32, #tpu.memory_space<vmem>>
    %dma_wait3A_458 = tpu.memref_squeeze %dma_wait3A_457 : memref<1x128xi32, #tpu.memory_space<vmem>> -> memref<128xi32, #tpu.memory_space<vmem>>
    %dma_wait3A_459 = arith.constant 0 : i32
    %dma_wait3A_460 = arith.constant 0 : i32
    %dma_wait3A_461 = tpu.memref_slice %arg2[%dma_wait3A_459, %dma_wait3A_460] : memref<1048576x16xf32, #tpu.memory_space<hbm>> -> memref<1048576x16xf32, #tpu.memory_space<hbm>>
    tpu.wait_indirect_dma semaphore(%arg19 : memref<!tpu.dma_semaphore, #tpu.memory_space<semaphore_mem>>) src(%dma_wait3A_461 : memref<1048576x16xf32, #tpu.memory_space<hbm>>) dst(%dma_wait3A_455 : memref<128x16xf32, #tpu.memory_space<vmem>>)
    %dma_wait3A_462 = arith.constant 0 : i32
    %dma_wait3A_463 = arith.constant 0 : i32
    %dma_wait3A_464 = arith.constant 0 : i32
    %dma_wait3A_465 = tpu.memref_slice %arg5[%dma_wait3A_462, %dma_wait3A_463, %dma_wait3A_464] : memref<4x512x8192xf32, #tpu.memory_space<hbm>> -> memref<1x1x8192xf32, #tpu.memory_space<hbm>>
    %dma_wait3A_466 = tpu.memref_squeeze %dma_wait3A_465 : memref<1x1x8192xf32, #tpu.memory_space<hbm>> -> memref<8192xf32, #tpu.memory_space<hbm>>
    %dma_wait3A_467 = arith.constant 0 : i32
    %dma_wait3A_468 = tpu.memref_slice %arg5[%dma_wait3A_462, %dma_wait3A_463, %dma_wait3A_467] : memref<4x512x8192xf32, #tpu.memory_space<hbm>> -> memref<1x1x8192xf32, #tpu.memory_space<hbm>>
    %dma_wait3A_469 = tpu.memref_squeeze %dma_wait3A_468 : memref<1x1x8192xf32, #tpu.memory_space<hbm>> -> memref<8192xf32, #tpu.memory_space<hbm>>
    tpu.wait_dma2 semaphore(%arg21 : memref<!tpu.dma_semaphore, #tpu.memory_space<semaphore_mem>>) src(%arg15 : memref<8192xf32, #tpu.memory_space<vmem>>) dst(%dma_wait3A_469 : memref<8192xf32, #tpu.memory_space<hbm>>)
    %parallel_loop3A_470 = arith.constant 0 : i32
    %parallel_loop3A_471 = arith.constant 512 : i32
    %parallel_loop3A_472 = arith.constant 1 : i32
    scf.for %parallel_loop3A_503 = %parallel_loop3A_470 to %parallel_loop3A_471 step %parallel_loop3A_472  : i32 {
      %parallel_loop3A_504 = vector.broadcast %parallel_loop3A_503 : i32 to vector<16xi32>
      %parallel_loop3A_505 = arith.constant 0 : i32
      %parallel_loop3A_506 = vector.broadcast %parallel_loop3A_505 : i32 to vector<16xi32>
      %parallel_loop3A_507 = tpu.vector_load_idx %arg11[%parallel_loop3A_506, %parallel_loop3A_504] : memref<4x512xf32, #tpu.memory_space<vmem>>[vector<16xi32>, vector<16xi32>], vector<16xf32>,
      %parallel_loop3A_508 = arith.constant 1 : i32
      %parallel_loop3A_509 = vector.broadcast %parallel_loop3A_508 : i32 to vector<16xi32>
      %parallel_loop3A_510 = tpu.vector_load_idx %arg11[%parallel_loop3A_509, %parallel_loop3A_504] : memref<4x512xf32, #tpu.memory_space<vmem>>[vector<16xi32>, vector<16xi32>], vector<16xf32>,
      %parallel_loop3A_511 = arith.constant 2 : i32
      %parallel_loop3A_512 = vector.broadcast %parallel_loop3A_511 : i32 to vector<16xi32>
      %parallel_loop3A_513 = tpu.vector_load_idx %arg11[%parallel_loop3A_512, %parallel_loop3A_504] : memref<4x512xf32, #tpu.memory_space<vmem>>[vector<16xi32>, vector<16xi32>], vector<16xf32>,
      %parallel_loop3A_514 = arith.constant 3 : i32
      %parallel_loop3A_515 = vector.broadcast %parallel_loop3A_514 : i32 to vector<16xi32>
      %parallel_loop3A_516 = tpu.vector_load_idx %arg11[%parallel_loop3A_515, %parallel_loop3A_504] : memref<4x512xf32, #tpu.memory_space<vmem>>[vector<16xi32>, vector<16xi32>], vector<16xf32>,
      %parallel_loop3A_517 = arith.constant 0 : i32
      %parallel_loop3A_518 = arith.index_cast %parallel_loop3A_517 : i32 to index
      %parallel_loop3A_519 = arith.index_cast %parallel_loop3A_503 : i32 to index
      %parallel_loop3A_520 = arith.constant 0 : index
      %parallel_loop3A_521 = tpu.vector_load %arg13[%parallel_loop3A_518, %parallel_loop3A_519, %parallel_loop3A_520] {strides = array<i32>} : memref<4x512x16xf32, #tpu.memory_space<vmem>>, vector<16xf32>,
      %parallel_loop3A_522 = arith.mulf %parallel_loop3A_507, %parallel_loop3A_521 : vector<16xf32>
      %parallel_loop3A_523 = arith.constant 1 : i32
      %parallel_loop3A_524 = arith.index_cast %parallel_loop3A_523 : i32 to index
      %parallel_loop3A_525 = arith.index_cast %parallel_loop3A_503 : i32 to index
      %parallel_loop3A_526 = arith.constant 0 : index
      %parallel_loop3A_527 = tpu.vector_load %arg13[%parallel_loop3A_524, %parallel_loop3A_525, %parallel_loop3A_526] {strides = array<i32>} : memref<4x512x16xf32, #tpu.memory_space<vmem>>, vector<16xf32>,
      %parallel_loop3A_528 = arith.mulf %parallel_loop3A_510, %parallel_loop3A_527 : vector<16xf32>
      %parallel_loop3A_529 = arith.addf %parallel_loop3A_522, %parallel_loop3A_528 : vector<16xf32>
      %parallel_loop3A_530 = arith.constant 2 : i32
      %parallel_loop3A_531 = arith.index_cast %parallel_loop3A_530 : i32 to index
      %parallel_loop3A_532 = arith.index_cast %parallel_loop3A_503 : i32 to index
      %parallel_loop3A_533 = arith.constant 0 : index
      %parallel_loop3A_534 = tpu.vector_load %arg13[%parallel_loop3A_531, %parallel_loop3A_532, %parallel_loop3A_533] {strides = array<i32>} : memref<4x512x16xf32, #tpu.memory_space<vmem>>, vector<16xf32>,
      %parallel_loop3A_535 = arith.mulf %parallel_loop3A_513, %parallel_loop3A_534 : vector<16xf32>
      %parallel_loop3A_536 = arith.addf %parallel_loop3A_529, %parallel_loop3A_535 : vector<16xf32>
      %parallel_loop3A_537 = arith.constant 3 : i32
      %parallel_loop3A_538 = arith.index_cast %parallel_loop3A_537 : i32 to index
      %parallel_loop3A_539 = arith.index_cast %parallel_loop3A_503 : i32 to index
      %parallel_loop3A_540 = arith.constant 0 : index
      %parallel_loop3A_541 = tpu.vector_load %arg13[%parallel_loop3A_538, %parallel_loop3A_539, %parallel_loop3A_540] {strides = array<i32>} : memref<4x512x16xf32, #tpu.memory_space<vmem>>, vector<16xf32>,
      %parallel_loop3A_542 = arith.mulf %parallel_loop3A_516, %parallel_loop3A_541 : vector<16xf32>
      %parallel_loop3A_543 = arith.addf %parallel_loop3A_536, %parallel_loop3A_542 : vector<16xf32>
      %parallel_loop3A_544 = arith.constant 7 : i32
      %parallel_loop3A_545 = arith.shrui %parallel_loop3A_503, %parallel_loop3A_544 : i32
      %parallel_loop3A_546 = arith.constant 10 : i32
      %parallel_loop3A_547 = arith.shli %parallel_loop3A_545, %parallel_loop3A_546 : i32
      %parallel_loop3A_548 = arith.constant 127 : i32
      %parallel_loop3A_549 = arith.andi %parallel_loop3A_503, %parallel_loop3A_548 : i32
      %parallel_loop3A_550 = arith.addi %parallel_loop3A_547, %parallel_loop3A_549 : i32
      %parallel_loop3A_551 = vector.broadcast %parallel_loop3A_550 : i32 to vector<16xi32>
      %parallel_loop3A_552 = arith.addi %add3A_12, %parallel_loop3A_551 : vector<16xi32>
      tpu.vector_store_idx %arg15[%parallel_loop3A_552], %parallel_loop3A_543 : memref<8192xf32, #tpu.memory_space<vmem>>[vector<16xi32>], vector<16xf32>,
    } {sc.loop_unroll_factor = 8 : i64, sc.parallel_access}
    %mul3A_473 = arith.constant 64 : i32
    %mul3A_474 = arith.muli %add3A, %mul3A_473 : i32
    %add3A_475 = arith.constant 63 : i32
    %add3A_476 = arith.addi %mul3A_474, %add3A_475 : i32
    %shift_right_logical3A_477 = arith.constant 9 : i32
    %shift_right_logical3A_478 = arith.shrui %add3A_476, %shift_right_logical3A_477 : i32
    %and3A_479 = arith.constant 511 : i32
    %and3A_480 = arith.andi %add3A_476, %and3A_479 : i32
    %dma_start3A_481 = arith.constant 0 : i32
    %dma_start3A_482 = tpu.memref_slice %arg5[%shift_right_logical3A_478, %and3A_480, %dma_start3A_481] : memref<4x512x8192xf32, #tpu.memory_space<hbm>> -> memref<1x1x8192xf32, #tpu.memory_space<hbm>>
    %dma_start3A_483 = tpu.memref_squeeze %dma_start3A_482 : memref<1x1x8192xf32, #tpu.memory_space<hbm>> -> memref<8192xf32, #tpu.memory_space<hbm>>
    %dma_start3A_484 = arith.constant 0 : i32
    %dma_start3A_485 = tpu.memref_slice %arg5[%shift_right_logical3A_478, %and3A_480, %dma_start3A_484] : memref<4x512x8192xf32, #tpu.memory_space<hbm>> -> memref<1x1x8192xf32, #tpu.memory_space<hbm>>
    %dma_start3A_486 = tpu.memref_squeeze %dma_start3A_485 : memref<1x1x8192xf32, #tpu.memory_space<hbm>> -> memref<8192xf32, #tpu.memory_space<hbm>>
    tpu.enqueue_dma source(%arg15 : memref<8192xf32, #tpu.memory_space<vmem>>) target(%dma_start3A_486 : memref<8192xf32, #tpu.memory_space<hbm>>) target_semaphore(%arg21 : memref<!tpu.dma_semaphore, #tpu.memory_space<semaphore_mem>>)
    %dma_wait3A_487 = arith.constant 0 : i32
    %dma_wait3A_488 = arith.constant 0 : i32
    %dma_wait3A_489 = arith.constant 0 : i32
    %dma_wait3A_490 = tpu.memref_slice %arg5[%dma_wait3A_487, %dma_wait3A_488, %dma_wait3A_489] : memref<4x512x8192xf32, #tpu.memory_space<hbm>> -> memref<1x1x8192xf32, #tpu.memory_space<hbm>>
    %dma_wait3A_491 = tpu.memref_squeeze %dma_wait3A_490 : memref<1x1x8192xf32, #tpu.memory_space<hbm>> -> memref<8192xf32, #tpu.memory_space<hbm>>
    %dma_wait3A_492 = arith.constant 0 : i32
    %dma_wait3A_493 = tpu.memref_slice %arg5[%dma_wait3A_487, %dma_wait3A_488, %dma_wait3A_492] : memref<4x512x8192xf32, #tpu.memory_space<hbm>> -> memref<1x1x8192xf32, #tpu.memory_space<hbm>>
    %dma_wait3A_494 = tpu.memref_squeeze %dma_wait3A_493 : memref<1x1x8192xf32, #tpu.memory_space<hbm>> -> memref<8192xf32, #tpu.memory_space<hbm>>
    tpu.wait_dma2 semaphore(%arg20 : memref<!tpu.dma_semaphore, #tpu.memory_space<semaphore_mem>>) src(%arg14 : memref<8192xf32, #tpu.memory_space<vmem>>) dst(%dma_wait3A_494 : memref<8192xf32, #tpu.memory_space<hbm>>)
    %dma_wait3A_495 = arith.constant 0 : i32
    %dma_wait3A_496 = arith.constant 0 : i32
    %dma_wait3A_497 = arith.constant 0 : i32
    %dma_wait3A_498 = tpu.memref_slice %arg5[%dma_wait3A_495, %dma_wait3A_496, %dma_wait3A_497] : memref<4x512x8192xf32, #tpu.memory_space<hbm>> -> memref<1x1x8192xf32, #tpu.memory_space<hbm>>
    %dma_wait3A_499 = tpu.memref_squeeze %dma_wait3A_498 : memref<1x1x8192xf32, #tpu.memory_space<hbm>> -> memref<8192xf32, #tpu.memory_space<hbm>>
    %dma_wait3A_500 = arith.constant 0 : i32
    %dma_wait3A_501 = tpu.memref_slice %arg5[%dma_wait3A_495, %dma_wait3A_496, %dma_wait3A_500] : memref<4x512x8192xf32, #tpu.memory_space<hbm>> -> memref<1x1x8192xf32, #tpu.memory_space<hbm>>
    %dma_wait3A_502 = tpu.memref_squeeze %dma_wait3A_501 : memref<1x1x8192xf32, #tpu.memory_space<hbm>> -> memref<8192xf32, #tpu.memory_space<hbm>>
    tpu.wait_dma2 semaphore(%arg21 : memref<!tpu.dma_semaphore, #tpu.memory_space<semaphore_mem>>) src(%arg15 : memref<8192xf32, #tpu.memory_space<vmem>>) dst(%dma_wait3A_502 : memref<8192xf32, #tpu.memory_space<hbm>>)
    return
  }
}

#map = affine_map<(d0, d1) -> (0, 0, 0)>
#map1 = affine_map<(d0, d1) -> (0, 0)>
module attributes {stable_mosaic.version = 14 : i64} {
  func.func @_detile_body(%arg0: i32, %arg1: i32, %arg2: memref<4x512x8192xf32, #tpu.memory_space<hbm>>, %arg3: memref<1048576x16xf32, #tpu.memory_space<hbm>>, %arg4: memref<8192xf32, #tpu.memory_space<vmem>>, %arg5: memref<8192xf32, #tpu.memory_space<vmem>>, %arg6: memref<512x16xf32, #tpu.memory_space<vmem>>, %arg7: memref<512x16xf32, #tpu.memory_space<vmem>>, %arg8: memref<!tpu.dma_semaphore, #tpu.memory_space<semaphore_mem>>, %arg9: memref<!tpu.dma_semaphore, #tpu.memory_space<semaphore_mem>>, %arg10: memref<!tpu.dma_semaphore, #tpu.memory_space<semaphore_mem>>, %arg11: memref<!tpu.dma_semaphore, #tpu.memory_space<semaphore_mem>>) attributes {dimension_semantics = [#tpu.dimension_semantics<core_parallel>, #tpu.dimension_semantics<subcore_parallel>], iteration_bounds = array<i64: 2, 16>, scalar_prefetch = 0 : i64, scratch_operands = 8 : i64, tpu.core_type = #tpu.core_type<sc_vector_subcore>, window_params = [{transform_indices = #map}, {transform_indices = #map1}]} {
    %mul3A = arith.constant 2 : i32
    %mul3A_0 = arith.muli %arg1, %mul3A : i32
    %add3A = arith.addi %mul3A_0, %arg0 : i32
    %iota3A = tpu.iota {dimensions = array<i32: 0>} : vector<16xi32>
    %shift_right_logical3A = arith.constant 3 : i32
    %shift_right_logical3A_1 = vector.broadcast %shift_right_logical3A : i32 to vector<16xi32>
    %shift_right_logical3A_2 = arith.shrui %iota3A, %shift_right_logical3A_1 : vector<16xi32>
    %shift_left3A = arith.constant 12 : i32
    %shift_left3A_3 = vector.broadcast %shift_left3A : i32 to vector<16xi32>
    %shift_left3A_4 = arith.shli %shift_right_logical3A_2, %shift_left3A_3 : vector<16xi32>
    %and3A = arith.constant 7 : i32
    %and3A_5 = vector.broadcast %and3A : i32 to vector<16xi32>
    %and3A_6 = arith.andi %iota3A, %and3A_5 : vector<16xi32>
    %shift_left3A_7 = arith.constant 7 : i32
    %shift_left3A_8 = vector.broadcast %shift_left3A_7 : i32 to vector<16xi32>
    %shift_left3A_9 = arith.shli %and3A_6, %shift_left3A_8 : vector<16xi32>
    %add3A_10 = arith.addi %shift_left3A_4, %shift_left3A_9 : vector<16xi32>
    %mul3A_11 = arith.constant 64 : i32
    %mul3A_12 = arith.muli %add3A, %mul3A_11 : i32
    %add3A_13 = arith.constant 0 : i32
    %add3A_14 = arith.addi %mul3A_12, %add3A_13 : i32
    %shift_right_logical3A_15 = arith.constant 9 : i32
    %shift_right_logical3A_16 = arith.shrui %add3A_14, %shift_right_logical3A_15 : i32
    %and3A_17 = arith.constant 511 : i32
    %and3A_18 = arith.andi %add3A_14, %and3A_17 : i32
    %dma_start3A = arith.constant 0 : i32
    %dma_start3A_19 = tpu.memref_slice %arg2[%shift_right_logical3A_16, %and3A_18, %dma_start3A] : memref<4x512x8192xf32, #tpu.memory_space<hbm>> -> memref<1x1x8192xf32, #tpu.memory_space<hbm>>
    %dma_start3A_20 = tpu.memref_squeeze %dma_start3A_19 : memref<1x1x8192xf32, #tpu.memory_space<hbm>> -> memref<8192xf32, #tpu.memory_space<hbm>>
    %dma_start3A_21 = arith.constant 0 : i32
    %dma_start3A_22 = tpu.memref_slice %arg2[%shift_right_logical3A_16, %and3A_18, %dma_start3A_21] : memref<4x512x8192xf32, #tpu.memory_space<hbm>> -> memref<1x1x8192xf32, #tpu.memory_space<hbm>>
    %dma_start3A_23 = tpu.memref_squeeze %dma_start3A_22 : memref<1x1x8192xf32, #tpu.memory_space<hbm>> -> memref<8192xf32, #tpu.memory_space<hbm>>
    tpu.enqueue_dma source(%dma_start3A_23 : memref<8192xf32, #tpu.memory_space<hbm>>) target(%arg4 : memref<8192xf32, #tpu.memory_space<vmem>>) target_semaphore(%arg8 : memref<!tpu.dma_semaphore, #tpu.memory_space<semaphore_mem>>)
    %scan3A = arith.constant 0 : i32
    %scan3A_24 = arith.constant 0 : i32
    %scan3A_25 = arith.constant 32 : i32
    %scan3A_26 = arith.addi %scan3A_24, %scan3A_25 : i32
    %scan3A_27 = arith.constant 1 : i32
    scf.for %scan3A_40 = %scan3A_24 to %scan3A_26 step %scan3A_27  : i32 {
      %mul3A_41 = arith.constant 2 : i32
      %mul3A_42 = arith.muli %mul3A_41, %scan3A_40 : i32
      %add3A_43 = arith.constant 0 : i32
      %add3A_44 = arith.addi %mul3A_42, %add3A_43 : i32
      %add3A_45 = arith.constant 1 : i32
      %add3A_46 = arith.addi %add3A_44, %add3A_45 : i32
      %le3A = arith.constant 63 : i32
      %le3A_47 = arith.cmpi sle, %add3A_46, %le3A : i32
      %convert_element_type3A = arith.extui %le3A_47 : i1 to i32
      %cond3A = arith.constant 0 : i32
      %cond3A_48 = arith.cmpi ne, %convert_element_type3A, %cond3A : i32
      scf.if %cond3A_48 {
        %add3A_108 = arith.constant 1 : i32
        %add3A_109 = arith.addi %add3A_44, %add3A_108 : i32
        %mul3A_110 = arith.constant 64 : i32
        %mul3A_111 = arith.muli %add3A, %mul3A_110 : i32
        %add3A_112 = arith.addi %mul3A_111, %add3A_109 : i32
        %shift_right_logical3A_113 = arith.constant 9 : i32
        %shift_right_logical3A_114 = arith.shrui %add3A_112, %shift_right_logical3A_113 : i32
        %and3A_115 = arith.constant 511 : i32
        %and3A_116 = arith.andi %add3A_112, %and3A_115 : i32
        %dma_start3A_117 = arith.constant 0 : i32
        %dma_start3A_118 = tpu.memref_slice %arg2[%shift_right_logical3A_114, %and3A_116, %dma_start3A_117] : memref<4x512x8192xf32, #tpu.memory_space<hbm>> -> memref<1x1x8192xf32, #tpu.memory_space<hbm>>
        %dma_start3A_119 = tpu.memref_squeeze %dma_start3A_118 : memref<1x1x8192xf32, #tpu.memory_space<hbm>> -> memref<8192xf32, #tpu.memory_space<hbm>>
        %dma_start3A_120 = arith.constant 0 : i32
        %dma_start3A_121 = tpu.memref_slice %arg2[%shift_right_logical3A_114, %and3A_116, %dma_start3A_120] : memref<4x512x8192xf32, #tpu.memory_space<hbm>> -> memref<1x1x8192xf32, #tpu.memory_space<hbm>>
        %dma_start3A_122 = tpu.memref_squeeze %dma_start3A_121 : memref<1x1x8192xf32, #tpu.memory_space<hbm>> -> memref<8192xf32, #tpu.memory_space<hbm>>
        tpu.enqueue_dma source(%dma_start3A_122 : memref<8192xf32, #tpu.memory_space<hbm>>) target(%arg5 : memref<8192xf32, #tpu.memory_space<vmem>>) target_semaphore(%arg9 : memref<!tpu.dma_semaphore, #tpu.memory_space<semaphore_mem>>)
      } else {
      }
      %dma_wait3A_49 = arith.constant 0 : i32
      %dma_wait3A_50 = arith.constant 0 : i32
      %dma_wait3A_51 = arith.constant 0 : i32
      %dma_wait3A_52 = tpu.memref_slice %arg2[%dma_wait3A_49, %dma_wait3A_50, %dma_wait3A_51] : memref<4x512x8192xf32, #tpu.memory_space<hbm>> -> memref<1x1x8192xf32, #tpu.memory_space<hbm>>
      %dma_wait3A_53 = tpu.memref_squeeze %dma_wait3A_52 : memref<1x1x8192xf32, #tpu.memory_space<hbm>> -> memref<8192xf32, #tpu.memory_space<hbm>>
      %dma_wait3A_54 = arith.constant 0 : i32
      %dma_wait3A_55 = tpu.memref_slice %arg2[%dma_wait3A_49, %dma_wait3A_50, %dma_wait3A_54] : memref<4x512x8192xf32, #tpu.memory_space<hbm>> -> memref<1x1x8192xf32, #tpu.memory_space<hbm>>
      %dma_wait3A_56 = tpu.memref_squeeze %dma_wait3A_55 : memref<1x1x8192xf32, #tpu.memory_space<hbm>> -> memref<8192xf32, #tpu.memory_space<hbm>>
      tpu.wait_dma2 semaphore(%arg8 : memref<!tpu.dma_semaphore, #tpu.memory_space<semaphore_mem>>) src(%dma_wait3A_56 : memref<8192xf32, #tpu.memory_space<hbm>>) dst(%arg4 : memref<8192xf32, #tpu.memory_space<vmem>>)
      %ge3A = arith.constant 2 : i32
      %ge3A_57 = arith.cmpi sge, %add3A_44, %ge3A : i32
      %convert_element_type3A_58 = arith.extui %ge3A_57 : i1 to i32
      %cond3A_59 = arith.constant 0 : i32
      %cond3A_60 = arith.cmpi ne, %convert_element_type3A_58, %cond3A_59 : i32
      scf.if %cond3A_60 {
        %dma_wait3A_108 = arith.constant 0 : i32
        %dma_wait3A_109 = arith.constant 0 : i32
        %dma_wait3A_110 = tpu.memref_slice %arg3[%dma_wait3A_108, %dma_wait3A_109] : memref<1048576x16xf32, #tpu.memory_space<hbm>> -> memref<512x16xf32, #tpu.memory_space<hbm>>
        %dma_wait3A_111 = arith.constant 0 : i32
        %dma_wait3A_112 = arith.constant 0 : i32
        %dma_wait3A_113 = tpu.memref_slice %arg3[%dma_wait3A_111, %dma_wait3A_112] : memref<1048576x16xf32, #tpu.memory_space<hbm>> -> memref<512x16xf32, #tpu.memory_space<hbm>>
        tpu.wait_dma2 semaphore(%arg10 : memref<!tpu.dma_semaphore, #tpu.memory_space<semaphore_mem>>) src(%arg6 : memref<512x16xf32, #tpu.memory_space<vmem>>) dst(%dma_wait3A_113 : memref<512x16xf32, #tpu.memory_space<hbm>>)
      } else {
      }
      %parallel_loop3A = arith.constant 0 : i32
      %parallel_loop3A_61 = arith.constant 512 : i32
      %parallel_loop3A_62 = arith.constant 1 : i32
      scf.for %parallel_loop3A_108 = %parallel_loop3A to %parallel_loop3A_61 step %parallel_loop3A_62  : i32 {
        %parallel_loop3A_109 = arith.constant 7 : i32
        %parallel_loop3A_110 = arith.shrui %parallel_loop3A_108, %parallel_loop3A_109 : i32
        %parallel_loop3A_111 = arith.constant 10 : i32
        %parallel_loop3A_112 = arith.shli %parallel_loop3A_110, %parallel_loop3A_111 : i32
        %parallel_loop3A_113 = arith.constant 127 : i32
        %parallel_loop3A_114 = arith.andi %parallel_loop3A_108, %parallel_loop3A_113 : i32
        %parallel_loop3A_115 = arith.addi %parallel_loop3A_112, %parallel_loop3A_114 : i32
        %parallel_loop3A_116 = vector.broadcast %parallel_loop3A_115 : i32 to vector<16xi32>
        %parallel_loop3A_117 = arith.addi %add3A_10, %parallel_loop3A_116 : vector<16xi32>
        %parallel_loop3A_118 = tpu.vector_load_idx %arg4[%parallel_loop3A_117] : memref<8192xf32, #tpu.memory_space<vmem>>[vector<16xi32>], vector<16xf32>,
        %parallel_loop3A_119 = arith.index_cast %parallel_loop3A_108 : i32 to index
        %parallel_loop3A_120 = arith.constant 0 : index
        %parallel_loop3A_121 = tpu.vector_load %arg6[%parallel_loop3A_119, %parallel_loop3A_120] {strides = array<i32>} : memref<512x16xf32, #tpu.memory_space<vmem>>, vector<16xf32>,
        tpu.vector_store %arg6[%parallel_loop3A_119, %parallel_loop3A_120], %parallel_loop3A_118 {strides = array<i32>} : memref<512x16xf32, #tpu.memory_space<vmem>>, vector<16xf32>,
      } {sc.loop_unroll_factor = 8 : i64, sc.parallel_access}
      %mul3A_63 = arith.constant 64 : i32
      %mul3A_64 = arith.muli %add3A, %mul3A_63 : i32
      %add3A_65 = arith.addi %mul3A_64, %add3A_44 : i32
      %mul3A_66 = arith.constant 512 : i32
      %mul3A_67 = arith.muli %add3A_65, %mul3A_66 : i32
      %dma_start3A_68 = arith.constant 0 : i32
      %dma_start3A_69 = tpu.memref_slice %arg3[%mul3A_67, %dma_start3A_68] : memref<1048576x16xf32, #tpu.memory_space<hbm>> -> memref<512x16xf32, #tpu.memory_space<hbm>>
      %dma_start3A_70 = arith.constant 0 : i32
      %dma_start3A_71 = tpu.memref_slice %arg3[%mul3A_67, %dma_start3A_70] : memref<1048576x16xf32, #tpu.memory_space<hbm>> -> memref<512x16xf32, #tpu.memory_space<hbm>>
      tpu.enqueue_dma source(%arg6 : memref<512x16xf32, #tpu.memory_space<vmem>>) target(%dma_start3A_71 : memref<512x16xf32, #tpu.memory_space<hbm>>) target_semaphore(%arg10 : memref<!tpu.dma_semaphore, #tpu.memory_space<semaphore_mem>>)
      %mul3A_72 = arith.constant 2 : i32
      %mul3A_73 = arith.muli %mul3A_72, %scan3A_40 : i32
      %add3A_74 = arith.constant 1 : i32
      %add3A_75 = arith.addi %mul3A_73, %add3A_74 : i32
      %add3A_76 = arith.constant 1 : i32
      %add3A_77 = arith.addi %add3A_75, %add3A_76 : i32
      %le3A_78 = arith.constant 63 : i32
      %le3A_79 = arith.cmpi sle, %add3A_77, %le3A_78 : i32
      %convert_element_type3A_80 = arith.extui %le3A_79 : i1 to i32
      %cond3A_81 = arith.constant 0 : i32
      %cond3A_82 = arith.cmpi ne, %convert_element_type3A_80, %cond3A_81 : i32
      scf.if %cond3A_82 {
        %add3A_108 = arith.constant 1 : i32
        %add3A_109 = arith.addi %add3A_75, %add3A_108 : i32
        %mul3A_110 = arith.constant 64 : i32
        %mul3A_111 = arith.muli %add3A, %mul3A_110 : i32
        %add3A_112 = arith.addi %mul3A_111, %add3A_109 : i32
        %shift_right_logical3A_113 = arith.constant 9 : i32
        %shift_right_logical3A_114 = arith.shrui %add3A_112, %shift_right_logical3A_113 : i32
        %and3A_115 = arith.constant 511 : i32
        %and3A_116 = arith.andi %add3A_112, %and3A_115 : i32
        %dma_start3A_117 = arith.constant 0 : i32
        %dma_start3A_118 = tpu.memref_slice %arg2[%shift_right_logical3A_114, %and3A_116, %dma_start3A_117] : memref<4x512x8192xf32, #tpu.memory_space<hbm>> -> memref<1x1x8192xf32, #tpu.memory_space<hbm>>
        %dma_start3A_119 = tpu.memref_squeeze %dma_start3A_118 : memref<1x1x8192xf32, #tpu.memory_space<hbm>> -> memref<8192xf32, #tpu.memory_space<hbm>>
        %dma_start3A_120 = arith.constant 0 : i32
        %dma_start3A_121 = tpu.memref_slice %arg2[%shift_right_logical3A_114, %and3A_116, %dma_start3A_120] : memref<4x512x8192xf32, #tpu.memory_space<hbm>> -> memref<1x1x8192xf32, #tpu.memory_space<hbm>>
        %dma_start3A_122 = tpu.memref_squeeze %dma_start3A_121 : memref<1x1x8192xf32, #tpu.memory_space<hbm>> -> memref<8192xf32, #tpu.memory_space<hbm>>
        tpu.enqueue_dma source(%dma_start3A_122 : memref<8192xf32, #tpu.memory_space<hbm>>) target(%arg4 : memref<8192xf32, #tpu.memory_space<vmem>>) target_semaphore(%arg8 : memref<!tpu.dma_semaphore, #tpu.memory_space<semaphore_mem>>)
      } else {
      }
      %dma_wait3A_83 = arith.constant 0 : i32
      %dma_wait3A_84 = arith.constant 0 : i32
      %dma_wait3A_85 = arith.constant 0 : i32
      %dma_wait3A_86 = tpu.memref_slice %arg2[%dma_wait3A_83, %dma_wait3A_84, %dma_wait3A_85] : memref<4x512x8192xf32, #tpu.memory_space<hbm>> -> memref<1x1x8192xf32, #tpu.memory_space<hbm>>
      %dma_wait3A_87 = tpu.memref_squeeze %dma_wait3A_86 : memref<1x1x8192xf32, #tpu.memory_space<hbm>> -> memref<8192xf32, #tpu.memory_space<hbm>>
      %dma_wait3A_88 = arith.constant 0 : i32
      %dma_wait3A_89 = tpu.memref_slice %arg2[%dma_wait3A_83, %dma_wait3A_84, %dma_wait3A_88] : memref<4x512x8192xf32, #tpu.memory_space<hbm>> -> memref<1x1x8192xf32, #tpu.memory_space<hbm>>
      %dma_wait3A_90 = tpu.memref_squeeze %dma_wait3A_89 : memref<1x1x8192xf32, #tpu.memory_space<hbm>> -> memref<8192xf32, #tpu.memory_space<hbm>>
      tpu.wait_dma2 semaphore(%arg9 : memref<!tpu.dma_semaphore, #tpu.memory_space<semaphore_mem>>) src(%dma_wait3A_90 : memref<8192xf32, #tpu.memory_space<hbm>>) dst(%arg5 : memref<8192xf32, #tpu.memory_space<vmem>>)
      %ge3A_91 = arith.constant 2 : i32
      %ge3A_92 = arith.cmpi sge, %add3A_75, %ge3A_91 : i32
      %convert_element_type3A_93 = arith.extui %ge3A_92 : i1 to i32
      %cond3A_94 = arith.constant 0 : i32
      %cond3A_95 = arith.cmpi ne, %convert_element_type3A_93, %cond3A_94 : i32
      scf.if %cond3A_95 {
        %dma_wait3A_108 = arith.constant 0 : i32
        %dma_wait3A_109 = arith.constant 0 : i32
        %dma_wait3A_110 = tpu.memref_slice %arg3[%dma_wait3A_108, %dma_wait3A_109] : memref<1048576x16xf32, #tpu.memory_space<hbm>> -> memref<512x16xf32, #tpu.memory_space<hbm>>
        %dma_wait3A_111 = arith.constant 0 : i32
        %dma_wait3A_112 = arith.constant 0 : i32
        %dma_wait3A_113 = tpu.memref_slice %arg3[%dma_wait3A_111, %dma_wait3A_112] : memref<1048576x16xf32, #tpu.memory_space<hbm>> -> memref<512x16xf32, #tpu.memory_space<hbm>>
        tpu.wait_dma2 semaphore(%arg11 : memref<!tpu.dma_semaphore, #tpu.memory_space<semaphore_mem>>) src(%arg7 : memref<512x16xf32, #tpu.memory_space<vmem>>) dst(%dma_wait3A_113 : memref<512x16xf32, #tpu.memory_space<hbm>>)
      } else {
      }
      %parallel_loop3A_96 = arith.constant 0 : i32
      %parallel_loop3A_97 = arith.constant 512 : i32
      %parallel_loop3A_98 = arith.constant 1 : i32
      scf.for %parallel_loop3A_108 = %parallel_loop3A_96 to %parallel_loop3A_97 step %parallel_loop3A_98  : i32 {
        %parallel_loop3A_109 = arith.constant 7 : i32
        %parallel_loop3A_110 = arith.shrui %parallel_loop3A_108, %parallel_loop3A_109 : i32
        %parallel_loop3A_111 = arith.constant 10 : i32
        %parallel_loop3A_112 = arith.shli %parallel_loop3A_110, %parallel_loop3A_111 : i32
        %parallel_loop3A_113 = arith.constant 127 : i32
        %parallel_loop3A_114 = arith.andi %parallel_loop3A_108, %parallel_loop3A_113 : i32
        %parallel_loop3A_115 = arith.addi %parallel_loop3A_112, %parallel_loop3A_114 : i32
        %parallel_loop3A_116 = vector.broadcast %parallel_loop3A_115 : i32 to vector<16xi32>
        %parallel_loop3A_117 = arith.addi %add3A_10, %parallel_loop3A_116 : vector<16xi32>
        %parallel_loop3A_118 = tpu.vector_load_idx %arg5[%parallel_loop3A_117] : memref<8192xf32, #tpu.memory_space<vmem>>[vector<16xi32>], vector<16xf32>,
        %parallel_loop3A_119 = arith.index_cast %parallel_loop3A_108 : i32 to index
        %parallel_loop3A_120 = arith.constant 0 : index
        %parallel_loop3A_121 = tpu.vector_load %arg7[%parallel_loop3A_119, %parallel_loop3A_120] {strides = array<i32>} : memref<512x16xf32, #tpu.memory_space<vmem>>, vector<16xf32>,
        tpu.vector_store %arg7[%parallel_loop3A_119, %parallel_loop3A_120], %parallel_loop3A_118 {strides = array<i32>} : memref<512x16xf32, #tpu.memory_space<vmem>>, vector<16xf32>,
      } {sc.loop_unroll_factor = 8 : i64, sc.parallel_access}
      %mul3A_99 = arith.constant 64 : i32
      %mul3A_100 = arith.muli %add3A, %mul3A_99 : i32
      %add3A_101 = arith.addi %mul3A_100, %add3A_75 : i32
      %mul3A_102 = arith.constant 512 : i32
      %mul3A_103 = arith.muli %add3A_101, %mul3A_102 : i32
      %dma_start3A_104 = arith.constant 0 : i32
      %dma_start3A_105 = tpu.memref_slice %arg3[%mul3A_103, %dma_start3A_104] : memref<1048576x16xf32, #tpu.memory_space<hbm>> -> memref<512x16xf32, #tpu.memory_space<hbm>>
      %dma_start3A_106 = arith.constant 0 : i32
      %dma_start3A_107 = tpu.memref_slice %arg3[%mul3A_103, %dma_start3A_106] : memref<1048576x16xf32, #tpu.memory_space<hbm>> -> memref<512x16xf32, #tpu.memory_space<hbm>>
      tpu.enqueue_dma source(%arg7 : memref<512x16xf32, #tpu.memory_space<vmem>>) target(%dma_start3A_107 : memref<512x16xf32, #tpu.memory_space<hbm>>) target_semaphore(%arg11 : memref<!tpu.dma_semaphore, #tpu.memory_space<semaphore_mem>>)
    }
    %scan3A_28 = arith.constant 32 : i32
    %dma_wait3A = arith.constant 0 : i32
    %dma_wait3A_29 = arith.constant 0 : i32
    %dma_wait3A_30 = tpu.memref_slice %arg3[%dma_wait3A, %dma_wait3A_29] : memref<1048576x16xf32, #tpu.memory_space<hbm>> -> memref<512x16xf32, #tpu.memory_space<hbm>>
    %dma_wait3A_31 = arith.constant 0 : i32
    %dma_wait3A_32 = arith.constant 0 : i32
    %dma_wait3A_33 = tpu.memref_slice %arg3[%dma_wait3A_31, %dma_wait3A_32] : memref<1048576x16xf32, #tpu.memory_space<hbm>> -> memref<512x16xf32, #tpu.memory_space<hbm>>
    tpu.wait_dma2 semaphore(%arg10 : memref<!tpu.dma_semaphore, #tpu.memory_space<semaphore_mem>>) src(%arg6 : memref<512x16xf32, #tpu.memory_space<vmem>>) dst(%dma_wait3A_33 : memref<512x16xf32, #tpu.memory_space<hbm>>)
    %dma_wait3A_34 = arith.constant 0 : i32
    %dma_wait3A_35 = arith.constant 0 : i32
    %dma_wait3A_36 = tpu.memref_slice %arg3[%dma_wait3A_34, %dma_wait3A_35] : memref<1048576x16xf32, #tpu.memory_space<hbm>> -> memref<512x16xf32, #tpu.memory_space<hbm>>
    %dma_wait3A_37 = arith.constant 0 : i32
    %dma_wait3A_38 = arith.constant 0 : i32
    %dma_wait3A_39 = tpu.memref_slice %arg3[%dma_wait3A_37, %dma_wait3A_38] : memref<1048576x16xf32, #tpu.memory_space<hbm>> -> memref<512x16xf32, #tpu.memory_space<hbm>>
    tpu.wait_dma2 semaphore(%arg11 : memref<!tpu.dma_semaphore, #tpu.memory_space<semaphore_mem>>) src(%arg7 : memref<512x16xf32, #tpu.memory_space<vmem>>) dst(%dma_wait3A_39 : memref<512x16xf32, #tpu.memory_space<hbm>>)
    return
  }
}

module attributes {stable_mosaic.version = 14 : i64} {
  func.func @_delta_body(%arg0: i32, %arg1: i32, %arg2: memref<1x1x74x74xf32, #tpu.memory_space<vmem>>, %arg3: memref<74x512xf32, #tpu.memory_space<vmem>>, %arg4: memref<512x74xf32, #tpu.memory_space<vmem>>, %arg5: memref<1x1x512x512xf32, #tpu.memory_space<vmem>>) attributes {dimension_semantics = [#tpu.dimension_semantics<arbitrary>, #tpu.dimension_semantics<arbitrary>], iteration_bounds = array<i64: 2, 4>, scalar_prefetch = 0 : i64, scratch_operands = 0 : i64, tpu.core_type = #tpu.core_type<tc>, window_params = [{transform_indices = @transform_0, window_bounds = array<i64: 1, 1, 74, 74>}, {pipeline_mode = #tpu.pipeline_mode<synchronous>, transform_indices = @transform_1, window_bounds = array<i64: 74, 512>}, {pipeline_mode = #tpu.pipeline_mode<synchronous>, transform_indices = @transform_2, window_bounds = array<i64: 512, 74>}, {transform_indices = @transform_3, window_bounds = array<i64: 1, 1, 512, 512>}]} {
    %get3A = arith.constant 0 : index
    %get3A_0 = arith.constant 0 : index
    %get3A_1 = arith.constant 0 : index
    %get3A_2 = arith.constant 0 : index
    %get3A_3 = vector.load %arg2[%get3A, %get3A_0, %get3A_1, %get3A_2] : memref<1x1x74x74xf32, #tpu.memory_space<vmem>>, vector<1x1x74x74xf32>
    %get3A_4 = vector.shape_cast %get3A_3 : vector<1x1x74x74xf32> to vector<74x74xf32>
    %get3A_5 = arith.constant 0 : index
    %get3A_6 = arith.constant 0 : index
    %get3A_7 = vector.load %arg3[%get3A_5, %get3A_6] : memref<74x512xf32, #tpu.memory_space<vmem>>, vector<74x512xf32>
    %dot_general3A = arith.constant dense<0.000000e+00> : vector<74x512xf32>
    %dot_general3A_8 = tpu.matmul %get3A_4, %get3A_7, %dot_general3A {dimension_numbers = #tpu.dot_dimension_numbers<[1], [0], [0], [1], [0, 0, 1, 1], [], []>, precision = #tpu.contract_precision<fp32>, transpose_lhs_hint = false} : vector<74x74xf32>, vector<74x512xf32>, vector<74x512xf32> -> vector<74x512xf32>
    %get3A_9 = arith.constant 0 : index
    %get3A_10 = arith.constant 0 : index
    %get3A_11 = vector.load %arg4[%get3A_9, %get3A_10] : memref<512x74xf32, #tpu.memory_space<vmem>>, vector<512x74xf32>
    %dot_general3A_12 = arith.constant dense<0.000000e+00> : vector<512x512xf32>
    %dot_general3A_13 = tpu.matmul %get3A_11, %dot_general3A_8, %dot_general3A_12 {dimension_numbers = #tpu.dot_dimension_numbers<[1], [0], [0], [1], [0, 0, 1, 1], [], []>, precision = #tpu.contract_precision<fp32>, transpose_lhs_hint = false} : vector<512x74xf32>, vector<74x512xf32>, vector<512x512xf32> -> vector<512x512xf32>
    %swap3A = arith.constant 0 : index
    %swap3A_14 = arith.constant 0 : index
    %swap3A_15 = arith.constant 0 : index
    %swap3A_16 = arith.constant 0 : index
    %swap3A_17 = vector.load %arg5[%swap3A, %swap3A_14, %swap3A_15, %swap3A_16] : memref<1x1x512x512xf32, #tpu.memory_space<vmem>>, vector<1x1x512x512xf32>
    %swap3A_18 = vector.shape_cast %swap3A_17 : vector<1x1x512x512xf32> to vector<512x512xf32>
    %swap3A_19 = vector.shape_cast %dot_general3A_13 : vector<512x512xf32> to vector<1x1x512x512xf32>
    tpu.vector_store %arg5[%swap3A, %swap3A_14, %swap3A_15, %swap3A_16], %swap3A_19 {strides = array<i32>} : memref<1x1x512x512xf32, #tpu.memory_space<vmem>>, vector<1x1x512x512xf32>,
    return
  }
  func.func @transform_0(%arg0: i32, %arg1: i32) -> (i32, i32, i32, i32) {
    %c0_i32 = arith.constant 0 : i32
    %c0_i32_0 = arith.constant 0 : i32
    %c0_i32_1 = arith.constant 0 : i32
    return %arg1, %arg0, %c0_i32, %c0_i32_0 : i32, i32, i32, i32
  }
  func.func @transform_1(%arg0: i32, %arg1: i32) -> (i32, i32) {
    %c0_i32 = arith.constant 0 : i32
    %c0_i32_0 = arith.constant 0 : i32
    %c0_i32_1 = arith.constant 0 : i32
    return %c0_i32, %c0_i32_0 : i32, i32
  }
  func.func @transform_2(%arg0: i32, %arg1: i32) -> (i32, i32) {
    %c0_i32 = arith.constant 0 : i32
    %c0_i32_0 = arith.constant 0 : i32
    %c0_i32_1 = arith.constant 0 : i32
    return %c0_i32, %c0_i32_0 : i32, i32
  }
  func.func @transform_3(%arg0: i32, %arg1: i32) -> (i32, i32, i32, i32) {
    %c0_i32 = arith.constant 0 : i32
    %c0_i32_0 = arith.constant 0 : i32
    %c0_i32_1 = arith.constant 0 : i32
    return %arg0, %arg1, %c0_i32, %c0_i32_0 : i32, i32, i32, i32
  }
}

</mosaic_0001>

<sc_bundles>
// kernel: kernel.5.cloned.1.call-start
scs
__scs_entry_jumppad:
0x0: {  	(pc) =	sbr.rel $0x88, $3  }
0x1: {  	(tag) =	ssettag $0x0;
	lr =	simm.s32 $0x1  }
0x2: {  	[smem:$0x3F9F] =	sst lr;
	_ =	strace $0xD0000000  }
0x3: {  	_ = 	snop  }
0x4: {  	_ = 	snop  }
0x5: {  	_ = 	snop  }
0x6: {  	_ = 	snop  }
0x7: {  	_ = 	snop  }
__scs_overlays_trampoline_lowered:
0x8: {  	[smem:$0x3FAE] =	sst s0  }
0x9: {  	[smem:$0x3FAF] =	sst s1  }
0xa: {  	[smem:$0x3FB0] =	sst s2  }
0xb: {  	[smem:$0x3FB1] =	sst s3  }
0xc: {  	[smem:$0x3FB2] =	sst s4  }
0xd: {  	[smem:$0x3FB3] =	sst s5  }
0xe: {  	[smem:$0x3FB4] =	sst s6  }
0xf: {  	[smem:$0x3FB5] =	sst s7  }
0x10: {  	[smem:$0x3FB6] =	sst s8  }
0x11: {  	[smem:$0x3FB7] =	sst s9;
	s0 =	simm.s32 @!p0 $0x0  }
0x12: {  	s1 =	sld [smem:$0x3F9D];
	s0 =	simm.s32 @p0 $0x1  }
0x13: {  	[smem:$0x3FB8] =	sst s0;
	s0 =	simm.s32 @!p1 $0x0  }
0x14: {  	s2 =	sld [smem:$0x3F9C];
	s0 =	simm.s32 @p1 $0x1  }
0x15: {  	[smem:$0x3FB9] =	sst s0;
	s0 =	simm.s32 @!p2 $0x0  }
0x16: {  	s3 =	sld [smem:$0x3FDB];
	s0 =	simm.s32 @p2 $0x1  }
0x17: {  	s4 =	simm.s32 $0x1BF5;
	[smem:$0x3FBB] =	sst s0  }
0x18: {  	s0 =	sld [smem:$0x3F9E];
	_ =	swait.ge [sflag:s4], $0x0  }
0x19: {  	s7 =	sld [smem:$0x3F9F]  }
0x1a: {  	s8 =	sadd.s32 $0xFFFFE003, lr  }
0x1b: {  	s9 =	sadd.s32 $0xFFFFFEF7, lr;
	s5 =	simm.s32 $0xFFFFFFFF;
	p2 =	slt.u32 s8, $0xFFFFF086  }
0x1c: {  	p1 =	slt.u32 s9, $0xF7A;
	s5 =	simm.s32 @!p2 $0x0  }
0x1d: {  	s5 =	simm.s32 @p1 $0x1;
	p0 =	seq.s32 s7, s2  }
0x1e: {  	s7 =	smul.u32 @!p0 $0xF7A, s2;
	p2 =	seq.s32 @!p0 s5, $0x0  }
0x1f: {  	s9 =	smul.u32 $0xF7A, s1;
	s8 =	simm.s32 @!p0 $0x1BF5;
	p2 =	por !p2, p0  }
0x20: {  	[sflag:s8] =	ssyncset.s32 @!p0 $0xFFFFF086;
	s6 =	sadd.s32 @!p0 s3, s7;
	s7 =	simm.s32 @!p0 $0x108  }
0x21: {  	s3 =	sadd.s32 s3, s9;
	s6 =	sadd.s32 @!p0 $0x88, s6;
	s7 =	simm.s32 @p2 $0x1082  }
0x22: {  	[simem:s7], [sflag:s8] =	dma.local @!p0 [hbm:s6], $0xF7A  }
0x23: {  	s9 =	sor.u32 $0xD0000000, s2;
	s6 =	simm.s32 $0x108;
	_ =	swait.ge @!p0 [sflag:s8], $0x0  }
0x24: {  	s3 =	sadd.s32 $0x88, s3;
	s6 =	simm.s32 @!p1 $0x1082;
	[sflag:s4] =	ssyncset.s32 $0xFFFFF086  }
0x25: {  	[simem:s6], [sflag:s4] =	dma.local [hbm:s3], $0xF7A  }
0x26: {  	[smem:$0x3F9F] =	sst s1;
	(tag) =	ssettag s2;
	_ =	strace s9  }
0x27: {  	s1 =	sld [smem:$0x3FAF]  }
0x28: {  	s2 =	sld [smem:$0x3FB0]  }
0x29: {  	s4 =	sld [smem:$0x3FB2]  }
0x2a: {  	p0 =	seq.s32 s5, $0x0;
	s5 =	sld [smem:$0x3FB3]  }
0x2b: {  	s6 =	sld [smem:$0x3FB4]  }
0x2c: {  	s7 =	sld [smem:$0x3FB5]  }
0x2d: {  	s3 =	simm.s32 $0x108;
	s8 =	sld [smem:$0x3FB6]  }
0x2e: {  	s3 =	simm.s32 @!p0 $0x1082;
	s9 =	sld [smem:$0x3FB7]  }
0x2f: {  	lr =	sadd.s32 s0, s3;
	s0 =	sld [smem:$0x3FAE]  }
0x30: {  	s3 =	sld [smem:$0x3FB1]  }
0x31: {  	[smem:$0x3FBA] =	sst s10  }
0x32: {  	s10 =	sld [smem:$0x3FB8];
	_ =	sdelay $0x3  }
0x33: {  	p0 =	seq.s32 s10, $0x1;
	s10 =	sld [smem:$0x3FBA];
	_ =	sdelay $0x3  }
0x34: {  	[smem:$0x3FBA] =	sst s10  }
0x35: {  	s10 =	sld [smem:$0x3FB9];
	_ =	sdelay $0x3  }
0x36: {  	p1 =	seq.s32 s10, $0x1;
	s10 =	sld [smem:$0x3FBA];
	_ =	sdelay $0x3  }
0x37: {  	[smem:$0x3FBA] =	sst s10  }
0x38: {  	s10 =	sld [smem:$0x3FBB]  }
0x39: {  	_ = 	snop;
	(pc) =	sbr.ind lr, $3  }
0x3a: {  	_ = 	snop  }
0x3b: {  	_ = 	snop  }
0x3c: {  	p2 =	seq.s32 s10, $0x1;
	s10 =	sld [smem:$0x3FBA]  }
0x3d: {  	_ =	shalt  }
0x3e: {  	_ =	shalt  }
0x3f: {  	_ =	shalt  }
0x40: {  	_ =	shalt  }
0x41: {  	_ =	shalt  }
0x42: {  	_ =	shalt  }
0x43: {  	_ =	shalt  }
0x44: {  	_ =	shalt  }
0x45: {  	_ =	shalt  }
0x46: {  	_ =	shalt  }
0x47: {  	_ =	shalt  }
0x48: {  	_ =	shalt  }
0x49: {  	_ =	shalt  }
0x4a: {  	_ =	shalt  }
0x4b: {  	_ =	shalt  }
0x4c: {  	_ =	shalt  }
0x4d: {  	_ =	shalt  }
0x4e: {  	_ =	shalt  }
0x4f: {  	_ =	shalt  }
0x50: {  	_ =	shalt  }
0x51: {  	_ =	shalt  }
0x52: {  	_ =	shalt  }
0x53: {  	_ =	shalt  }
0x54: {  	_ =	shalt  }
0x55: {  	_ =	shalt  }
0x56: {  	_ =	shalt  }
0x57: {  	_ =	shalt  }
0x58: {  	_ =	shalt  }
0x59: {  	_ =	shalt  }
0x5a: {  	_ =	shalt  }
0x5b: {  	_ =	shalt  }
0x5c: {  	_ =	shalt  }
0x5d: {  	_ =	shalt  }
0x5e: {  	_ =	shalt  }
0x5f: {  	_ =	shalt  }
0x60: {  	_ =	shalt  }
0x61: {  	_ =	shalt  }
0x62: {  	_ =	shalt  }
0x63: {  	_ =	shalt  }
0x64: {  	_ =	shalt  }
0x65: {  	_ =	shalt  }
0x66: {  	_ =	shalt  }
0x67: {  	_ =	shalt  }
0x68: {  	_ =	shalt  }
0x69: {  	_ =	shalt  }
0x6a: {  	_ =	shalt  }
0x6b: {  	_ =	shalt  }
0x6c: {  	_ =	shalt  }
0x6d: {  	_ =	shalt  }
0x6e: {  	_ =	shalt  }
0x6f: {  	_ =	shalt  }
0x70: {  	_ =	shalt  }
0x71: {  	_ =	shalt  }
0x72: {  	_ =	shalt  }
0x73: {  	_ =	shalt  }
0x74: {  	_ =	shalt  }
0x75: {  	_ =	shalt  }
0x76: {  	_ =	shalt  }
0x77: {  	_ =	shalt  }
0x78: {  	_ =	shalt  }
0x79: {  	_ =	shalt  }
0x7a: {  	_ =	shalt  }
0x7b: {  	_ =	shalt  }
0x7c: {  	_ =	shalt  }
0x7d: {  	_ =	shalt  }
0x7e: {  	_ =	shalt  }
0x7f: {  	_ =	shalt  }
0x80: {  	_ =	shalt  }
0x81: {  	_ =	shalt  }
0x82: {  	_ =	shalt  }
0x83: {  	_ =	shalt  }
0x84: {  	_ =	shalt  }
0x85: {  	_ =	shalt  }
0x86: {  	_ =	shalt  }
0x87: {  	_ =	shalt  }
.Lfunc_end0:
.L_simem_size_0:
called_computation_lowered:
.L_overlay_start_0:
0x88: {  	s2 =	sld [smem:$0x3FD9]  }
0x89: {  	s3 =	sld [smem:$0x3FFE];
	_ =	sdelay $0x1  }
0x8a: {  	s1 =	srdreg.scid  }
0x8b: {  	s0 =	sand.u32 $0x1, s1  }
0x8c: {  	s17 =	sshll.u32 s0, $0xA;
	s2 =	sadd.s32 s3, s2  }
0x8d: {  	s2 =	sadd.s32 s2, s17  }
0x8e: {  	[smem:$0x3FC6] =	sst s2  }
0x8f: {  	_ = 	snop  }
0x90: {  	s2 =	sld [smem:$0x3FC9];
	(tm) =	ssettm $0x1  }
0x91: {  	s18 =	sld [smem:$0x3FFB];
	_ =	sdelay $0x3  }
0x92: {  	_ =	strace s18  }
0x93: {  	s3 =	sld [smem:$0x3FFC];
	_ =	sdelay $0x3  }
0x94: {  	_ =	strace s3  }
0x95: {  	s3 =	sld [smem:$0x3FFD];
	_ =	sdelay $0x3  }
0x96: {  	_ =	strace s3  }
0x97: {  	_ =	strace $0x8FFFFFFF  }
0x98: {  	s19 =	sld [smem:$0x3FDB];
	_ =	sdelay $0x1  }
0x99: {  	s4 =	simm.s32 $_scs_section_size  }
0x9a: {  	s5 =	simm.s32 $_size__tile_overlayer_lowered;
	s6 =	simm.s32 $_tile_overlayer_lowered  }
0x9b: {  	s22 =	simm.s32 $0x1BFF;
	s21 =	sshll.u32 s6, $0x1;
	s3 =	sadd.s32 s4, s19  }
0x9c: {  	s7 =	simm.s32 $0x0;
	s20 =	sshll.u32 s5, $0x1;
	s5 =	sadd.s32 s21, s3  }
0x9d: {  	[timem:s7], [sflag:s22] =	dma.local [hbm:s5], s20  }
0x9e: {  	_ =	swait.ge [sflag:s22], s20  }
0x9f: {  	s4 =	ssub.s32 $0x0, s20;
	[sflag:s22] =	ssyncset.done $0x0  }
0xa0: {  	[sflag:s22] =	ssyncadd.s32 s4;
	_ =	sdelay $0x1  }
0xa1: {  	s23 =	simm.s32 $0x1B8B  }
0xa2: {  	_ =	swait.ge [sflag:s23], $0x1  }
0xa3: {  	[sflag:s23] =	ssyncset.done $0x0  }
0xa4: {  	s25 =	simm.s32 $0x1B8E;
	s24 =	sld [smem:$0x3FFE];
	[sflag:s23] =	ssyncadd.s32 $0xFFFFFFFF  }
0xa5: {  	s26 =	simm.s32 $execute0_lowered;
	[smem:$0x3FD2] =	sst s25  }
0xa6: {  	s5 =	sshll.u32 s26, $0x1;
	_ =	strace $0x80000046;
	[dreg:$0x1] =	wrdreg $0xFFFFFFFF  }
0xa7: {  	s28 =	simm.s32 $_size_execute0_lowered;
	s3 =	sadd.s32 s3, s5;
	[dreg:$0x0] =	wrdreg $0x0  }
0xa8: {  	s5 =	sshll.u32 s28, $0x1;
	[dreg:$0x2] =	wrdreg s3  }
0xa9: {  	[dreg:$0x3] =	wrdreg s5  }
0xaa: {  	[dreg:$0x4] =	wrdreg $0xC0  }
0xab: {  	_ =	task [dreg:s7], $0x5FFFF  }
0xac: {  	[dreg:$0x1] =	wrdreg $0xFFFFFFFF  }
0xad: {  	[dreg:$0x0] =	wrdreg $0x60  }
0xae: {  	[dreg:$0x2] =	wrdreg s2  }
0xaf: {  	[dreg:$0x3] =	wrdreg s24  }
0xb0: {  	[dreg:$0x4] =	wrdreg $0x9  }
0xb1: {  	_ =	task.clear_ibuf [dreg:s7], $0x5FFFF;
	_ =	strace $0x90000046  }
0xb2: {  	s29 =	simm.s32 $0x9;
	_ =	strace $0x80000048  }
0xb3: {  	_ =	swait.ge [sflag:s29], $0x1  }
0xb4: {  	[sflag:s29] =	ssyncadd.s32 $0xFFFFFFFF  }
0xb5: {  	_ =	strace $0x90000048  }
0xb6: {  	_ =	sfence  }
0xb7: {  	s30 =	sld [smem:$0x0];
	_ =	sdelay $0x2  }
0xb8: {  	s31 =	sshll.u32 s1, $0xD;
	s1 =	sshrl.u32 s1, $0x2  }
0xb9: {  	s3 =	sand.u32 $0x4000, s31;
	s1 =	sadd.s32 s1, s30  }
0xba: {  	s0 =	sor.u32 s3, s0;
	s1 =	sshll.u32 s1, $0x11  }
0xbb: {  	s0 =	sor.u32 s1, s0  }
0xbc: {  	s0 =	sadd.s32 $0x8F2B, s0  }
0xbd: {  	[sflag:s0] =	ssyncadd.remote.s32 $0x1  }
0xbe: {  	_ =	sfence.sel $0xFFFF  }
0xbf: {  	[dreg:$0x0] =	wrdreg $0xFFFFFFFF;
	(pc) =	sbr.abs _section_cstart, $3  }
0xc0: {  	[dreg:$0x1] =	wrdreg $0xFFFFFFFF  }
0xc1: {  	_ =	task.clear_ibuf [dreg:s7], $0x2FFFF;
	_ =	strace $0x9FFFFFFF  }
0xc2: {  	(tm) =	ssettm $0x7FFFFFFF  }
0xc3: {  	_ =	shalt  }
tec
execute0_lowered:
.L_overlay_start_1:
0x0: {  	(tag) =	ssettag $0x1  }
0x1: {  	v0 =	vimm.s32 $0x1380;
	vm0 =	vcmask $0x300  }
0x2: {  	vm14 =	vcmask $0x704;
	v0 =	vsel vm0, $0x0, v0  }
0x3: {  	vm15 =	vcmask $0xB08;
	v0 =	vsel vm14, $0x80, v0  }
0x4: {  	vm4 =	vcmask $0xF0C;
	v0 =	vsel vm15, $0x100, v0  }
0x5: {  	vm5 =	vcmask $0x1310;
	v0 =	vsel vm4, $0x180, v0  }
0x6: {  	s1 =	rddreg [dreg:$0x0];
	vm6 =	vcmask $0x1714;
	v0 =	vsel vm5, $0x200, v0  }
0x7: {  	s3 =	rddreg [dreg:$0x1];
	s2 =	simm.s32 $0x0;
	vm7 =	vcmask $0x1B18;
	v0 =	vsel vm6, $0x280, v0  }
0x8: {  	s5 =	srdreg.scid;
	vm8 =	vcmask $0x1F1C;
	s0 =	stileid.u32;
	s10 =	simm.s32 $0x2000;
	v0 =	vsel vm7, $0x300, v0  }
0x9: {  	vm9 =	vcmask $0x2320;
	s11 =	simm.s32 $0x1;
	s12 =	simm.s32 $0x4000;
	s13 =	simm.s32 $0x2;
	v0 =	vsel vm8, $0x380, v0  }
0xa: {  	vm10 =	vcmask $0x2724;
	s14 =	simm.s32 $0x4;
	s15 =	simm.s32 $0x6000;
	s16 =	simm.s32 $0x3;
	v0 =	vsel vm9, $0x1000, v0  }
0xb: {  	vm11 =	vcmask $0x2B28;
	s17 =	simm.s32 $0x0;
	[smem:$0x7FF] =	sst s2;
	s4 =	sadd.s32 $0x1000, s3;
	v0 =	vsel vm10, $0x1080, v0  }
0xc: {  	vm12 =	vcmask $0x2F2C;
	s5 =	sand.u32 $0x1, s5;
	s7 =	sshll.u32 s0, $0x7;
	s30 =	sshll.u32 s0, $0x11;
	v0 =	vsel vm11, $0x1100, v0  }
0xd: {  	vm13 =	vcmask $0x3330;
	_ =	strace $0x80000047;
	s6 =	ssub.s32 $0x2, s5;
	s5 =	sshll.u32 s5, $0x6;
	v0 =	vsel vm12, $0x1180, v0  }
0xe: {  	vm14 =	vcmask $0x3734;
	s8 =	sshrl.u32 s6, $0x1;
	s5 =	sor.u32 s5, s7;
	s7 =	sand.u32 $0x180000, s30;
	v0 =	vsel vm13, $0x1200, v0  }
0xf: {  	vm15 =	vcmask $0x3B38;
	s9 =	ssub.s32 s6, s8;
	s31 =	sshll.u32 s5, $0xA;
	s7 =	sadd.s32 s1, s7;
	v0 =	vsel vm14, $0x1280, v0  }
0x10: {  	s8 =	sor.u32 $0x2, s5;
	s6 =	sadd.s32 s1, s31;
	s9 =	smax.u32 s9, $0x1;
	v0 =	vsel vm15, $0x1300, v0  }
.LBB2_1:
0x11: {  	[tilespmem:s2], [sflag:$0x1] =	stream.linear.gather [hbm4b:s6+s2], $0x2000, $0x38;
	[tilespmem:$0x8000] =	vst v63  }
0x12: {  	s18 =	simm.s32 $0x0  }
.LBB2_2:
0x13: {  	s20 =	sshll.u32 s18, $0x1  }
0x14: {  	p0 =	seq.s32 s18, $0x0;
	s22 =	simm.s32 $0x0;
	s23 =	simm.s32 $0x0  }
0x15: {  	s24 =	simm.s32 $0x1;
	s25 =	simm.s32 $0x2;
	s26 =	simm.s32 $0x3  }
0x16: {  	s28 =	simm.s32 $0x4;
	s29 =	simm.s32 $0x7;
	s30 =	simm.s32 $0x5  }
0x17: {  	s31 =	simm.s32 $0x6;
	s19 =	sor.u32 s20, s5;
	s22 =	sand.u32 $0xC00, s22  }
0x18: {  	s29 =	sand.u32 $0x7F, s29;
	s23 =	sand.u32 $0x78, s23;
	s19 =	sshll.u32 s19, $0xA  }
0x19: {  	s24 =	sand.u32 $0x79, s24;
	s25 =	sand.u32 $0x7A, s25;
	s19 =	sor.u32 $0x400, s19  }
0x1a: {  	s26 =	sand.u32 $0x7B, s26;
	s28 =	sand.u32 $0x7C, s28;
	s21 =	sand.u32 $0x7FC00, s19  }
0x1b: {  	s0 =	sand.u32 $0x7D, s30;
	s3 =	sand.u32 $0x7E, s31;
	s21 =	sadd.s32 s21, s7  }
0x1c: {  	[tilespmem:s10], [sflag:$0x2] =	stream.linear.gather [hbm4b:s21+s2], $0x2000, $0x38;
	[tilespmem:$0x8000] =	vst v63  }
0x1d: {  	s31 =	simm.s32 $0x9;
	s29 =	sor.u32 s29, s22;
	_ =	swait.ge [sflag:s11], $0x2000  }
0x1e: {  	s23 =	sor.u32 s23, s22;
	s24 =	sor.u32 s24, s22;
	v1 =	vor.u32 s29, v0;
	[sflag:s11] =	ssyncset.done $0x0  }
0x1f: {  	s25 =	sor.u32 s25, s22;
	v2 =	vor.u32 s23, v0;
	s21 =	simm.s32 @!p0 $0x3;
	[sflag:s11] =	ssyncadd.s32 $0xFFFFE000  }
0x20: {  	s26 =	sor.u32 s26, s22;
	s30 =	sor.u32 s28, s22;
	v3 =	vor.u32 s24, v0;
	_ =	swait.ge @!p0 [sflag:s21], $0x2000  }
0x21: {  	v4 =	vor.u32 s25, v0;
	s24 =	sor.u32 s0, s22;
	s23 =	sor.u32 s3, s22;
	[sflag:s21] =	ssyncset.done @!p0 $0x0  }
0x22: {  	v5 =	vor.u32 s26, v0;
	s22 =	simm.s32 $0x8;
	s0 =	simm.s32 $0xA;
	[sflag:s21] =	ssyncadd.s32 @!p0 $0xFFFFE000  }
0x23: {  	v6 =	vor.u32 s30, v0;
	s3 =	simm.s32 $0xB;
	s29 =	simm.s32 $0xC;
	s26 =	sand.u32 $0x79, s31;
	v1 =	vld.idx.msk [tilespmem:v1+s2+$0x0], $0xffff  }
0x24: {  	s31 =	simm.s32 $0xE;
	v8 =	vor.u32 s24, v0;
	s24 =	simm.s32 $0xD;
	s30 =	sand.u32 $0x78, s22;
	v9 =	vld.idx.msk [tilespmem:v2+s2+$0x0], $0xffff  }
0x25: {  	v12 =	vor.u32 s23, v0;
	s25 =	sand.u32 $0x7A, s0;
	s23 =	simm.s32 $0x40;
	s28 =	sand.u32 $0x7B, s3;
	v14 =	vld.idx.msk [tilespmem:v3+s2+$0x0], $0xffff  }
0x26: {  	s0 =	simm.s32 $0xF;
	s29 =	sand.u32 $0x7C, s29;
	s3 =	sand.u32 $0xC00, s23;
	v2 =	vld.idx.msk [tilespmem:v4+s2+$0x0], $0xffff  }
0x27: {  	s0 =	sand.u32 $0x7F, s0;
	s24 =	sand.u32 $0x7D, s24;
	s30 =	sor.u32 s30, s3;
	v3 =	vld.idx.msk [tilespmem:v5+s2+$0x0], $0xffff  }
0x28: {  	s0 =	sor.u32 s0, s3;
	s26 =	sor.u32 s26, s3;
	v7 =	vor.u32 s30, v0;
	s21 =	simm.s32 $0x4040;
	v4 =	vld.idx.msk [tilespmem:v6+s2+$0x0], $0xffff  }
0x29: {  	s25 =	sor.u32 s25, s3;
	s28 =	sor.u32 s28, s3;
	s30 =	sand.u32 $0x7E, s31;
	v13 =	vor.u32 s0, v0;
	v11 =	vor.u32 s26, v0;
	v8 =	vld.idx.msk [tilespmem:v8+s2+$0x0], $0xffff;
	[tilespmem:s21+$0x30] =	vst v1  }
0x2a: {  	s24 =	sor.u32 s24, s3;
	v10 =	vor.u32 s25, v0;
	s31 =	sor.u32 s29, s3;
	s3 =	sor.u32 s30, s3;
	v6 =	vor.u32 s28, v0;
	v12 =	vld.idx.msk [tilespmem:v12+s2+$0x0], $0xffff;
	[tilespmem:s21+$0xFFFFFFC0] =	vst v9  }
0x2b: {  	v5 =	vor.u32 s24, v0;
	v9 =	vor.u32 s31, v0;
	v1 =	vor.u32 s3, v0;
	[tilespmem:s21+$0xFFFFFFD0] =	vst v14  }
.LBB2_3:
0x2c: {  	s0 =	sadd.s32 $0x9, s22;
	s3 =	sadd.s32 $0xA, s22;
	s24 =	smov.u32 s22  }
0x2d: {  	[tilespmem:s21+$0xFFFFFFE0] =	vst v2;
	s22 =	sadd.s32 $0x8, s22;
	s23 =	sadd.s32 $0x40, s23;
	s25 =	sadd.s32 $0xB, s24  }
0x2e: {  	s26 =	sadd.s32 $0xC, s24;
	s28 =	sadd.s32 $0xD, s24;
	v14 =	vld.idx.msk [tilespmem:v13+s2+$0x0], $0xffff;
	[tilespmem:s21+$0xFFFFFFF0] =	vst v3;
	s29 =	sand.u32 $0x78, s22  }
0x2f: {  	s0 =	sand.u32 $0x79, s0;
	s30 =	sadd.s32 $0xE, s24;
	s3 =	sand.u32 $0x7A, s3;
	v15 =	vld.idx.msk [tilespmem:v7+s2+$0x0], $0xffff;
	[tilespmem:s21+$0x0] =	vst v4  }
0x30: {  	s24 =	sadd.s32 $0xF, s24;
	s25 =	sand.u32 $0x7B, s25;
	s26 =	sand.u32 $0x7C, s26;
	v16 =	vld.idx.msk [tilespmem:v11+s2+$0x0], $0xffff;
	[tilespmem:s21+$0x10] =	vst v8  }
0x31: {  	s31 =	sand.u32 $0xC00, s23;
	p1 =	slt.u32 s22, $0x1F8;
	s28 =	sand.u32 $0x7D, s28;
	v2 =	vld.idx.msk [tilespmem:v10+s2+$0x0], $0xffff;
	[tilespmem:s21+$0x20] =	vst v12  }
0x32: {  	s30 =	sand.u32 $0x7E, s30;
	s24 =	sand.u32 $0x7F, s24;
	s29 =	sor.u32 s29, s31;
	v3 =	vld.idx.msk [tilespmem:v6+s2+$0x0], $0xffff  }
.Ltmp0:
0x33: {  	s24 =	sor.u32 s24, s31;
	s21 =	sadd.s32 $0x80, s21;
	v4 =	vld.idx.msk [tilespmem:v9+s2+$0x0], $0xffff;
	(pc) =	sbr.rel @p1 .LBB2_3-.Ltmp0, $4  }
0x34: {  	s0 =	sor.u32 s0, s31;
	s3 =	sor.u32 s3, s31;
	v7 =	vor.u32 s29, v0;
	s25 =	sor.u32 s25, s31;
	v13 =	vor.u32 s24, v0;
	v8 =	vld.idx.msk [tilespmem:v5+s2+$0x0], $0xffff;
	[tilespmem:s21+$0x30] =	vst v14  }
0x35: {  	v11 =	vor.u32 s0, v0;
	s0 =	sor.u32 s26, s31;
	v10 =	vor.u32 s3, v0;
	s3 =	sor.u32 s28, s31;
	s24 =	sor.u32 s30, s31;
	v6 =	vor.u32 s25, v0;
	v12 =	vld.idx.msk [tilespmem:v1+s2+$0x0], $0xffff  }
0x36: {  	v9 =	vor.u32 s0, v0;
	v5 =	vor.u32 s3, v0;
	v1 =	vor.u32 s24, v0;
	[tilespmem:s21+$0xFFFFFFC0] =	vst v15  }
0x37: {  	[tilespmem:s21+$0xFFFFFFD0] =	vst v16  }
0x38: {  	_ =	sdelay $0x3  }
0x39: {  	[tilespmem:s21+$0xFFFFFFE0] =	vst v2;
	v2 =	vld.idx.msk [tilespmem:v13+s2+$0x0], $0xffff  }
0x3a: {  	[tilespmem:s21+$0xFFFFFFF0] =	vst v3;
	v3 =	vld.idx.msk [tilespmem:v7+s2+$0x0], $0xffff  }
0x3b: {  	[tilespmem:s21+$0x0] =	vst v4;
	v61 =	vld.idx.msk [tilespmem:v11+s2+$0x0], $0xffff  }
0x3c: {  	v62 =	vld.idx.msk [tilespmem:v10+s2+$0x0], $0xffff;
	[tilespmem:s21+$0x10] =	vst v8  }
0x3d: {  	v6 =	vld.idx.msk [tilespmem:v6+s2+$0x0], $0xffff;
	s0 =	sadd.s32 $0x80, s21;
	[tilespmem:s21+$0x20] =	vst v12  }
0x3e: {  	v63 =	vld.idx.msk [tilespmem:v9+s2+$0x0], $0xffff;
	[tilespmem:s0+$0x30] =	vst v2  }
0x3f: {  	v1 =	vld.idx.msk [tilespmem:v1+s2+$0x0], $0xffff;
	[tilespmem:s0+$0xFFFFFFC0] =	vst v3  }
0x40: {  	v2 =	vld.idx.msk [tilespmem:v5+s2+$0x0], $0xffff;
	[tilespmem:s0+$0xFFFFFFD0] =	vst v61  }
0x41: {  	p1 =	sne.s32 s18, $0x1F;
	[tilespmem:s0+$0xFFFFFFE0] =	vst v62  }
.Ltmp1:
0x42: {  	[tilespmem:s0+$0xFFFFFFF0] =	vst v6;
	(pc) =	sbr.rel @p1 .LBB2_6-.Ltmp1, $4  }
0x43: {  	s3 =	sadd.s32 s5, s20;
	[tilespmem:s0+$0x0] =	vst v63  }
0x44: {  	s3 =	sshll.u32 s3, $0xA;
	[tilespmem:s0+$0x20] =	vst v1  }
0x45: {  	s31 =	sadd.s32 s4, s3;
	[tilespmem:s0+$0x10] =	vst v2  }
0x46: {  	[hbm4b:s31+s2] =	stream.linear.scatter [tilespmem:s12], [sflag:$0x3], $0x2000, $0x38;
	[tilespmem:$0x8000] =	vst v63  }
.Ltmp2:
0x47: {  	(pc) =	sbr.rel .LBB2_7-.Ltmp2, $4  }
0x48: {  	_ = 	snop  }
0x49: {  	_ =	swait.ge [sflag:s13], $0x2000  }
0x4a: {  	[sflag:s13] =	ssyncset.done $0x0  }
0x4b: {  	[sflag:s13] =	ssyncadd.s32 $0xFFFFE000  }
.LBB2_6:
0x4c: {  	s0 =	sadd.s32 s20, s8  }
0x4d: {  	s0 =	sshll.u32 s0, $0xA  }
.Ltmp3:
0x4e: {  	s0 =	sadd.s32 s1, s0;
	(pc) =	sbr.rel @p0 .LBB2_8-.Ltmp3, $4  }
0x4f: {  	[tilespmem:s2], [sflag:$0x1] =	stream.linear.gather [hbm4b:s0+s2], $0x2000, $0x38;
	[tilespmem:$0x8000] =	vst v63  }
0x50: {  	_ =	swait.ge [sflag:s13], $0x2000  }
0x51: {  	[sflag:s13] =	ssyncset.done $0x0  }
0x52: {  	[sflag:s13] =	ssyncadd.s32 $0xFFFFE000  }
.LBB2_7:
0x53: {  	_ =	swait.ge [sflag:s14], $0x2000  }
0x54: {  	[sflag:s14] =	ssyncset.done $0x0  }
0x55: {  	[sflag:s14] =	ssyncadd.s32 $0xFFFFE000  }
.LBB2_8:
0x56: {  	s0 =	simm.s32 $0x0;
	s20 =	simm.s32 $0x6040  }
0x57: {  	s3 =	simm.s32 $0x0;
	s21 =	simm.s32 $0x1;
	s22 =	simm.s32 $0x2  }
0x58: {  	s23 =	simm.s32 $0x3;
	s24 =	simm.s32 $0x4;
	s25 =	simm.s32 $0x7  }
0x59: {  	s26 =	simm.s32 $0x5;
	s0 =	sand.u32 $0xC00, s0;
	s25 =	sand.u32 $0x7F, s25  }
0x5a: {  	s28 =	simm.s32 $0x6;
	s3 =	sand.u32 $0x78, s3;
	s25 =	sor.u32 s25, s0  }
0x5b: {  	s21 =	sand.u32 $0x79, s21;
	s22 =	sand.u32 $0x7A, s22;
	s3 =	sor.u32 s3, s0;
	v1 =	vor.u32 s25, v0  }
0x5c: {  	s23 =	sand.u32 $0x7B, s23;
	s24 =	sand.u32 $0x7C, s24;
	s29 =	sor.u32 s21, s0;
	v2 =	vor.u32 s3, v0  }
0x5d: {  	s30 =	sand.u32 $0x7D, s26;
	s31 =	sand.u32 $0x7E, s28;
	s22 =	sor.u32 s22, s0;
	v3 =	vor.u32 s29, v0  }
0x5e: {  	s28 =	simm.s32 $0x9;
	s23 =	sor.u32 s23, s0;
	s24 =	sor.u32 s24, s0;
	v4 =	vor.u32 s22, v0  }
0x5f: {  	s26 =	sor.u32 s30, s0;
	s0 =	sor.u32 s31, s0;
	s21 =	simm.s32 $0x8;
	v5 =	vor.u32 s23, v0  }
0x60: {  	s30 =	simm.s32 $0xB;
	v6 =	vor.u32 s24, v0;
	s29 =	simm.s32 $0xA;
	s25 =	simm.s32 $0xC;
	v1 =	vld.idx.msk [tilespmem:v1+s10+$0x0], $0xffff  }
0x61: {  	v8 =	vor.u32 s26, v0;
	s23 =	simm.s32 $0xD;
	s26 =	sand.u32 $0x78, s21;
	s3 =	sand.u32 $0x79, s28;
	v9 =	vld.idx.msk [tilespmem:v2+s10+$0x0], $0xffff  }
0x62: {  	v12 =	vor.u32 s0, v0;
	s0 =	simm.s32 $0xE;
	s22 =	simm.s32 $0x40;
	s24 =	sand.u32 $0x7B, s30;
	v14 =	vld.idx.msk [tilespmem:v3+s10+$0x0], $0xffff  }
0x63: {  	s31 =	sand.u32 $0x7A, s29;
	s29 =	simm.s32 $0xF;
	s30 =	sand.u32 $0xC00, s22;
	v2 =	vld.idx.msk [tilespmem:v4+s10+$0x0], $0xffff  }
0x64: {  	s25 =	sand.u32 $0x7C, s25;
	s29 =	sand.u32 $0x7F, s29;
	s26 =	sor.u32 s26, s30;
	v3 =	vld.idx.msk [tilespmem:v5+s10+$0x0], $0xffff  }
0x65: {  	s23 =	sand.u32 $0x7D, s23;
	s3 =	sor.u32 s3, s30;
	s29 =	sor.u32 s29, s30;
	v7 =	vor.u32 s26, v0;
	v4 =	vld.idx.msk [tilespmem:v6+s10+$0x0], $0xffff  }
0x66: {  	s0 =	sand.u32 $0x7E, s0;
	s28 =	sor.u32 s31, s30;
	s24 =	sor.u32 s24, s30;
	v11 =	vor.u32 s3, v0;
	v13 =	vor.u32 s29, v0;
	v8 =	vld.idx.msk [tilespmem:v8+s10+$0x0], $0xffff;
	[tilespmem:s20+$0x30] =	vst v1  }
0x67: {  	s31 =	sor.u32 s25, s30;
	s23 =	sor.u32 s23, s30;
	s0 =	sor.u32 s0, s30;
	v10 =	vor.u32 s28, v0;
	v6 =	vor.u32 s24, v0;
	v12 =	vld.idx.msk [tilespmem:v12+s10+$0x0], $0xffff;
	[tilespmem:s20+$0xFFFFFFC0] =	vst v9  }
0x68: {  	v5 =	vor.u32 s23, v0;
	v9 =	vor.u32 s31, v0;
	v1 =	vor.u32 s0, v0;
	[tilespmem:s20+$0xFFFFFFD0] =	vst v14  }
.LBB2_9:
0x69: {  	s0 =	sadd.s32 $0x9, s21;
	s3 =	sadd.s32 $0xA, s21;
	s23 =	smov.u32 s21  }
0x6a: {  	[tilespmem:s20+$0xFFFFFFE0] =	vst v2;
	s21 =	sadd.s32 $0x8, s21;
	s22 =	sadd.s32 $0x40, s22;
	s24 =	sadd.s32 $0xB, s23  }
0x6b: {  	s25 =	sadd.s32 $0xC, s23;
	s26 =	sadd.s32 $0xD, s23;
	v14 =	vld.idx.msk [tilespmem:v13+s10+$0x0], $0xffff;
	[tilespmem:s20+$0xFFFFFFF0] =	vst v3;
	s28 =	sand.u32 $0x78, s21  }
0x6c: {  	s0 =	sand.u32 $0x79, s0;
	s29 =	sadd.s32 $0xE, s23;
	s3 =	sand.u32 $0x7A, s3;
	v15 =	vld.idx.msk [tilespmem:v7+s10+$0x0], $0xffff;
	[tilespmem:s20+$0x0] =	vst v4  }
0x6d: {  	s23 =	sadd.s32 $0xF, s23;
	s24 =	sand.u32 $0x7B, s24;
	s25 =	sand.u32 $0x7C, s25;
	v16 =	vld.idx.msk [tilespmem:v11+s10+$0x0], $0xffff;
	[tilespmem:s20+$0x10] =	vst v8  }
0x6e: {  	s30 =	sand.u32 $0xC00, s22;
	p0 =	slt.u32 s21, $0x1F8;
	s26 =	sand.u32 $0x7D, s26;
	v2 =	vld.idx.msk [tilespmem:v10+s10+$0x0], $0xffff;
	[tilespmem:s20+$0x20] =	vst v12  }
0x6f: {  	s29 =	sand.u32 $0x7E, s29;
	s23 =	sand.u32 $0x7F, s23;
	s28 =	sor.u32 s28, s30;
	v3 =	vld.idx.msk [tilespmem:v6+s10+$0x0], $0xffff  }
.Ltmp4:
0x70: {  	s23 =	sor.u32 s23, s30;
	s20 =	sadd.s32 $0x80, s20;
	v4 =	vld.idx.msk [tilespmem:v9+s10+$0x0], $0xffff;
	(pc) =	sbr.rel @p0 .LBB2_9-.Ltmp4, $4  }
0x71: {  	s0 =	sor.u32 s0, s30;
	s3 =	sor.u32 s3, s30;
	v7 =	vor.u32 s28, v0;
	s24 =	sor.u32 s24, s30;
	v13 =	vor.u32 s23, v0;
	v8 =	vld.idx.msk [tilespmem:v5+s10+$0x0], $0xffff;
	[tilespmem:s20+$0x30] =	vst v14  }
0x72: {  	v11 =	vor.u32 s0, v0;
	s0 =	sor.u32 s25, s30;
	v10 =	vor.u32 s3, v0;
	s3 =	sor.u32 s26, s30;
	s23 =	sor.u32 s29, s30;
	v6 =	vor.u32 s24, v0;
	v12 =	vld.idx.msk [tilespmem:v1+s10+$0x0], $0xffff  }
0x73: {  	v9 =	vor.u32 s0, v0;
	v5 =	vor.u32 s3, v0;
	v1 =	vor.u32 s23, v0;
	[tilespmem:s20+$0xFFFFFFC0] =	vst v15  }
0x74: {  	[tilespmem:s20+$0xFFFFFFD0] =	vst v16  }
0x75: {  	_ =	sdelay $0x3  }
0x76: {  	[tilespmem:s20+$0xFFFFFFE0] =	vst v2;
	v2 =	vld.idx.msk [tilespmem:v13+s10+$0x0], $0xffff  }
0x77: {  	[tilespmem:s20+$0xFFFFFFF0] =	vst v3;
	v3 =	vld.idx.msk [tilespmem:v7+s10+$0x0], $0xffff  }
0x78: {  	[tilespmem:s20+$0x0] =	vst v4;
	v61 =	vld.idx.msk [tilespmem:v11+s10+$0x0], $0xffff  }
0x79: {  	v62 =	vld.idx.msk [tilespmem:v10+s10+$0x0], $0xffff;
	[tilespmem:s20+$0x10] =	vst v8  }
0x7a: {  	v6 =	vld.idx.msk [tilespmem:v6+s10+$0x0], $0xffff;
	s0 =	sadd.s32 $0x80, s20;
	[tilespmem:s20+$0x20] =	vst v12  }
0x7b: {  	v63 =	vld.idx.msk [tilespmem:v9+s10+$0x0], $0xffff;
	[tilespmem:s0+$0x30] =	vst v2  }
0x7c: {  	v1 =	vld.idx.msk [tilespmem:v1+s10+$0x0], $0xffff;
	[tilespmem:s0+$0xFFFFFFC0] =	vst v3  }
0x7d: {  	s18 =	sadd.s32 $0x1, s18;
	v2 =	vld.idx.msk [tilespmem:v5+s10+$0x0], $0xffff;
	[tilespmem:s0+$0xFFFFFFD0] =	vst v61  }
0x7e: {  	p0 =	sne.s32 s18, $0x20;
	[tilespmem:s0+$0xFFFFFFE0] =	vst v62  }
.Ltmp5:
0x7f: {  	[tilespmem:s0+$0xFFFFFFF0] =	vst v6;
	(pc) =	sbr.rel @p0 .LBB2_2-.Ltmp5, $4  }
0x80: {  	[tilespmem:s0+$0x0] =	vst v63  }
0x81: {  	[tilespmem:s0+$0x20] =	vst v1  }
0x82: {  	s31 =	sadd.s32 s4, s19;
	[tilespmem:s0+$0x10] =	vst v2  }
0x83: {  	[hbm4b:s31+s2] =	stream.linear.scatter [tilespmem:s15], [sflag:$0x4], $0x2000, $0x38;
	[tilespmem:$0x8000] =	vst v63  }
0x84: {  	s17 =	sadd.s32 $0x1, s17  }
0x85: {  	_ =	swait.ge [sflag:s16], $0x2000;
	p0 =	sne.s32 s17, s9  }
.Ltmp6:
0x86: {  	[sflag:s16] =	ssyncset.done $0x0;
	(pc) =	sbr.rel @p0 .LBB2_1-.Ltmp6, $4  }
0x87: {  	[sflag:s16] =	ssyncadd.s32 $0xFFFFE000  }
0x88: {  	_ =	swait.ge [sflag:s14], $0x2000  }
0x89: {  	[sflag:s14] =	ssyncset.done $0x0  }
0x8a: {  	[sflag:s14] =	ssyncadd.s32 $0xFFFFE000  }
0x8b: {  	_ =	sfence.sel $0x180000  }
0x8c: {  	[bflag:$0x0] =	sbarrier.arrive $0xFFFF  }
0x8d: {  	_ =	strace $0x90000047  }
0x8e: {  	s0 =	stileid.u32;
	[bflag:$0x2] =	sbarrier.arrive $0xFFFF  }
0x8f: {  	p0 =	sne.s32 s0, $0x0;
	s0 =	rddreg [dreg:$0x2]  }
0x90: {  	s0 =	sadd.s32 @!p0 $0x100000, s0  }
0x91: {  	[sflag:s0] =	ssyncadd.tile.s32 @!p0 $0x1;
	_ =	shalt  }
.Lfunc_end2:
_tile_overlayer_lowered:
.L_overlay_start_2:
0x92: {  	(tag) =	ssettag $0x2  }
0x93: {  	s0 =	rddreg [dreg:$0x0];
	s2 =	stileid.u32  }
0x94: {  	s1 =	rddreg [dreg:$0x1];
	p0 =	sne.s32 s2, $0x0  }
0x95: {  	s3 =	rddreg [dreg:$0x2];
	[bflag:$0x3] =	sbarrier.arrive $0xFFFF;
	s2 =	simm.s32 @!p0 $0x1C05  }
0x96: {  	[timem:s3], [sflag:s2] =	dma.local @!p0 [hbm:s0], s1  }
0x97: {  	s0 =	simm.s32 @!p0 $0x5  }
0x98: {  	_ =	swait.ge @!p0 [sflag:s0], s1  }
0x99: {  	s1 =	ssub.s32 @!p0 $0x0, s1;
	[sflag:s0] =	ssyncset.done @!p0 $0x0  }
0x9a: {  	[sflag:s0] =	ssyncadd.s32 @!p0 s1  }
0x9b: {  	[bflag:$0x3] =	sbarrier.arrive $0xFFFF  }
0x9c: {  	_ =	shalt  }

// kernel: kernel.8.cloned.1.call-start
scs
__scs_entry_jumppad:
0x0: {  	(pc) =	sbr.rel $0x88, $3  }
0x1: {  	(tag) =	ssettag $0x0;
	lr =	simm.s32 $0x1  }
0x2: {  	[smem:$0x3F9F] =	sst lr;
	_ =	strace $0xD0000000  }
0x3: {  	_ = 	snop  }
0x4: {  	_ = 	snop  }
0x5: {  	_ = 	snop  }
0x6: {  	_ = 	snop  }
0x7: {  	_ = 	snop  }
__scs_overlays_trampoline_lowered:
0x8: {  	[smem:$0x3FAE] =	sst s0  }
0x9: {  	[smem:$0x3FAF] =	sst s1  }
0xa: {  	[smem:$0x3FB0] =	sst s2  }
0xb: {  	[smem:$0x3FB1] =	sst s3  }
0xc: {  	[smem:$0x3FB2] =	sst s4  }
0xd: {  	[smem:$0x3FB3] =	sst s5  }
0xe: {  	[smem:$0x3FB4] =	sst s6  }
0xf: {  	[smem:$0x3FB5] =	sst s7  }
0x10: {  	[smem:$0x3FB6] =	sst s8  }
0x11: {  	[smem:$0x3FB7] =	sst s9;
	s0 =	simm.s32 @!p0 $0x0  }
0x12: {  	s1 =	sld [smem:$0x3F9D];
	s0 =	simm.s32 @p0 $0x1  }
0x13: {  	[smem:$0x3FB8] =	sst s0;
	s0 =	simm.s32 @!p1 $0x0  }
0x14: {  	s2 =	sld [smem:$0x3F9C];
	s0 =	simm.s32 @p1 $0x1  }
0x15: {  	[smem:$0x3FB9] =	sst s0;
	s0 =	simm.s32 @!p2 $0x0  }
0x16: {  	s3 =	sld [smem:$0x3FDB];
	s0 =	simm.s32 @p2 $0x1  }
0x17: {  	s4 =	simm.s32 $0x1BF5;
	[smem:$0x3FBB] =	sst s0  }
0x18: {  	s0 =	sld [smem:$0x3F9E];
	_ =	swait.ge [sflag:s4], $0x0  }
0x19: {  	s7 =	sld [smem:$0x3F9F]  }
0x1a: {  	s8 =	sadd.s32 $0xFFFFE003, lr  }
0x1b: {  	s9 =	sadd.s32 $0xFFFFFEF7, lr;
	s5 =	simm.s32 $0xFFFFFFFF;
	p2 =	slt.u32 s8, $0xFFFFF086  }
0x1c: {  	p1 =	slt.u32 s9, $0xF7A;
	s5 =	simm.s32 @!p2 $0x0  }
0x1d: {  	s5 =	simm.s32 @p1 $0x1;
	p0 =	seq.s32 s7, s2  }
0x1e: {  	s7 =	smul.u32 @!p0 $0xF7A, s2;
	p2 =	seq.s32 @!p0 s5, $0x0  }
0x1f: {  	s9 =	smul.u32 $0xF7A, s1;
	s8 =	simm.s32 @!p0 $0x1BF5;
	p2 =	por !p2, p0  }
0x20: {  	[sflag:s8] =	ssyncset.s32 @!p0 $0xFFFFF086;
	s6 =	sadd.s32 @!p0 s3, s7;
	s7 =	simm.s32 @!p0 $0x108  }
0x21: {  	s3 =	sadd.s32 s3, s9;
	s6 =	sadd.s32 @!p0 $0x88, s6;
	s7 =	simm.s32 @p2 $0x1082  }
0x22: {  	[simem:s7], [sflag:s8] =	dma.local @!p0 [hbm:s6], $0xF7A  }
0x23: {  	s9 =	sor.u32 $0xD0000000, s2;
	s6 =	simm.s32 $0x108;
	_ =	swait.ge @!p0 [sflag:s8], $0x0  }
0x24: {  	s3 =	sadd.s32 $0x88, s3;
	s6 =	simm.s32 @!p1 $0x1082;
	[sflag:s4] =	ssyncset.s32 $0xFFFFF086  }
0x25: {  	[simem:s6], [sflag:s4] =	dma.local [hbm:s3], $0xF7A  }
0x26: {  	[smem:$0x3F9F] =	sst s1;
	(tag) =	ssettag s2;
	_ =	strace s9  }
0x27: {  	s1 =	sld [smem:$0x3FAF]  }
0x28: {  	s2 =	sld [smem:$0x3FB0]  }
0x29: {  	s4 =	sld [smem:$0x3FB2]  }
0x2a: {  	p0 =	seq.s32 s5, $0x0;
	s5 =	sld [smem:$0x3FB3]  }
0x2b: {  	s6 =	sld [smem:$0x3FB4]  }
0x2c: {  	s7 =	sld [smem:$0x3FB5]  }
0x2d: {  	s3 =	simm.s32 $0x108;
	s8 =	sld [smem:$0x3FB6]  }
0x2e: {  	s3 =	simm.s32 @!p0 $0x1082;
	s9 =	sld [smem:$0x3FB7]  }
0x2f: {  	lr =	sadd.s32 s0, s3;
	s0 =	sld [smem:$0x3FAE]  }
0x30: {  	s3 =	sld [smem:$0x3FB1]  }
0x31: {  	[smem:$0x3FBA] =	sst s10  }
0x32: {  	s10 =	sld [smem:$0x3FB8];
	_ =	sdelay $0x3  }
0x33: {  	p0 =	seq.s32 s10, $0x1;
	s10 =	sld [smem:$0x3FBA];
	_ =	sdelay $0x3  }
0x34: {  	[smem:$0x3FBA] =	sst s10  }
0x35: {  	s10 =	sld [smem:$0x3FB9];
	_ =	sdelay $0x3  }
0x36: {  	p1 =	seq.s32 s10, $0x1;
	s10 =	sld [smem:$0x3FBA];
	_ =	sdelay $0x3  }
0x37: {  	[smem:$0x3FBA] =	sst s10  }
0x38: {  	s10 =	sld [smem:$0x3FBB]  }
0x39: {  	_ = 	snop;
	(pc) =	sbr.ind lr, $3  }
0x3a: {  	_ = 	snop  }
0x3b: {  	_ = 	snop  }
0x3c: {  	p2 =	seq.s32 s10, $0x1;
	s10 =	sld [smem:$0x3FBA]  }
0x3d: {  	_ =	shalt  }
0x3e: {  	_ =	shalt  }
0x3f: {  	_ =	shalt  }
0x40: {  	_ =	shalt  }
0x41: {  	_ =	shalt  }
0x42: {  	_ =	shalt  }
0x43: {  	_ =	shalt  }
0x44: {  	_ =	shalt  }
0x45: {  	_ =	shalt  }
0x46: {  	_ =	shalt  }
0x47: {  	_ =	shalt  }
0x48: {  	_ =	shalt  }
0x49: {  	_ =	shalt  }
0x4a: {  	_ =	shalt  }
0x4b: {  	_ =	shalt  }
0x4c: {  	_ =	shalt  }
0x4d: {  	_ =	shalt  }
0x4e: {  	_ =	shalt  }
0x4f: {  	_ =	shalt  }
0x50: {  	_ =	shalt  }
0x51: {  	_ =	shalt  }
0x52: {  	_ =	shalt  }
0x53: {  	_ =	shalt  }
0x54: {  	_ =	shalt  }
0x55: {  	_ =	shalt  }
0x56: {  	_ =	shalt  }
0x57: {  	_ =	shalt  }
0x58: {  	_ =	shalt  }
0x59: {  	_ =	shalt  }
0x5a: {  	_ =	shalt  }
0x5b: {  	_ =	shalt  }
0x5c: {  	_ =	shalt  }
0x5d: {  	_ =	shalt  }
0x5e: {  	_ =	shalt  }
0x5f: {  	_ =	shalt  }
0x60: {  	_ =	shalt  }
0x61: {  	_ =	shalt  }
0x62: {  	_ =	shalt  }
0x63: {  	_ =	shalt  }
0x64: {  	_ =	shalt  }
0x65: {  	_ =	shalt  }
0x66: {  	_ =	shalt  }
0x67: {  	_ =	shalt  }
0x68: {  	_ =	shalt  }
0x69: {  	_ =	shalt  }
0x6a: {  	_ =	shalt  }
0x6b: {  	_ =	shalt  }
0x6c: {  	_ =	shalt  }
0x6d: {  	_ =	shalt  }
0x6e: {  	_ =	shalt  }
0x6f: {  	_ =	shalt  }
0x70: {  	_ =	shalt  }
0x71: {  	_ =	shalt  }
0x72: {  	_ =	shalt  }
0x73: {  	_ =	shalt  }
0x74: {  	_ =	shalt  }
0x75: {  	_ =	shalt  }
0x76: {  	_ =	shalt  }
0x77: {  	_ =	shalt  }
0x78: {  	_ =	shalt  }
0x79: {  	_ =	shalt  }
0x7a: {  	_ =	shalt  }
0x7b: {  	_ =	shalt  }
0x7c: {  	_ =	shalt  }
0x7d: {  	_ =	shalt  }
0x7e: {  	_ =	shalt  }
0x7f: {  	_ =	shalt  }
0x80: {  	_ =	shalt  }
0x81: {  	_ =	shalt  }
0x82: {  	_ =	shalt  }
0x83: {  	_ =	shalt  }
0x84: {  	_ =	shalt  }
0x85: {  	_ =	shalt  }
0x86: {  	_ =	shalt  }
0x87: {  	_ =	shalt  }
.Lfunc_end0:
.L_simem_size_0:
called_computation.1_lowered:
.L_overlay_start_0:
0x88: {  	s2 =	sld [smem:$0x3FD9]  }
0x89: {  	s3 =	sld [smem:$0x3FFE];
	_ =	sdelay $0x1  }
0x8a: {  	s1 =	srdreg.scid  }
0x8b: {  	s0 =	sand.u32 $0x1, s1  }
0x8c: {  	s14 =	sshll.u32 s0, $0xA;
	s2 =	sadd.s32 s3, s2  }
0x8d: {  	s2 =	sadd.s32 s2, s14  }
0x8e: {  	[smem:$0x3FC6] =	sst s2  }
0x8f: {  	_ = 	snop  }
0x90: {  	s2 =	sld [smem:$0x3FD0];
	_ =	sdelay $0x2  }
0x91: {  	s15 =	simm.s32 $0xA;
	s4 =	simm.s32 $0x10  }
0x92: {  	[smem:s4], [sflag:s15] =	dma.local [hbm:s2], $0x1  }
0x93: {  	_ =	swait.eq [sflag:s15], $0x1  }
0x94: {  	[sflag:s15] =	ssyncset.done $0x0  }
0x95: {  	[sflag:s15] =	ssyncadd.s32 $0xFFFFFFFF  }
0x96: {  	s16 =	sld [smem:$0x10];
	(tm) =	ssettm $0x1  }
0x97: {  	s17 =	sld [smem:$0x3FFB];
	_ =	sdelay $0x3  }
0x98: {  	_ =	strace s17  }
0x99: {  	s3 =	sld [smem:$0x3FFC];
	_ =	sdelay $0x3  }
0x9a: {  	_ =	strace s3  }
0x9b: {  	s3 =	sld [smem:$0x3FFD];
	_ =	sdelay $0x3  }
0x9c: {  	_ =	strace s3  }
0x9d: {  	_ =	strace $0x8FFFFFFF  }
0x9e: {  	s18 =	sld [smem:$0x3FDB];
	_ =	sdelay $0x1  }
0x9f: {  	s19 =	simm.s32 $_scs_section_size  }
0xa0: {  	s5 =	simm.s32 $_size__tile_overlayer_lowered;
	s6 =	simm.s32 $_tile_overlayer_lowered  }
0xa1: {  	s22 =	simm.s32 $0x1BFF;
	s21 =	sshll.u32 s6, $0x1;
	s3 =	sadd.s32 s19, s18  }
0xa2: {  	s7 =	simm.s32 $0x0;
	s20 =	sshll.u32 s5, $0x1;
	s5 =	sadd.s32 s21, s3  }
0xa3: {  	[timem:s7], [sflag:s22] =	dma.local [hbm:s5], s20  }
0xa4: {  	_ =	swait.ge [sflag:s22], s20  }
0xa5: {  	s4 =	ssub.s32 $0x0, s20;
	[sflag:s22] =	ssyncset.done $0x0  }
0xa6: {  	[sflag:s22] =	ssyncadd.s32 s4;
	_ =	sdelay $0x1  }
0xa7: {  	s23 =	simm.s32 $0x1B8B  }
0xa8: {  	_ =	swait.ge [sflag:s23], $0x1  }
0xa9: {  	[sflag:s23] =	ssyncset.done $0x0  }
0xaa: {  	s25 =	simm.s32 $0x1B8E;
	s24 =	sld [smem:$0x3FFE];
	[sflag:s23] =	ssyncadd.s32 $0xFFFFFFFF  }
0xab: {  	s26 =	simm.s32 $execute0_lowered;
	[smem:$0x3FD2] =	sst s25  }
0xac: {  	s5 =	sshll.u32 s26, $0x1;
	_ =	strace $0x80000049;
	[dreg:$0x1] =	wrdreg $0xFFFFFFFF  }
0xad: {  	s28 =	simm.s32 $_size_execute0_lowered;
	s3 =	sadd.s32 s3, s5;
	[dreg:$0x0] =	wrdreg $0x0  }
0xae: {  	s5 =	sshll.u32 s28, $0x1;
	[dreg:$0x2] =	wrdreg s3  }
0xaf: {  	[dreg:$0x3] =	wrdreg s5  }
0xb0: {  	[dreg:$0x4] =	wrdreg $0xC0  }
0xb1: {  	_ =	task [dreg:s7], $0x5FFFF  }
0xb2: {  	[dreg:$0x1] =	wrdreg $0xFFFFFFFF  }
0xb3: {  	[dreg:$0x0] =	wrdreg $0x60  }
0xb4: {  	[dreg:$0x2] =	wrdreg s24  }
0xb5: {  	[dreg:$0x3] =	wrdreg s16  }
0xb6: {  	[dreg:$0x4] =	wrdreg $0x9  }
0xb7: {  	_ =	task.clear_ibuf [dreg:s7], $0x5FFFF;
	_ =	strace $0x90000049  }
0xb8: {  	s29 =	simm.s32 $0x9;
	_ =	strace $0x8000004B  }
0xb9: {  	_ =	swait.ge [sflag:s29], $0x1  }
0xba: {  	[sflag:s29] =	ssyncadd.s32 $0xFFFFFFFF  }
0xbb: {  	_ =	strace $0x9000004B  }
0xbc: {  	_ =	sfence  }
0xbd: {  	s30 =	sld [smem:$0x0];
	_ =	sdelay $0x2  }
0xbe: {  	s31 =	sshll.u32 s1, $0xD;
	s1 =	sshrl.u32 s1, $0x2  }
0xbf: {  	s3 =	sand.u32 $0x4000, s31;
	s1 =	sadd.s32 s1, s30  }
0xc0: {  	s0 =	sor.u32 s3, s0;
	s1 =	sshll.u32 s1, $0x11  }
0xc1: {  	s0 =	sor.u32 s1, s0  }
0xc2: {  	s0 =	sadd.s32 $0x8F2B, s0  }
0xc3: {  	[sflag:s0] =	ssyncadd.remote.s32 $0x1  }
0xc4: {  	_ =	sfence.sel $0xFFFF  }
0xc5: {  	[dreg:$0x0] =	wrdreg $0xFFFFFFFF;
	(pc) =	sbr.abs _section_cstart, $3  }
0xc6: {  	[dreg:$0x1] =	wrdreg $0xFFFFFFFF  }
0xc7: {  	_ =	task.clear_ibuf [dreg:s7], $0x2FFFF;
	_ =	strace $0x9FFFFFFF  }
0xc8: {  	(tm) =	ssettm $0x7FFFFFFF  }
0xc9: {  	_ =	shalt  }
tec
execute0_lowered:
.L_overlay_start_1:
0x0: {  	(tag) =	ssettag $0x1  }
0x1: {  	s0 =	rddreg [dreg:$0x0]  }
0x2: {  	s1 =	rddreg [dreg:$0x1];
	s2 =	simm.s32 $0x0  }
0x3: {  	s3 =	srdreg.scid;
	s4 =	stileid.u32;
	s29 =	simm.s32 $0x3  }
0x4: {  	s30 =	simm.s32 $0x1800;
	s31 =	simm.s32 $0x12800;
	[smem:$0x7FF] =	sst s2  }
0x5: {  	s6 =	sand.u32 $0x1, s3;
	s3 =	sadd.s32 $0x1000, s0;
	s5 =	sshll.u32 s4, $0x1  }
0x6: {  	s10 =	sadd.s32 $0x221000, s0;
	s0 =	sadd.s32 $0x201000, s0;
	s19 =	sshll.u32 s4, $0x11  }
0x7: {  	vm0 =	vcmask $0x300;
	v0 =	vimm.s32 $0x1380;
	s24 =	sshll.u32 s4, $0x10;
	_ =	strace $0x8000004A;
	s7 =	ssub.s32 $0x2, s6  }
0x8: {  	vm1 =	vcmask $0x704;
	v0 =	vsel vm0, $0x0, v0;
	s9 =	sor.u32 s6, s5;
	s11 =	smov.u32 s10;
	s12 =	smov.u32 s0  }
0x9: {  	s6 =	sshll.u32 s6, $0xF;
	v0 =	vsel vm1, $0x80, v0;
	vm1 =	vcmask $0xB08;
	s8 =	sshrl.u32 s7, $0x1;
	s20 =	sshll.u32 s9, $0x6  }
0xa: {  	s15 =	sshll.u32 s9, $0xC;
	s13 =	sshll.u32 s9, $0xF;
	v0 =	vsel vm1, $0x100, v0;
	vm1 =	vcmask $0xF0C;
	[dreg:$0x8] =	wrdreg s20  }
0xb: {  	s23 =	sshll.u32 s9, $0x10;
	s16 =	sadd.s32 s10, s15;
	[dreg:$0x3] =	wrdreg s13;
	v0 =	vsel vm1, $0x180, v0;
	vm1 =	vcmask $0x1310  }
0xc: {  	s14 =	ssub.s32 s7, s8;
	s7 =	sadd.s32 s0, s15;
	[dreg:$0x4] =	wrdreg s16;
	v0 =	vsel vm1, $0x200, v0;
	vm1 =	vcmask $0x1714  }
0xd: {  	s25 =	sor.u32 s6, s24;
	s22 =	sor.u32 $0x600, s13;
	[dreg:$0x5] =	wrdreg s7;
	v0 =	vsel vm1, $0x280, v0;
	vm1 =	vcmask $0x1B18  }
0xe: {  	s17 =	sor.u32 $0x40, s15;
	s26 =	sor.u32 $0x30, s25;
	[dreg:$0xa] =	wrdreg s22;
	v0 =	vsel vm1, $0x300, v0;
	vm1 =	vcmask $0x1F1C  }
0xf: {  	s28 =	sor.u32 $0x230, s25;
	s20 =	simm.s32 $0x80;
	[dreg:$0xd] =	wrdreg s26;
	v0 =	vsel vm1, $0x380, v0;
	vm1 =	vcmask $0x2320  }
0x10: {  	s8 =	simm.s32 $0x2;
	s18 =	sadd.s32 s10, s17;
	[dreg:$0xe] =	wrdreg s28;
	v0 =	vsel vm1, $0x1000, v0;
	vm1 =	vcmask $0x2724  }
0x11: {  	s5 =	sadd.s32 s0, s17;
	s7 =	sand.u32 $0x180000, s19;
	[dreg:$0x6] =	wrdreg s18;
	v0 =	vsel vm1, $0x1080, v0;
	vm1 =	vcmask $0x2B28  }
0x12: {  	s0 =	smax.u32 s14, $0x1;
	s19 =	simm.s32 $0x1;
	[dreg:$0x7] =	wrdreg s5;
	v0 =	vsel vm1, $0x1100, v0;
	vm1 =	vcmask $0x2F2C  }
0x13: {  	s21 =	sadd.s32 s1, s7;
	s1 =	sadd.s32 s23, s1;
	[dreg:$0xc] =	wrdreg s0;
	v0 =	vsel vm1, $0x1180, v0;
	vm1 =	vcmask $0x3330  }
0x14: {  	s0 =	sor.u32 $0x430, s25;
	s7 =	simm.s32 $0x14800;
	[dreg:$0x9] =	wrdreg s21;
	v0 =	vsel vm1, $0x1200, v0;
	vm1 =	vcmask $0x3734  }
0x15: {  	s5 =	simm.s32 $0x0;
	s1 =	sadd.s32 $0xFC00, s1;
	[dreg:$0xf] =	wrdreg s0;
	v2 =	vsel vm1, $0x1280, v0;
	vm1 =	vcmask $0x3B38  }
0x16: {  	v57 =	vimm.s32 $0x0;
	s0 =	simm.s32 $0x4;
	[dreg:$0xb] =	wrdreg s1;
	s1 =	simm.s32 $0x2000;
	v0 =	vlaneseq.u32;
	v1 =	vsel vm1, $0x1300, v2  }
.LBB2_1:
0x17: {  	[dreg:$0x10] =	wrdreg s5  }
0x18: {  	s4 =	rddreg [dreg:$0x4]  }
0x19: {  	[tilespmem:s2], [sflag:$0x1] =	stream.linear.gather [hbm4b:s4+s2], $0x200, $0x38;
	[tilespmem:$0x16800] =	vst v63  }
0x1a: {  	s9 =	simm.s32 $0x200;
	s25 =	rddreg [dreg:$0x5]  }
0x1b: {  	[tilespmem:s9], [sflag:$0x1] =	stream.linear.gather [hbm4b:s25+s2], $0x200, $0x38;
	[tilespmem:$0x16800] =	vst v63  }
0x1c: {  	_ =	swait.ge [sflag:s19], $0x200  }
0x1d: {  	[sflag:s19] =	ssyncset.done $0x0  }
0x1e: {  	[sflag:s19] =	ssyncadd.s32 $0xFFFFFE00  }
0x1f: {  	_ =	swait.ge [sflag:s19], $0x200  }
0x20: {  	s26 =	rddreg [dreg:$0xd]  }
0x21: {  	[sflag:s19] =	ssyncset.done $0x0;
	s6 =	sadd.s32 $0xFFFFFFD0, s26;
	s10 =	sadd.s32 $0xFFFFFFE0, s26;
	v4 =	vmov s26  }
0x22: {  	[sflag:s19] =	ssyncadd.s32 $0xFFFFFE00;
	v6 =	vor.u32 s26, v0;
	s13 =	sadd.s32 $0xFFFFFFF0, s26;
	v13 =	vmov s6;
	v14 =	vmov s10  }
0x23: {  	v3 =	vld [tilespmem:s9+$0x10];
	v10 =	vshrl.u32 v4, $0x9;
	v11 =	vor.u32 s13, v0;
	v9 =	vmov s13  }
0x24: {  	v5 =	vld [tilespmem:s9+$0x0];
	v15 =	vor.u32 s10, v0;
	v6 =	vand.u32 $0x1FF, v6;
	v7 =	vshrl.u32 v13, $0x9  }
0x25: {  	v8 =	vshrl.u32 v14, $0x9;
	v11 =	vand.u32 $0x1FF, v11;
	v16 =	vshrl.u32 v9, $0x9  }
0x26: {  	v52 =	vld [tilespmem:s9+$0xFFFFFE30];
	v10 =	vand.u32 $0x1FF, v10;
	v7 =	vand.u32 $0x1C0, v7;
	v8 =	vand.u32 $0x1FF, v8  }
0x27: {  	v14 =	vand.u32 $0x7FFC0000, v14;
	v7 =	vcvt.s32.f32 v7;
	v8 =	vcvt.s32.f32 v8  }
0x28: {  	v13 =	vand.u32 $0x7FFC0000, v13;
	v51 =	vand.u32 $0x7FFC0000, v9;
	v6 =	vcvt.s32.f32 v6  }
0x29: {  	v17 =	vld [tilespmem:s9+$0xFFFFFE00];
	v18 =	vadd.f32 v7, v5;
	v12 =	vadd.f32 v8, v3;
	v3 =	vand.u32 $0x1FF, v16  }
0x2a: {  	v5 =	vor.u32 s6, v0;
	v8 =	vand.u32 $0x1FF, v15;
	v15 =	vcvt.s32.f32 v11  }
0x2b: {  	v7 =	vld [tilespmem:s9+$0x20];
	v6 =	vadd.f32 v6, v52;
	v11 =	vand.u32 $0x1CF, v5;
	v3 =	vcvt.s32.f32 v3  }
0x2c: {  	v5 =	vand.u32 $0x7FFC0000, v4;
	v16 =	vtrunc.f32 v18;
	v4 =	vcvt.s32.f32 v11  }
0x2d: {  	v8 =	vcvt.s32.f32 v8;
	v11 =	vcvt.f32.s32 v16;
	vm1 =	vlt.f32 v18, v16  }
0x2e: {  	v19 =	vld [tilespmem:s9+$0xFFFFFE20];
	v16 =	vtrunc.f32 v12;
	v17 =	vadd.f32 v4, v17;
	v4 =	vsel vm1, $0xFFFFFFFF, v57  }
0x2f: {  	v21 =	vld [tilespmem:s9+$0xFFFFFE10];
	v20 =	vcvt.f32.s32 v16;
	vm1 =	vlt.f32 v12, v16;
	v4 =	vadd.s32 v11, v4  }
0x30: {  	v11 =	vadd.f32 v3, v7;
	v16 =	vsel vm1, $0xFFFFFFFF, v57;
	v3 =	vtrunc.f32 v17  }
0x31: {  	v7 =	vadd.s32 $0x1, v4;
	v16 =	vadd.s32 v20, v16;
	vm2 =	vgt.s32 v4, $0x0  }
0x32: {  	vm1 =	vgt.s32 v7, $0x0;
	vm3 =	vgt.s32 v16, $0x0;
	v42 =	vtrunc.f32 v11  }
0x33: {  	v23 =	vnsel vm2, $0x0, v4;
	v22 =	vnsel vm1, $0x0, v7;
	v7 =	vcvt.s32.f32 v10  }
0x34: {  	vm1 =	vlt.f32 v17, v3;
	v10 =	vadd.f32 v15, v19;
	v15 =	vadd.f32 v8, v21  }
0x35: {  	v20 =	vld [tilespmem:s9+$0x30];
	v8 =	vnsel vm3, $0x0, v16;
	v16 =	vadd.s32 $0x1, v16;
	v3 =	vcvt.f32.s32 v3  }
0x36: {  	v23 =	vmin.u32 v23, $0x1FF;
	v19 =	vmin.u32 v8, $0x1FF;
	vm2 =	vgt.s32 v16, $0x0  }
0x37: {  	v22 =	vmin.u32 v22, $0x1FF;
	v32 =	vcvt.s32.f32 v23;
	v23 =	vshll.u32 v23, $0x9  }
0x38: {  	v8 =	vtrunc.f32 v10;
	v16 =	vnsel vm2, $0x0, v16;
	vm2 =	vlt.f32 v11, v42  }
0x39: {  	v43 =	vtrunc.f32 v15;
	v29 =	vcvt.s32.f32 v22;
	v22 =	vshll.u32 v22, $0x9  }
0x3a: {  	v47 =	vshll.u32 v19, $0x9;
	v19 =	vcvt.s32.f32 v19;
	v7 =	vadd.f32 v7, v20  }
0x3b: {  	v4 =	vcvt.f32.s32 v8;
	vm3 =	vlt.f32 v10, v8;
	v8 =	vsel vm1, $0xFFFFFFFF, v57  }
0x3c: {  	v25 =	vsel vm2, $0xFFFFFFFF, v57;
	v21 =	vcvt.f32.s32 v43;
	v16 =	vmin.u32 v16, $0x1FF  }
0x3d: {  	v22 =	vor.u32 v13, v22;
	v13 =	vor.u32 v13, v23;
	v24 =	vsel vm3, $0xFFFFFFFF, v57  }
0x3e: {  	v26 =	vadd.s32 v3, v8;
	v46 =	vcvt.s32.f32 v16;
	v16 =	vshll.u32 v16, $0x9  }
0x3f: {  	v29 =	vsub.f32 v29, v18;
	v18 =	vsub.f32 v18, v32;
	v20 =	vtrunc.f32 v7  }
0x40: {  	v3 =	vadd.s32 v4, v24;
	v4 =	vcvt.f32.s32 v42;
	v44 =	vadd.s32 $0x1, v26  }
0x41: {  	v16 =	vor.u32 v14, v16;
	v14 =	vor.u32 v14, v47;
	vm1 =	vgt.s32 v3, $0x0  }
0x42: {  	v8 =	vadd.s32 $0x1, v3;
	vm3 =	vgt.s32 v44, $0x0;
	v3 =	vnsel vm1, $0x0, v3  }
0x43: {  	vm1 =	vgt.s32 v8, $0x0;
	v25 =	vadd.s32 v4, v25;
	v24 =	vnsel vm3, $0x0, v44  }
0x44: {  	v4 =	vmin.u32 v3, $0x1FF;
	v3 =	vnsel vm1, $0x0, v8;
	v27 =	vadd.s32 $0x1, v25  }
0x45: {  	vm1 =	vlt.f32 v15, v43;
	v24 =	vmin.u32 v24, $0x1FF;
	v3 =	vmin.u32 v3, $0x1FF  }
0x46: {  	v8 =	vcvt.s32.f32 v4;
	vm2 =	vgt.s32 v27, $0x0;
	v45 =	vsel vm1, $0xFFFFFFFF, v57  }
0x47: {  	vm1 =	vgt.s32 v26, $0x0;
	v31 =	vcvt.s32.f32 v24;
	v48 =	vor.u32 v24, v13  }
0x48: {  	v28 =	vcvt.s32.f32 v3;
	v21 =	vadd.s32 v21, v45;
	v26 =	vnsel vm1, $0x0, v26  }
0x49: {  	v27 =	vnsel vm2, $0x0, v27;
	v8 =	vsub.f32 v10, v8;
	v30 =	vadd.s32 $0x1, v21  }
0x4a: {  	vm1 =	vgt.s32 v21, $0x0;
	v26 =	vmin.u32 v26, $0x1FF;
	v31 =	vsub.f32 v31, v17  }
0x4b: {  	v9 =	vmin.u32 v27, $0x1FF;
	v10 =	vsub.f32 v28, v10;
	vm3 =	vgt.s32 v30, $0x0  }
0x4c: {  	v21 =	vnsel vm1, $0x0, v21;
	vm1 =	vlt.f32 v7, v20;
	v28 =	vsub.f32 v46, v12  }
0x4d: {  	v33 =	vor.u32 v26, v22;
	v20 =	vcvt.f32.s32 v20;
	v34 =	vcvt.s32.f32 v26  }
0x4e: {  	v13 =	vor.u32 v26, v13;
	v22 =	vor.u32 v24, v22;
	v12 =	vsub.f32 v12, v19  }
0x4f: {  	v55 =	vcvt.s32.f32 v9;
	v58 =	vshll.u32 v9, $0x9;
	v30 =	vnsel vm3, $0x0, v30  }
0x50: {  	v21 =	vmin.u32 v21, $0x1FF;
	v32 =	vmul.f32 v18, v31;
	v30 =	vmin.u32 v30, $0x1FF  }
0x51: {  	v49 =	vmul.f32 v29, v31;
	v17 =	vsub.f32 v17, v34;
	v50 =	vcvt.s32.f32 v30  }
0x52: {  	v35 =	vor.u32 v21, v14;
	v36 =	vor.u32 v21, v16;
	v21 =	vcvt.s32.f32 v21  }
0x53: {  	s9 =	simm.s32 $0x1C00;
	v29 =	vmul.f32 v29, v17;
	v17 =	vmul.f32 v18, v17;
	v18 =	vsub.f32 v50, v15  }
0x54: {  	v19 =	vsel vm1, $0xFFFFFFFF, v57;
	vm1 =	vgt.s32 v25, $0x0;
	[tilespmem:s9+$0xFFFFFC00] =	vst v49;
	v15 =	vsub.f32 v15, v21  }
0x55: {  	[tilespmem:s9+$0x200] =	vst v17;
	v17 =	vsub.f32 v55, v11;
	v53 =	vmul.f32 v28, v18;
	v18 =	vmul.f32 v12, v18  }
0x56: {  	[tilespmem:s9+$0xFFFFFE00] =	vst v32;
	v54 =	vmul.f32 v28, v15;
	v12 =	vmul.f32 v12, v15;
	v15 =	vnsel vm1, $0x0, v25  }
0x57: {  	s28 =	simm.s32 $0xC00;
	v14 =	vor.u32 v30, v14;
	v16 =	vor.u32 v30, v16;
	[tilespmem:s9+$0x0] =	vst v29;
	v15 =	vmin.u32 v15, $0x1FF  }
0x58: {  	[tilespmem:s28+$0xFFFFFC00] =	vst v13;
	v13 =	vmul.f32 v17, v10;
	v56 =	vcvt.s32.f32 v15;
	v15 =	vshll.u32 v15, $0x9  }
0x59: {  	v17 =	vmul.f32 v17, v8;
	[tilespmem:s9+$0xFFFFFE10] =	vst v18;
	v18 =	vtrunc.f32 v6;
	v15 =	vor.u32 v51, v15  }
0x5a: {  	vm1 =	vlt.f32 v6, v18;
	v59 =	vsub.f32 v11, v56;
	v11 =	vadd.s32 v20, v19  }
0x5b: {  	[tilespmem:s28+$0xFFFFFE00] =	vst v33;
	v9 =	vor.u32 v4, v15;
	v20 =	vcvt.f32.s32 v18;
	v19 =	vadd.s32 $0x1, v11  }
0x5c: {  	[tilespmem:s9+$0x210] =	vst v12;
	v12 =	vsel vm1, $0xFFFFFFFF, v57;
	vm1 =	vgt.s32 v11, $0x0;
	vm2 =	vgt.s32 v19, $0x0  }
0x5d: {  	[tilespmem:s28+$0x0] =	vst v48;
	v12 =	vadd.s32 v20, v12;
	v11 =	vnsel vm1, $0x0, v11;
	v18 =	vnsel vm2, $0x0, v19  }
0x5e: {  	[tilespmem:s28+$0x200] =	vst v22;
	vm1 =	vgt.s32 v12, $0x0;
	v19 =	vadd.s32 $0x1, v12;
	v60 =	vmin.u32 v11, $0x1FF  }
0x5f: {  	[tilespmem:s9+$0x10] =	vst v54;
	v18 =	vmin.u32 v18, $0x1FF;
	v12 =	vnsel vm1, $0x0, v12;
	vm1 =	vgt.s32 v19, $0x0  }
0x60: {  	[tilespmem:s9+$0xFFFFFC10] =	vst v53;
	v61 =	vcvt.s32.f32 v60;
	v12 =	vmin.u32 v12, $0x1FF;
	v19 =	vnsel vm1, $0x0, v19  }
0x61: {  	[tilespmem:s28+$0xFFFFFC10] =	vst v35;
	v20 =	vcvt.s32.f32 v18;
	v19 =	vmin.u32 v19, $0x1FF;
	v11 =	vcvt.s32.f32 v12  }
0x62: {  	[tilespmem:s28+$0x10] =	vst v14;
	v18 =	vshll.u32 v18, $0x9;
	v14 =	vsub.f32 v7, v61;
	v62 =	vcvt.s32.f32 v19  }
0x63: {  	[tilespmem:s28+$0xFFFFFE10] =	vst v36;
	v20 =	vsub.f32 v20, v7;
	v63 =	vsub.f32 v6, v11;
	v11 =	vor.u32 v5, v18  }
0x64: {  	[tilespmem:s28+$0x210] =	vst v16;
	v6 =	vsub.f32 v62, v6;
	v7 =	vor.u32 v12, v11;
	v16 =	vor.u32 v19, v11  }
0x65: {  	[tilespmem:s9+$0xFFFFFC20] =	vst v13;
	v11 =	vor.u32 v3, v15;
	v15 =	vmul.f32 v20, v63;
	v22 =	vmul.f32 v14, v63  }
0x66: {  	[tilespmem:s9+$0x20] =	vst v17;
	v18 =	vmul.f32 v20, v6;
	v17 =	vmul.f32 v14, v6;
	v6 =	vshll.u32 v60, $0x9  }
0x67: {  	s15 =	simm.s32 $0x0;
	s16 =	simm.s32 $0xC40;
	s18 =	simm.s32 $0x1C40;
	v13 =	vmul.f32 v59, v10;
	v8 =	vmul.f32 v59, v8;
	[tilespmem:s9+$0x30] =	vst v15;
	v6 =	vor.u32 v5, v6  }
0x68: {  	s21 =	simm.s32 $0x240;
	s17 =	sadd.s32 $0x40, s26;
	s10 =	simm.s32 $0xC00;
	v5 =	vor.u32 v51, v58;
	[tilespmem:s9+$0x230] =	vst v22;
	v12 =	vor.u32 v12, v6;
	v10 =	vor.u32 v19, v6  }
.LBB2_2:
0x69: {  	s6 =	sadd.s32 $0xFFFFFFD0, s17;
	s13 =	sadd.s32 $0xFFFFFFE0, s17;
	v19 =	vld [tilespmem:s21+$0x10];
	s14 =	sadd.s32 $0xFFFFFFF0, s17;
	v20 =	vmov s17;
	v6 =	vor.u32 s17, v0;
	[tilespmem:s9+$0xFFFFFE20] =	vst v13;
	v4 =	vor.u32 v4, v5  }
0x6a: {  	s15 =	sadd.s32 $0x4, s15;
	v3 =	vor.u32 v3, v5;
	v13 =	vmov s6;
	v14 =	vld [tilespmem:s21+$0x0];
	v15 =	vmov s13;
	[tilespmem:s9+$0x220] =	vst v8  }
0x6b: {  	v22 =	vshrl.u32 v20, $0x9;
	p0 =	slt.u32 s15, $0x1C;
	v5 =	vshrl.u32 v13, $0x9;
	v8 =	vshrl.u32 v15, $0x9;
	v21 =	vld [tilespmem:s21+$0x20];
	[tilespmem:s10+$0x20] =	vst v11  }
0x6c: {  	v11 =	vor.u32 s14, v0;
	v5 =	vand.u32 $0x1C0, v5;
	v8 =	vand.u32 $0x1FF, v8;
	v23 =	vld [tilespmem:s21+$0xFFFFFE20];
	[tilespmem:s10+$0xFFFFFE20] =	vst v4  }
0x6d: {  	v4 =	vcvt.s32.f32 v5;
	v5 =	vcvt.s32.f32 v8;
	v8 =	vmov s14;
	[tilespmem:s10+$0x220] =	vst v3  }
0x6e: {  	v24 =	vand.u32 $0x1FF, v11;
	v3 =	vor.u32 s13, v0;
	v25 =	vshrl.u32 v8, $0x9;
	[tilespmem:s10+$0xFFFFFC20] =	vst v9  }
0x6f: {  	v9 =	vld [tilespmem:s21+$0xFFFFFE00];
	v14 =	vadd.f32 v4, v14;
	v11 =	vadd.f32 v5, v19;
	v4 =	vand.u32 $0x1FF, v25;
	[tilespmem:s9+$0xFFFFFC30] =	vst v18  }
0x70: {  	v3 =	vand.u32 $0x1FF, v3;
	v5 =	vor.u32 s6, v0;
	v18 =	vcvt.s32.f32 v24;
	[tilespmem:s9+$0xFFFFFE30] =	vst v17;
	s9 =	smov.u32 s18  }
0x71: {  	v17 =	vand.u32 $0x1CF, v5;
	v5 =	vand.u32 $0x7FFC0000, v20;
	v19 =	vtrunc.f32 v14;
	[tilespmem:s10+$0x230] =	vst v16  }
0x72: {  	v16 =	vcvt.s32.f32 v17;
	v17 =	vcvt.f32.s32 v19;
	vm1 =	vlt.f32 v14, v19;
	[tilespmem:s10+$0xFFFFFC30] =	vst v12  }
0x73: {  	v4 =	vcvt.s32.f32 v4;
	v20 =	vand.u32 $0x1FF, v22;
	v19 =	vtrunc.f32 v11;
	v12 =	vld [tilespmem:s21+$0xFFFFFE10];
	[tilespmem:s10+$0x30] =	vst v10  }
0x74: {  	v10 =	vcvt.f32.s32 v19;
	v16 =	vadd.f32 v16, v9;
	v9 =	vsel vm1, $0xFFFFFFFF, v57;
	[tilespmem:s10+$0xFFFFFE30] =	vst v7;
	s10 =	smov.u32 s16  }
0x75: {  	vm1 =	vlt.f32 v11, v19;
	v7 =	vadd.s32 v17, v9;
	v9 =	vadd.f32 v4, v21  }
0x76: {  	v19 =	vsel vm1, $0xFFFFFFFF, v57;
	v4 =	vtrunc.f32 v16;
	v17 =	vadd.s32 $0x1, v7  }
0x77: {  	v3 =	vcvt.s32.f32 v3;
	v10 =	vadd.s32 v10, v19;
	vm1 =	vgt.s32 v17, $0x0;
	v19 =	vld [tilespmem:s21+$0x30]  }
0x78: {  	v20 =	vcvt.s32.f32 v20;
	vm2 =	vgt.s32 v7, $0x0;
	v21 =	vnsel vm1, $0x0, v17  }
0x79: {  	v18 =	vadd.f32 v18, v23;
	vm3 =	vgt.s32 v10, $0x0;
	vm1 =	vlt.f32 v16, v4  }
0x7a: {  	v17 =	vadd.f32 v3, v12;
	v3 =	vnsel vm3, $0x0, v10;
	v10 =	vadd.s32 $0x1, v10  }
0x7b: {  	v12 =	vtrunc.f32 v9;
	v22 =	vmin.u32 v3, $0x1FF;
	v3 =	vtrunc.f32 v18  }
0x7c: {  	v23 =	vnsel vm2, $0x0, v7;
	vm2 =	vgt.s32 v10, $0x0;
	v7 =	vadd.f32 v20, v19  }
0x7d: {  	v19 =	vnsel vm2, $0x0, v10;
	v10 =	vcvt.f32.s32 v3;
	vm2 =	vlt.f32 v9, v12  }
0x7e: {  	v4 =	vcvt.f32.s32 v4;
	vm3 =	vlt.f32 v18, v3;
	v20 =	vtrunc.f32 v7  }
0x7f: {  	v24 =	vsel vm3, $0xFFFFFFFF, v57;
	v3 =	vsel vm1, $0xFFFFFFFF, v57;
	v25 =	vsel vm2, $0xFFFFFFFF, v57  }
0x80: {  	v26 =	vadd.s32 v4, v3;
	v4 =	vcvt.f32.s32 v12;
	v3 =	vadd.s32 v10, v24  }
0x81: {  	v12 =	vtrunc.f32 v17;
	vm1 =	vgt.s32 v3, $0x0;
	v10 =	vadd.s32 $0x1, v3  }
0x82: {  	v24 =	vadd.s32 $0x1, v26;
	v3 =	vnsel vm1, $0x0, v3;
	vm1 =	vgt.s32 v10, $0x0  }
0x83: {  	v25 =	vadd.s32 v4, v25;
	v4 =	vmin.u32 v3, $0x1FF;
	v3 =	vnsel vm1, $0x0, v10  }
0x84: {  	v27 =	vadd.s32 $0x1, v25;
	v3 =	vmin.u32 v3, $0x1FF;
	v10 =	vcvt.s32.f32 v4  }
0x85: {  	v21 =	vmin.u32 v21, $0x1FF;
	vm1 =	vlt.f32 v17, v12;
	v28 =	vcvt.s32.f32 v3  }
0x86: {  	v29 =	vcvt.s32.f32 v21;
	vm2 =	vgt.s32 v27, $0x0;
	v10 =	vsub.f32 v18, v10  }
0x87: {  	v30 =	vcvt.f32.s32 v12;
	vm3 =	vgt.s32 v24, $0x0;
	v12 =	vsub.f32 v28, v18  }
0x88: {  	v19 =	vmin.u32 v19, $0x1FF;
	v18 =	vnsel vm3, $0x0, v24;
	v24 =	vsel vm1, $0xFFFFFFFF, v57  }
0x89: {  	vm1 =	vgt.s32 v26, $0x0;
	v28 =	vcvt.s32.f32 v19;
	v24 =	vadd.s32 v30, v24  }
0x8a: {  	v15 =	vand.u32 $0x7FFC0000, v15;
	v19 =	vshll.u32 v19, $0x9;
	v30 =	vadd.s32 $0x1, v24  }
0x8b: {  	v26 =	vnsel vm1, $0x0, v26;
	v19 =	vor.u32 v15, v19;
	vm1 =	vgt.s32 v24, $0x0  }
0x8c: {  	v29 =	vsub.f32 v29, v14;
	v27 =	vnsel vm2, $0x0, v27;
	vm3 =	vgt.s32 v30, $0x0  }
0x8d: {  	v18 =	vmin.u32 v18, $0x1FF;
	v24 =	vnsel vm1, $0x0, v24;
	v30 =	vnsel vm3, $0x0, v30  }
0x8e: {  	v26 =	vmin.u32 v26, $0x1FF;
	v31 =	vcvt.s32.f32 v18;
	vm1 =	vlt.f32 v7, v20  }
0x8f: {  	v13 =	vand.u32 $0x7FFC0000, v13;
	v21 =	vshll.u32 v21, $0x9;
	v28 =	vsub.f32 v28, v11  }
0x90: {  	v23 =	vmin.u32 v23, $0x1FF;
	v21 =	vor.u32 v13, v21;
	v31 =	vsub.f32 v31, v16  }
0x91: {  	v32 =	vcvt.s32.f32 v23;
	v23 =	vshll.u32 v23, $0x9;
	v33 =	vor.u32 v26, v21  }
0x92: {  	v13 =	vor.u32 v13, v23;
	v23 =	vshll.u32 v22, $0x9;
	v20 =	vcvt.f32.s32 v20  }
0x93: {  	v14 =	vsub.f32 v14, v32;
	v15 =	vor.u32 v15, v23;
	v34 =	vcvt.s32.f32 v26  }
0x94: {  	v23 =	vor.u32 v18, v13;
	v24 =	vmin.u32 v24, $0x1FF;
	v30 =	vmin.u32 v30, $0x1FF  }
0x95: {  	v35 =	vor.u32 v24, v15;
	v36 =	vor.u32 v24, v19;
	v32 =	vmul.f32 v14, v31  }
0x96: {  	v13 =	vor.u32 v26, v13;
	v15 =	vor.u32 v30, v15;
	v19 =	vor.u32 v30, v19  }
0x97: {  	v22 =	vcvt.s32.f32 v22;
	v16 =	vsub.f32 v16, v34;
	v26 =	vmul.f32 v29, v31  }
0x98: {  	v18 =	vor.u32 v18, v21;
	v21 =	vcvt.s32.f32 v24;
	v24 =	vcvt.s32.f32 v30  }
0x99: {  	v11 =	vsub.f32 v11, v22;
	v22 =	vsel vm1, $0xFFFFFFFF, v57;
	[tilespmem:s18+$0xFFFFFC00] =	vst v26;
	v26 =	vmul.f32 v29, v16  }
0x9a: {  	v14 =	vmul.f32 v14, v16;
	v16 =	vsub.f32 v24, v17;
	v17 =	vsub.f32 v17, v21;
	[tilespmem:s18+$0xFFFFFE00] =	vst v32  }
0x9b: {  	vm1 =	vgt.s32 v25, $0x0;
	v21 =	vand.u32 $0x7FFC0000, v8;
	v8 =	vmin.u32 v27, $0x1FF;
	[tilespmem:s18+$0x0] =	vst v26;
	v24 =	vld [tilespmem:s21+$0xFFFFFE30]  }
0x9c: {  	v6 =	vand.u32 $0x1FF, v6;
	[tilespmem:s18+$0x200] =	vst v14;
	v14 =	vmul.f32 v28, v16;
	v16 =	vmul.f32 v11, v16  }
0x9d: {  	v11 =	vmul.f32 v11, v17;
	[tilespmem:s16+$0xFFFFFC00] =	vst v13;
	v13 =	vmul.f32 v28, v17;
	v17 =	vnsel vm1, $0x0, v25  }
0x9e: {  	v6 =	vcvt.s32.f32 v6;
	[tilespmem:s18+$0xFFFFFE10] =	vst v16;
	v16 =	vmin.u32 v17, $0x1FF;
	v17 =	vcvt.s32.f32 v8  }
0x9f: {  	v25 =	vshll.u32 v8, $0x9;
	[tilespmem:s18+$0x10] =	vst v13;
	v13 =	vcvt.s32.f32 v16;
	v16 =	vshll.u32 v16, $0x9  }
0xa0: {  	[tilespmem:s18+$0x210] =	vst v11;
	v8 =	vsub.f32 v17, v9;
	v11 =	vor.u32 v21, v16;
	v6 =	vadd.f32 v6, v24  }
0xa1: {  	[tilespmem:s18+$0xFFFFFC10] =	vst v14;
	v14 =	vsub.f32 v9, v13;
	v9 =	vor.u32 v4, v11;
	v13 =	vadd.s32 v20, v22  }
0xa2: {  	[tilespmem:s16+$0xFFFFFE00] =	vst v33;
	v17 =	vmul.f32 v8, v12;
	v16 =	vtrunc.f32 v6;
	v20 =	vadd.s32 $0x1, v13  }
0xa3: {  	v8 =	vmul.f32 v8, v10;
	[tilespmem:s16+$0xFFFFFC10] =	vst v35;
	v22 =	vcvt.f32.s32 v16;
	vm1 =	vlt.f32 v6, v16  }
0xa4: {  	vm2 =	vgt.s32 v20, $0x0;
	[tilespmem:s16+$0x0] =	vst v23;
	v16 =	vsel vm1, $0xFFFFFFFF, v57;
	vm1 =	vgt.s32 v13, $0x0  }
0xa5: {  	[tilespmem:s16+$0x200] =	vst v18;
	v16 =	vadd.s32 v22, v16;
	v13 =	vnsel vm1, $0x0, v13;
	v18 =	vnsel vm2, $0x0, v20  }
0xa6: {  	[tilespmem:s16+$0xFFFFFE10] =	vst v36;
	vm1 =	vgt.s32 v16, $0x0;
	v20 =	vadd.s32 $0x1, v16;
	v18 =	vmin.u32 v18, $0x1FF  }
0xa7: {  	[tilespmem:s16+$0x10] =	vst v15;
	v15 =	vnsel vm1, $0x0, v16;
	vm1 =	vgt.s32 v20, $0x0;
	v16 =	vcvt.s32.f32 v18  }
0xa8: {  	v13 =	vmin.u32 v13, $0x1FF;
	[tilespmem:s16+$0x210] =	vst v19;
	v15 =	vmin.u32 v15, $0x1FF;
	v19 =	vnsel vm1, $0x0, v20  }
0xa9: {  	v22 =	vcvt.s32.f32 v13;
	v19 =	vmin.u32 v19, $0x1FF;
	v20 =	vcvt.s32.f32 v15  }
0xaa: {  	v24 =	vsub.f32 v16, v7;
	v16 =	vshll.u32 v18, $0x9;
	v23 =	vcvt.s32.f32 v19  }
0xab: {  	v22 =	vsub.f32 v7, v22;
	v16 =	vor.u32 v5, v16;
	v18 =	vsub.f32 v6, v20  }
.Ltmp0:
0xac: {  	v7 =	vor.u32 v15, v16;
	v16 =	vor.u32 v19, v16;
	v6 =	vsub.f32 v23, v6;
	(pc) =	sbr.rel @p0 .LBB2_2-.Ltmp0, $4  }
0xad: {  	v11 =	vor.u32 v3, v11;
	[tilespmem:s18+$0xFFFFFC20] =	vst v17;
	v20 =	vmul.f32 v24, v18;
	v23 =	vmul.f32 v22, v18  }
0xae: {  	[tilespmem:s18+$0x20] =	vst v8;
	v18 =	vmul.f32 v24, v6;
	v17 =	vmul.f32 v22, v6;
	v6 =	vshll.u32 v13, $0x9  }
0xaf: {  	s16 =	sadd.s32 $0x40, s16;
	v13 =	vmul.f32 v14, v12;
	v8 =	vmul.f32 v14, v10;
	[tilespmem:s18+$0x30] =	vst v20;
	v6 =	vor.u32 v5, v6  }
0xb0: {  	s17 =	sadd.s32 $0x40, s17;
	s21 =	sadd.s32 $0x40, s21;
	v5 =	vor.u32 v21, v25;
	s18 =	sadd.s32 $0x40, s18;
	[tilespmem:s9+$0x230] =	vst v23;
	v12 =	vor.u32 v15, v6;
	v10 =	vor.u32 v19, v6  }
0xb1: {  	[tilespmem:s9+$0xFFFFFE20] =	vst v13  }
0xb2: {  	[tilespmem:s9+$0x220] =	vst v8  }
0xb3: {  	[tilespmem:s9+$0xFFFFFC30] =	vst v18  }
0xb4: {  	[tilespmem:s9+$0xFFFFFE30] =	vst v17  }
0xb5: {  	v4 =	vor.u32 v4, v5;
	[tilespmem:s10+$0x20] =	vst v11  }
0xb6: {  	v3 =	vor.u32 v3, v5;
	[tilespmem:s10+$0xFFFFFE20] =	vst v4  }
0xb7: {  	[tilespmem:s10+$0x220] =	vst v3  }
0xb8: {  	[tilespmem:s10+$0xFFFFFC20] =	vst v9  }
0xb9: {  	[tilespmem:s10+$0x230] =	vst v16  }
0xba: {  	[tilespmem:s10+$0xFFFFFC30] =	vst v12  }
0xbb: {  	[tilespmem:s10+$0x30] =	vst v10  }
0xbc: {  	s4 =	simm.s32 $0x800;
	s5 =	simm.s32 $0x2800;
	[tilespmem:s10+$0xFFFFFE30] =	vst v7  }
0xbd: {  	[tilespmem:s5], [sflag:$0x3] =	stream.indirect.gather [hbm4b:s3+s20], $0x10, s4, s20, $0xb8;
	[tilespmem:$0x16800] =	vst v63  }
0xbe: {  	s26 =	simm.s32 $0x880;
	s28 =	simm.s32 $0x3000  }
0xbf: {  	[tilespmem:s28], [sflag:$0x3] =	stream.indirect.gather [hbm4b:s3+s20], $0x10, s26, s20, $0xb8;
	[tilespmem:$0x16800] =	vst v63  }
0xc0: {  	s6 =	simm.s32 $0x900;
	s9 =	simm.s32 $0x3800  }
0xc1: {  	[tilespmem:s9], [sflag:$0x3] =	stream.indirect.gather [hbm4b:s3+s20], $0x10, s6, s20, $0xb8;
	[tilespmem:$0x16800] =	vst v63  }
0xc2: {  	s13 =	simm.s32 $0x4000;
	s10 =	simm.s32 $0x980  }
0xc3: {  	[tilespmem:s13], [sflag:$0x3] =	stream.indirect.gather [hbm4b:s3+s20], $0x10, s10, s20, $0xb8;
	[tilespmem:$0x16800] =	vst v63  }
0xc4: {  	s14 =	simm.s32 $0xA00;
	s15 =	simm.s32 $0x4800  }
0xc5: {  	[tilespmem:s15], [sflag:$0x3] =	stream.indirect.gather [hbm4b:s3+s20], $0x10, s14, s20, $0xb8;
	[tilespmem:$0x16800] =	vst v63  }
0xc6: {  	s16 =	simm.s32 $0xA80;
	s17 =	simm.s32 $0x5000  }
0xc7: {  	[tilespmem:s17], [sflag:$0x3] =	stream.indirect.gather [hbm4b:s3+s20], $0x10, s16, s20, $0xb8;
	[tilespmem:$0x16800] =	vst v63  }
0xc8: {  	s18 =	simm.s32 $0xB00;
	s21 =	simm.s32 $0x5800  }
0xc9: {  	[tilespmem:s21], [sflag:$0x3] =	stream.indirect.gather [hbm4b:s3+s20], $0x10, s18, s20, $0xb8;
	[tilespmem:$0x16800] =	vst v63  }
0xca: {  	s22 =	simm.s32 $0xB80;
	s23 =	simm.s32 $0x6000  }
0xcb: {  	[tilespmem:s23], [sflag:$0x3] =	stream.indirect.gather [hbm4b:s3+s20], $0x10, s22, s20, $0xb8;
	[tilespmem:$0x16800] =	vst v63  }
0xcc: {  	s24 =	simm.s32 $0xC00;
	s25 =	simm.s32 $0x6800  }
0xcd: {  	[tilespmem:s25], [sflag:$0x3] =	stream.indirect.gather [hbm4b:s3+s20], $0x10, s24, s20, $0xb8;
	[tilespmem:$0x16800] =	vst v63  }
0xce: {  	s26 =	simm.s32 $0xC80;
	s28 =	simm.s32 $0x7000  }
0xcf: {  	[tilespmem:s28], [sflag:$0x3] =	stream.indirect.gather [hbm4b:s3+s20], $0x10, s26, s20, $0xb8;
	[tilespmem:$0x16800] =	vst v63  }
0xd0: {  	s6 =	simm.s32 $0xD00;
	s9 =	simm.s32 $0x7800  }
0xd1: {  	[tilespmem:s9], [sflag:$0x3] =	stream.indirect.gather [hbm4b:s3+s20], $0x10, s6, s20, $0xb8;
	[tilespmem:$0x16800] =	vst v63  }
0xd2: {  	s10 =	simm.s32 $0xD80;
	s13 =	simm.s32 $0x8000  }
0xd3: {  	[tilespmem:s13], [sflag:$0x3] =	stream.indirect.gather [hbm4b:s3+s20], $0x10, s10, s20, $0xb8;
	[tilespmem:$0x16800] =	vst v63  }
0xd4: {  	s14 =	simm.s32 $0xE00;
	s15 =	simm.s32 $0x8800  }
0xd5: {  	[tilespmem:s15], [sflag:$0x3] =	stream.indirect.gather [hbm4b:s3+s20], $0x10, s14, s20, $0xb8;
	[tilespmem:$0x16800] =	vst v63  }
0xd6: {  	s16 =	simm.s32 $0xE80;
	s17 =	simm.s32 $0x9000  }
0xd7: {  	[tilespmem:s17], [sflag:$0x3] =	stream.indirect.gather [hbm4b:s3+s20], $0x10, s16, s20, $0xb8;
	[tilespmem:$0x16800] =	vst v63  }
0xd8: {  	s18 =	simm.s32 $0xF00;
	s21 =	simm.s32 $0x9800;
	s24 =	rddreg [dreg:$0x6]  }
0xd9: {  	[tilespmem:s21], [sflag:$0x3] =	stream.indirect.gather [hbm4b:s3+s20], $0x10, s18, s20, $0xb8;
	[tilespmem:$0x16800] =	vst v63  }
0xda: {  	s22 =	simm.s32 $0xF80;
	s23 =	simm.s32 $0xA000;
	s26 =	rddreg [dreg:$0x7]  }
0xdb: {  	[tilespmem:s23], [sflag:$0x3] =	stream.indirect.gather [hbm4b:s3+s20], $0x10, s22, s20, $0xb8;
	[tilespmem:$0x16800] =	vst v63  }
0xdc: {  	s25 =	simm.s32 $0x400;
	s9 =	simm.s32 $0x0;
	s10 =	rddreg [dreg:$0xf]  }
0xdd: {  	[tilespmem:s25], [sflag:$0x2] =	stream.linear.gather [hbm4b:s24+s9], $0x200, $0x38;
	[tilespmem:$0x16800] =	vst v63  }
0xde: {  	s28 =	simm.s32 $0x600;
	s15 =	rddreg [dreg:$0xe]  }
0xdf: {  	[tilespmem:s28], [sflag:$0x2] =	stream.linear.gather [hbm4b:s26+s9], $0x200, $0x38;
	[tilespmem:$0x16800] =	vst v63  }
.LBB2_4:
0xe0: {  	_ =	swait.ge [sflag:s8], $0x200  }
0xe1: {  	[sflag:s8] =	ssyncset.done $0x0  }
0xe2: {  	[sflag:s8] =	ssyncadd.s32 $0xFFFFFE00  }
0xe3: {  	_ =	swait.ge [sflag:s8], $0x200  }
0xe4: {  	s6 =	sadd.s32 $0xFFFFFFD0, s15;
	s13 =	sadd.s32 $0xFFFFFFE0, s15;
	v4 =	vmov s15;
	[sflag:s8] =	ssyncset.done $0x0  }
0xe5: {  	s16 =	simm.s32 $0x600;
	v6 =	vor.u32 s15, v0;
	s14 =	sadd.s32 $0xFFFFFFF0, s15;
	v13 =	vmov s6;
	v14 =	vmov s13;
	[sflag:s8] =	ssyncadd.s32 $0xFFFFFE00  }
0xe6: {  	v10 =	vshrl.u32 v4, $0x9;
	v11 =	vor.u32 s14, v0;
	v9 =	vmov s14;
	v3 =	vld [tilespmem:s16+$0x10]  }
0xe7: {  	v15 =	vor.u32 s13, v0;
	v6 =	vand.u32 $0x1FF, v6;
	v7 =	vshrl.u32 v13, $0x9;
	v5 =	vld [tilespmem:s16+$0x0]  }
0xe8: {  	v8 =	vshrl.u32 v14, $0x9;
	v11 =	vand.u32 $0x1FF, v11;
	v16 =	vshrl.u32 v9, $0x9  }
0xe9: {  	v10 =	vand.u32 $0x1FF, v10;
	v7 =	vand.u32 $0x1FF, v7;
	v8 =	vand.u32 $0x1FF, v8;
	v52 =	vld [tilespmem:s16+$0xFFFFFE30]  }
0xea: {  	v14 =	vand.u32 $0x7FFC0000, v14;
	v7 =	vcvt.s32.f32 v7;
	v8 =	vcvt.s32.f32 v8  }
0xeb: {  	v13 =	vand.u32 $0x7FFC0000, v13;
	v51 =	vand.u32 $0x7FFC0000, v9;
	v6 =	vcvt.s32.f32 v6  }
0xec: {  	v17 =	vld [tilespmem:s16+$0xFFFFFE00];
	v18 =	vadd.f32 v7, v5;
	v12 =	vadd.f32 v8, v3;
	v3 =	vand.u32 $0x1FF, v16  }
0xed: {  	v5 =	vor.u32 s6, v0;
	v8 =	vand.u32 $0x1FF, v15;
	v15 =	vcvt.s32.f32 v11  }
0xee: {  	v7 =	vld [tilespmem:s16+$0x20];
	v6 =	vadd.f32 v6, v52;
	v11 =	vand.u32 $0x1CF, v5;
	v3 =	vcvt.s32.f32 v3  }
0xef: {  	v5 =	vand.u32 $0x7FFC0000, v4;
	v16 =	vtrunc.f32 v18;
	v4 =	vcvt.s32.f32 v11  }
0xf0: {  	v8 =	vcvt.s32.f32 v8;
	v11 =	vcvt.f32.s32 v16;
	vm1 =	vlt.f32 v18, v16  }
0xf1: {  	v19 =	vld [tilespmem:s16+$0xFFFFFE20];
	v16 =	vtrunc.f32 v12;
	v17 =	vadd.f32 v4, v17;
	v4 =	vsel vm1, $0xFFFFFFFF, v57  }
0xf2: {  	v21 =	vld [tilespmem:s16+$0xFFFFFE10];
	v20 =	vcvt.f32.s32 v16;
	vm1 =	vlt.f32 v12, v16;
	v4 =	vadd.s32 v11, v4  }
0xf3: {  	v11 =	vadd.f32 v3, v7;
	v16 =	vsel vm1, $0xFFFFFFFF, v57;
	v3 =	vtrunc.f32 v17  }
0xf4: {  	v7 =	vadd.s32 $0x1, v4;
	v16 =	vadd.s32 v20, v16;
	vm2 =	vgt.s32 v4, $0x0  }
0xf5: {  	vm1 =	vgt.s32 v7, $0x0;
	vm3 =	vgt.s32 v16, $0x0;
	v42 =	vtrunc.f32 v11  }
0xf6: {  	v23 =	vnsel vm2, $0x0, v4;
	v22 =	vnsel vm1, $0x0, v7;
	v7 =	vcvt.s32.f32 v10  }
0xf7: {  	vm1 =	vlt.f32 v17, v3;
	v10 =	vadd.f32 v15, v19;
	v15 =	vadd.f32 v8, v21  }
0xf8: {  	v20 =	vld [tilespmem:s16+$0x30];
	v8 =	vnsel vm3, $0x0, v16;
	v16 =	vadd.s32 $0x1, v16;
	v3 =	vcvt.f32.s32 v3  }
0xf9: {  	v23 =	vmin.u32 v23, $0x1FF;
	v19 =	vmin.u32 v8, $0x1FF;
	vm2 =	vgt.s32 v16, $0x0  }
0xfa: {  	v22 =	vmin.u32 v22, $0x1FF;
	v32 =	vcvt.s32.f32 v23;
	v23 =	vshll.u32 v23, $0x9  }
0xfb: {  	v8 =	vtrunc.f32 v10;
	v16 =	vnsel vm2, $0x0, v16;
	vm2 =	vlt.f32 v11, v42  }
0xfc: {  	v43 =	vtrunc.f32 v15;
	v29 =	vcvt.s32.f32 v22;
	v22 =	vshll.u32 v22, $0x9  }
0xfd: {  	v47 =	vshll.u32 v19, $0x9;
	v19 =	vcvt.s32.f32 v19;
	v7 =	vadd.f32 v7, v20  }
0xfe: {  	v4 =	vcvt.f32.s32 v8;
	vm3 =	vlt.f32 v10, v8;
	v8 =	vsel vm1, $0xFFFFFFFF, v57  }
0xff: {  	v25 =	vsel vm2, $0xFFFFFFFF, v57;
	v21 =	vcvt.f32.s32 v43;
	v16 =	vmin.u32 v16, $0x1FF  }
0x100: {  	v22 =	vor.u32 v13, v22;
	v13 =	vor.u32 v13, v23;
	v24 =	vsel vm3, $0xFFFFFFFF, v57  }
0x101: {  	v26 =	vadd.s32 v3, v8;
	v46 =	vcvt.s32.f32 v16;
	v16 =	vshll.u32 v16, $0x9  }
0x102: {  	v29 =	vsub.f32 v29, v18;
	v18 =	vsub.f32 v18, v32;
	v20 =	vtrunc.f32 v7  }
0x103: {  	v3 =	vadd.s32 v4, v24;
	v4 =	vcvt.f32.s32 v42;
	v44 =	vadd.s32 $0x1, v26  }
0x104: {  	v16 =	vor.u32 v14, v16;
	v14 =	vor.u32 v14, v47;
	vm1 =	vgt.s32 v3, $0x0  }
0x105: {  	v8 =	vadd.s32 $0x1, v3;
	vm3 =	vgt.s32 v44, $0x0;
	v3 =	vnsel vm1, $0x0, v3  }
0x106: {  	vm1 =	vgt.s32 v8, $0x0;
	v25 =	vadd.s32 v4, v25;
	v24 =	vnsel vm3, $0x0, v44  }
0x107: {  	v4 =	vmin.u32 v3, $0x1FF;
	v3 =	vnsel vm1, $0x0, v8;
	v27 =	vadd.s32 $0x1, v25  }
0x108: {  	vm1 =	vlt.f32 v15, v43;
	v24 =	vmin.u32 v24, $0x1FF;
	v3 =	vmin.u32 v3, $0x1FF  }
0x109: {  	v8 =	vcvt.s32.f32 v4;
	vm2 =	vgt.s32 v27, $0x0;
	v45 =	vsel vm1, $0xFFFFFFFF, v57  }
0x10a: {  	vm1 =	vgt.s32 v26, $0x0;
	v31 =	vcvt.s32.f32 v24;
	v48 =	vor.u32 v24, v13  }
0x10b: {  	v28 =	vcvt.s32.f32 v3;
	v21 =	vadd.s32 v21, v45;
	v26 =	vnsel vm1, $0x0, v26  }
0x10c: {  	v27 =	vnsel vm2, $0x0, v27;
	v8 =	vsub.f32 v10, v8;
	v30 =	vadd.s32 $0x1, v21  }
0x10d: {  	vm1 =	vgt.s32 v21, $0x0;
	v26 =	vmin.u32 v26, $0x1FF;
	v31 =	vsub.f32 v31, v17  }
0x10e: {  	v9 =	vmin.u32 v27, $0x1FF;
	v10 =	vsub.f32 v28, v10;
	vm3 =	vgt.s32 v30, $0x0  }
0x10f: {  	v21 =	vnsel vm1, $0x0, v21;
	vm1 =	vlt.f32 v7, v20;
	v28 =	vsub.f32 v46, v12  }
0x110: {  	v33 =	vor.u32 v26, v22;
	v20 =	vcvt.f32.s32 v20;
	v34 =	vcvt.s32.f32 v26  }
0x111: {  	v13 =	vor.u32 v26, v13;
	v22 =	vor.u32 v24, v22;
	v12 =	vsub.f32 v12, v19  }
0x112: {  	v55 =	vcvt.s32.f32 v9;
	v58 =	vshll.u32 v9, $0x9;
	v30 =	vnsel vm3, $0x0, v30  }
0x113: {  	v21 =	vmin.u32 v21, $0x1FF;
	v32 =	vmul.f32 v18, v31;
	v30 =	vmin.u32 v30, $0x1FF  }
0x114: {  	v49 =	vmul.f32 v29, v31;
	v17 =	vsub.f32 v17, v34;
	v50 =	vcvt.s32.f32 v30  }
0x115: {  	v35 =	vor.u32 v21, v14;
	v36 =	vor.u32 v21, v16;
	v21 =	vcvt.s32.f32 v21  }
0x116: {  	s16 =	simm.s32 $0x2400;
	v29 =	vmul.f32 v29, v17;
	v17 =	vmul.f32 v18, v17;
	v18 =	vsub.f32 v50, v15  }
0x117: {  	v19 =	vsel vm1, $0xFFFFFFFF, v57;
	vm1 =	vgt.s32 v25, $0x0;
	[tilespmem:s16+$0xFFFFFC00] =	vst v49;
	v15 =	vsub.f32 v15, v21  }
0x118: {  	[tilespmem:s16+$0x200] =	vst v17;
	v17 =	vsub.f32 v55, v11;
	v53 =	vmul.f32 v28, v18;
	v18 =	vmul.f32 v12, v18  }
0x119: {  	[tilespmem:s16+$0xFFFFFE00] =	vst v32;
	v54 =	vmul.f32 v28, v15;
	v12 =	vmul.f32 v12, v15;
	v15 =	vnsel vm1, $0x0, v25  }
0x11a: {  	s21 =	simm.s32 $0x1400;
	v14 =	vor.u32 v30, v14;
	v16 =	vor.u32 v30, v16;
	[tilespmem:s16+$0x0] =	vst v29;
	v15 =	vmin.u32 v15, $0x1FF  }
0x11b: {  	[tilespmem:s21+$0xFFFFFC00] =	vst v13;
	v13 =	vmul.f32 v17, v10;
	v56 =	vcvt.s32.f32 v15;
	v15 =	vshll.u32 v15, $0x9  }
0x11c: {  	v17 =	vmul.f32 v17, v8;
	[tilespmem:s16+$0xFFFFFE10] =	vst v18;
	v18 =	vtrunc.f32 v6;
	v15 =	vor.u32 v51, v15  }
0x11d: {  	vm1 =	vlt.f32 v6, v18;
	v59 =	vsub.f32 v11, v56;
	v11 =	vadd.s32 v20, v19  }
0x11e: {  	[tilespmem:s21+$0xFFFFFE00] =	vst v33;
	v9 =	vor.u32 v4, v15;
	v20 =	vcvt.f32.s32 v18;
	v19 =	vadd.s32 $0x1, v11  }
0x11f: {  	[tilespmem:s16+$0x210] =	vst v12;
	v12 =	vsel vm1, $0xFFFFFFFF, v57;
	vm1 =	vgt.s32 v11, $0x0;
	vm2 =	vgt.s32 v19, $0x0  }
0x120: {  	[tilespmem:s21+$0x0] =	vst v48;
	v12 =	vadd.s32 v20, v12;
	v11 =	vnsel vm1, $0x0, v11;
	v18 =	vnsel vm2, $0x0, v19  }
0x121: {  	[tilespmem:s21+$0x200] =	vst v22;
	vm1 =	vgt.s32 v12, $0x0;
	v19 =	vadd.s32 $0x1, v12;
	v60 =	vmin.u32 v11, $0x1FF  }
0x122: {  	[tilespmem:s16+$0x10] =	vst v54;
	v18 =	vmin.u32 v18, $0x1FF;
	v12 =	vnsel vm1, $0x0, v12;
	vm1 =	vgt.s32 v19, $0x0  }
0x123: {  	[tilespmem:s16+$0xFFFFFC10] =	vst v53;
	v61 =	vcvt.s32.f32 v60;
	v12 =	vmin.u32 v12, $0x1FF;
	v19 =	vnsel vm1, $0x0, v19  }
0x124: {  	[tilespmem:s21+$0xFFFFFC10] =	vst v35;
	v20 =	vcvt.s32.f32 v18;
	v19 =	vmin.u32 v19, $0x1FF;
	v11 =	vcvt.s32.f32 v12  }
0x125: {  	[tilespmem:s21+$0x10] =	vst v14;
	v18 =	vshll.u32 v18, $0x9;
	v14 =	vsub.f32 v7, v61;
	v62 =	vcvt.s32.f32 v19  }
0x126: {  	[tilespmem:s21+$0xFFFFFE10] =	vst v36;
	v20 =	vsub.f32 v20, v7;
	v63 =	vsub.f32 v6, v11;
	v11 =	vor.u32 v5, v18  }
0x127: {  	[tilespmem:s21+$0x210] =	vst v16;
	v6 =	vsub.f32 v62, v6;
	v7 =	vor.u32 v12, v11;
	v16 =	vor.u32 v19, v11  }
0x128: {  	[tilespmem:s16+$0xFFFFFC20] =	vst v13;
	v11 =	vor.u32 v3, v15;
	v15 =	vmul.f32 v20, v63;
	v22 =	vmul.f32 v14, v63  }
0x129: {  	s18 =	sshll.u32 s9, $0x1;
	[tilespmem:s16+$0x20] =	vst v17;
	v18 =	vmul.f32 v20, v6;
	v17 =	vmul.f32 v14, v6;
	v6 =	vshll.u32 v60, $0x9  }
0x12a: {  	s17 =	sshllo.u32 s9, $0x1;
	s22 =	simm.s32 $0x0;
	s23 =	simm.s32 $0x1440;
	v13 =	vmul.f32 v59, v10;
	v8 =	vmul.f32 v59, v8;
	[tilespmem:s16+$0x30] =	vst v15;
	v6 =	vor.u32 v5, v6  }
0x12b: {  	s24 =	sadd.s32 $0x40, s15;
	s25 =	simm.s32 $0x2440;
	s26 =	simm.s32 $0x640;
	v5 =	vor.u32 v51, v58;
	[tilespmem:s16+$0x230] =	vst v22;
	v12 =	vor.u32 v12, v6;
	v10 =	vor.u32 v19, v6  }
.LBB2_5:
0x12c: {  	s6 =	sadd.s32 $0xFFFFFFD0, s24;
	s13 =	sadd.s32 $0xFFFFFFE0, s24;
	v19 =	vld [tilespmem:s26+$0x10];
	s14 =	sadd.s32 $0xFFFFFFF0, s24;
	v20 =	vmov s24;
	v6 =	vor.u32 s24, v0;
	[tilespmem:s16+$0xFFFFFE20] =	vst v13;
	v4 =	vor.u32 v4, v5  }
0x12d: {  	s22 =	sadd.s32 $0x4, s22;
	v3 =	vor.u32 v3, v5;
	v13 =	vmov s6;
	v14 =	vld [tilespmem:s26+$0x0];
	v15 =	vmov s13;
	[tilespmem:s16+$0x220] =	vst v8  }
0x12e: {  	v22 =	vshrl.u32 v20, $0x9;
	p0 =	slt.u32 s22, $0x1C;
	v5 =	vshrl.u32 v13, $0x9;
	v8 =	vshrl.u32 v15, $0x9;
	v21 =	vld [tilespmem:s26+$0x20];
	[tilespmem:s21+$0x20] =	vst v11  }
0x12f: {  	v11 =	vor.u32 s14, v0;
	v5 =	vand.u32 $0x1FF, v5;
	v8 =	vand.u32 $0x1FF, v8;
	v23 =	vld [tilespmem:s26+$0xFFFFFE20];
	[tilespmem:s21+$0xFFFFFE20] =	vst v4  }
0x130: {  	v4 =	vcvt.s32.f32 v5;
	v5 =	vcvt.s32.f32 v8;
	v8 =	vmov s14;
	[tilespmem:s21+$0x220] =	vst v3  }
0x131: {  	v24 =	vand.u32 $0x1FF, v11;
	v3 =	vor.u32 s13, v0;
	v25 =	vshrl.u32 v8, $0x9;
	[tilespmem:s21+$0xFFFFFC20] =	vst v9  }
0x132: {  	v9 =	vld [tilespmem:s26+$0xFFFFFE00];
	v14 =	vadd.f32 v4, v14;
	v11 =	vadd.f32 v5, v19;
	v4 =	vand.u32 $0x1FF, v25;
	[tilespmem:s16+$0xFFFFFC30] =	vst v18  }
0x133: {  	v3 =	vand.u32 $0x1FF, v3;
	v5 =	vor.u32 s6, v0;
	v18 =	vcvt.s32.f32 v24;
	[tilespmem:s16+$0xFFFFFE30] =	vst v17;
	s16 =	smov.u32 s25  }
0x134: {  	v17 =	vand.u32 $0x1CF, v5;
	v5 =	vand.u32 $0x7FFC0000, v20;
	v19 =	vtrunc.f32 v14;
	[tilespmem:s21+$0x230] =	vst v16  }
0x135: {  	v16 =	vcvt.s32.f32 v17;
	v17 =	vcvt.f32.s32 v19;
	vm1 =	vlt.f32 v14, v19;
	[tilespmem:s21+$0xFFFFFC30] =	vst v12  }
0x136: {  	v4 =	vcvt.s32.f32 v4;
	v20 =	vand.u32 $0x1FF, v22;
	v19 =	vtrunc.f32 v11;
	v12 =	vld [tilespmem:s26+$0xFFFFFE10];
	[tilespmem:s21+$0x30] =	vst v10  }
0x137: {  	v10 =	vcvt.f32.s32 v19;
	v16 =	vadd.f32 v16, v9;
	v9 =	vsel vm1, $0xFFFFFFFF, v57;
	[tilespmem:s21+$0xFFFFFE30] =	vst v7;
	s21 =	smov.u32 s23  }
0x138: {  	vm1 =	vlt.f32 v11, v19;
	v7 =	vadd.s32 v17, v9;
	v9 =	vadd.f32 v4, v21  }
0x139: {  	v19 =	vsel vm1, $0xFFFFFFFF, v57;
	v4 =	vtrunc.f32 v16;
	v17 =	vadd.s32 $0x1, v7  }
0x13a: {  	v3 =	vcvt.s32.f32 v3;
	v10 =	vadd.s32 v10, v19;
	vm1 =	vgt.s32 v17, $0x0;
	v19 =	vld [tilespmem:s26+$0x30]  }
0x13b: {  	v20 =	vcvt.s32.f32 v20;
	vm2 =	vgt.s32 v7, $0x0;
	v21 =	vnsel vm1, $0x0, v17  }
0x13c: {  	v18 =	vadd.f32 v18, v23;
	vm3 =	vgt.s32 v10, $0x0;
	vm1 =	vlt.f32 v16, v4  }
0x13d: {  	v17 =	vadd.f32 v3, v12;
	v3 =	vnsel vm3, $0x0, v10;
	v10 =	vadd.s32 $0x1, v10  }
0x13e: {  	v12 =	vtrunc.f32 v9;
	v22 =	vmin.u32 v3, $0x1FF;
	v3 =	vtrunc.f32 v18  }
0x13f: {  	v23 =	vnsel vm2, $0x0, v7;
	vm2 =	vgt.s32 v10, $0x0;
	v7 =	vadd.f32 v20, v19  }
0x140: {  	v19 =	vnsel vm2, $0x0, v10;
	v10 =	vcvt.f32.s32 v3;
	vm2 =	vlt.f32 v9, v12  }
0x141: {  	v4 =	vcvt.f32.s32 v4;
	vm3 =	vlt.f32 v18, v3;
	v20 =	vtrunc.f32 v7  }
0x142: {  	v24 =	vsel vm3, $0xFFFFFFFF, v57;
	v3 =	vsel vm1, $0xFFFFFFFF, v57;
	v25 =	vsel vm2, $0xFFFFFFFF, v57  }
0x143: {  	v26 =	vadd.s32 v4, v3;
	v4 =	vcvt.f32.s32 v12;
	v3 =	vadd.s32 v10, v24  }
0x144: {  	v12 =	vtrunc.f32 v17;
	vm1 =	vgt.s32 v3, $0x0;
	v10 =	vadd.s32 $0x1, v3  }
0x145: {  	v24 =	vadd.s32 $0x1, v26;
	v3 =	vnsel vm1, $0x0, v3;
	vm1 =	vgt.s32 v10, $0x0  }
0x146: {  	v25 =	vadd.s32 v4, v25;
	v4 =	vmin.u32 v3, $0x1FF;
	v3 =	vnsel vm1, $0x0, v10  }
0x147: {  	v27 =	vadd.s32 $0x1, v25;
	v3 =	vmin.u32 v3, $0x1FF;
	v10 =	vcvt.s32.f32 v4  }
0x148: {  	v21 =	vmin.u32 v21, $0x1FF;
	vm1 =	vlt.f32 v17, v12;
	v28 =	vcvt.s32.f32 v3  }
0x149: {  	v29 =	vcvt.s32.f32 v21;
	vm2 =	vgt.s32 v27, $0x0;
	v10 =	vsub.f32 v18, v10  }
0x14a: {  	v30 =	vcvt.f32.s32 v12;
	vm3 =	vgt.s32 v24, $0x0;
	v12 =	vsub.f32 v28, v18  }
0x14b: {  	v19 =	vmin.u32 v19, $0x1FF;
	v18 =	vnsel vm3, $0x0, v24;
	v24 =	vsel vm1, $0xFFFFFFFF, v57  }
0x14c: {  	vm1 =	vgt.s32 v26, $0x0;
	v28 =	vcvt.s32.f32 v19;
	v24 =	vadd.s32 v30, v24  }
0x14d: {  	v15 =	vand.u32 $0x7FFC0000, v15;
	v19 =	vshll.u32 v19, $0x9;
	v30 =	vadd.s32 $0x1, v24  }
0x14e: {  	v26 =	vnsel vm1, $0x0, v26;
	v19 =	vor.u32 v15, v19;
	vm1 =	vgt.s32 v24, $0x0  }
0x14f: {  	v29 =	vsub.f32 v29, v14;
	v27 =	vnsel vm2, $0x0, v27;
	vm3 =	vgt.s32 v30, $0x0  }
0x150: {  	v18 =	vmin.u32 v18, $0x1FF;
	v24 =	vnsel vm1, $0x0, v24;
	v30 =	vnsel vm3, $0x0, v30  }
0x151: {  	v26 =	vmin.u32 v26, $0x1FF;
	v31 =	vcvt.s32.f32 v18;
	vm1 =	vlt.f32 v7, v20  }
0x152: {  	v13 =	vand.u32 $0x7FFC0000, v13;
	v21 =	vshll.u32 v21, $0x9;
	v28 =	vsub.f32 v28, v11  }
0x153: {  	v23 =	vmin.u32 v23, $0x1FF;
	v21 =	vor.u32 v13, v21;
	v31 =	vsub.f32 v31, v16  }
0x154: {  	v32 =	vcvt.s32.f32 v23;
	v23 =	vshll.u32 v23, $0x9;
	v33 =	vor.u32 v26, v21  }
0x155: {  	v13 =	vor.u32 v13, v23;
	v23 =	vshll.u32 v22, $0x9;
	v20 =	vcvt.f32.s32 v20  }
0x156: {  	v14 =	vsub.f32 v14, v32;
	v15 =	vor.u32 v15, v23;
	v34 =	vcvt.s32.f32 v26  }
0x157: {  	v23 =	vor.u32 v18, v13;
	v24 =	vmin.u32 v24, $0x1FF;
	v30 =	vmin.u32 v30, $0x1FF  }
0x158: {  	v35 =	vor.u32 v24, v15;
	v36 =	vor.u32 v24, v19;
	v32 =	vmul.f32 v14, v31  }
0x159: {  	v13 =	vor.u32 v26, v13;
	v15 =	vor.u32 v30, v15;
	v19 =	vor.u32 v30, v19  }
0x15a: {  	v22 =	vcvt.s32.f32 v22;
	v16 =	vsub.f32 v16, v34;
	v26 =	vmul.f32 v29, v31  }
0x15b: {  	v18 =	vor.u32 v18, v21;
	v21 =	vcvt.s32.f32 v24;
	v24 =	vcvt.s32.f32 v30  }
0x15c: {  	v11 =	vsub.f32 v11, v22;
	v22 =	vsel vm1, $0xFFFFFFFF, v57;
	[tilespmem:s25+$0xFFFFFC00] =	vst v26;
	v26 =	vmul.f32 v29, v16  }
0x15d: {  	v14 =	vmul.f32 v14, v16;
	v16 =	vsub.f32 v24, v17;
	v17 =	vsub.f32 v17, v21;
	[tilespmem:s25+$0xFFFFFE00] =	vst v32  }
0x15e: {  	vm1 =	vgt.s32 v25, $0x0;
	v21 =	vand.u32 $0x7FFC0000, v8;
	v8 =	vmin.u32 v27, $0x1FF;
	[tilespmem:s25+$0x0] =	vst v26;
	v24 =	vld [tilespmem:s26+$0xFFFFFE30]  }
0x15f: {  	v6 =	vand.u32 $0x1FF, v6;
	[tilespmem:s25+$0x200] =	vst v14;
	v14 =	vmul.f32 v28, v16;
	v16 =	vmul.f32 v11, v16  }
0x160: {  	v11 =	vmul.f32 v11, v17;
	[tilespmem:s23+$0xFFFFFC00] =	vst v13;
	v13 =	vmul.f32 v28, v17;
	v17 =	vnsel vm1, $0x0, v25  }
0x161: {  	v6 =	vcvt.s32.f32 v6;
	[tilespmem:s25+$0xFFFFFE10] =	vst v16;
	v16 =	vmin.u32 v17, $0x1FF;
	v17 =	vcvt.s32.f32 v8  }
0x162: {  	v25 =	vshll.u32 v8, $0x9;
	[tilespmem:s25+$0x10] =	vst v13;
	v13 =	vcvt.s32.f32 v16;
	v16 =	vshll.u32 v16, $0x9  }
0x163: {  	[tilespmem:s25+$0x210] =	vst v11;
	v8 =	vsub.f32 v17, v9;
	v11 =	vor.u32 v21, v16;
	v6 =	vadd.f32 v6, v24  }
0x164: {  	[tilespmem:s25+$0xFFFFFC10] =	vst v14;
	v14 =	vsub.f32 v9, v13;
	v9 =	vor.u32 v4, v11;
	v13 =	vadd.s32 v20, v22  }
0x165: {  	[tilespmem:s23+$0xFFFFFE00] =	vst v33;
	v17 =	vmul.f32 v8, v12;
	v16 =	vtrunc.f32 v6;
	v20 =	vadd.s32 $0x1, v13  }
0x166: {  	v8 =	vmul.f32 v8, v10;
	[tilespmem:s23+$0xFFFFFC10] =	vst v35;
	v22 =	vcvt.f32.s32 v16;
	vm1 =	vlt.f32 v6, v16  }
0x167: {  	vm2 =	vgt.s32 v20, $0x0;
	[tilespmem:s23+$0x0] =	vst v23;
	v16 =	vsel vm1, $0xFFFFFFFF, v57;
	vm1 =	vgt.s32 v13, $0x0  }
0x168: {  	[tilespmem:s23+$0x200] =	vst v18;
	v16 =	vadd.s32 v22, v16;
	v13 =	vnsel vm1, $0x0, v13;
	v18 =	vnsel vm2, $0x0, v20  }
0x169: {  	[tilespmem:s23+$0xFFFFFE10] =	vst v36;
	vm1 =	vgt.s32 v16, $0x0;
	v20 =	vadd.s32 $0x1, v16;
	v18 =	vmin.u32 v18, $0x1FF  }
0x16a: {  	[tilespmem:s23+$0x10] =	vst v15;
	v15 =	vnsel vm1, $0x0, v16;
	vm1 =	vgt.s32 v20, $0x0;
	v16 =	vcvt.s32.f32 v18  }
0x16b: {  	v13 =	vmin.u32 v13, $0x1FF;
	[tilespmem:s23+$0x210] =	vst v19;
	v15 =	vmin.u32 v15, $0x1FF;
	v19 =	vnsel vm1, $0x0, v20  }
0x16c: {  	v22 =	vcvt.s32.f32 v13;
	v19 =	vmin.u32 v19, $0x1FF;
	v20 =	vcvt.s32.f32 v15  }
0x16d: {  	v24 =	vsub.f32 v16, v7;
	v16 =	vshll.u32 v18, $0x9;
	v23 =	vcvt.s32.f32 v19  }
0x16e: {  	v22 =	vsub.f32 v7, v22;
	v16 =	vor.u32 v5, v16;
	v18 =	vsub.f32 v6, v20  }
.Ltmp1:
0x16f: {  	v7 =	vor.u32 v15, v16;
	v16 =	vor.u32 v19, v16;
	v6 =	vsub.f32 v23, v6;
	(pc) =	sbr.rel @p0 .LBB2_5-.Ltmp1, $4  }
0x170: {  	v11 =	vor.u32 v3, v11;
	[tilespmem:s25+$0xFFFFFC20] =	vst v17;
	v20 =	vmul.f32 v24, v18;
	v23 =	vmul.f32 v22, v18  }
0x171: {  	[tilespmem:s25+$0x20] =	vst v8;
	v18 =	vmul.f32 v24, v6;
	v17 =	vmul.f32 v22, v6;
	v6 =	vshll.u32 v13, $0x9  }
0x172: {  	s23 =	sadd.s32 $0x40, s23;
	v13 =	vmul.f32 v14, v12;
	v8 =	vmul.f32 v14, v10;
	[tilespmem:s25+$0x30] =	vst v20;
	v6 =	vor.u32 v5, v6  }
0x173: {  	s24 =	sadd.s32 $0x40, s24;
	s26 =	sadd.s32 $0x40, s26;
	v5 =	vor.u32 v21, v25;
	s25 =	sadd.s32 $0x40, s25;
	[tilespmem:s16+$0x230] =	vst v23;
	v12 =	vor.u32 v15, v6;
	v10 =	vor.u32 v19, v6  }
0x174: {  	[tilespmem:s16+$0xFFFFFE20] =	vst v13  }
0x175: {  	[tilespmem:s16+$0x220] =	vst v8  }
0x176: {  	[tilespmem:s16+$0xFFFFFC30] =	vst v18  }
0x177: {  	[tilespmem:s16+$0xFFFFFE30] =	vst v17  }
0x178: {  	v4 =	vor.u32 v4, v5;
	[tilespmem:s21+$0x20] =	vst v11  }
0x179: {  	v3 =	vor.u32 v3, v5;
	[tilespmem:s21+$0xFFFFFE20] =	vst v4  }
0x17a: {  	[tilespmem:s21+$0x220] =	vst v3  }
0x17b: {  	[tilespmem:s21+$0xFFFFFC20] =	vst v9  }
0x17c: {  	[tilespmem:s21+$0x230] =	vst v16  }
0x17d: {  	[tilespmem:s21+$0xFFFFFC30] =	vst v12  }
0x17e: {  	[tilespmem:s21+$0x30] =	vst v10  }
0x17f: {  	s4 =	simm.s32 $0x1000;
	s5 =	simm.s32 $0xA800;
	[tilespmem:s21+$0xFFFFFE30] =	vst v7  }
0x180: {  	[tilespmem:s5], [sflag:$0x4] =	stream.indirect.gather [hbm4b:s3+s20], $0x10, s4, s20, $0xb8;
	[tilespmem:$0x16800] =	vst v63  }
0x181: {  	s22 =	simm.s32 $0x1080;
	s23 =	simm.s32 $0xB000  }
0x182: {  	[tilespmem:s23], [sflag:$0x4] =	stream.indirect.gather [hbm4b:s3+s20], $0x10, s22, s20, $0xb8;
	[tilespmem:$0x16800] =	vst v63  }
0x183: {  	s24 =	simm.s32 $0x1100;
	s25 =	simm.s32 $0xB800  }
0x184: {  	[tilespmem:s25], [sflag:$0x4] =	stream.indirect.gather [hbm4b:s3+s20], $0x10, s24, s20, $0xb8;
	[tilespmem:$0x16800] =	vst v63  }
0x185: {  	s26 =	simm.s32 $0x1180;
	s28 =	simm.s32 $0xC000  }
0x186: {  	[tilespmem:s28], [sflag:$0x4] =	stream.indirect.gather [hbm4b:s3+s20], $0x10, s26, s20, $0xb8;
	[tilespmem:$0x16800] =	vst v63  }
0x187: {  	s6 =	simm.s32 $0xC800;
	s5 =	simm.s32 $0x1200  }
0x188: {  	[tilespmem:s6], [sflag:$0x4] =	stream.indirect.gather [hbm4b:s3+s20], $0x10, s5, s20, $0xb8;
	[tilespmem:$0x16800] =	vst v63  }
0x189: {  	s13 =	simm.s32 $0x1280;
	s14 =	simm.s32 $0xD000  }
0x18a: {  	[tilespmem:s14], [sflag:$0x4] =	stream.indirect.gather [hbm4b:s3+s20], $0x10, s13, s20, $0xb8;
	[tilespmem:$0x16800] =	vst v63  }
0x18b: {  	s16 =	simm.s32 $0x1300;
	s21 =	simm.s32 $0xD800  }
0x18c: {  	[tilespmem:s21], [sflag:$0x4] =	stream.indirect.gather [hbm4b:s3+s20], $0x10, s16, s20, $0xb8;
	[tilespmem:$0x16800] =	vst v63  }
0x18d: {  	s22 =	simm.s32 $0x1380;
	s23 =	simm.s32 $0xE000  }
0x18e: {  	[tilespmem:s23], [sflag:$0x4] =	stream.indirect.gather [hbm4b:s3+s20], $0x10, s22, s20, $0xb8;
	[tilespmem:$0x16800] =	vst v63  }
0x18f: {  	s24 =	simm.s32 $0x1400;
	s25 =	simm.s32 $0xE800  }
0x190: {  	[tilespmem:s25], [sflag:$0x4] =	stream.indirect.gather [hbm4b:s3+s20], $0x10, s24, s20, $0xb8;
	[tilespmem:$0x16800] =	vst v63  }
0x191: {  	s26 =	simm.s32 $0x1480;
	s28 =	simm.s32 $0xF000  }
0x192: {  	[tilespmem:s28], [sflag:$0x4] =	stream.indirect.gather [hbm4b:s3+s20], $0x10, s26, s20, $0xb8;
	[tilespmem:$0x16800] =	vst v63  }
0x193: {  	p1 =	seq.s32 s9, $0x1F;
	s5 =	simm.s32 $0x1500;
	s6 =	simm.s32 $0xF800  }
0x194: {  	[tilespmem:s6], [sflag:$0x4] =	stream.indirect.gather [hbm4b:s3+s20], $0x10, s5, s20, $0xb8;
	[tilespmem:$0x16800] =	vst v63  }
0x195: {  	s4 =	rddreg [dreg:$0x3];
	s13 =	simm.s32 $0x1580;
	s14 =	simm.s32 $0x10000  }
0x196: {  	[tilespmem:s14], [sflag:$0x4] =	stream.indirect.gather [hbm4b:s3+s20], $0x10, s13, s20, $0xb8;
	[tilespmem:$0x16800] =	vst v63  }
0x197: {  	s16 =	simm.s32 $0x1600;
	s21 =	simm.s32 $0x10800;
	s6 =	sadd.s32 $0x2, s18  }
0x198: {  	[tilespmem:s21], [sflag:$0x4] =	stream.indirect.gather [hbm4b:s3+s20], $0x10, s16, s20, $0xb8;
	[tilespmem:$0x16800] =	vst v63  }
0x199: {  	s22 =	simm.s32 $0x1680;
	s23 =	simm.s32 $0x11000;
	s6 =	sshll.u32 @!p1 s6, $0x9  }
0x19a: {  	[tilespmem:s23], [sflag:$0x4] =	stream.indirect.gather [hbm4b:s3+s20], $0x10, s22, s20, $0xb8;
	[tilespmem:$0x16800] =	vst v63  }
0x19b: {  	s24 =	simm.s32 $0x1700;
	s25 =	simm.s32 $0x11800;
	s6 =	sadd.s32 @!p1 s4, s6  }
0x19c: {  	[tilespmem:s25], [sflag:$0x4] =	stream.indirect.gather [hbm4b:s3+s20], $0x10, s24, s20, $0xb8;
	[tilespmem:$0x16800] =	vst v63  }
0x19d: {  	s26 =	simm.s32 $0x1780;
	s28 =	simm.s32 $0x12000;
	s6 =	sshrl.u32 @!p1 s6, $0x3  }
0x19e: {  	[tilespmem:s28], [sflag:$0x4] =	stream.indirect.gather [hbm4b:s3+s20], $0x10, s26, s20, $0xb8;
	[tilespmem:$0x16800] =	vst v63  }
0x19f: {  	s14 =	simm.s32 @!p1 $0x0;
	s13 =	sadd.s32 @!p1 s11, s6  }
0x1a0: {  	[tilespmem:s14], [sflag:$0x1] =	stream.linear.gather @!p1 [hbm4b:s13+s14], $0x200, $0x38;
	[tilespmem:$0x16800] =	vst v63  }
0x1a1: {  	s6 =	sadd.s32 @!p1 s12, s6;
	s13 =	simm.s32 @!p1 $0x200  }
0x1a2: {  	[tilespmem:s13], [sflag:$0x1] =	stream.linear.gather @!p1 [hbm4b:s6+s14], $0x200, $0x38;
	[tilespmem:$0x16800] =	vst v63  }
0x1a3: {  	_ =	swait.ge [sflag:s29], $0x800  }
0x1a4: {  	[sflag:s29] =	ssyncset.done $0x0  }
0x1a5: {  	[sflag:s29] =	ssyncadd.s32 $0xFFFFF800  }
0x1a6: {  	_ =	swait.ge [sflag:s29], $0x800  }
0x1a7: {  	[sflag:s29] =	ssyncset.done $0x0  }
0x1a8: {  	[sflag:s29] =	ssyncadd.s32 $0xFFFFF800  }
0x1a9: {  	_ =	swait.ge [sflag:s29], $0x800  }
0x1aa: {  	[sflag:s29] =	ssyncset.done $0x0  }
0x1ab: {  	[sflag:s29] =	ssyncadd.s32 $0xFFFFF800  }
0x1ac: {  	_ =	swait.ge [sflag:s29], $0x800  }
0x1ad: {  	[sflag:s29] =	ssyncset.done $0x0  }
0x1ae: {  	[sflag:s29] =	ssyncadd.s32 $0xFFFFF800  }
0x1af: {  	_ =	swait.ge [sflag:s29], $0x800  }
0x1b0: {  	[sflag:s29] =	ssyncset.done $0x0  }
0x1b1: {  	[sflag:s29] =	ssyncadd.s32 $0xFFFFF800  }
0x1b2: {  	_ =	swait.ge [sflag:s29], $0x800  }
0x1b3: {  	[sflag:s29] =	ssyncset.done $0x0  }
0x1b4: {  	[sflag:s29] =	ssyncadd.s32 $0xFFFFF800  }
0x1b5: {  	_ =	swait.ge [sflag:s29], $0x800  }
0x1b6: {  	[sflag:s29] =	ssyncset.done $0x0  }
0x1b7: {  	[sflag:s29] =	ssyncadd.s32 $0xFFFFF800  }
0x1b8: {  	_ =	swait.ge [sflag:s29], $0x800  }
0x1b9: {  	[sflag:s29] =	ssyncset.done $0x0  }
0x1ba: {  	[sflag:s29] =	ssyncadd.s32 $0xFFFFF800  }
0x1bb: {  	_ =	swait.ge [sflag:s29], $0x800  }
0x1bc: {  	[sflag:s29] =	ssyncset.done $0x0  }
0x1bd: {  	[sflag:s29] =	ssyncadd.s32 $0xFFFFF800  }
0x1be: {  	_ =	swait.ge [sflag:s29], $0x800  }
0x1bf: {  	[sflag:s29] =	ssyncset.done $0x0  }
0x1c0: {  	[sflag:s29] =	ssyncadd.s32 $0xFFFFF800  }
0x1c1: {  	_ =	swait.ge [sflag:s29], $0x800  }
0x1c2: {  	[sflag:s29] =	ssyncset.done $0x0  }
0x1c3: {  	[sflag:s29] =	ssyncadd.s32 $0xFFFFF800  }
0x1c4: {  	_ =	swait.ge [sflag:s29], $0x800  }
0x1c5: {  	[sflag:s29] =	ssyncset.done $0x0  }
0x1c6: {  	[sflag:s29] =	ssyncadd.s32 $0xFFFFF800  }
0x1c7: {  	_ =	swait.ge [sflag:s29], $0x800  }
0x1c8: {  	[sflag:s29] =	ssyncset.done $0x0  }
0x1c9: {  	[sflag:s29] =	ssyncadd.s32 $0xFFFFF800  }
0x1ca: {  	_ =	swait.ge [sflag:s29], $0x800  }
0x1cb: {  	[sflag:s29] =	ssyncset.done $0x0  }
0x1cc: {  	s23 =	simm.s32 $0x6;
	[sflag:s29] =	ssyncadd.s32 $0xFFFFF800  }
0x1cd: {  	v4 =	vmov s23;
	_ =	swait.ge [sflag:s29], $0x800  }
0x1ce: {  	v6 =	vsel vm0, $0x3, v57;
	v4 =	vshrl.u32 v4, $0x3;
	[sflag:s29] =	ssyncset.done $0x0  }
0x1cf: {  	v4 =	vshll.u32 v4, v6;
	[sflag:s29] =	ssyncadd.s32 $0xFFFFF800  }
0x1d0: {  	v4 =	vbroadcast v4, $0x0;
	_ =	swait.ge [sflag:s29], $0x800  }
0x1d1: {  	p0 =	seq.s32 s9, $0x0;
	[sflag:s29] =	ssyncset.done $0x0  }
0x1d2: {  	v5 =	vor.u32 $0x6, v4;
	s6 =	simm.s32 @!p0 $0x5;
	[sflag:s29] =	ssyncadd.s32 $0xFFFFF800  }
0x1d3: {  	s4 =	simm.s32 $0x1;
	v0 =	vor.u32 $0x206, v4;
	s13 =	simm.s32 $0x0;
	_ =	swait.ge @!p0 [sflag:s6], $0x2000  }
0x1d4: {  	v8 =	vmov s4;
	v7 =	vmov s13;
	[sflag:s6] =	ssyncset.done @!p0 $0x0  }
0x1d5: {  	s16 =	simm.s32 $0x8870;
	v8 =	vshrl.u32 v8, $0x3;
	v9 =	vor.u32 $0x406, v4;
	v7 =	vshrl.u32 v7, $0x3;
	[sflag:s6] =	ssyncadd.s32 @!p0 $0xFFFFE000  }
0x1d6: {  	v8 =	vshll.u32 v8, v6;
	s24 =	simm.s32 $0x2;
	v7 =	vshll.u32 v7, v6;
	v11 =	vld [tilespmem:s16+$0xFFFF9FF0]  }
0x1d7: {  	v10 =	vmov s24;
	v4 =	vor.u32 $0x606, v4;
	v12 =	vbroadcast v7, $0x0;
	v5 =	vld.idx.msk [tilespmem:v5+s30+$0x0], $0xffff  }
0x1d8: {  	s5 =	simm.s32 $0x3;
	v7 =	vshrl.u32 v10, $0x3;
	v10 =	vbroadcast v8, $0x0;
	v0 =	vld.idx.msk [tilespmem:v0+s30+$0x0], $0xffff  }
0x1d9: {  	v8 =	vmov s5;
	v7 =	vshll.u32 v7, v6;
	v13 =	vor.u32 $0x200, v12;
	v14 =	vld [tilespmem:s16+$0xFFFFBFF0]  }
0x1da: {  	s26 =	simm.s32 $0x4;
	v8 =	vshrl.u32 v8, $0x3;
	v15 =	vbroadcast v7, $0x0;
	v7 =	vor.u32 $0x1, v10;
	v9 =	vld.idx.msk [tilespmem:v9+s30+$0x0], $0xffff  }
0x1db: {  	v16 =	vmov s26;
	v8 =	vshll.u32 v8, v6;
	v17 =	vor.u32 $0x201, v10;
	v18 =	vld [tilespmem:s16+$0xFFFFDFF0]  }
0x1dc: {  	v16 =	vshrl.u32 v16, $0x3;
	v19 =	vbroadcast v8, $0x0;
	v8 =	vor.u32 $0x2, v15;
	v20 =	vld.idx.msk [tilespmem:v4+s30+$0x0], $0xffff  }
0x1dd: {  	v16 =	vshll.u32 v16, v6;
	v21 =	vor.u32 $0x202, v15;
	v22 =	vld [tilespmem:s16+$0xFFFFFFF0]  }
0x1de: {  	v16 =	vbroadcast v16, $0x0;
	v23 =	vor.u32 $0x3, v19;
	v13 =	vld.idx.msk [tilespmem:v13+s30+$0x0], $0xffff  }
0x1df: {  	v24 =	vor.u32 $0x203, v19;
	v25 =	vld.idx.msk [tilespmem:v7+s30+$0x0], $0xffff  }
0x1e0: {  	v27 =	vor.u32 $0x204, v16;
	v17 =	vld.idx.msk [tilespmem:v17+s30+$0x0], $0xffff  }
0x1e1: {  	v28 =	vld.idx.msk [tilespmem:v8+s30+$0x0], $0xffff  }
0x1e2: {  	v21 =	vld.idx.msk [tilespmem:v21+s30+$0x0], $0xffff  }
0x1e3: {  	v23 =	vld.idx.msk [tilespmem:v23+s30+$0x0], $0xffff  }
0x1e4: {  	v24 =	vld.idx.msk [tilespmem:v24+s30+$0x0], $0xffff  }
0x1e5: {  	v27 =	vld.idx.msk [tilespmem:v27+s30+$0x0], $0xffff  }
0x1e6: {  	v31 =	vld.idx.msk [tilespmem:v12+s30+$0x0], $0xffff  }
0x1e7: {  	v36 =	vld [tilespmem:s16+$0xFFFF9F90]  }
0x1e8: {  	v37 =	vld [tilespmem:s16+$0xFFFFBF90]  }
0x1e9: {  	v38 =	vld [tilespmem:s16+$0xFFFF9FA0]  }
0x1ea: {  	v39 =	vld [tilespmem:s16+$0xFFFFBFA0]  }
0x1eb: {  	v40 =	vld [tilespmem:s16+$0xFFFF9FB0]  }
0x1ec: {  	v41 =	vld [tilespmem:s16+$0xFFFFBFB0]  }
0x1ed: {  	v42 =	vld [tilespmem:s16+$0xFFFF9FC0]  }
0x1ee: {  	s25 =	simm.s32 $0x5;
	v43 =	vld [tilespmem:s16+$0xFFFFBFC0]  }
0x1ef: {  	s22 =	simm.s32 $0x7;
	v4 =	vmov s25;
	v44 =	vld [tilespmem:s16+$0xFFFF9FD0]  }
0x1f0: {  	v51 =	vor.u32 $0x404, v16;
	v7 =	vmov s22;
	v45 =	vld [tilespmem:s16+$0xFFFFBFD0];
	v4 =	vshrl.u32 v4, $0x3  }
0x1f1: {  	v48 =	vor.u32 $0x403, v19;
	v46 =	vld [tilespmem:s16+$0xFFFF9FE0];
	v7 =	vshrl.u32 v7, $0x3;
	v4 =	vshll.u32 v4, v6  }
0x1f2: {  	v47 =	vld [tilespmem:s16+$0xFFFFBFE0];
	v7 =	vshll.u32 v7, v6;
	v26 =	vbroadcast v4, $0x0  }
0x1f3: {  	v49 =	vld [tilespmem:s16+$0xFFFFA000];
	v4 =	vor.u32 $0x4, v16;
	v29 =	vbroadcast v7, $0x0  }
0x1f4: {  	v52 =	vld [tilespmem:s16+$0xFFFFC000];
	v8 =	vor.u32 $0x5, v26;
	v9 =	vmul.f32 v18, v9;
	v18 =	vmul.f32 v22, v20  }
0x1f5: {  	v2 =	vld.idx.msk [tilespmem:v51+s30+$0x0], $0xffff;
	v7 =	vor.u32 $0x205, v26;
	v20 =	vmul.f32 v36, v31;
	v13 =	vmul.f32 v37, v13  }
0x1f6: {  	v30 =	vor.u32 $0x7, v29;
	v22 =	vld.idx.msk [tilespmem:v48+s30+$0x0], $0xffff  }
0x1f7: {  	v53 =	vor.u32 $0x405, v26;
	v13 =	vadd.f32 v13, v20;
	v20 =	vmul.f32 v42, v23;
	v23 =	vld [tilespmem:s16+$0xFFFFDF90]  }
0x1f8: {  	v55 =	vor.u32 $0x407, v29;
	v32 =	vld.idx.msk [tilespmem:v4+s30+$0x0], $0xffff  }
0x1f9: {  	s21 =	simm.s32 $0x0;
	s23 =	sand.u32 $0x7E, s23;
	v11 =	vmul.f32 v11, v5;
	v14 =	vmul.f32 v14, v0;
	v33 =	vld.idx.msk [tilespmem:v8+s30+$0x0], $0xffff  }
0x1fa: {  	s28 =	sand.u32 $0xC00, s21;
	s14 =	sand.u32 $0x79, s4;
	s4 =	sand.u32 $0x7A, s24;
	v4 =	vor.u32 $0x207, v29;
	v34 =	vld.idx.msk [tilespmem:v7+s30+$0x0], $0xffff  }
0x1fb: {  	s23 =	sor.u32 s23, s28;
	s24 =	sor.u32 s4, s28;
	s6 =	sand.u32 $0x7B, s5;
	v11 =	vadd.f32 v14, v11;
	v30 =	vld.idx.msk [tilespmem:v30+s30+$0x0], $0xffff  }
0x1fc: {  	v50 =	vor.u32 s23, v1;
	v60 =	vor.u32 s24, v1;
	s6 =	sor.u32 s6, s28;
	v51 =	vld.idx.msk [tilespmem:v53+s30+$0x0], $0xffff  }
0x1fd: {  	v59 =	vor.u32 s6, v1;
	v11 =	vadd.f32 v9, v11;
	v7 =	vor.u32 $0x401, v10;
	v31 =	vld.idx.msk [tilespmem:v55+s30+$0x0], $0xffff  }
0x1fe: {  	v25 =	vmul.f32 v38, v25;
	v21 =	vmul.f32 v41, v21;
	v8 =	vor.u32 $0x402, v15;
	v55 =	vld [tilespmem:s16+$0xFFFFDFB0]  }
0x1ff: {  	v11 =	vadd.f32 v18, v11;
	v18 =	vmul.f32 v40, v28;
	v35 =	vld.idx.msk [tilespmem:v4+s30+$0x0], $0xffff;
	v4 =	vor.u32 $0x400, v12  }
0x200: {  	s13 =	sand.u32 $0x78, s13;
	s25 =	sand.u32 $0x7D, s25;
	v53 =	vor.u32 $0x603, v19;
	v19 =	vor.u32 $0x604, v16;
	v16 =	vor.u32 $0x605, v26;
	v26 =	vld [tilespmem:s16+$0xFFFFDFC0]  }
0x201: {  	s14 =	sor.u32 s14, s28;
	s13 =	sor.u32 s13, s28;
	s6 =	sor.u32 s25, s28;
	v17 =	vmul.f32 v39, v17;
	v24 =	vmul.f32 v43, v24;
	v18 =	vadd.f32 v21, v18;
	v21 =	vld [tilespmem:s16+$0xFFFFDFA0]  }
0x202: {  	v58 =	vor.u32 s13, v1;
	v5 =	vor.u32 s14, v1;
	v48 =	vor.u32 s6, v1;
	v56 =	vld.idx.msk [tilespmem:v7+s30+$0x0], $0xffff  }
0x203: {  	v17 =	vadd.f32 v17, v25;
	v24 =	vadd.f32 v24, v20;
	v28 =	vor.u32 $0x602, v15;
	v14 =	vld.idx.msk [tilespmem:v8+s30+$0x0], $0xffff  }
0x204: {  	s5 =	sand.u32 $0x7C, s26;
	s26 =	sand.u32 $0x7F, s22;
	v10 =	vor.u32 $0x601, v10;
	v12 =	vor.u32 $0x600, v12;
	v25 =	vmul.f32 v44, v32;
	v54 =	vld.idx.msk [tilespmem:v4+s30+$0x0], $0xffff  }
0x205: {  	s6 =	sor.u32 s26, s28;
	v15 =	vor.u32 $0x607, v29;
	v29 =	vld [tilespmem:s16+$0xFFFFDFD0];
	[tilespmem:v50+s31+$0x0] =	vst.idx.msk $0xffff, v11;
	v11 =	vmul.f32 v45, v27;
	v27 =	vmul.f32 v46, v33  }
0x206: {  	p2 =	por $0x1, $0x1;
	v61 =	vld [tilespmem:s16+$0xFFFFDFE0];
	v9 =	vor.u32 s6, v1;
	v20 =	vmul.f32 v47, v34;
	v30 =	vmul.f32 v49, v30  }
.Ltmp2:
0x207: {  	v32 =	vld [tilespmem:s16+$0xFFFFE000];
	v25 =	vadd.f32 v11, v25;
	v26 =	vmul.f32 v26, v22;
	v62 =	vmul.f32 v52, v35;
	(pc) =	sbr.rel @!p2 .LBB2_8-.Ltmp2, $4  }
0x208: {  	s13 =	sor.u32 s5, s28;
	v22 =	vld.idx.msk [tilespmem:v28+s30+$0x0], $0xffff;
	v11 =	vadd.f32 v20, v27;
	v27 =	vmul.f32 v21, v56;
	v63 =	vmul.f32 v55, v14  }
0x209: {  	v8 =	vor.u32 s13, v1;
	v47 =	vmovc v1;
	v20 =	vld.idx.msk [tilespmem:v12+s30+$0x0], $0xffff;
	v12 =	vadd.f32 v62, v30;
	v23 =	vmul.f32 v23, v54  }
0x20a: {  	v21 =	vld.idx.msk [tilespmem:v10+s30+$0x0], $0xffff;
	v14 =	vadd.f32 v27, v17;
	v18 =	vadd.f32 v63, v18;
	v27 =	vmul.f32 v29, v2  }
0x20b: {  	s22 =	simm.s32 $0xF;
	v17 =	vadd.f32 v26, v24;
	v24 =	vmul.f32 v61, v51;
	v13 =	vadd.f32 v23, v13;
	v23 =	vld.idx.msk [tilespmem:v53+s30+$0x0], $0xffff  }
.LBB2_7:
0x20c: {  	v26 =	vld.idx.msk [tilespmem:v19+s30+$0x0], $0xffff  }
0x20d: {  	v33 =	vld.idx.msk [tilespmem:v15+s30+$0x0], $0xffff  }
0x20e: {  	v41 =	vld [tilespmem:s16+$0xFFFFFF90]  }
0x20f: {  	v42 =	vld [tilespmem:s16+$0xFFFFFFA0]  }
0x210: {  	s4 =	sadd.s32 $0xFFFFFFF9, s22;
	v43 =	vld [tilespmem:s16+$0xFFFFFFB0]  }
0x211: {  	v28 =	vmov s22;
	v44 =	vld [tilespmem:s16+$0xFFFFFFC0];
	v15 =	vmov s4  }
0x212: {  	s23 =	sadd.s32 $0xFFFFFFFF, s22;
	v6 =	vsel vm0, $0x3, v57;
	v45 =	vld [tilespmem:s16+$0xFFFFFFD0];
	v28 =	vshrl.u32 v28, $0x3;
	v15 =	vshrl.u32 v15, $0x3  }
0x213: {  	[tilespmem:$0x1FFD0] =	vst v5;
	v46 =	vld [tilespmem:s16+$0xFFFFFFE0];
	v29 =	vmov s23;
	v28 =	vshll.u32 v28, v6;
	v15 =	vshll.u32 v15, v6  }
0x214: {  	[tilespmem:$0x1FFF0] =	vst v48;
	s6 =	sadd.s32 $0xFFFFFFFA, s22;
	v5 =	vld [tilespmem:s16+$0x0];
	s16 =	sadd.s32 $0x80, s16;
	v29 =	vshrl.u32 v29, $0x3;
	v52 =	vbroadcast v28, $0x0;
	v48 =	vbroadcast v15, $0x0  }
0x215: {  	v25 =	vadd.f32 v27, v25;
	v19 =	vmov s6;
	v39 =	vld [tilespmem:s16+$0xFFFFBFF0];
	v29 =	vshll.u32 v29, v6  }
0x216: {  	s13 =	sadd.s32 $0xFFFFFFFB, s22;
	v2 =	vmovc v59;
	v59 =	vld [tilespmem:s16+$0xFFFFDFF0];
	v19 =	vshrl.u32 v19, $0x3;
	v29 =	vbroadcast v29, $0x0;
	v63 =	vor.u32 $0x7, v52  }
0x217: {  	v27 =	vmov s13;
	v0 =	vld [tilespmem:s16+$0xFFFFFFF0];
	v19 =	vshll.u32 v19, v6;
	v1 =	vor.u32 $0x207, v52  }
0x218: {  	s26 =	sadd.s32 $0xFFFFFFFD, s22;
	v32 =	vmul.f32 v32, v31;
	v31 =	vld.idx.msk [tilespmem:v16+s30+$0x0], $0xffff;
	v21 =	vmul.f32 v42, v21;
	v35 =	vor.u32 $0x6, v29  }
0x219: {  	v30 =	vmov s26;
	v15 =	vbroadcast v19, $0x0;
	v19 =	vld [tilespmem:s16+$0xFFFF9FF0];
	v36 =	vor.u32 $0x206, v29  }
0x21a: {  	v27 =	vshrl.u32 v27, $0x3;
	v37 =	vor.u32 $0x406, v29;
	v14 =	vadd.f32 v21, v14;
	v21 =	vld.idx.msk [tilespmem:v48+s30+$0x0], $0xffff  }
0x21b: {  	v27 =	vshll.u32 v27, v6;
	v20 =	vmul.f32 v41, v20;
	v29 =	vor.u32 $0x606, v29;
	v41 =	vld.idx.msk [tilespmem:v63+s30+$0x0], $0xffff  }
0x21c: {  	s28 =	sadd.s32 $0xFFFFFFFE, s22;
	v30 =	vshrl.u32 v30, $0x3;
	v49 =	vbroadcast v27, $0x0;
	v38 =	vor.u32 $0x1, v15;
	v1 =	vld.idx.msk [tilespmem:v1+s30+$0x0], $0xffff  }
0x21d: {  	v34 =	vmov s28;
	v30 =	vshll.u32 v30, v6;
	v40 =	vor.u32 $0x201, v15;
	v27 =	vld.idx.msk [tilespmem:v35+s30+$0x0], $0xffff  }
0x21e: {  	s25 =	sadd.s32 $0xFFFFFFFC, s22;
	v34 =	vshrl.u32 v34, $0x3;
	v50 =	vbroadcast v30, $0x0;
	v53 =	vor.u32 $0x2, v49;
	v30 =	vld.idx.msk [tilespmem:v36+s30+$0x0], $0xffff  }
0x21f: {  	v34 =	vshll.u32 v34, v6;
	v16 =	vmov s25;
	v54 =	vor.u32 $0x202, v49;
	v28 =	vld.idx.msk [tilespmem:v37+s30+$0x0], $0xffff  }
0x220: {  	v51 =	vbroadcast v34, $0x0;
	v16 =	vshrl.u32 v16, $0x3;
	v57 =	vor.u32 $0x4, v50;
	v62 =	vld.idx.msk [tilespmem:v29+s30+$0x0], $0xffff  }
0x221: {  	v10 =	vmovc v8;
	v8 =	vmov v58;
	v16 =	vshll.u32 v16, v6;
	v58 =	vor.u32 $0x204, v50;
	v3 =	vld.idx.msk [tilespmem:v38+s30+$0x0], $0xffff  }
0x222: {  	[tilespmem:$0x1FFE0] =	vst v60;
	v11 =	vadd.f32 v24, v11;
	v60 =	vor.u32 $0x5, v51;
	v16 =	vbroadcast v16, $0x0;
	v4 =	vld.idx.msk [tilespmem:v40+s30+$0x0], $0xffff  }
0x223: {  	v43 =	vmul.f32 v43, v22;
	v22 =	vmul.f32 v44, v23;
	v61 =	vor.u32 $0x205, v51;
	v53 =	vld.idx.msk [tilespmem:v53+s30+$0x0], $0xffff  }
0x224: {  	v34 =	vor.u32 $0x401, v15;
	v12 =	vadd.f32 v32, v12;
	v55 =	vor.u32 $0x3, v16;
	v54 =	vld.idx.msk [tilespmem:v54+s30+$0x0], $0xffff  }
0x225: {  	s21 =	sadd.s32 $0x40, s21;
	v35 =	vor.u32 $0x200, v48;
	v24 =	vld.idx.msk [tilespmem:v57+s30+$0x0], $0xffff;
	v19 =	vmul.f32 v19, v27;
	v27 =	vmul.f32 v39, v30  }
0x226: {  	s5 =	sand.u32 $0xC00, s21;
	s23 =	sand.u32 $0x7E, s23;
	v13 =	vadd.f32 v20, v13;
	v20 =	vmul.f32 v45, v26;
	v56 =	vor.u32 $0x203, v16;
	v32 =	vld.idx.msk [tilespmem:v58+s30+$0x0], $0xffff  }
0x227: {  	s23 =	sor.u32 s23, s5;
	v26 =	vmul.f32 v46, v31;
	v23 =	vld.idx.msk [tilespmem:v60+s30+$0x0], $0xffff;
	v30 =	vmul.f32 v59, v28;
	v19 =	vadd.f32 v27, v19  }
0x228: {  	v36 =	vor.u32 $0x402, v49;
	v29 =	vor.u32 $0x602, v49;
	v31 =	vld.idx.msk [tilespmem:v61+s30+$0x0], $0xffff;
	v59 =	vor.u32 s23, v47  }
0x229: {  	v49 =	vld.idx.msk [tilespmem:v55+s30+$0x0], $0xffff;
	v0 =	vmul.f32 v0, v62;
	v27 =	vor.u32 $0x601, v15;
	v15 =	vadd.f32 v30, v19  }
0x22a: {  	v7 =	vld.idx.msk [tilespmem:v35+s30+$0x0], $0xffff;
	v39 =	vor.u32 $0x403, v16;
	v35 =	vor.u32 $0x405, v51  }
0x22b: {  	v30 =	vor.u32 $0x603, v16;
	v16 =	vor.u32 $0x605, v51;
	v51 =	vld [tilespmem:s16+$0xFFFF9F90];
	v0 =	vadd.f32 v0, v15  }
0x22c: {  	v20 =	vadd.f32 v20, v25;
	[tilespmem:v8+s31+$0x0] =	vst.idx.msk $0xffff, v13;
	v8 =	vld [tilespmem:$0x1FFE0]  }
0x22d: {  	v37 =	vor.u32 $0x400, v48;
	[tilespmem:v59+s31+$0x0] =	vst.idx.msk $0xffff, v0;
	v0 =	vadd.f32 v43, v18;
	v18 =	vmul.f32 v5, v33;
	v5 =	vld [tilespmem:$0x1FFD0]  }
0x22e: {  	s24 =	sand.u32 $0x7A, s13;
	v38 =	vor.u32 $0x404, v50;
	[tilespmem:v10+s31+$0x0] =	vst.idx.msk $0xffff, v20;
	v19 =	vor.u32 $0x604, v50;
	v50 =	vld.idx.msk [tilespmem:v56+s30+$0x0], $0xffff  }
0x22f: {  	s24 =	sor.u32 s24, s5;
	v56 =	vld [tilespmem:s16+$0xFFFFDFD0]  }
0x230: {  	v17 =	vadd.f32 v22, v17;
	v13 =	vld [tilespmem:s16+$0xFFFFBF90];
	v12 =	vadd.f32 v18, v12;
	v18 =	vor.u32 s24, v47  }
0x231: {  	s14 =	sand.u32 $0x79, s6;
	s13 =	sand.u32 $0x7D, s28;
	s28 =	sand.u32 $0x7F, s22;
	v60 =	vmov v18;
	v18 =	vmul.f32 v51, v21;
	v51 =	vld [tilespmem:$0x1FFF0]  }
0x232: {  	s6 =	sand.u32 $0x78, s4;
	p2 =	slt.u32 s4, $0x1F8;
	s4 =	sor.u32 s28, s5;
	[tilespmem:v2+s31+$0x0] =	vst.idx.msk $0xffff, v17;
	v21 =	vld.idx.msk [tilespmem:v37+s30+$0x0], $0xffff  }
0x233: {  	v55 =	vor.u32 s4, v47;
	[tilespmem:v9+s31+$0x0] =	vst.idx.msk $0xffff, v12;
	v12 =	vld [tilespmem:s16+$0xFFFFBFC0]  }
0x234: {  	[tilespmem:v8+s31+$0x0] =	vst.idx.msk $0xffff, v0;
	v9 =	vmov v55;
	v55 =	vld [tilespmem:s16+$0xFFFFDF90]  }
0x235: {  	s26 =	sand.u32 $0x7C, s26;
	v17 =	vld [tilespmem:s16+$0xFFFF9FB0];
	[tilespmem:v5+s31+$0x0] =	vst.idx.msk $0xffff, v14  }
0x236: {  	s26 =	sor.u32 s26, s5;
	v14 =	vld [tilespmem:s16+$0xFFFF9FA0]  }
0x237: {  	s6 =	sor.u32 s6, s5;
	v11 =	vadd.f32 v26, v11;
	v26 =	vor.u32 s26, v47;
	v46 =	vld [tilespmem:s16+$0xFFFFBFA0]  }
0x238: {  	v28 =	vor.u32 $0x600, v48;
	v48 =	vor.u32 s6, v47;
	v8 =	vmov v26;
	v26 =	vld [tilespmem:s16+$0xFFFFDFC0]  }
0x239: {  	s13 =	sor.u32 s13, s5;
	v20 =	vld [tilespmem:s16+$0xFFFFBFB0]  }
0x23a: {  	v40 =	vor.u32 $0x407, v52;
	v15 =	vor.u32 $0x607, v52;
	v52 =	vor.u32 s13, v47;
	[tilespmem:v51+s31+$0x0] =	vst.idx.msk $0xffff, v11;
	v11 =	vld [tilespmem:s16+$0xFFFF9FC0]  }
0x23b: {  	v58 =	vmovc v48;
	v48 =	vmov v52;
	v52 =	vmul.f32 v13, v7;
	v13 =	vmul.f32 v17, v53;
	v17 =	vld [tilespmem:s16+$0xFFFF9FE0]  }
0x23c: {  	v3 =	vmul.f32 v14, v3;
	v0 =	vmul.f32 v46, v4;
	v4 =	vld [tilespmem:s16+$0xFFFF9FD0]  }
0x23d: {  	v14 =	vld [tilespmem:s16+$0xFFFFBFD0]  }
0x23e: {  	s14 =	sor.u32 s14, s5;
	v2 =	vadd.f32 v52, v18;
	v18 =	vld [tilespmem:s16+$0xFFFFBFE0];
	v0 =	vadd.f32 v0, v3;
	v3 =	vmul.f32 v20, v54  }
0x23f: {  	s25 =	sand.u32 $0x7B, s25;
	v22 =	vor.u32 s14, v47;
	v20 =	vld [tilespmem:s16+$0xFFFFC000]  }
0x240: {  	s25 =	sor.u32 s25, s5;
	v12 =	vmul.f32 v12, v50;
	v11 =	vmul.f32 v11, v49;
	v3 =	vadd.f32 v3, v13;
	v13 =	vld [tilespmem:s16+$0xFFFFA000]  }
0x241: {  	v25 =	vor.u32 s25, v47;
	v5 =	vmov v22;
	v22 =	vld [tilespmem:s16+$0xFFFFDFB0]  }
0x242: {  	v61 =	vld [tilespmem:s16+$0xFFFFDFE0];
	v4 =	vmul.f32 v4, v24;
	v24 =	vadd.f32 v12, v11;
	v11 =	vmul.f32 v14, v32  }
0x243: {  	v59 =	vmov v25;
	v14 =	vld.idx.msk [tilespmem:v34+s30+$0x0], $0xffff  }
0x244: {  	v12 =	vmul.f32 v17, v23;
	v17 =	vld.idx.msk [tilespmem:v36+s30+$0x0], $0xffff;
	v25 =	vadd.f32 v11, v4;
	v4 =	vmul.f32 v18, v31  }
0x245: {  	v23 =	vld.idx.msk [tilespmem:v38+s30+$0x0], $0xffff;
	v1 =	vmul.f32 v20, v1;
	v13 =	vmul.f32 v13, v41  }
0x246: {  	v18 =	vld.idx.msk [tilespmem:v39+s30+$0x0], $0xffff  }
0x247: {  	v11 =	vadd.f32 v4, v12;
	v12 =	vadd.f32 v1, v13;
	v13 =	vld [tilespmem:s16+$0xFFFFDFA0]  }
0x248: {  	v32 =	vld [tilespmem:s16+$0xFFFFE000]  }
0x249: {  	v4 =	vld.idx.msk [tilespmem:v35+s30+$0x0], $0xffff  }
.Ltmp3:
0x24a: {  	v31 =	vld.idx.msk [tilespmem:v40+s30+$0x0], $0xffff;
	(pc) =	sbr.rel @p2 .LBB2_7-.Ltmp3, $4  }
0x24b: {  	v20 =	vld.idx.msk [tilespmem:v28+s30+$0x0], $0xffff;
	v62 =	vmul.f32 v22, v17;
	v63 =	vmul.f32 v26, v18  }
0x24c: {  	v57 =	vimm.s32 $0x0;
	v22 =	vld.idx.msk [tilespmem:v29+s30+$0x0], $0xffff;
	v1 =	vmul.f32 v55, v21;
	v14 =	vmul.f32 v13, v14  }
0x24d: {  	v21 =	vld.idx.msk [tilespmem:v27+s30+$0x0], $0xffff;
	v27 =	vmul.f32 v56, v23;
	v18 =	vadd.f32 v62, v3;
	v17 =	vadd.f32 v63, v24  }
0x24e: {  	s22 =	sadd.s32 $0x8, s22;
	v23 =	vld.idx.msk [tilespmem:v30+s30+$0x0], $0xffff;
	v24 =	vmul.f32 v61, v4;
	v13 =	vadd.f32 v1, v2;
	v14 =	vadd.f32 v14, v0  }
.LBB2_8:
0x24f: {  	_ =	sdelay $0x2  }
0x250: {  	[tilespmem:$0x1FFC0] =	vst v6  }
0x251: {  	v0 =	vld.idx.msk [tilespmem:v19+s30+$0x0], $0xffff  }
0x252: {  	v1 =	vld.idx.msk [tilespmem:v16+s30+$0x0], $0xffff  }
0x253: {  	v2 =	vld.idx.msk [tilespmem:v15+s30+$0x0], $0xffff  }
0x254: {  	v3 =	vld [tilespmem:s16+$0xFFFFFF90]  }
0x255: {  	v4 =	vld [tilespmem:s16+$0xFFFFFFA0]  }
0x256: {  	v52 =	vld [tilespmem:s16+$0xFFFFFFB0]  }
0x257: {  	v53 =	vld [tilespmem:s16+$0xFFFFFFC0]  }
0x258: {  	v54 =	vld [tilespmem:s16+$0xFFFFFFD0]  }
0x259: {  	v55 =	vld [tilespmem:s16+$0xFFFFFFE0];
	v3 =	vmul.f32 v3, v20  }
0x25a: {  	v25 =	vadd.f32 v27, v25;
	v26 =	vmul.f32 v32, v31;
	v56 =	vld [tilespmem:s16+$0x0];
	v4 =	vmul.f32 v4, v21  }
0x25b: {  	v11 =	vadd.f32 v24, v11;
	v15 =	vmul.f32 v52, v22;
	v3 =	vadd.f32 v3, v13  }
0x25c: {  	v12 =	vadd.f32 v26, v12;
	v61 =	vmul.f32 v53, v23;
	v4 =	vadd.f32 v4, v14  }
0x25d: {  	v0 =	vmul.f32 v54, v0;
	v62 =	vadd.f32 v15, v18;
	[tilespmem:v58+s31+$0x0] =	vst.idx.msk $0xffff, v3  }
0x25e: {  	v1 =	vmul.f32 v55, v1;
	v63 =	vadd.f32 v61, v17;
	[tilespmem:v5+s31+$0x0] =	vst.idx.msk $0xffff, v4  }
0x25f: {  	v2 =	vmul.f32 v56, v2;
	v0 =	vadd.f32 v0, v25;
	[tilespmem:v60+s31+$0x0] =	vst.idx.msk $0xffff, v62  }
0x260: {  	v1 =	vadd.f32 v1, v11;
	[tilespmem:v59+s31+$0x0] =	vst.idx.msk $0xffff, v63  }
0x261: {  	v2 =	vadd.f32 v2, v12;
	s4 =	rddreg [dreg:$0x8];
	[tilespmem:v8+s31+$0x0] =	vst.idx.msk $0xffff, v0  }
.Ltmp4:
0x262: {  	[tilespmem:v48+s31+$0x0] =	vst.idx.msk $0xffff, v1;
	s4 =	sadd.s32 s4, s18;
	(pc) =	sbr.rel @p1 .LBB2_14-.Ltmp4, $4  }
0x263: {  	[tilespmem:v9+s31+$0x0] =	vst.idx.msk $0xffff, v2;
	s4 =	sshll.u32 s4, $0xA  }
0x264: {  	s5 =	rddreg [dreg:$0x9];
	s4 =	sand.u32 $0x7F800, s4  }
0x265: {  	s4 =	sadd.s32 s4, s5  }
0x266: {  	[hbm4b:s4+s2] =	stream.linear.scatter [tilespmem:s31], [sflag:$0x5], $0x2000, $0x38;
	[tilespmem:$0x16800] =	vst v63  }
0x267: {  	_ =	swait.ge [sflag:s19], $0x200  }
0x268: {  	[sflag:s19] =	ssyncset.done $0x0  }
0x269: {  	[sflag:s19] =	ssyncadd.s32 $0xFFFFFE00  }
0x26a: {  	s4 =	sadd.s32 $0xFFFFFFD0, s10;
	s6 =	sadd.s32 $0xFFFFFFE0, s10;
	v1 =	vmov s10;
	v34 =	vlaneseq.u32;
	_ =	swait.ge [sflag:s19], $0x200  }
0x26b: {  	s13 =	sadd.s32 $0xFFFFFFF0, s10;
	v7 =	vor.u32 s10, v34;
	v2 =	vmov s4;
	v14 =	vmov s6;
	[sflag:s19] =	ssyncset.done $0x0  }
0x26c: {  	s16 =	simm.s32 $0x200;
	v8 =	vshrl.u32 v1, $0x9;
	v6 =	vor.u32 s13, v34;
	v10 =	vmov s13;
	[sflag:s19] =	ssyncadd.s32 $0xFFFFFE00  }
0x26d: {  	v9 =	vor.u32 s6, v34;
	v4 =	vshrl.u32 v2, $0x9;
	v5 =	vshrl.u32 v14, $0x9;
	v0 =	vld [tilespmem:s16+$0x10]  }
0x26e: {  	v6 =	vand.u32 $0x1FF, v6;
	v11 =	vshrl.u32 v10, $0x9;
	v9 =	vand.u32 $0x1FF, v9;
	v3 =	vld [tilespmem:s16+$0x0]  }
0x26f: {  	v8 =	vand.u32 $0x1FF, v8;
	v14 =	vand.u32 $0x7FFC0000, v14;
	v2 =	vand.u32 $0x7FFC0000, v2;
	v16 =	vld [tilespmem:s16+$0xFFFFFE20]  }
0x270: {  	v7 =	vand.u32 $0x1FF, v7;
	v4 =	vand.u32 $0x1FF, v4;
	v5 =	vand.u32 $0x1FF, v5;
	v18 =	vld [tilespmem:s16+$0xFFFFFE10]  }
0x271: {  	v41 =	vand.u32 $0x1FF, v11;
	v4 =	vcvt.s32.f32 v4;
	v5 =	vcvt.s32.f32 v5;
	v51 =	vld [tilespmem:s16+$0xFFFFFE30]  }
0x272: {  	v11 =	vcvt.s32.f32 v6;
	v6 =	vand.u32 $0x7FFC0000, v1;
	v9 =	vcvt.s32.f32 v9  }
0x273: {  	v7 =	vcvt.s32.f32 v7;
	v12 =	vld [tilespmem:s16+$0xFFFFFE00];
	v3 =	vadd.f32 v4, v3;
	v13 =	vadd.f32 v5, v0  }
0x274: {  	v4 =	vld [tilespmem:s16+$0x20];
	v5 =	vor.u32 s4, v34;
	v0 =	vcvt.s32.f32 v41;
	v11 =	vadd.f32 v11, v16  }
0x275: {  	v16 =	vadd.f32 v9, v18;
	v5 =	vand.u32 $0x1CF, v5;
	v15 =	vtrunc.f32 v3  }
0x276: {  	v7 =	vadd.f32 v7, v51;
	v42 =	vcvt.s32.f32 v5;
	v18 =	vtrunc.f32 v11  }
0x277: {  	v5 =	vcvt.f32.s32 v15;
	vm1 =	vlt.f32 v3, v15;
	v15 =	vtrunc.f32 v13  }
0x278: {  	v1 =	vadd.f32 v42, v12;
	v12 =	vsel vm1, $0xFFFFFFFF, v57;
	v17 =	vcvt.f32.s32 v15  }
0x279: {  	vm1 =	vlt.f32 v13, v15;
	v5 =	vadd.s32 v5, v12;
	v12 =	vadd.f32 v0, v4  }
0x27a: {  	v15 =	vsel vm1, $0xFFFFFFFF, v57;
	v43 =	vtrunc.f32 v1;
	v4 =	vadd.s32 $0x1, v5  }
0x27b: {  	v15 =	vadd.s32 v17, v15;
	vm2 =	vgt.s32 v5, $0x0;
	vm1 =	vgt.s32 v4, $0x0  }
0x27c: {  	vm3 =	vgt.s32 v15, $0x0;
	v9 =	vadd.s32 $0x1, v15;
	v20 =	vtrunc.f32 v12  }
0x27d: {  	v21 =	vnsel vm2, $0x0, v5;
	v0 =	vcvt.f32.s32 v43;
	v19 =	vnsel vm1, $0x0, v4  }
0x27e: {  	v17 =	vld [tilespmem:s16+$0x30];
	v4 =	vcvt.s32.f32 v8;
	vm1 =	vlt.f32 v1, v43;
	v8 =	vnsel vm3, $0x0, v15  }
0x27f: {  	vm2 =	vgt.s32 v9, $0x0;
	vm3 =	vlt.f32 v11, v18;
	v21 =	vmin.u32 v21, $0x1FF  }
0x280: {  	v15 =	vmin.u32 v8, $0x1FF;
	v5 =	vsel vm1, $0xFFFFFFFF, v57;
	v19 =	vmin.u32 v19, $0x1FF  }
0x281: {  	v29 =	vcvt.s32.f32 v21;
	v21 =	vshll.u32 v21, $0x9;
	v0 =	vadd.s32 v0, v5  }
0x282: {  	v5 =	vcvt.f32.s32 v20;
	v26 =	vcvt.s32.f32 v19;
	v19 =	vshll.u32 v19, $0x9  }
0x283: {  	v46 =	vshll.u32 v15, $0x9;
	v15 =	vcvt.s32.f32 v15;
	v8 =	vadd.f32 v4, v17  }
0x284: {  	v17 =	vnsel vm2, $0x0, v9;
	v4 =	vcvt.f32.s32 v18;
	vm2 =	vlt.f32 v12, v20  }
0x285: {  	v9 =	vsel vm3, $0xFFFFFFFF, v57;
	v20 =	vtrunc.f32 v16;
	v23 =	vadd.s32 $0x1, v0  }
0x286: {  	v19 =	vor.u32 v2, v19;
	v2 =	vor.u32 v2, v21;
	v22 =	vsel vm2, $0xFFFFFFFF, v57  }
0x287: {  	vm3 =	vgt.s32 v23, $0x0;
	v17 =	vmin.u32 v17, $0x1FF;
	v26 =	vsub.f32 v26, v3  }
0x288: {  	v3 =	vsub.f32 v3, v29;
	v18 =	vtrunc.f32 v8;
	v4 =	vadd.s32 v4, v9  }
0x289: {  	v22 =	vadd.s32 v5, v22;
	v23 =	vnsel vm3, $0x0, v23;
	v45 =	vcvt.s32.f32 v17  }
0x28a: {  	v17 =	vshll.u32 v17, $0x9;
	vm1 =	vgt.s32 v4, $0x0;
	v9 =	vadd.s32 $0x1, v4  }
0x28b: {  	v24 =	vadd.s32 $0x1, v22;
	v17 =	vor.u32 v14, v17;
	v23 =	vmin.u32 v23, $0x1FF  }
0x28c: {  	v14 =	vor.u32 v14, v46;
	v4 =	vnsel vm1, $0x0, v4;
	vm1 =	vgt.s32 v9, $0x0  }
0x28d: {  	vm2 =	vgt.s32 v24, $0x0;
	v28 =	vcvt.s32.f32 v23;
	v48 =	vor.u32 v23, v2  }
0x28e: {  	v5 =	vmin.u32 v4, $0x1FF;
	v4 =	vnsel vm1, $0x0, v9;
	vm1 =	vlt.f32 v16, v20  }
0x28f: {  	v20 =	vcvt.f32.s32 v20;
	v24 =	vnsel vm2, $0x0, v24;
	v4 =	vmin.u32 v4, $0x1FF  }
0x290: {  	v9 =	vcvt.s32.f32 v5;
	v44 =	vsel vm1, $0xFFFFFFFF, v57;
	vm1 =	vgt.s32 v0, $0x0  }
0x291: {  	v28 =	vsub.f32 v28, v1;
	v25 =	vcvt.s32.f32 v4;
	v20 =	vadd.s32 v20, v44  }
0x292: {  	v0 =	vnsel vm1, $0x0, v0;
	v9 =	vsub.f32 v11, v9;
	v27 =	vadd.s32 $0x1, v20  }
0x293: {  	vm1 =	vgt.s32 v20, $0x0;
	v0 =	vmin.u32 v0, $0x1FF;
	v29 =	vmul.f32 v3, v28  }
0x294: {  	v11 =	vsub.f32 v25, v11;
	vm3 =	vgt.s32 v27, $0x0;
	v20 =	vnsel vm1, $0x0, v20  }
0x295: {  	vm1 =	vlt.f32 v8, v18;
	v25 =	vsub.f32 v45, v13;
	v30 =	vor.u32 v0, v19  }
0x296: {  	v18 =	vcvt.f32.s32 v18;
	v31 =	vcvt.s32.f32 v0;
	v13 =	vsub.f32 v13, v15  }
0x297: {  	v27 =	vnsel vm3, $0x0, v27;
	v20 =	vmin.u32 v20, $0x1FF;
	v15 =	vsel vm1, $0xFFFFFFFF, v57  }
0x298: {  	v27 =	vmin.u32 v27, $0x1FF;
	v32 =	vor.u32 v20, v14;
	v33 =	vor.u32 v20, v17  }
0x299: {  	v1 =	vsub.f32 v1, v31;
	v20 =	vcvt.s32.f32 v20;
	v50 =	vcvt.s32.f32 v27  }
0x29a: {  	v49 =	vor.u32 v27, v14;
	v14 =	vor.u32 v27, v17;
	v17 =	vmul.f32 v26, v28  }
0x29b: {  	v26 =	vmul.f32 v26, v1;
	v1 =	vmul.f32 v3, v1;
	v3 =	vsub.f32 v50, v16  }
0x29c: {  	s16 =	simm.s32 $0x1C00;
	vm1 =	vgt.s32 v22, $0x0;
	v16 =	vsub.f32 v16, v20;
	v20 =	vand.u32 $0x7FFC0000, v10  }
0x29d: {  	[tilespmem:s16+$0xFFFFFE00] =	vst v29;
	v10 =	vmin.u32 v24, $0x1FF;
	v52 =	vmul.f32 v25, v3;
	v3 =	vmul.f32 v13, v3  }
0x29e: {  	[tilespmem:s16+$0xFFFFFC00] =	vst v17;
	v17 =	vmul.f32 v25, v16;
	v13 =	vmul.f32 v13, v16;
	v16 =	vnsel vm1, $0x0, v22  }
0x29f: {  	v0 =	vor.u32 v0, v2;
	v53 =	vcvt.s32.f32 v10;
	[tilespmem:s16+$0x0] =	vst v26;
	v16 =	vmin.u32 v16, $0x1FF  }
0x2a0: {  	s18 =	simm.s32 $0xC00;
	v19 =	vor.u32 v23, v19;
	[tilespmem:s16+$0x200] =	vst v1;
	v54 =	vcvt.s32.f32 v16;
	v16 =	vshll.u32 v16, $0x9  }
0x2a1: {  	v55 =	vshll.u32 v10, $0x9;
	[tilespmem:s18+$0xFFFFFC00] =	vst v0;
	v56 =	vsub.f32 v53, v12;
	v16 =	vor.u32 v20, v16  }
0x2a2: {  	[tilespmem:s16+$0xFFFFFE10] =	vst v3;
	v58 =	vsub.f32 v12, v54;
	v12 =	vadd.s32 v18, v15;
	v15 =	vtrunc.f32 v7  }
0x2a3: {  	[tilespmem:s16+$0x10] =	vst v17;
	v3 =	vmul.f32 v56, v11;
	v17 =	vcvt.f32.s32 v15;
	vm1 =	vlt.f32 v7, v15  }
0x2a4: {  	[tilespmem:s16+$0x210] =	vst v13;
	v1 =	vmul.f32 v56, v9;
	v18 =	vadd.s32 $0x1, v12;
	v13 =	vsel vm1, $0xFFFFFFFF, v57  }
0x2a5: {  	[tilespmem:s18+$0xFFFFFE00] =	vst v30;
	vm1 =	vgt.s32 v12, $0x0;
	vm2 =	vgt.s32 v18, $0x0;
	v13 =	vadd.s32 v17, v13  }
0x2a6: {  	[tilespmem:s18+$0x0] =	vst v48;
	v12 =	vnsel vm1, $0x0, v12;
	v15 =	vnsel vm2, $0x0, v18;
	vm1 =	vgt.s32 v13, $0x0  }
0x2a7: {  	[tilespmem:s18+$0x200] =	vst v19;
	v17 =	vadd.s32 $0x1, v13;
	v15 =	vmin.u32 v15, $0x1FF;
	v13 =	vnsel vm1, $0x0, v13  }
0x2a8: {  	[tilespmem:s16+$0xFFFFFC10] =	vst v52;
	v59 =	vmin.u32 v12, $0x1FF;
	vm1 =	vgt.s32 v17, $0x0;
	v13 =	vmin.u32 v13, $0x1FF  }
0x2a9: {  	[tilespmem:s18+$0xFFFFFC10] =	vst v32;
	v18 =	vcvt.s32.f32 v15;
	v17 =	vnsel vm1, $0x0, v17;
	v12 =	vcvt.s32.f32 v13  }
0x2aa: {  	[tilespmem:s18+$0xFFFFFE10] =	vst v33;
	v10 =	vor.u32 v5, v16;
	v60 =	vmin.u32 v17, $0x1FF;
	v17 =	vcvt.s32.f32 v59  }
0x2ab: {  	[tilespmem:s18+$0x210] =	vst v14;
	v14 =	vmul.f32 v58, v11;
	v18 =	vsub.f32 v18, v8;
	v23 =	vsub.f32 v7, v12  }
0x2ac: {  	[tilespmem:s18+$0x10] =	vst v49;
	v9 =	vmul.f32 v58, v9;
	v15 =	vshll.u32 v15, $0x9;
	v61 =	vsub.f32 v8, v17  }
0x2ad: {  	[tilespmem:s16+$0xFFFFFC20] =	vst v3;
	v62 =	vshll.u32 v59, $0x9;
	v19 =	vcvt.s32.f32 v60;
	v3 =	vmul.f32 v18, v23  }
0x2ae: {  	[tilespmem:s16+$0x20] =	vst v1;
	v63 =	vor.u32 v6, v62;
	v12 =	vor.u32 v6, v15;
	v15 =	vmul.f32 v61, v23  }
0x2af: {  	v11 =	vor.u32 v60, v63;
	v6 =	vor.u32 v20, v55;
	v7 =	vsub.f32 v19, v7;
	[tilespmem:s16+$0x30] =	vst v3  }
0x2b0: {  	s21 =	simm.s32 $0x0;
	s22 =	simm.s32 $0xC40;
	v8 =	vor.u32 v13, v12;
	v17 =	vor.u32 v60, v12;
	v12 =	vor.u32 v4, v16;
	[tilespmem:s16+$0x230] =	vst v15  }
0x2b1: {  	s23 =	sadd.s32 $0x40, s10;
	s24 =	simm.s32 $0x1C40;
	s25 =	simm.s32 $0x240;
	v13 =	vor.u32 v13, v63;
	v19 =	vmul.f32 v18, v7;
	v18 =	vmul.f32 v61, v7;
	v55 =	vld [tilespmem:$0x1FFC0]  }
.LBB2_10:
0x2b2: {  	s4 =	sadd.s32 $0xFFFFFFD0, s23;
	s6 =	sadd.s32 $0xFFFFFFE0, s23;
	v0 =	vld [tilespmem:s25+$0x10];
	s13 =	sadd.s32 $0xFFFFFFF0, s23;
	v1 =	vmov s23;
	v7 =	vor.u32 s23, v34;
	[tilespmem:s16+$0xFFFFFE20] =	vst v14;
	v2 =	vor.u32 v5, v6  }
0x2b3: {  	s21 =	sadd.s32 $0x4, s21;
	v4 =	vor.u32 v4, v6;
	v14 =	vmov s4;
	v3 =	vld [tilespmem:s25+$0x0];
	v16 =	vmov s6;
	[tilespmem:s16+$0x220] =	vst v9  }
0x2b4: {  	v21 =	vshrl.u32 v1, $0x9;
	p1 =	slt.u32 s21, $0x1C;
	v5 =	vshrl.u32 v14, $0x9;
	v6 =	vshrl.u32 v16, $0x9;
	v20 =	vld [tilespmem:s25+$0x20];
	[tilespmem:s18+$0x20] =	vst v12  }
0x2b5: {  	v12 =	vor.u32 s13, v34;
	v5 =	vand.u32 $0x1FF, v5;
	v6 =	vand.u32 $0x1FF, v6;
	v22 =	vld [tilespmem:s25+$0xFFFFFE20];
	[tilespmem:s18+$0xFFFFFE20] =	vst v2  }
0x2b6: {  	v9 =	vmov s13;
	v2 =	vcvt.s32.f32 v5;
	v5 =	vcvt.s32.f32 v6;
	[tilespmem:s18+$0x220] =	vst v4  }
0x2b7: {  	v23 =	vshrl.u32 v9, $0x9;
	v4 =	vor.u32 s6, v34;
	v6 =	vand.u32 $0x1FF, v12;
	[tilespmem:s18+$0xFFFFFC20] =	vst v10  }
0x2b8: {  	v10 =	vld [tilespmem:s25+$0xFFFFFE00];
	v15 =	vadd.f32 v2, v3;
	v12 =	vadd.f32 v5, v0;
	v0 =	vand.u32 $0x1FF, v23;
	[tilespmem:s16+$0xFFFFFC30] =	vst v19  }
0x2b9: {  	v2 =	vor.u32 s4, v34;
	v3 =	vand.u32 $0x1FF, v4;
	v4 =	vcvt.s32.f32 v6;
	[tilespmem:s16+$0xFFFFFE30] =	vst v18;
	s16 =	smov.u32 s24  }
0x2ba: {  	v6 =	vand.u32 $0x7FFC0000, v1;
	v2 =	vand.u32 $0x1CF, v2;
	v5 =	vtrunc.f32 v15;
	[tilespmem:s18+$0x230] =	vst v17  }
0x2bb: {  	v1 =	vcvt.s32.f32 v2;
	v2 =	vcvt.f32.s32 v5;
	vm1 =	vlt.f32 v15, v5;
	[tilespmem:s18+$0xFFFFFC30] =	vst v13  }
0x2bc: {  	v0 =	vcvt.s32.f32 v0;
	v18 =	vand.u32 $0x1FF, v21;
	v13 =	vtrunc.f32 v12;
	v5 =	vld [tilespmem:s25+$0xFFFFFE10];
	[tilespmem:s18+$0x30] =	vst v11  }
0x2bd: {  	v11 =	vcvt.f32.s32 v13;
	v17 =	vadd.f32 v1, v10;
	v1 =	vsel vm1, $0xFFFFFFFF, v57;
	[tilespmem:s18+$0xFFFFFE30] =	vst v8;
	s18 =	smov.u32 s22  }
0x2be: {  	vm1 =	vlt.f32 v12, v13;
	v10 =	vadd.f32 v0, v20;
	v1 =	vadd.s32 v2, v1  }
0x2bf: {  	v8 =	vsel vm1, $0xFFFFFFFF, v57;
	v0 =	vtrunc.f32 v17;
	v2 =	vadd.s32 $0x1, v1  }
0x2c0: {  	v3 =	vcvt.s32.f32 v3;
	v8 =	vadd.s32 v11, v8;
	vm1 =	vgt.s32 v2, $0x0;
	v11 =	vld [tilespmem:s25+$0x30]  }
0x2c1: {  	v13 =	vcvt.s32.f32 v18;
	vm2 =	vgt.s32 v1, $0x0;
	v2 =	vnsel vm1, $0x0, v2  }
0x2c2: {  	v19 =	vadd.f32 v4, v22;
	vm3 =	vgt.s32 v8, $0x0;
	vm1 =	vlt.f32 v17, v0  }
0x2c3: {  	v4 =	vadd.s32 $0x1, v8;
	v18 =	vadd.f32 v3, v5;
	v3 =	vnsel vm3, $0x0, v8  }
0x2c4: {  	v20 =	vtrunc.f32 v10;
	v5 =	vtrunc.f32 v19;
	v3 =	vmin.u32 v3, $0x1FF  }
0x2c5: {  	v1 =	vnsel vm2, $0x0, v1;
	vm2 =	vgt.s32 v4, $0x0;
	v8 =	vadd.f32 v13, v11  }
0x2c6: {  	v21 =	vnsel vm2, $0x0, v4;
	v4 =	vcvt.f32.s32 v5;
	vm2 =	vlt.f32 v10, v20  }
0x2c7: {  	v0 =	vcvt.f32.s32 v0;
	vm3 =	vlt.f32 v19, v5;
	v22 =	vtrunc.f32 v8  }
0x2c8: {  	v5 =	vsel vm1, $0xFFFFFFFF, v57;
	v11 =	vsel vm3, $0xFFFFFFFF, v57;
	v13 =	vsel vm2, $0xFFFFFFFF, v57  }
0x2c9: {  	v0 =	vadd.s32 v0, v5;
	v5 =	vcvt.f32.s32 v20;
	v4 =	vadd.s32 v4, v11  }
0x2ca: {  	v20 =	vtrunc.f32 v18;
	vm1 =	vgt.s32 v4, $0x0;
	v11 =	vadd.s32 $0x1, v4  }
0x2cb: {  	v23 =	vadd.s32 $0x1, v0;
	v4 =	vnsel vm1, $0x0, v4;
	vm1 =	vgt.s32 v11, $0x0  }
0x2cc: {  	v24 =	vadd.s32 v5, v13;
	v5 =	vmin.u32 v4, $0x1FF;
	v4 =	vnsel vm1, $0x0, v11  }
0x2cd: {  	v25 =	vadd.s32 $0x1, v24;
	v4 =	vmin.u32 v4, $0x1FF;
	v11 =	vcvt.s32.f32 v5  }
0x2ce: {  	v2 =	vmin.u32 v2, $0x1FF;
	vm1 =	vlt.f32 v18, v20;
	v13 =	vcvt.s32.f32 v4  }
0x2cf: {  	v26 =	vcvt.s32.f32 v2;
	vm2 =	vgt.s32 v25, $0x0;
	v11 =	vsub.f32 v19, v11  }
0x2d0: {  	vm3 =	vgt.s32 v23, $0x0;
	v20 =	vcvt.f32.s32 v20;
	v13 =	vsub.f32 v13, v19  }
0x2d1: {  	v21 =	vmin.u32 v21, $0x1FF;
	v19 =	vnsel vm3, $0x0, v23;
	v23 =	vsel vm1, $0xFFFFFFFF, v57  }
0x2d2: {  	vm1 =	vgt.s32 v0, $0x0;
	v20 =	vadd.s32 v20, v23;
	v23 =	vcvt.s32.f32 v21  }
0x2d3: {  	v16 =	vand.u32 $0x7FFC0000, v16;
	v21 =	vshll.u32 v21, $0x9;
	v27 =	vadd.s32 $0x1, v20  }
0x2d4: {  	v0 =	vnsel vm1, $0x0, v0;
	vm1 =	vgt.s32 v20, $0x0;
	v21 =	vor.u32 v16, v21  }
0x2d5: {  	v26 =	vsub.f32 v26, v15;
	v25 =	vnsel vm2, $0x0, v25;
	vm3 =	vgt.s32 v27, $0x0  }
0x2d6: {  	v19 =	vmin.u32 v19, $0x1FF;
	v20 =	vnsel vm1, $0x0, v20;
	v27 =	vnsel vm3, $0x0, v27  }
0x2d7: {  	v0 =	vmin.u32 v0, $0x1FF;
	v28 =	vcvt.s32.f32 v19;
	vm1 =	vlt.f32 v8, v22  }
0x2d8: {  	v14 =	vand.u32 $0x7FFC0000, v14;
	v2 =	vshll.u32 v2, $0x9;
	v23 =	vsub.f32 v23, v12  }
0x2d9: {  	v1 =	vmin.u32 v1, $0x1FF;
	v2 =	vor.u32 v14, v2;
	v28 =	vsub.f32 v28, v17  }
0x2da: {  	v29 =	vcvt.s32.f32 v1;
	v1 =	vshll.u32 v1, $0x9;
	v30 =	vor.u32 v0, v2  }
0x2db: {  	v1 =	vor.u32 v14, v1;
	v14 =	vshll.u32 v3, $0x9;
	v22 =	vcvt.f32.s32 v22  }
0x2dc: {  	v15 =	vsub.f32 v15, v29;
	v14 =	vor.u32 v16, v14;
	v31 =	vcvt.s32.f32 v0  }
0x2dd: {  	v16 =	vor.u32 v19, v1;
	v20 =	vmin.u32 v20, $0x1FF;
	v27 =	vmin.u32 v27, $0x1FF  }
0x2de: {  	v32 =	vor.u32 v20, v14;
	v33 =	vor.u32 v20, v21;
	v29 =	vmul.f32 v15, v28  }
0x2df: {  	v0 =	vor.u32 v0, v1;
	v1 =	vor.u32 v27, v14;
	v14 =	vor.u32 v27, v21  }
0x2e0: {  	v3 =	vcvt.s32.f32 v3;
	v17 =	vsub.f32 v17, v31;
	v21 =	vmul.f32 v26, v28  }
0x2e1: {  	v2 =	vor.u32 v19, v2;
	v19 =	vcvt.s32.f32 v20;
	v20 =	vcvt.s32.f32 v27  }
0x2e2: {  	v3 =	vsub.f32 v12, v3;
	v12 =	vsel vm1, $0xFFFFFFFF, v57;
	[tilespmem:s24+$0xFFFFFC00] =	vst v21;
	v21 =	vmul.f32 v26, v17  }
0x2e3: {  	v15 =	vmul.f32 v15, v17;
	v17 =	vsub.f32 v20, v18;
	v18 =	vsub.f32 v18, v19;
	[tilespmem:s24+$0xFFFFFE00] =	vst v29  }
0x2e4: {  	vm1 =	vgt.s32 v24, $0x0;
	v20 =	vand.u32 $0x7FFC0000, v9;
	v9 =	vmin.u32 v25, $0x1FF;
	[tilespmem:s24+$0x0] =	vst v21;
	v19 =	vld [tilespmem:s25+$0xFFFFFE30]  }
0x2e5: {  	v7 =	vand.u32 $0x1FF, v7;
	[tilespmem:s24+$0x200] =	vst v15;
	v15 =	vmul.f32 v23, v17;
	v17 =	vmul.f32 v3, v17  }
0x2e6: {  	v3 =	vmul.f32 v3, v18;
	[tilespmem:s22+$0xFFFFFC00] =	vst v0;
	v0 =	vmul.f32 v23, v18;
	v18 =	vnsel vm1, $0x0, v24  }
0x2e7: {  	v7 =	vcvt.s32.f32 v7;
	[tilespmem:s24+$0xFFFFFE10] =	vst v17;
	v17 =	vmin.u32 v18, $0x1FF;
	v18 =	vcvt.s32.f32 v9  }
0x2e8: {  	v21 =	vshll.u32 v9, $0x9;
	[tilespmem:s24+$0x10] =	vst v0;
	v0 =	vcvt.s32.f32 v17;
	v17 =	vshll.u32 v17, $0x9  }
0x2e9: {  	[tilespmem:s24+$0x210] =	vst v3;
	v3 =	vsub.f32 v18, v10;
	v9 =	vor.u32 v20, v17;
	v7 =	vadd.f32 v7, v19  }
0x2ea: {  	v12 =	vadd.s32 v22, v12;
	[tilespmem:s24+$0xFFFFFC10] =	vst v15;
	v0 =	vsub.f32 v10, v0;
	v10 =	vor.u32 v5, v9  }
0x2eb: {  	v18 =	vadd.s32 $0x1, v12;
	[tilespmem:s22+$0xFFFFFE00] =	vst v30;
	v15 =	vmul.f32 v3, v13;
	v17 =	vtrunc.f32 v7  }
0x2ec: {  	v3 =	vmul.f32 v3, v11;
	[tilespmem:s22+$0xFFFFFC10] =	vst v32;
	v19 =	vcvt.f32.s32 v17;
	vm1 =	vlt.f32 v7, v17  }
0x2ed: {  	vm2 =	vgt.s32 v18, $0x0;
	[tilespmem:s22+$0x0] =	vst v16;
	v16 =	vsel vm1, $0xFFFFFFFF, v57;
	vm1 =	vgt.s32 v12, $0x0  }
0x2ee: {  	[tilespmem:s22+$0x200] =	vst v2;
	v2 =	vadd.s32 v19, v16;
	v12 =	vnsel vm1, $0x0, v12;
	v16 =	vnsel vm2, $0x0, v18  }
0x2ef: {  	[tilespmem:s22+$0xFFFFFE10] =	vst v33;
	vm1 =	vgt.s32 v2, $0x0;
	v17 =	vadd.s32 $0x1, v2;
	v16 =	vmin.u32 v16, $0x1FF  }
0x2f0: {  	[tilespmem:s22+$0x10] =	vst v1;
	v1 =	vnsel vm1, $0x0, v2;
	vm1 =	vgt.s32 v17, $0x0;
	v2 =	vcvt.s32.f32 v16  }
0x2f1: {  	v22 =	vmin.u32 v12, $0x1FF;
	[tilespmem:s22+$0x210] =	vst v14;
	v1 =	vmin.u32 v1, $0x1FF;
	v14 =	vnsel vm1, $0x0, v17  }
0x2f2: {  	v23 =	vmin.u32 v14, $0x1FF;
	v12 =	vcvt.s32.f32 v1;
	v14 =	vcvt.s32.f32 v22  }
0x2f3: {  	v16 =	vshll.u32 v16, $0x9;
	v2 =	vsub.f32 v2, v8;
	v17 =	vcvt.s32.f32 v23  }
0x2f4: {  	v14 =	vsub.f32 v8, v14;
	v18 =	vsub.f32 v7, v12;
	v12 =	vor.u32 v6, v16  }
.Ltmp5:
0x2f5: {  	v7 =	vsub.f32 v17, v7;
	v8 =	vor.u32 v1, v12;
	v17 =	vor.u32 v23, v12;
	(pc) =	sbr.rel @p1 .LBB2_10-.Ltmp5, $4  }
0x2f6: {  	v12 =	vor.u32 v4, v9;
	[tilespmem:s24+$0xFFFFFC20] =	vst v15;
	v15 =	vmul.f32 v2, v18;
	v16 =	vmul.f32 v14, v18  }
0x2f7: {  	[tilespmem:s24+$0x20] =	vst v3;
	v19 =	vmul.f32 v2, v7;
	v18 =	vmul.f32 v14, v7;
	v2 =	vshll.u32 v22, $0x9  }
0x2f8: {  	s22 =	sadd.s32 $0x40, s22;
	v9 =	vmul.f32 v0, v11;
	v14 =	vmul.f32 v0, v13;
	[tilespmem:s24+$0x30] =	vst v15;
	v0 =	vor.u32 v6, v2  }
0x2f9: {  	s23 =	sadd.s32 $0x40, s23;
	s25 =	sadd.s32 $0x40, s25;
	v6 =	vor.u32 v20, v21;
	s24 =	sadd.s32 $0x40, s24;
	[tilespmem:s16+$0x230] =	vst v16;
	v13 =	vor.u32 v1, v0;
	v11 =	vor.u32 v23, v0  }
0x2fa: {  	[tilespmem:s16+$0xFFFFFE20] =	vst v14  }
0x2fb: {  	[tilespmem:s16+$0x220] =	vst v9  }
0x2fc: {  	[tilespmem:s16+$0xFFFFFC30] =	vst v19  }
0x2fd: {  	[tilespmem:s16+$0xFFFFFE30] =	vst v18  }
0x2fe: {  	v0 =	vor.u32 v5, v6;
	[tilespmem:s18+$0x20] =	vst v12  }
0x2ff: {  	v1 =	vor.u32 v4, v6;
	[tilespmem:s18+$0xFFFFFE20] =	vst v0  }
0x300: {  	[tilespmem:s18+$0x220] =	vst v1  }
0x301: {  	[tilespmem:s18+$0xFFFFFC20] =	vst v10  }
0x302: {  	[tilespmem:s18+$0x230] =	vst v17  }
0x303: {  	[tilespmem:s18+$0xFFFFFC30] =	vst v13  }
0x304: {  	[tilespmem:s18+$0x30] =	vst v11  }
0x305: {  	s4 =	simm.s32 $0x800;
	s5 =	simm.s32 $0x2800;
	[tilespmem:s18+$0xFFFFFE30] =	vst v8  }
0x306: {  	[tilespmem:s5], [sflag:$0x3] =	stream.indirect.gather [hbm4b:s3+s20], $0x10, s4, s20, $0xb8;
	[tilespmem:$0x16800] =	vst v63  }
0x307: {  	s24 =	simm.s32 $0x880;
	s25 =	simm.s32 $0x3000  }
0x308: {  	[tilespmem:s25], [sflag:$0x3] =	stream.indirect.gather [hbm4b:s3+s20], $0x10, s24, s20, $0xb8;
	[tilespmem:$0x16800] =	vst v63  }
0x309: {  	s26 =	simm.s32 $0x900;
	s28 =	simm.s32 $0x3800  }
0x30a: {  	[tilespmem:s28], [sflag:$0x3] =	stream.indirect.gather [hbm4b:s3+s20], $0x10, s26, s20, $0xb8;
	[tilespmem:$0x16800] =	vst v63  }
0x30b: {  	s6 =	simm.s32 $0x980;
	s13 =	simm.s32 $0x4000  }
0x30c: {  	[tilespmem:s13], [sflag:$0x3] =	stream.indirect.gather [hbm4b:s3+s20], $0x10, s6, s20, $0xb8;
	[tilespmem:$0x16800] =	vst v63  }
0x30d: {  	s14 =	simm.s32 $0xA00;
	s16 =	simm.s32 $0x4800  }
0x30e: {  	[tilespmem:s16], [sflag:$0x3] =	stream.indirect.gather [hbm4b:s3+s20], $0x10, s14, s20, $0xb8;
	[tilespmem:$0x16800] =	vst v63  }
0x30f: {  	s21 =	simm.s32 $0x5000;
	s18 =	simm.s32 $0xA80  }
0x310: {  	[tilespmem:s21], [sflag:$0x3] =	stream.indirect.gather [hbm4b:s3+s20], $0x10, s18, s20, $0xb8;
	[tilespmem:$0x16800] =	vst v63  }
0x311: {  	s22 =	simm.s32 $0xB00;
	s23 =	simm.s32 $0x5800  }
0x312: {  	[tilespmem:s23], [sflag:$0x3] =	stream.indirect.gather [hbm4b:s3+s20], $0x10, s22, s20, $0xb8;
	[tilespmem:$0x16800] =	vst v63  }
0x313: {  	s24 =	simm.s32 $0xB80;
	s25 =	simm.s32 $0x6000  }
0x314: {  	[tilespmem:s25], [sflag:$0x3] =	stream.indirect.gather [hbm4b:s3+s20], $0x10, s24, s20, $0xb8;
	[tilespmem:$0x16800] =	vst v63  }
0x315: {  	s26 =	simm.s32 $0xC00;
	s28 =	simm.s32 $0x6800  }
0x316: {  	[tilespmem:s28], [sflag:$0x3] =	stream.indirect.gather [hbm4b:s3+s20], $0x10, s26, s20, $0xb8;
	[tilespmem:$0x16800] =	vst v63  }
0x317: {  	s6 =	simm.s32 $0xC80;
	s13 =	simm.s32 $0x7000  }
0x318: {  	[tilespmem:s13], [sflag:$0x3] =	stream.indirect.gather [hbm4b:s3+s20], $0x10, s6, s20, $0xb8;
	[tilespmem:$0x16800] =	vst v63  }
0x319: {  	s14 =	simm.s32 $0xD00;
	s16 =	simm.s32 $0x7800  }
0x31a: {  	[tilespmem:s16], [sflag:$0x3] =	stream.indirect.gather [hbm4b:s3+s20], $0x10, s14, s20, $0xb8;
	[tilespmem:$0x16800] =	vst v63  }
0x31b: {  	s18 =	simm.s32 $0xD80;
	s21 =	simm.s32 $0x8000  }
0x31c: {  	[tilespmem:s21], [sflag:$0x3] =	stream.indirect.gather [hbm4b:s3+s20], $0x10, s18, s20, $0xb8;
	[tilespmem:$0x16800] =	vst v63  }
0x31d: {  	s22 =	simm.s32 $0xE00;
	s23 =	simm.s32 $0x8800;
	s24 =	simm.s32 $0xE80  }
0x31e: {  	[tilespmem:s23], [sflag:$0x3] =	stream.indirect.gather [hbm4b:s3+s20], $0x10, s22, s20, $0xb8;
	[tilespmem:$0x16800] =	vst v63  }
0x31f: {  	s25 =	simm.s32 $0x9000;
	s14 =	sshll.u32 s9, $0xA;
	s16 =	rddreg [dreg:$0xa]  }
0x320: {  	[tilespmem:s25], [sflag:$0x3] =	stream.indirect.gather [hbm4b:s3+s20], $0x10, s24, s20, $0xb8;
	[tilespmem:$0x16800] =	vst v63  }
0x321: {  	s26 =	simm.s32 $0xF00;
	s28 =	simm.s32 $0x9800;
	s4 =	sadd.s32 s14, s16  }
0x322: {  	[tilespmem:s28], [sflag:$0x3] =	stream.indirect.gather [hbm4b:s3+s20], $0x10, s26, s20, $0xb8;
	[tilespmem:$0x16800] =	vst v63  }
0x323: {  	s6 =	simm.s32 $0xF80;
	s13 =	simm.s32 $0xA000;
	s4 =	sshrl.u32 s4, $0x3  }
0x324: {  	[tilespmem:s13], [sflag:$0x3] =	stream.indirect.gather [hbm4b:s3+s20], $0x10, s6, s20, $0xb8;
	[tilespmem:$0x16800] =	vst v63  }
0x325: {  	s18 =	simm.s32 $0x400;
	s6 =	sadd.s32 s11, s4  }
0x326: {  	[tilespmem:s18], [sflag:$0x2] =	stream.linear.gather [hbm4b:s6+s2], $0x200, $0x38;
	[tilespmem:$0x16800] =	vst v63  }
0x327: {  	s21 =	simm.s32 $0x600;
	s4 =	sadd.s32 s12, s4  }
0x328: {  	[tilespmem:s21], [sflag:$0x2] =	stream.linear.gather [hbm4b:s4+s2], $0x200, $0x38;
	[tilespmem:$0x16800] =	vst v63  }
0x329: {  	_ =	swait.ge [sflag:s0], $0x800  }
0x32a: {  	[sflag:s0] =	ssyncset.done $0x0  }
0x32b: {  	[sflag:s0] =	ssyncadd.s32 $0xFFFFF800  }
0x32c: {  	_ =	swait.ge [sflag:s0], $0x800  }
0x32d: {  	[sflag:s0] =	ssyncset.done $0x0  }
0x32e: {  	[sflag:s0] =	ssyncadd.s32 $0xFFFFF800  }
0x32f: {  	_ =	swait.ge [sflag:s0], $0x800  }
0x330: {  	[sflag:s0] =	ssyncset.done $0x0  }
0x331: {  	[sflag:s0] =	ssyncadd.s32 $0xFFFFF800  }
0x332: {  	_ =	swait.ge [sflag:s0], $0x800  }
0x333: {  	[sflag:s0] =	ssyncset.done $0x0  }
0x334: {  	[sflag:s0] =	ssyncadd.s32 $0xFFFFF800  }
0x335: {  	_ =	swait.ge [sflag:s0], $0x800  }
0x336: {  	[sflag:s0] =	ssyncset.done $0x0  }
0x337: {  	[sflag:s0] =	ssyncadd.s32 $0xFFFFF800  }
0x338: {  	_ =	swait.ge [sflag:s0], $0x800  }
0x339: {  	[sflag:s0] =	ssyncset.done $0x0  }
0x33a: {  	[sflag:s0] =	ssyncadd.s32 $0xFFFFF800  }
0x33b: {  	_ =	swait.ge [sflag:s0], $0x800  }
0x33c: {  	[sflag:s0] =	ssyncset.done $0x0  }
0x33d: {  	[sflag:s0] =	ssyncadd.s32 $0xFFFFF800  }
0x33e: {  	_ =	swait.ge [sflag:s0], $0x800  }
0x33f: {  	[sflag:s0] =	ssyncset.done $0x0  }
0x340: {  	[sflag:s0] =	ssyncadd.s32 $0xFFFFF800  }
0x341: {  	_ =	swait.ge [sflag:s0], $0x800  }
0x342: {  	[sflag:s0] =	ssyncset.done $0x0  }
0x343: {  	[sflag:s0] =	ssyncadd.s32 $0xFFFFF800  }
0x344: {  	_ =	swait.ge [sflag:s0], $0x800  }
0x345: {  	[sflag:s0] =	ssyncset.done $0x0  }
0x346: {  	[sflag:s0] =	ssyncadd.s32 $0xFFFFF800  }
0x347: {  	_ =	swait.ge [sflag:s0], $0x800  }
0x348: {  	[sflag:s0] =	ssyncset.done $0x0  }
0x349: {  	[sflag:s0] =	ssyncadd.s32 $0xFFFFF800  }
0x34a: {  	_ =	swait.ge [sflag:s0], $0x800  }
0x34b: {  	[sflag:s0] =	ssyncset.done $0x0  }
0x34c: {  	[sflag:s0] =	ssyncadd.s32 $0xFFFFF800  }
0x34d: {  	_ =	swait.ge [sflag:s0], $0x800  }
0x34e: {  	[sflag:s0] =	ssyncset.done $0x0  }
0x34f: {  	[sflag:s0] =	ssyncadd.s32 $0xFFFFF800  }
0x350: {  	_ =	swait.ge [sflag:s0], $0x800  }
0x351: {  	[sflag:s0] =	ssyncset.done $0x0  }
0x352: {  	s22 =	simm.s32 $0x6;
	[sflag:s0] =	ssyncadd.s32 $0xFFFFF800  }
0x353: {  	v60 =	vmov s22;
	_ =	swait.ge [sflag:s0], $0x800  }
0x354: {  	v0 =	vshrl.u32 v60, $0x3;
	[sflag:s0] =	ssyncset.done $0x0  }
0x355: {  	v0 =	vshll.u32 v0, v55;
	[sflag:s0] =	ssyncadd.s32 $0xFFFFF800  }
0x356: {  	v0 =	vbroadcast v0, $0x0;
	_ =	swait.ge [sflag:s0], $0x800  }
0x357: {  	[sflag:s0] =	ssyncset.done $0x0  }
0x358: {  	v61 =	vor.u32 $0x6, v0;
	s4 =	simm.s32 @!p0 $0x6;
	[sflag:s0] =	ssyncadd.s32 $0xFFFFF800  }
0x359: {  	s14 =	simm.s32 $0x1;
	s13 =	simm.s32 $0x0;
	v2 =	vor.u32 $0x206, v0;
	_ =	swait.ge @!p0 [sflag:s4], $0x2000  }
0x35a: {  	v4 =	vmov s14;
	v3 =	vmov s13;
	[sflag:s4] =	ssyncset.done @!p0 $0x0  }
0x35b: {  	s16 =	simm.s32 $0x10870;
	v4 =	vshrl.u32 v4, $0x3;
	v5 =	vor.u32 $0x406, v0;
	v3 =	vshrl.u32 v3, $0x3;
	[sflag:s4] =	ssyncadd.s32 @!p0 $0xFFFFE000  }
0x35c: {  	s23 =	simm.s32 $0x2;
	v4 =	vshll.u32 v4, v55;
	v3 =	vshll.u32 v3, v55;
	v7 =	vld [tilespmem:s16+$0xFFFF9FF0]  }
0x35d: {  	v6 =	vmov s23;
	v0 =	vor.u32 $0x606, v0;
	v3 =	vbroadcast v3, $0x0;
	v1 =	vld.idx.msk [tilespmem:v61+s1+$0x0], $0xffff  }
0x35e: {  	v10 =	vbroadcast v4, $0x0;
	v6 =	vshrl.u32 v6, $0x3;
	s6 =	simm.s32 $0x3;
	v2 =	vld.idx.msk [tilespmem:v2+s1+$0x0], $0xffff  }
0x35f: {  	v6 =	vshll.u32 v6, v55;
	v4 =	vmov s6;
	v8 =	vor.u32 $0x200, v3;
	v9 =	vld [tilespmem:s16+$0xFFFFBFF0]  }
0x360: {  	v11 =	vbroadcast v6, $0x0;
	v6 =	vor.u32 $0x1, v10;
	v4 =	vshrl.u32 v4, $0x3;
	v12 =	vld.idx.msk [tilespmem:v5+s1+$0x0], $0xffff  }
0x361: {  	v13 =	vor.u32 $0x201, v10;
	v4 =	vshll.u32 v4, v55;
	v14 =	vld [tilespmem:s16+$0xFFFFDFF0]  }
0x362: {  	v15 =	vbroadcast v4, $0x0;
	v4 =	vor.u32 $0x2, v11;
	v0 =	vld.idx.msk [tilespmem:v0+s1+$0x0], $0xffff  }
0x363: {  	v17 =	vor.u32 $0x202, v11;
	v18 =	vld [tilespmem:s16+$0xFFFFFFF0]  }
0x364: {  	v20 =	vld.idx.msk [tilespmem:v8+s1+$0x0], $0xffff  }
0x365: {  	v21 =	vld.idx.msk [tilespmem:v6+s1+$0x0], $0xffff  }
0x366: {  	v13 =	vld.idx.msk [tilespmem:v13+s1+$0x0], $0xffff  }
0x367: {  	v24 =	vld.idx.msk [tilespmem:v4+s1+$0x0], $0xffff  }
0x368: {  	v17 =	vld.idx.msk [tilespmem:v17+s1+$0x0], $0xffff  }
0x369: {  	v28 =	vld.idx.msk [tilespmem:v3+s1+$0x0], $0xffff  }
0x36a: {  	v33 =	vld [tilespmem:s16+$0xFFFF9F90]  }
0x36b: {  	v34 =	vld [tilespmem:s16+$0xFFFFBF90]  }
0x36c: {  	v35 =	vld [tilespmem:s16+$0xFFFF9FA0]  }
0x36d: {  	v36 =	vld [tilespmem:s16+$0xFFFFBFA0]  }
0x36e: {  	v37 =	vld [tilespmem:s16+$0xFFFF9FB0]  }
0x36f: {  	v38 =	vld [tilespmem:s16+$0xFFFFBFB0]  }
0x370: {  	v39 =	vld [tilespmem:s16+$0xFFFF9FC0]  }
0x371: {  	v40 =	vld [tilespmem:s16+$0xFFFFBFC0]  }
0x372: {  	s24 =	simm.s32 $0x5;
	v41 =	vld [tilespmem:s16+$0xFFFF9FD0]  }
0x373: {  	v16 =	vmov s24;
	v45 =	vor.u32 $0x403, v15;
	v42 =	vld [tilespmem:s16+$0xFFFFBFD0]  }
0x374: {  	s25 =	simm.s32 $0x4;
	v16 =	vshrl.u32 v16, $0x3;
	v43 =	vld [tilespmem:s16+$0xFFFF9FE0]  }
0x375: {  	v5 =	vmov s25;
	v8 =	vshll.u32 v16, v55;
	v16 =	vor.u32 $0x203, v15;
	v44 =	vld [tilespmem:s16+$0xFFFFBFE0]  }
0x376: {  	s21 =	simm.s32 $0x7;
	v46 =	vld [tilespmem:s16+$0xFFFFA000];
	v5 =	vshrl.u32 v5, $0x3  }
0x377: {  	v6 =	vmov s21;
	v49 =	vld [tilespmem:s16+$0xFFFFC000];
	v22 =	vbroadcast v8, $0x0;
	v5 =	vshll.u32 v5, v55  }
0x378: {  	v45 =	vld.idx.msk [tilespmem:v45+s1+$0x0], $0xffff;
	v6 =	vshrl.u32 v6, $0x3;
	v19 =	vbroadcast v5, $0x0;
	v5 =	vor.u32 $0x3, v15  }
0x379: {  	v61 =	vld [tilespmem:s16+$0xFFFFDFE0];
	v4 =	vshll.u32 v6, v55;
	v6 =	vor.u32 $0x5, v22  }
0x37a: {  	v25 =	vbroadcast v4, $0x0;
	v4 =	vor.u32 $0x205, v22;
	v16 =	vld.idx.msk [tilespmem:v16+s1+$0x0], $0xffff  }
0x37b: {  	v50 =	vor.u32 $0x405, v22;
	v62 =	vmul.f32 v14, v12;
	v14 =	vmul.f32 v34, v20;
	v20 =	vld [tilespmem:s16+$0xFFFFDF90]  }
0x37c: {  	v8 =	vor.u32 $0x4, v19;
	v58 =	vmul.f32 v37, v24;
	v24 =	vld [tilespmem:s16+$0xFFFFDFB0]  }
0x37d: {  	v23 =	vor.u32 $0x204, v19;
	v26 =	vld.idx.msk [tilespmem:v5+s1+$0x0], $0xffff  }
0x37e: {  	v48 =	vor.u32 $0x404, v19;
	v1 =	vmul.f32 v7, v1;
	v2 =	vmul.f32 v9, v2;
	v29 =	vld.idx.msk [tilespmem:v6+s1+$0x0], $0xffff  }
0x37f: {  	v30 =	vld.idx.msk [tilespmem:v4+s1+$0x0], $0xffff  }
0x380: {  	s18 =	simm.s32 $0x0;
	v1 =	vadd.f32 v2, v1;
	v5 =	vor.u32 $0x7, v25;
	v50 =	vld.idx.msk [tilespmem:v50+s1+$0x0], $0xffff  }
0x381: {  	s13 =	sand.u32 $0x78, s13;
	s26 =	sand.u32 $0xC00, s18;
	v0 =	vmul.f32 v18, v0;
	v27 =	vld.idx.msk [tilespmem:v8+s1+$0x0], $0xffff;
	v8 =	vor.u32 $0x207, v25  }
0x382: {  	s5 =	sand.u32 $0x7A, s23;
	s13 =	sor.u32 s13, s26;
	v17 =	vmul.f32 v38, v17;
	v4 =	vor.u32 $0x400, v3;
	v1 =	vadd.f32 v62, v1;
	v23 =	vld.idx.msk [tilespmem:v23+s1+$0x0], $0xffff  }
0x383: {  	s22 =	sand.u32 $0x7E, s22;
	s23 =	sor.u32 s5, s26;
	v56 =	vor.u32 s13, v47;
	v6 =	vor.u32 $0x401, v10;
	v48 =	vld.idx.msk [tilespmem:v48+s1+$0x0], $0xffff  }
0x384: {  	v57 =	vor.u32 s23, v47;
	s4 =	sor.u32 s22, s26;
	v0 =	vadd.f32 v0, v1;
	v1 =	vadd.f32 v17, v58;
	v17 =	vld [tilespmem:s16+$0xFFFFDFA0]  }
0x385: {  	v54 =	vor.u32 s4, v47;
	v15 =	vor.u32 $0x603, v15;
	v63 =	vmul.f32 v33, v28;
	v31 =	vld.idx.msk [tilespmem:v5+s1+$0x0], $0xffff  }
0x386: {  	v18 =	vmul.f32 v35, v21;
	v13 =	vmul.f32 v36, v13;
	v32 =	vld.idx.msk [tilespmem:v8+s1+$0x0], $0xffff;
	v8 =	vor.u32 $0x402, v11  }
0x387: {  	v52 =	vor.u32 $0x407, v25;
	v21 =	vor.u32 $0x602, v11;
	v19 =	vor.u32 $0x604, v19;
	v51 =	vld.idx.msk [tilespmem:v4+s1+$0x0], $0xffff  }
0x388: {  	v2 =	vadd.f32 v14, v63;
	v13 =	vadd.f32 v13, v18;
	v14 =	vor.u32 $0x607, v25;
	v53 =	vld.idx.msk [tilespmem:v6+s1+$0x0], $0xffff  }
0x389: {  	s28 =	sand.u32 $0x79, s14;
	v3 =	vor.u32 $0x600, v3;
	v10 =	vor.u32 $0x601, v10;
	v18 =	vmul.f32 v39, v26;
	v26 =	vld [tilespmem:s16+$0xFFFFDFC0]  }
0x38a: {  	s6 =	sand.u32 $0x7B, s6;
	s22 =	sand.u32 $0x7C, s25;
	s4 =	sor.u32 s28, s26;
	v11 =	vmul.f32 v40, v16;
	v16 =	vor.u32 $0x605, v22;
	v22 =	vmul.f32 v41, v27;
	v27 =	vld [tilespmem:s16+$0xFFFFDFD0]  }
0x38b: {  	v5 =	vor.u32 s4, v47;
	s4 =	sor.u32 s6, s26;
	s6 =	sor.u32 s22, s26;
	v25 =	vmul.f32 v43, v29;
	v59 =	vmul.f32 v42, v23;
	v12 =	vld.idx.msk [tilespmem:v8+s1+$0x0], $0xffff  }
0x38c: {  	v7 =	vor.u32 s6, v47;
	v29 =	vadd.f32 v11, v18;
	v11 =	vmul.f32 v44, v30  }
0x38d: {  	p0 =	por $0x1, $0x1;
	v28 =	vld.idx.msk [tilespmem:v52+s1+$0x0], $0xffff;
	v23 =	vadd.f32 v59, v22;
	v60 =	vmul.f32 v46, v31;
	v20 =	vmul.f32 v20, v51  }
.Ltmp6:
0x38e: {  	v21 =	vld.idx.msk [tilespmem:v21+s1+$0x0], $0xffff;
	v17 =	vmul.f32 v17, v53;
	v63 =	vmul.f32 v26, v45;
	v30 =	vadd.f32 v11, v25;
	(pc) =	sbr.rel @!p0 .LBB2_13-.Ltmp6, $4  }
0x38f: {  	s25 =	sand.u32 $0x7D, s24;
	v18 =	vld.idx.msk [tilespmem:v3+s1+$0x0], $0xffff;
	v25 =	vmul.f32 v61, v50;
	v8 =	vor.u32 s4, v47;
	v62 =	vmul.f32 v49, v32  }
0x390: {  	s28 =	sand.u32 $0x7F, s21;
	v22 =	vld.idx.msk [tilespmem:v15+s1+$0x0], $0xffff;
	s4 =	sor.u32 s25, s26;
	v13 =	vadd.f32 v17, v13;
	v26 =	vmul.f32 v27, v48;
	v3 =	vmul.f32 v24, v12  }
0x391: {  	[tilespmem:v54+s7+$0x0] =	vst.idx.msk $0xffff, v0;
	v31 =	vld [tilespmem:s16+$0xFFFFE000];
	v15 =	vadd.f32 v63, v29;
	v9 =	vor.u32 s4, v47;
	s4 =	sor.u32 s28, s26;
	v11 =	vadd.f32 v62, v60  }
0x392: {  	s21 =	simm.s32 $0xF;
	v6 =	vor.u32 s4, v47;
	v12 =	vadd.f32 v20, v2;
	v20 =	vld.idx.msk [tilespmem:v10+s1+$0x0], $0xffff;
	v17 =	vadd.f32 v3, v1  }
.LBB2_12:
0x393: {  	v24 =	vld.idx.msk [tilespmem:v19+s1+$0x0], $0xffff  }
0x394: {  	v39 =	vld [tilespmem:s16+$0xFFFFFF90]  }
0x395: {  	v40 =	vld [tilespmem:s16+$0xFFFFFFA0]  }
0x396: {  	s4 =	sadd.s32 $0xFFFFFFFA, s21;
	s6 =	sadd.s32 $0xFFFFFFFB, s21;
	s22 =	sadd.s32 $0xFFFFFFFF, s21;
	v0 =	vmov s21;
	v41 =	vld [tilespmem:s16+$0xFFFFFFB0];
	v23 =	vadd.f32 v26, v23  }
0x397: {  	s14 =	sadd.s32 $0xFFFFFFFD, s21;
	s28 =	sadd.s32 $0xFFFFFFFE, s21;
	v42 =	vld [tilespmem:s16+$0xFFFFFFC0];
	v1 =	vmov s4;
	v2 =	vmov s6;
	v3 =	vmov s22  }
0x398: {  	v43 =	vld [tilespmem:s16+$0xFFFFFFD0];
	v19 =	vmov s14;
	v26 =	vmov s28;
	v3 =	vshrl.u32 v3, $0x3  }
0x399: {  	v44 =	vld [tilespmem:s16+$0xFFFFFFE0];
	v35 =	vmovc v8;
	v8 =	vmovc v5;
	v0 =	vshrl.u32 v0, $0x3;
	v5 =	vadd.f32 v25, v30;
	v3 =	vshll.u32 v3, v55  }
0x39a: {  	v45 =	vld [tilespmem:s16+$0x0];
	s16 =	sadd.s32 $0x80, s16;
	v1 =	vshrl.u32 v1, $0x3;
	v2 =	vshrl.u32 v2, $0x3;
	v3 =	vbroadcast v3, $0x0  }
0x39b: {  	s5 =	sadd.s32 $0xFFFFFFF9, s21;
	v36 =	vld [tilespmem:s16+$0xFFFFBFF0];
	v19 =	vshrl.u32 v19, $0x3;
	v26 =	vshrl.u32 v26, $0x3;
	v33 =	vmul.f32 v31, v28  }
0x39c: {  	v10 =	vmovc v6;
	v6 =	vmovc v9;
	v31 =	vld.idx.msk [tilespmem:v14+s1+$0x0], $0xffff;
	v14 =	vmov s5;
	v1 =	vshll.u32 v1, v55;
	v27 =	vor.u32 $0x6, v3  }
0x39d: {  	v9 =	vmovc v7;
	v7 =	vmovc v56;
	v56 =	vld [tilespmem:s16+$0xFFFFDFF0];
	v2 =	vshll.u32 v2, v55;
	v26 =	vshll.u32 v26, v55;
	v29 =	vor.u32 $0x206, v3  }
0x39e: {  	v60 =	vld [tilespmem:s16+$0xFFFFFFF0];
	v14 =	vshrl.u32 v14, $0x3;
	v1 =	vbroadcast v1, $0x0;
	v32 =	vor.u32 $0x406, v3  }
0x39f: {  	v28 =	vld.idx.msk [tilespmem:v16+s1+$0x0], $0xffff;
	v2 =	vbroadcast v2, $0x0;
	v14 =	vshll.u32 v14, v55;
	v3 =	vor.u32 $0x606, v3  }
0x3a0: {  	s13 =	sadd.s32 $0xFFFFFFFC, s21;
	v48 =	vbroadcast v26, $0x0;
	v46 =	vbroadcast v14, $0x0;
	v14 =	vld [tilespmem:s16+$0xFFFF9FF0];
	v38 =	vor.u32 $0x201, v1  }
0x3a1: {  	v16 =	vmov s13;
	v0 =	vshll.u32 v0, v55;
	v50 =	vor.u32 $0x202, v2;
	v25 =	vld.idx.msk [tilespmem:v27+s1+$0x0], $0xffff  }
0x3a2: {  	v34 =	vmovc v57;
	v16 =	vshrl.u32 v16, $0x3;
	v0 =	vbroadcast v0, $0x0;
	v57 =	vor.u32 $0x5, v48;
	v26 =	vld.idx.msk [tilespmem:v29+s1+$0x0], $0xffff  }
0x3a3: {  	v19 =	vshll.u32 v19, v55;
	v16 =	vshll.u32 v16, v55;
	v58 =	vor.u32 $0x205, v48;
	v52 =	vld.idx.msk [tilespmem:v32+s1+$0x0], $0xffff  }
0x3a4: {  	v16 =	vbroadcast v16, $0x0;
	v59 =	vor.u32 $0x7, v0;
	v4 =	vor.u32 $0x401, v1;
	v3 =	vld.idx.msk [tilespmem:v3+s1+$0x0], $0xffff  }
0x3a5: {  	v19 =	vbroadcast v19, $0x0;
	v18 =	vmul.f32 v39, v18;
	[tilespmem:$0x1FFB0] =	vst v4;
	v4 =	vld.idx.msk [tilespmem:v38+s1+$0x0], $0xffff  }
0x3a6: {  	v20 =	vmul.f32 v40, v20;
	v41 =	vmul.f32 v41, v21;
	v51 =	vor.u32 $0x3, v16;
	v50 =	vld.idx.msk [tilespmem:v50+s1+$0x0], $0xffff  }
0x3a7: {  	v21 =	vmul.f32 v42, v22;
	v12 =	vadd.f32 v18, v12;
	v27 =	vor.u32 $0x200, v46;
	v22 =	vld.idx.msk [tilespmem:v57+s1+$0x0], $0xffff  }
0x3a8: {  	v18 =	vmul.f32 v43, v24;
	v24 =	vmul.f32 v44, v28;
	v29 =	vor.u32 $0x1, v1;
	v28 =	vld.idx.msk [tilespmem:v58+s1+$0x0], $0xffff  }
0x3a9: {  	v54 =	vor.u32 $0x4, v19;
	v39 =	vld.idx.msk [tilespmem:v59+s1+$0x0], $0xffff  }
0x3aa: {  	v55 =	vor.u32 $0x204, v19;
	v13 =	vadd.f32 v20, v13;
	v20 =	vld.idx.msk [tilespmem:v46+s1+$0x0], $0xffff  }
0x3ab: {  	v51 =	vld.idx.msk [tilespmem:v51+s1+$0x0], $0xffff  }
0x3ac: {  	v61 =	vor.u32 $0x207, v0;
	v62 =	vld.idx.msk [tilespmem:v27+s1+$0x0], $0xffff  }
0x3ad: {  	v32 =	vor.u32 $0x405, v48;
	v63 =	vld.idx.msk [tilespmem:v29+s1+$0x0], $0xffff  }
0x3ae: {  	v49 =	vor.u32 $0x2, v2;
	v3 =	vmul.f32 v60, v3;
	v60 =	vadd.f32 v33, v11;
	v11 =	vld.idx.msk [tilespmem:v54+s1+$0x0], $0xffff  }
0x3af: {  	v18 =	vadd.f32 v18, v23;
	v23 =	vadd.f32 v24, v5;
	v33 =	vld.idx.msk [tilespmem:v55+s1+$0x0], $0xffff  }
0x3b0: {  	s18 =	sadd.s32 $0x40, s18;
	s26 =	sand.u32 $0x79, s4;
	s23 =	sand.u32 $0x7A, s6;
	v14 =	vmul.f32 v14, v25;
	v25 =	vmul.f32 v36, v26;
	v55 =	vld [tilespmem:$0x1FFC0]  }
0x3b1: {  	s25 =	sand.u32 $0x7C, s14;
	s4 =	sand.u32 $0xC00, s18;
	s14 =	sand.u32 $0x7E, s22;
	v53 =	vor.u32 $0x203, v16;
	v30 =	vor.u32 $0x400, v46;
	[tilespmem:v6+s7+$0x0] =	vst.idx.msk $0xffff, v23;
	v26 =	vor.u32 $0x600, v46;
	v46 =	vld.idx.msk [tilespmem:v61+s1+$0x0], $0xffff  }
0x3b2: {  	s6 =	sand.u32 $0x78, s5;
	p0 =	slt.u32 s5, $0x1F8;
	s5 =	sor.u32 s14, s4;
	v29 =	vmul.f32 v56, v52;
	v32 =	vld.idx.msk [tilespmem:v32+s1+$0x0], $0xffff;
	v14 =	vadd.f32 v25, v14  }
0x3b3: {  	[tilespmem:v8+s7+$0x0] =	vst.idx.msk $0xffff, v13;
	v25 =	vor.u32 $0x601, v1;
	v1 =	vld.idx.msk [tilespmem:v49+s1+$0x0], $0xffff;
	v49 =	vor.u32 s5, v47  }
0x3b4: {  	v15 =	vadd.f32 v21, v15;
	[tilespmem:v9+s7+$0x0] =	vst.idx.msk $0xffff, v18;
	v54 =	vld [tilespmem:s16+$0xFFFFBFA0];
	v56 =	vadd.f32 v29, v14  }
0x3b5: {  	v37 =	vor.u32 $0x403, v16;
	v27 =	vor.u32 $0x402, v2;
	v52 =	vor.u32 $0x602, v2;
	v61 =	vld [tilespmem:s16+$0xFFFFDFD0]  }
0x3b6: {  	v29 =	vor.u32 $0x603, v16;
	v16 =	vor.u32 $0x605, v48;
	v48 =	vld.idx.msk [tilespmem:v53+s1+$0x0], $0xffff;
	[tilespmem:v35+s7+$0x0] =	vst.idx.msk $0xffff, v15;
	v2 =	vadd.f32 v3, v56  }
0x3b7: {  	v18 =	vld [tilespmem:s16+$0xFFFF9FC0]  }
0x3b8: {  	s6 =	sor.u32 s6, s4;
	[tilespmem:v49+s7+$0x0] =	vst.idx.msk $0xffff, v2;
	v2 =	vadd.f32 v41, v17;
	v49 =	vld [tilespmem:s16+$0xFFFF9F90]  }
0x3b9: {  	v3 =	vor.u32 s6, v47;
	[tilespmem:v7+s7+$0x0] =	vst.idx.msk $0xffff, v12;
	v12 =	vld [tilespmem:s16+$0xFFFF9FA0]  }
0x3ba: {  	s24 =	sand.u32 $0x7B, s13;
	v17 =	vmul.f32 v45, v31;
	v56 =	vmov v3;
	v3 =	vld [tilespmem:s16+$0xFFFFBF90];
	[tilespmem:v34+s7+$0x0] =	vst.idx.msk $0xffff, v2  }
0x3bb: {  	s24 =	sor.u32 s24, s4;
	v38 =	vor.u32 $0x407, v0;
	v14 =	vor.u32 $0x607, v0;
	v13 =	vld [tilespmem:s16+$0xFFFF9FB0]  }
0x3bc: {  	v0 =	vadd.f32 v17, v60;
	v17 =	vor.u32 s24, v47;
	v2 =	vmul.f32 v54, v4;
	v4 =	vld [tilespmem:s16+$0xFFFF9FD0]  }
0x3bd: {  	v8 =	vmov v17;
	v17 =	vld [tilespmem:s16+$0xFFFFBFB0]  }
0x3be: {  	[tilespmem:v10+s7+$0x0] =	vst.idx.msk $0xffff, v0;
	v10 =	vld [tilespmem:$0x1FFB0];
	v15 =	vmul.f32 v49, v20  }
0x3bf: {  	v58 =	vmul.f32 v12, v63;
	v12 =	vld [tilespmem:s16+$0xFFFFBFC0];
	v3 =	vmul.f32 v3, v62  }
0x3c0: {  	v36 =	vor.u32 $0x404, v19;
	v1 =	vmul.f32 v13, v1;
	v13 =	vld [tilespmem:s16+$0xFFFFBFD0]  }
0x3c1: {  	v3 =	vadd.f32 v3, v15;
	v15 =	vld [tilespmem:s16+$0xFFFF9FE0]  }
0x3c2: {  	v59 =	vmul.f32 v17, v50;
	v17 =	vmul.f32 v18, v51;
	v18 =	vld [tilespmem:s16+$0xFFFFBFE0]  }
0x3c3: {  	s25 =	sor.u32 s25, s4;
	v4 =	vmul.f32 v4, v11;
	v11 =	vld [tilespmem:s16+$0xFFFFC000]  }
0x3c4: {  	s23 =	sor.u32 s23, s4;
	v24 =	vor.u32 s25, v47;
	v60 =	vmul.f32 v12, v48;
	v12 =	vld [tilespmem:s16+$0xFFFFA000]  }
0x3c5: {  	v21 =	vor.u32 s23, v47;
	v7 =	vmov v24;
	v24 =	vld.idx.msk [tilespmem:v36+s1+$0x0], $0xffff;
	v13 =	vmul.f32 v13, v33  }
0x3c6: {  	v57 =	vmov v21;
	v21 =	vld.idx.msk [tilespmem:v27+s1+$0x0], $0xffff  }
0x3c7: {  	v20 =	vld.idx.msk [tilespmem:v30+s1+$0x0], $0xffff;
	v15 =	vmul.f32 v15, v22;
	v23 =	vadd.f32 v13, v4;
	v4 =	vmul.f32 v18, v28  }
0x3c8: {  	v0 =	vadd.f32 v2, v58;
	v2 =	vadd.f32 v60, v17;
	v17 =	vld.idx.msk [tilespmem:v10+s1+$0x0], $0xffff  }
0x3c9: {  	v22 =	vld.idx.msk [tilespmem:v37+s1+$0x0], $0xffff;
	v12 =	vmul.f32 v12, v39;
	v30 =	vadd.f32 v4, v15;
	v4 =	vmul.f32 v11, v46  }
0x3ca: {  	v13 =	vld [tilespmem:s16+$0xFFFFDFB0]  }
0x3cb: {  	v11 =	vadd.f32 v4, v12;
	v4 =	vld [tilespmem:s16+$0xFFFFDF90]  }
0x3cc: {  	s22 =	sor.u32 s26, s4;
	v15 =	vld [tilespmem:s16+$0xFFFFDFC0]  }
0x3cd: {  	v31 =	vor.u32 s22, v47;
	v12 =	vld [tilespmem:s16+$0xFFFFDFA0]  }
0x3ce: {  	s13 =	sand.u32 $0x7D, s28;
	s28 =	sand.u32 $0x7F, s21;
	v5 =	vmov v31;
	v31 =	vld [tilespmem:s16+$0xFFFFE000]  }
0x3cf: {  	s26 =	sor.u32 s13, s4;
	s4 =	sor.u32 s28, s4;
	v62 =	vld [tilespmem:s16+$0xFFFFDFE0]  }
.Ltmp7:
0x3d0: {  	v19 =	vor.u32 $0x604, v19;
	v53 =	vor.u32 s4, v47;
	v28 =	vld.idx.msk [tilespmem:v38+s1+$0x0], $0xffff;
	v4 =	vmul.f32 v4, v20;
	(pc) =	sbr.rel @p0 .LBB2_12-.Ltmp7, $4  }
0x3d1: {  	v45 =	vor.u32 s26, v47;
	v1 =	vadd.f32 v59, v1;
	v18 =	vld.idx.msk [tilespmem:v26+s1+$0x0], $0xffff;
	v63 =	vmul.f32 v15, v22  }
0x3d2: {  	v22 =	vld.idx.msk [tilespmem:v29+s1+$0x0], $0xffff;
	v17 =	vmul.f32 v12, v17;
	v12 =	vadd.f32 v4, v3;
	v3 =	vmul.f32 v13, v21  }
0x3d3: {  	v6 =	vmovc v53;
	v9 =	vmov v45;
	v26 =	vmul.f32 v61, v24;
	v20 =	vld.idx.msk [tilespmem:v25+s1+$0x0], $0xffff;
	v15 =	vadd.f32 v63, v2  }
0x3d4: {  	s21 =	sadd.s32 $0x8, s21;
	v25 =	vmul.f32 v62, v32;
	v13 =	vadd.f32 v17, v0;
	v21 =	vld.idx.msk [tilespmem:v52+s1+$0x0], $0xffff;
	v17 =	vadd.f32 v3, v1  }
.LBB2_13:
0x3d5: {  	_ =	sdelay $0x3  }
0x3d6: {  	v0 =	vld.idx.msk [tilespmem:v19+s1+$0x0], $0xffff  }
0x3d7: {  	v1 =	vld.idx.msk [tilespmem:v16+s1+$0x0], $0xffff  }
0x3d8: {  	v2 =	vld.idx.msk [tilespmem:v14+s1+$0x0], $0xffff  }
0x3d9: {  	v3 =	vld [tilespmem:s16+$0xFFFFFF90]  }
0x3da: {  	v4 =	vld [tilespmem:s16+$0xFFFFFFA0]  }
0x3db: {  	v54 =	vld [tilespmem:s16+$0xFFFFFFB0]  }
0x3dc: {  	v55 =	vld [tilespmem:s16+$0xFFFFFFC0]  }
0x3dd: {  	v58 =	vld [tilespmem:s16+$0xFFFFFFD0]  }
0x3de: {  	v59 =	vld [tilespmem:s16+$0xFFFFFFE0];
	v3 =	vmul.f32 v3, v18  }
0x3df: {  	v23 =	vadd.f32 v26, v23;
	v60 =	vld [tilespmem:s16+$0x0];
	v24 =	vmul.f32 v31, v28;
	v4 =	vmul.f32 v4, v20  }
0x3e0: {  	v61 =	vadd.f32 v25, v30;
	v14 =	vmul.f32 v54, v21;
	v3 =	vadd.f32 v3, v12  }
0x3e1: {  	v11 =	vadd.f32 v24, v11;
	v62 =	vmul.f32 v55, v22;
	v4 =	vadd.f32 v4, v13  }
0x3e2: {  	v0 =	vmul.f32 v58, v0;
	v63 =	vadd.f32 v14, v17;
	[tilespmem:v56+s7+$0x0] =	vst.idx.msk $0xffff, v3  }
0x3e3: {  	v1 =	vmul.f32 v59, v1;
	v3 =	vadd.f32 v62, v15;
	[tilespmem:v5+s7+$0x0] =	vst.idx.msk $0xffff, v4  }
0x3e4: {  	v2 =	vmul.f32 v60, v2;
	v0 =	vadd.f32 v0, v23;
	[tilespmem:v57+s7+$0x0] =	vst.idx.msk $0xffff, v63  }
0x3e5: {  	v1 =	vadd.f32 v1, v61;
	[tilespmem:v8+s7+$0x0] =	vst.idx.msk $0xffff, v3  }
0x3e6: {  	v2 =	vadd.f32 v2, v11;
	s4 =	rddreg [dreg:$0x8];
	[tilespmem:v7+s7+$0x0] =	vst.idx.msk $0xffff, v0  }
.Ltmp8:
0x3e7: {  	[tilespmem:v9+s7+$0x0] =	vst.idx.msk $0xffff, v1;
	s4 =	sadd.s32 s4, s17;
	(pc) =	sbr.rel .LBB2_4-.Ltmp8, $4  }
0x3e8: {  	[tilespmem:v6+s7+$0x0] =	vst.idx.msk $0xffff, v2;
	s4 =	sshll.u32 s4, $0xA  }
0x3e9: {  	s9 =	sadd.s32 $0x1, s9;
	s5 =	rddreg [dreg:$0x9];
	s4 =	sand.u32 $0x7FC00, s4  }
0x3ea: {  	s15 =	sadd.s32 $0x400, s15;
	s10 =	sadd.s32 $0x400, s10;
	s4 =	sadd.s32 s4, s5  }
0x3eb: {  	v57 =	vimm.s32 $0x0;
	v0 =	vlaneseq.u32;
	v1 =	vmov v47;
	[hbm4b:s4+s2] =	stream.linear.scatter [tilespmem:s7], [sflag:$0x6], $0x2000, $0x38;
	[tilespmem:$0x16800] =	vst v63  }
.LBB2_14:
0x3ec: {  	_ =	swait.ge [sflag:s0], $0x800  }
0x3ed: {  	[sflag:s0] =	ssyncset.done $0x0  }
0x3ee: {  	[sflag:s0] =	ssyncadd.s32 $0xFFFFF800  }
0x3ef: {  	_ =	swait.ge [sflag:s0], $0x800  }
0x3f0: {  	[sflag:s0] =	ssyncset.done $0x0  }
0x3f1: {  	[sflag:s0] =	ssyncadd.s32 $0xFFFFF800  }
0x3f2: {  	_ =	swait.ge [sflag:s0], $0x800  }
0x3f3: {  	[sflag:s0] =	ssyncset.done $0x0  }
0x3f4: {  	[sflag:s0] =	ssyncadd.s32 $0xFFFFF800  }
0x3f5: {  	_ =	swait.ge [sflag:s0], $0x800  }
0x3f6: {  	[sflag:s0] =	ssyncset.done $0x0  }
0x3f7: {  	[sflag:s0] =	ssyncadd.s32 $0xFFFFF800  }
0x3f8: {  	_ =	swait.ge [sflag:s0], $0x800  }
0x3f9: {  	[sflag:s0] =	ssyncset.done $0x0  }
0x3fa: {  	[sflag:s0] =	ssyncadd.s32 $0xFFFFF800  }
0x3fb: {  	_ =	swait.ge [sflag:s0], $0x800  }
0x3fc: {  	[sflag:s0] =	ssyncset.done $0x0  }
0x3fd: {  	[sflag:s0] =	ssyncadd.s32 $0xFFFFF800  }
0x3fe: {  	_ =	swait.ge [sflag:s0], $0x800  }
0x3ff: {  	[sflag:s0] =	ssyncset.done $0x0  }
0x400: {  	[sflag:s0] =	ssyncadd.s32 $0xFFFFF800  }
0x401: {  	_ =	swait.ge [sflag:s0], $0x800  }
0x402: {  	[sflag:s0] =	ssyncset.done $0x0  }
0x403: {  	[sflag:s0] =	ssyncadd.s32 $0xFFFFF800  }
0x404: {  	_ =	swait.ge [sflag:s0], $0x800  }
0x405: {  	[sflag:s0] =	ssyncset.done $0x0  }
0x406: {  	[sflag:s0] =	ssyncadd.s32 $0xFFFFF800  }
0x407: {  	_ =	swait.ge [sflag:s0], $0x800  }
0x408: {  	[sflag:s0] =	ssyncset.done $0x0  }
0x409: {  	[sflag:s0] =	ssyncadd.s32 $0xFFFFF800  }
0x40a: {  	_ =	swait.ge [sflag:s0], $0x800  }
0x40b: {  	[sflag:s0] =	ssyncset.done $0x0  }
0x40c: {  	[sflag:s0] =	ssyncadd.s32 $0xFFFFF800  }
0x40d: {  	_ =	swait.ge [sflag:s0], $0x800  }
0x40e: {  	[sflag:s0] =	ssyncset.done $0x0  }
0x40f: {  	[sflag:s0] =	ssyncadd.s32 $0xFFFFF800  }
0x410: {  	_ =	swait.ge [sflag:s0], $0x800  }
0x411: {  	[sflag:s0] =	ssyncset.done $0x0  }
0x412: {  	[sflag:s0] =	ssyncadd.s32 $0xFFFFF800  }
0x413: {  	_ =	swait.ge [sflag:s0], $0x800  }
0x414: {  	[sflag:s0] =	ssyncset.done $0x0  }
0x415: {  	[sflag:s0] =	ssyncadd.s32 $0xFFFFF800  }
0x416: {  	_ =	swait.ge [sflag:s0], $0x800  }
0x417: {  	[sflag:s0] =	ssyncset.done $0x0  }
0x418: {  	[sflag:s0] =	ssyncadd.s32 $0xFFFFF800  }
0x419: {  	v52 =	vld [tilespmem:$0x1FFC0];
	_ =	swait.ge [sflag:s0], $0x800  }
0x41a: {  	[sflag:s0] =	ssyncset.done $0x0  }
0x41b: {  	s25 =	simm.s32 $0x6;
	[sflag:s0] =	ssyncadd.s32 $0xFFFFF800  }
0x41c: {  	_ =	swait.ge [sflag:s25], $0x2000  }
0x41d: {  	[sflag:s25] =	ssyncset.done $0x0  }
0x41e: {  	s9 =	simm.s32 $0x10870;
	[sflag:s25] =	ssyncadd.s32 $0xFFFFE000  }
0x41f: {  	v7 =	vld [tilespmem:s9+$0xFFFF9FF0]  }
0x420: {  	v10 =	vld [tilespmem:s9+$0xFFFFBFF0]  }
0x421: {  	v14 =	vld [tilespmem:s9+$0xFFFFDFF0]  }
0x422: {  	v18 =	vld [tilespmem:s9+$0xFFFFFFF0]  }
0x423: {  	v28 =	vld [tilespmem:s9+$0xFFFF9F90]  }
0x424: {  	v30 =	vld [tilespmem:s9+$0xFFFFBF90]  }
0x425: {  	s15 =	simm.s32 $0x6;
	v31 =	vld [tilespmem:s9+$0xFFFF9FA0]  }
0x426: {  	v0 =	vmov s15;
	v32 =	vld [tilespmem:s9+$0xFFFFBFA0]  }
0x427: {  	v0 =	vshrl.u32 v0, $0x3;
	v33 =	vld [tilespmem:s9+$0xFFFF9FB0]  }
0x428: {  	v0 =	vshll.u32 v0, v52;
	v34 =	vld [tilespmem:s9+$0xFFFFBFB0]  }
0x429: {  	s21 =	simm.s32 $0x0;
	s18 =	simm.s32 $0x1;
	s17 =	simm.s32 $0x2;
	v0 =	vbroadcast v0, $0x0;
	v35 =	vld [tilespmem:s9+$0xFFFF9FC0]  }
0x42a: {  	s22 =	simm.s32 $0x3;
	v3 =	vmov s21;
	v4 =	vmov s18;
	v6 =	vmov s17;
	v36 =	vld [tilespmem:s9+$0xFFFFBFC0]  }
0x42b: {  	v8 =	vmov s22;
	v3 =	vshrl.u32 v3, $0x3;
	v1 =	vor.u32 $0x6, v0;
	v37 =	vld [tilespmem:s9+$0xFFFF9FD0]  }
0x42c: {  	v4 =	vshrl.u32 v4, $0x3;
	v3 =	vshll.u32 v3, v52;
	v2 =	vor.u32 $0x206, v0;
	v39 =	vld [tilespmem:s9+$0xFFFFBFD0]  }
0x42d: {  	v4 =	vshll.u32 v4, v52;
	v3 =	vbroadcast v3, $0x0;
	v5 =	vor.u32 $0x406, v0;
	v41 =	vld [tilespmem:s9+$0xFFFFBFE0]  }
0x42e: {  	s23 =	simm.s32 $0x4;
	v6 =	vshrl.u32 v6, $0x3;
	v4 =	vbroadcast v4, $0x0;
	v0 =	vor.u32 $0x606, v0;
	v43 =	vld [tilespmem:s9+$0xFFFFC000]  }
0x42f: {  	v12 =	vmov s23;
	v6 =	vshll.u32 v6, v52;
	v9 =	vor.u32 $0x200, v3;
	v59 =	vld [tilespmem:s9+$0xFFFFDFA0]  }
0x430: {  	s24 =	simm.s32 $0x5;
	v8 =	vshrl.u32 v8, $0x3;
	v6 =	vbroadcast v6, $0x0;
	v11 =	vor.u32 $0x1, v4;
	v1 =	vld.idx.msk [tilespmem:v1+s1+$0x0], $0xffff  }
0x431: {  	v16 =	vmov s24;
	v8 =	vshll.u32 v8, v52;
	v13 =	vor.u32 $0x201, v4;
	v2 =	vld.idx.msk [tilespmem:v2+s1+$0x0], $0xffff  }
0x432: {  	v12 =	vshrl.u32 v12, $0x3;
	v8 =	vbroadcast v8, $0x0;
	v15 =	vor.u32 $0x2, v6;
	v5 =	vld.idx.msk [tilespmem:v5+s1+$0x0], $0xffff  }
0x433: {  	v16 =	vshrl.u32 v16, $0x3;
	v12 =	vshll.u32 v12, v52;
	v17 =	vor.u32 $0x202, v6;
	v0 =	vld.idx.msk [tilespmem:v0+s1+$0x0], $0xffff  }
0x434: {  	v16 =	vshll.u32 v16, v52;
	v12 =	vbroadcast v12, $0x0;
	v19 =	vor.u32 $0x3, v8;
	v9 =	vld.idx.msk [tilespmem:v9+s1+$0x0], $0xffff  }
0x435: {  	v16 =	vbroadcast v16, $0x0;
	v20 =	vor.u32 $0x203, v8;
	v11 =	vld.idx.msk [tilespmem:v11+s1+$0x0], $0xffff  }
0x436: {  	v22 =	vor.u32 $0x4, v12;
	v23 =	vld.idx.msk [tilespmem:v13+s1+$0x0], $0xffff  }
0x437: {  	v24 =	vor.u32 $0x5, v16;
	v15 =	vld.idx.msk [tilespmem:v15+s1+$0x0], $0xffff  }
0x438: {  	s16 =	simm.s32 $0x7;
	v40 =	vor.u32 $0x401, v4;
	v17 =	vld.idx.msk [tilespmem:v17+s1+$0x0], $0xffff  }
0x439: {  	v21 =	vmov s16;
	v42 =	vor.u32 $0x403, v8;
	v19 =	vld.idx.msk [tilespmem:v19+s1+$0x0], $0xffff  }
0x43a: {  	v13 =	vshrl.u32 v21, $0x3;
	v21 =	vor.u32 $0x204, v12;
	v20 =	vld.idx.msk [tilespmem:v20+s1+$0x0], $0xffff  }
0x43b: {  	v22 =	vld.idx.msk [tilespmem:v22+s1+$0x0], $0xffff  }
0x43c: {  	v24 =	vld.idx.msk [tilespmem:v24+s1+$0x0], $0xffff  }
0x43d: {  	v38 =	vor.u32 $0x400, v3;
	v40 =	vld.idx.msk [tilespmem:v40+s1+$0x0], $0xffff;
	v13 =	vshll.u32 v13, v52  }
0x43e: {  	v42 =	vld.idx.msk [tilespmem:v42+s1+$0x0], $0xffff;
	v25 =	vbroadcast v13, $0x0;
	v13 =	vor.u32 $0x205, v16  }
0x43f: {  	v21 =	vld.idx.msk [tilespmem:v21+s1+$0x0], $0xffff  }
0x440: {  	v56 =	vor.u32 $0x405, v16;
	v2 =	vmul.f32 v10, v2;
	v10 =	vld [tilespmem:s9+$0xFFFF9FE0]  }
0x441: {  	s10 =	simm.s32 $0x0;
	v26 =	vor.u32 $0x7, v25;
	v55 =	vmul.f32 v14, v5;
	v14 =	vld [tilespmem:s9+$0xFFFFA000]  }
0x442: {  	s6 =	sand.u32 $0xC00, s10;
	s24 =	sand.u32 $0x7D, s24;
	v27 =	vor.u32 $0x207, v25;
	v0 =	vmul.f32 v18, v0;
	v18 =	vld.idx.msk [tilespmem:v38+s1+$0x0], $0xffff  }
0x443: {  	s26 =	sor.u32 s24, s6;
	v1 =	vmul.f32 v7, v1;
	v7 =	vor.u32 $0x402, v6;
	v29 =	vld.idx.msk [tilespmem:v13+s1+$0x0], $0xffff  }
0x444: {  	v49 =	vor.u32 s26, v47;
	v45 =	vor.u32 $0x601, v4;
	v5 =	vor.u32 $0x404, v12;
	v13 =	vld.idx.msk [tilespmem:v3+s1+$0x0], $0xffff  }
0x445: {  	v46 =	vor.u32 $0x602, v6;
	v48 =	vor.u32 $0x603, v8;
	v1 =	vadd.f32 v2, v1;
	v2 =	vld.idx.msk [tilespmem:v56+s1+$0x0], $0xffff  }
0x446: {  	s4 =	sand.u32 $0x7E, s15;
	v57 =	vor.u32 $0x407, v25;
	v8 =	vmul.f32 v32, v23;
	v15 =	vmul.f32 v33, v15;
	v26 =	vld.idx.msk [tilespmem:v26+s1+$0x0], $0xffff  }
0x447: {  	s4 =	sor.u32 s4, s6;
	v19 =	vmul.f32 v35, v19;
	v3 =	vor.u32 $0x600, v3;
	v27 =	vld.idx.msk [tilespmem:v27+s1+$0x0], $0xffff;
	v1 =	vadd.f32 v55, v1  }
0x448: {  	v44 =	vld.idx.msk [tilespmem:v7+s1+$0x0], $0xffff;
	v7 =	vmul.f32 v30, v9;
	v9 =	vmul.f32 v31, v11;
	v30 =	vor.u32 s4, v47  }
0x449: {  	s5 =	sand.u32 $0x78, s21;
	v4 =	vld.idx.msk [tilespmem:v5+s1+$0x0], $0xffff;
	v11 =	vor.u32 $0x607, v25;
	v10 =	vmul.f32 v10, v24;
	v58 =	vmul.f32 v28, v13  }
0x44a: {  	s21 =	sand.u32 $0x79, s18;
	s5 =	sor.u32 s5, s6;
	v24 =	vld [tilespmem:s9+$0xFFFFDFD0];
	v13 =	vor.u32 $0x604, v12;
	v12 =	vor.u32 $0x605, v16;
	v16 =	vmul.f32 v34, v17  }
0x44b: {  	s22 =	sand.u32 $0x7B, s22;
	s4 =	sor.u32 s21, s6;
	v5 =	vor.u32 s5, v47;
	v60 =	vmul.f32 v39, v21;
	v0 =	vadd.f32 v0, v1;
	v17 =	vld [tilespmem:s9+$0xFFFFDF90]  }
0x44c: {  	s23 =	sand.u32 $0x7C, s23;
	s5 =	sor.u32 s22, s6;
	v6 =	vor.u32 s4, v47;
	v25 =	vadd.f32 v8, v9;
	v33 =	vadd.f32 v16, v15;
	v15 =	vld [tilespmem:s9+$0xFFFFDFB0]  }
0x44d: {  	s4 =	sor.u32 s23, s6;
	v8 =	vor.u32 s5, v47;
	v16 =	vmul.f32 v36, v20;
	v20 =	vmul.f32 v37, v22;
	v22 =	vld [tilespmem:s9+$0xFFFFDFC0]  }
0x44e: {  	s13 =	sand.u32 $0x7A, s17;
	v21 =	vld.idx.msk [tilespmem:v46+s1+$0x0], $0xffff;
	v9 =	vor.u32 s4, v47;
	v1 =	vadd.f32 v7, v58;
	v14 =	vmul.f32 v14, v26  }
0x44f: {  	p0 =	por $0x1, $0x1;
	s13 =	sor.u32 s13, s6;
	v62 =	vmul.f32 v43, v27;
	v61 =	vadd.f32 v16, v19;
	v16 =	vmul.f32 v41, v29;
	v29 =	vld [tilespmem:s9+$0xFFFFDFE0]  }
.Ltmp9:
0x450: {  	v31 =	vld [tilespmem:s9+$0xFFFFE000];
	v7 =	vor.u32 s13, v47;
	[tilespmem:v30+s7+$0x0] =	vst.idx.msk $0xffff, v0;
	v26 =	vmul.f32 v24, v4;
	v23 =	vadd.f32 v60, v20;
	(pc) =	sbr.rel @!p0 .LBB2_16-.Ltmp9, $4  }
0x451: {  	s28 =	sand.u32 $0x7F, s16;
	v28 =	vld.idx.msk [tilespmem:v57+s1+$0x0], $0xffff;
	v17 =	vmul.f32 v17, v18;
	v30 =	vadd.f32 v16, v10;
	v16 =	vmul.f32 v59, v40  }
0x452: {  	s4 =	sor.u32 s28, s6;
	v19 =	vld.idx.msk [tilespmem:v3+s1+$0x0], $0xffff;
	v14 =	vadd.f32 v62, v14;
	v3 =	vmul.f32 v15, v44;
	v63 =	vmul.f32 v22, v42  }
0x453: {  	v20 =	vld.idx.msk [tilespmem:v45+s1+$0x0], $0xffff;
	v10 =	vor.u32 s4, v47;
	v15 =	vadd.f32 v17, v1;
	v16 =	vadd.f32 v16, v25  }
0x454: {  	s15 =	simm.s32 $0xF;
	v22 =	vld.idx.msk [tilespmem:v48+s1+$0x0], $0xffff;
	v18 =	vadd.f32 v3, v33;
	v17 =	vadd.f32 v63, v61;
	v25 =	vmul.f32 v29, v2  }
.LBB2_15:
0x455: {  	v24 =	vld.idx.msk [tilespmem:v13+s1+$0x0], $0xffff  }
0x456: {  	v39 =	vld [tilespmem:s9+$0xFFFFFF90]  }
0x457: {  	v40 =	vld [tilespmem:s9+$0xFFFFFFA0]  }
0x458: {  	s4 =	sadd.s32 $0xFFFFFFFA, s15;
	s5 =	sadd.s32 $0xFFFFFFFB, s15;
	s16 =	sadd.s32 $0xFFFFFFFF, s15;
	v0 =	vmov s15;
	v41 =	vld [tilespmem:s9+$0xFFFFFFB0];
	v23 =	vadd.f32 v26, v23  }
0x459: {  	s14 =	sadd.s32 $0xFFFFFFFD, s15;
	s23 =	sadd.s32 $0xFFFFFFFE, s15;
	v42 =	vld [tilespmem:s9+$0xFFFFFFC0];
	v34 =	vmovc v9;
	v1 =	vmov s4;
	v2 =	vmov s5;
	v3 =	vmov s16  }
0x45a: {  	v43 =	vld [tilespmem:s9+$0xFFFFFFD0];
	v9 =	vmovc v8;
	v8 =	vmovc v7;
	v13 =	vmov s14;
	v26 =	vmov s23;
	v3 =	vshrl.u32 v3, $0x3  }
0x45b: {  	v44 =	vld [tilespmem:s9+$0xFFFFFFE0];
	v7 =	vmovc v6;
	v6 =	vmovc v5;
	v0 =	vshrl.u32 v0, $0x3;
	v5 =	vadd.f32 v25, v30;
	v3 =	vshll.u32 v3, v52  }
0x45c: {  	s13 =	sadd.s32 $0xFFFFFFFC, s15;
	v45 =	vld [tilespmem:s9+$0x0];
	v1 =	vshrl.u32 v1, $0x3;
	v2 =	vshrl.u32 v2, $0x3;
	v3 =	vbroadcast v3, $0x0  }
0x45d: {  	s24 =	sadd.s32 $0xFFFFFFF9, s15;
	v26 =	vshrl.u32 v26, $0x3;
	v33 =	vmul.f32 v31, v28;
	v28 =	vld.idx.msk [tilespmem:v12+s1+$0x0], $0xffff;
	v12 =	vmov s13  }
0x45e: {  	s9 =	sadd.s32 $0x80, s9;
	v31 =	vld.idx.msk [tilespmem:v11+s1+$0x0], $0xffff;
	v11 =	vmov s24;
	v1 =	vshll.u32 v1, v52;
	v27 =	vor.u32 $0x6, v3  }
0x45f: {  	v36 =	vld [tilespmem:s9+$0xFFFFBFF0];
	v2 =	vshll.u32 v2, v52;
	v26 =	vshll.u32 v26, v52;
	v29 =	vor.u32 $0x206, v3  }
0x460: {  	v56 =	vld [tilespmem:s9+$0xFFFFDFF0];
	v11 =	vshrl.u32 v11, $0x3;
	v1 =	vbroadcast v1, $0x0;
	v32 =	vor.u32 $0x406, v3  }
0x461: {  	v60 =	vld [tilespmem:s9+$0xFFFFFFF0];
	v2 =	vbroadcast v2, $0x0;
	v11 =	vshll.u32 v11, v52;
	v3 =	vor.u32 $0x606, v3  }
0x462: {  	v48 =	vbroadcast v26, $0x0;
	v46 =	vbroadcast v11, $0x0;
	v11 =	vld [tilespmem:s9+$0xFFFF9FF0];
	v38 =	vor.u32 $0x201, v1  }
0x463: {  	v13 =	vshrl.u32 v13, $0x3;
	v12 =	vshrl.u32 v12, $0x3;
	v50 =	vor.u32 $0x202, v2;
	v25 =	vld.idx.msk [tilespmem:v27+s1+$0x0], $0xffff  }
0x464: {  	v13 =	vshll.u32 v13, v52;
	v12 =	vshll.u32 v12, v52;
	v57 =	vor.u32 $0x5, v48;
	v26 =	vld.idx.msk [tilespmem:v29+s1+$0x0], $0xffff  }
0x465: {  	v0 =	vshll.u32 v0, v52;
	v12 =	vbroadcast v12, $0x0;
	v58 =	vor.u32 $0x205, v48;
	v52 =	vld.idx.msk [tilespmem:v32+s1+$0x0], $0xffff  }
0x466: {  	v4 =	vor.u32 $0x401, v1;
	v3 =	vld.idx.msk [tilespmem:v3+s1+$0x0], $0xffff  }
0x467: {  	v13 =	vbroadcast v13, $0x0;
	v19 =	vmul.f32 v39, v19;
	[tilespmem:$0x1FFA0] =	vst v4;
	v51 =	vor.u32 $0x3, v12;
	v4 =	vld.idx.msk [tilespmem:v38+s1+$0x0], $0xffff  }
0x468: {  	v20 =	vmul.f32 v40, v20;
	v41 =	vmul.f32 v41, v21;
	v27 =	vor.u32 $0x200, v46;
	v50 =	vld.idx.msk [tilespmem:v50+s1+$0x0], $0xffff  }
0x469: {  	v21 =	vmul.f32 v42, v22;
	v54 =	vor.u32 $0x4, v13;
	v29 =	vor.u32 $0x1, v1;
	v22 =	vld.idx.msk [tilespmem:v57+s1+$0x0], $0xffff  }
0x46a: {  	v15 =	vadd.f32 v19, v15;
	v19 =	vmul.f32 v43, v24;
	v24 =	vmul.f32 v44, v28;
	v28 =	vld.idx.msk [tilespmem:v58+s1+$0x0], $0xffff  }
0x46b: {  	v55 =	vor.u32 $0x204, v13;
	v16 =	vadd.f32 v20, v16;
	v20 =	vld.idx.msk [tilespmem:v46+s1+$0x0], $0xffff  }
0x46c: {  	v51 =	vld.idx.msk [tilespmem:v51+s1+$0x0], $0xffff  }
0x46d: {  	v30 =	vmov v10;
	v10 =	vmov v49;
	v62 =	vld.idx.msk [tilespmem:v27+s1+$0x0], $0xffff  }
0x46e: {  	v32 =	vor.u32 $0x405, v48;
	v63 =	vld.idx.msk [tilespmem:v29+s1+$0x0], $0xffff  }
0x46f: {  	v3 =	vmul.f32 v60, v3;
	v60 =	vadd.f32 v33, v14;
	v14 =	vld.idx.msk [tilespmem:v54+s1+$0x0], $0xffff  }
0x470: {  	v49 =	vor.u32 $0x2, v2;
	v19 =	vadd.f32 v19, v23;
	v23 =	vadd.f32 v24, v5;
	v33 =	vld.idx.msk [tilespmem:v55+s1+$0x0], $0xffff  }
0x471: {  	v0 =	vbroadcast v0, $0x0;
	v29 =	vmul.f32 v56, v52;
	v52 =	vld [tilespmem:$0x1FFC0]  }
0x472: {  	s10 =	sadd.s32 $0x40, s10;
	s22 =	sand.u32 $0x79, s4;
	v53 =	vor.u32 $0x203, v12;
	[tilespmem:v10+s7+$0x0] =	vst.idx.msk $0xffff, v23;
	v11 =	vmul.f32 v11, v25;
	v25 =	vmul.f32 v36, v26;
	v54 =	vld [tilespmem:s9+$0xFFFF9F90]  }
0x473: {  	s21 =	sand.u32 $0x7C, s14;
	s4 =	sand.u32 $0xC00, s10;
	s14 =	sand.u32 $0x7E, s16;
	v61 =	vor.u32 $0x207, v0;
	[tilespmem:v7+s7+$0x0] =	vst.idx.msk $0xffff, v16;
	v32 =	vld.idx.msk [tilespmem:v32+s1+$0x0], $0xffff  }
0x474: {  	s17 =	sand.u32 $0x7A, s5;
	s5 =	sor.u32 s14, s4;
	[tilespmem:v6+s7+$0x0] =	vst.idx.msk $0xffff, v15;
	v15 =	vld [tilespmem:s9+$0xFFFF9FA0];
	v11 =	vadd.f32 v25, v11  }
0x475: {  	v17 =	vadd.f32 v21, v17;
	v25 =	vor.u32 $0x601, v1;
	v1 =	vld.idx.msk [tilespmem:v49+s1+$0x0], $0xffff;
	v49 =	vor.u32 s5, v47  }
0x476: {  	v27 =	vor.u32 $0x402, v2;
	v56 =	vor.u32 $0x602, v2;
	v57 =	vld [tilespmem:s9+$0xFFFFBFA0];
	v2 =	vadd.f32 v29, v11  }
0x477: {  	v37 =	vor.u32 $0x403, v12;
	v29 =	vor.u32 $0x603, v12;
	v12 =	vor.u32 $0x605, v48;
	v48 =	vld.idx.msk [tilespmem:v53+s1+$0x0], $0xffff  }
0x478: {  	[tilespmem:v34+s7+$0x0] =	vst.idx.msk $0xffff, v19;
	v53 =	vld.idx.msk [tilespmem:v61+s1+$0x0], $0xffff;
	v2 =	vadd.f32 v3, v2  }
0x479: {  	s6 =	sand.u32 $0x78, s24;
	v59 =	vor.u32 $0x7, v0;
	[tilespmem:v9+s7+$0x0] =	vst.idx.msk $0xffff, v17;
	v61 =	vld [tilespmem:s9+$0xFFFFDFD0]  }
0x47a: {  	s6 =	sor.u32 s6, s4;
	v19 =	vld [tilespmem:s9+$0xFFFF9FC0];
	[tilespmem:v49+s7+$0x0] =	vst.idx.msk $0xffff, v2;
	v2 =	vadd.f32 v41, v18  }
0x47b: {  	v3 =	vor.u32 s6, v47;
	v58 =	vmul.f32 v15, v63;
	v15 =	vld [tilespmem:s9+$0xFFFFBFC0]  }
0x47c: {  	s18 =	sand.u32 $0x7B, s13;
	v5 =	vmov v3;
	v3 =	vld [tilespmem:s9+$0xFFFFBF90];
	v18 =	vmul.f32 v45, v31;
	[tilespmem:v8+s7+$0x0] =	vst.idx.msk $0xffff, v2  }
0x47d: {  	p0 =	slt.u32 s24, $0x1F8;
	s24 =	sor.u32 s18, s4;
	v38 =	vor.u32 $0x407, v0;
	v16 =	vld [tilespmem:s9+$0xFFFF9FB0]  }
0x47e: {  	v11 =	vor.u32 $0x607, v0;
	v45 =	vld.idx.msk [tilespmem:v59+s1+$0x0], $0xffff;
	v0 =	vadd.f32 v18, v60;
	v18 =	vor.u32 s24, v47  }
0x47f: {  	v8 =	vmov v18;
	v18 =	vld [tilespmem:s9+$0xFFFFBFB0]  }
0x480: {  	v17 =	vmul.f32 v54, v20;
	v2 =	vmul.f32 v57, v4;
	v4 =	vld [tilespmem:s9+$0xFFFF9FD0];
	[tilespmem:v30+s7+$0x0] =	vst.idx.msk $0xffff, v0  }
0x481: {  	v60 =	vmul.f32 v15, v48;
	v3 =	vmul.f32 v3, v62;
	v15 =	vld [tilespmem:s9+$0xFFFFA000]  }
0x482: {  	v35 =	vor.u32 $0x400, v46;
	v1 =	vmul.f32 v16, v1;
	v16 =	vld [tilespmem:s9+$0xFFFFBFD0]  }
0x483: {  	v36 =	vor.u32 $0x404, v13;
	v3 =	vadd.f32 v3, v17;
	v17 =	vld [tilespmem:s9+$0xFFFF9FE0]  }
0x484: {  	v59 =	vmul.f32 v18, v50;
	v18 =	vmul.f32 v19, v51;
	v19 =	vld [tilespmem:s9+$0xFFFFBFE0]  }
0x485: {  	v4 =	vmul.f32 v4, v14;
	v14 =	vld [tilespmem:s9+$0xFFFFC000]  }
0x486: {  	s16 =	sor.u32 s22, s4;
	s22 =	sor.u32 s17, s4;
	s26 =	sor.u32 s21, s4;
	v0 =	vadd.f32 v2, v58;
	v2 =	vadd.f32 v60, v18;
	v18 =	vld [tilespmem:$0x1FFA0]  }
0x487: {  	v21 =	vor.u32 s22, v47;
	v24 =	vor.u32 s26, v47;
	v20 =	vld.idx.msk [tilespmem:v35+s1+$0x0], $0xffff;
	v16 =	vmul.f32 v16, v33  }
0x488: {  	v7 =	vmov v21;
	v9 =	vmov v24;
	v24 =	vld.idx.msk [tilespmem:v36+s1+$0x0], $0xffff  }
0x489: {  	v21 =	vld.idx.msk [tilespmem:v27+s1+$0x0], $0xffff;
	v17 =	vmul.f32 v17, v22;
	v23 =	vadd.f32 v16, v4;
	v4 =	vmul.f32 v19, v28  }
0x48a: {  	v22 =	vld.idx.msk [tilespmem:v37+s1+$0x0], $0xffff  }
0x48b: {  	v15 =	vmul.f32 v15, v45;
	v16 =	vld [tilespmem:s9+$0xFFFFDFB0];
	v30 =	vadd.f32 v4, v17;
	v4 =	vmul.f32 v14, v53  }
0x48c: {  	v17 =	vld [tilespmem:s9+$0xFFFFDFC0]  }
0x48d: {  	v14 =	vadd.f32 v4, v15;
	v4 =	vld [tilespmem:s9+$0xFFFFDF90]  }
0x48e: {  	v26 =	vor.u32 $0x600, v46;
	v18 =	vld.idx.msk [tilespmem:v18+s1+$0x0], $0xffff  }
0x48f: {  	v15 =	vld [tilespmem:s9+$0xFFFFDFA0]  }
0x490: {  	s28 =	sand.u32 $0x7D, s23;
	v31 =	vor.u32 s16, v47;
	v62 =	vld [tilespmem:s9+$0xFFFFDFE0]  }
0x491: {  	s23 =	sand.u32 $0x7F, s15;
	s28 =	sor.u32 s28, s4;
	v6 =	vmov v31;
	v31 =	vld [tilespmem:s9+$0xFFFFE000]  }
.Ltmp10:
0x492: {  	s4 =	sor.u32 s23, s4;
	v13 =	vor.u32 $0x604, v13;
	v46 =	vor.u32 s28, v47;
	v28 =	vld.idx.msk [tilespmem:v38+s1+$0x0], $0xffff;
	v4 =	vmul.f32 v4, v20;
	(pc) =	sbr.rel @p0 .LBB2_15-.Ltmp10, $4  }
0x493: {  	v55 =	vor.u32 s4, v47;
	v1 =	vadd.f32 v59, v1;
	v19 =	vld.idx.msk [tilespmem:v26+s1+$0x0], $0xffff;
	v63 =	vmul.f32 v17, v22  }
0x494: {  	v22 =	vld.idx.msk [tilespmem:v29+s1+$0x0], $0xffff;
	v18 =	vmul.f32 v15, v18;
	v15 =	vadd.f32 v4, v3;
	v3 =	vmul.f32 v16, v21  }
0x495: {  	v10 =	vmovc v55;
	v49 =	vmov v46;
	v26 =	vmul.f32 v61, v24;
	v20 =	vld.idx.msk [tilespmem:v25+s1+$0x0], $0xffff;
	v17 =	vadd.f32 v63, v2  }
0x496: {  	s15 =	sadd.s32 $0x8, s15;
	v25 =	vmul.f32 v62, v32;
	v16 =	vadd.f32 v18, v0;
	v21 =	vld.idx.msk [tilespmem:v56+s1+$0x0], $0xffff;
	v18 =	vadd.f32 v3, v1  }
.LBB2_16:
0x497: {  	_ =	sdelay $0x3  }
0x498: {  	v0 =	vld.idx.msk [tilespmem:v13+s1+$0x0], $0xffff  }
0x499: {  	v1 =	vld.idx.msk [tilespmem:v12+s1+$0x0], $0xffff  }
0x49a: {  	v2 =	vld.idx.msk [tilespmem:v11+s1+$0x0], $0xffff  }
0x49b: {  	v3 =	vld [tilespmem:s9+$0xFFFFFF90]  }
0x49c: {  	v4 =	vld [tilespmem:s9+$0xFFFFFFA0]  }
0x49d: {  	v58 =	vld [tilespmem:s9+$0xFFFFFFB0]  }
0x49e: {  	v60 =	vld [tilespmem:s9+$0xFFFFFFD0]  }
0x49f: {  	v61 =	vld [tilespmem:s9+$0xFFFFFFE0]  }
0x4a0: {  	v62 =	vld [tilespmem:s9+$0x0];
	v3 =	vmul.f32 v3, v19  }
0x4a1: {  	v59 =	vld [tilespmem:s9+$0xFFFFFFC0];
	v23 =	vadd.f32 v26, v23;
	v24 =	vmul.f32 v31, v28;
	v4 =	vmul.f32 v4, v20  }
0x4a2: {  	v63 =	vadd.f32 v25, v30;
	v11 =	vmul.f32 v58, v21;
	v3 =	vadd.f32 v3, v15  }
0x4a3: {  	v14 =	vadd.f32 v24, v14;
	v0 =	vmul.f32 v60, v0;
	v4 =	vadd.f32 v4, v16  }
0x4a4: {  	v1 =	vmul.f32 v61, v1;
	v11 =	vadd.f32 v11, v18;
	[tilespmem:v5+s7+$0x0] =	vst.idx.msk $0xffff, v3  }
0x4a5: {  	v2 =	vmul.f32 v62, v2;
	v0 =	vadd.f32 v0, v23;
	[tilespmem:v6+s7+$0x0] =	vst.idx.msk $0xffff, v4  }
0x4a6: {  	v12 =	vmul.f32 v59, v22;
	v1 =	vadd.f32 v1, v63;
	[tilespmem:v7+s7+$0x0] =	vst.idx.msk $0xffff, v11  }
0x4a7: {  	v2 =	vadd.f32 v2, v14;
	[tilespmem:v9+s7+$0x0] =	vst.idx.msk $0xffff, v0  }
0x4a8: {  	v3 =	vadd.f32 v12, v17;
	[tilespmem:v49+s7+$0x0] =	vst.idx.msk $0xffff, v1  }
0x4a9: {  	[tilespmem:v10+s7+$0x0] =	vst.idx.msk $0xffff, v2  }
0x4aa: {  	[tilespmem:v8+s7+$0x0] =	vst.idx.msk $0xffff, v3  }
0x4ab: {  	s26 =	simm.s32 $0x5;
	s4 =	rddreg [dreg:$0xb]  }
0x4ac: {  	[hbm4b:s4+s2] =	stream.linear.scatter [tilespmem:s7], [sflag:$0x6], $0x2000, $0x38;
	[tilespmem:$0x16800] =	vst v63  }
0x4ad: {  	_ =	swait.ge [sflag:s26], $0x2000  }
0x4ae: {  	[sflag:s26] =	ssyncset.done $0x0  }
0x4af: {  	[sflag:s26] =	ssyncadd.s32 $0xFFFFE000  }
0x4b0: {  	_ =	swait.ge [sflag:s25], $0x2000  }
0x4b1: {  	s5 =	rddreg [dreg:$0x10]  }
0x4b2: {  	s28 =	rddreg [dreg:$0xc];
	s5 =	sadd.s32 $0x1, s5  }
0x4b3: {  	p0 =	sne.s32 s5, s28  }
.Ltmp11:
0x4b4: {  	_ = 	snop;
	(pc) =	sbr.rel @p0 .LBB2_1-.Ltmp11, $3  }
0x4b5: {  	_ =	sdelay $0x1  }
0x4b6: {  	[sflag:s25] =	ssyncset.done $0x0  }
0x4b7: {  	v57 =	vimm.s32 $0x0;
	v0 =	vlaneseq.u32;
	v1 =	vmov v47;
	[sflag:s25] =	ssyncadd.s32 $0xFFFFE000  }
0x4b8: {  	_ =	sfence.sel $0x180000  }
0x4b9: {  	[bflag:$0x0] =	sbarrier.arrive $0xFFFF  }
0x4ba: {  	_ =	strace $0x9000004A  }
0x4bb: {  	s0 =	stileid.u32;
	[bflag:$0x2] =	sbarrier.arrive $0xFFFF  }
0x4bc: {  	p0 =	sne.s32 s0, $0x0;
	s0 =	rddreg [dreg:$0x2]  }
0x4bd: {  	s0 =	sadd.s32 @!p0 $0x100000, s0  }
0x4be: {  	[sflag:s0] =	ssyncadd.tile.s32 @!p0 $0x1;
	_ =	shalt  }
.Lfunc_end2:
_tile_overlayer_lowered:
.L_overlay_start_2:
0x4bf: {  	(tag) =	ssettag $0x2  }
0x4c0: {  	s0 =	rddreg [dreg:$0x0];
	s2 =	stileid.u32  }
0x4c1: {  	s1 =	rddreg [dreg:$0x1];
	p0 =	sne.s32 s2, $0x0  }
0x4c2: {  	s3 =	rddreg [dreg:$0x2];
	[bflag:$0x3] =	sbarrier.arrive $0xFFFF;
	s2 =	simm.s32 @!p0 $0x1C07  }
0x4c3: {  	[timem:s3], [sflag:s2] =	dma.local @!p0 [hbm:s0], s1  }
0x4c4: {  	s0 =	simm.s32 @!p0 $0x7  }
0x4c5: {  	_ =	swait.ge @!p0 [sflag:s0], s1  }
0x4c6: {  	s1 =	ssub.s32 @!p0 $0x0, s1;
	[sflag:s0] =	ssyncset.done @!p0 $0x0  }
0x4c7: {  	[sflag:s0] =	ssyncadd.s32 @!p0 s1  }
0x4c8: {  	[bflag:$0x3] =	sbarrier.arrive $0xFFFF  }
0x4c9: {  	_ =	shalt  }

</sc_bundles>
